<compile_context>
chip_gen: v7x
topology: tpu7x:2x2x1
jax: 0.10.2.dev20260603
libtpu: 0.0.44.dev20260713+nightly
codegen_flags: <defaults>
</compile_context>

<pallas_src>
import functools

import jax
import jax.numpy as jnp
from jax import lax
from jax.experimental import pallas as pl
from jax.experimental.pallas import tpu as pltpu
from jax.experimental.pallas import tpu_sc as plsc

N = 10000
E = 320000
D = 128
DE = 16
H = 128

EW = 16
NC = 2
NS = 16
NW = NC * NS
CH = 128
NCHUNK = E // CH
ZR = 80
NZC = N // ZR

BN = 1000
BE = 1280


def _tables_body(h_ref, w1s_ref, w1t_ref, tabs_ref, tabt_ref):
    hb = h_ref[...]
    tabs_ref[...] = jnp.dot(hb, w1s_ref[...], preferred_element_type=jnp.float32)
    tabt_ref[...] = jnp.dot(hb, w1t_ref[...], preferred_element_type=jnp.float32)


def _build_tables(h, w1s, w1t):
    return pl.pallas_call(
        _tables_body,
        grid=(N // BN,),
        in_specs=[
            pl.BlockSpec((BN, D), lambda i: (i, 0)),
            pl.BlockSpec((D, H), lambda i: (0, 0)),
            pl.BlockSpec((D, H), lambda i: (0, 0)),
        ],
        out_specs=[
            pl.BlockSpec((BN, H), lambda i: (i, 0)),
            pl.BlockSpec((BN, H), lambda i: (i, 0)),
        ],
        out_shape=[
            jax.ShapeDtypeStruct((N, H), jnp.float32),
            jax.ShapeDtypeStruct((N, H), jnp.float32),
        ],
    )(h, w1s, w1t)


def _gather_body(tabs_hbm, tabt_hbm, cx_hbm, cy_hbm, cz_hbm, row_hbm, col_hbm,
                 pre_hbm, cd_hbm,
                 ir0, ir1, ic0, ic1, bs0, bs1, bt0, bt1, cb0, cb1,
                 cxv, cyv, czv,
                 si0, si1, sg0, sg1, so0, so1):
    wid = lax.axis_index("s") * NC + lax.axis_index("c")
    nmine = (NCHUNK - 1 - wid) // NW + 1

    irs = (ir0, ir1)
    ics = (ic0, ic1)
    bss = (bs0, bs1)
    bts = (bt0, bt1)
    cbs = (cb0, cb1)
    sis = (si0, si1)
    sgs = (sg0, sg1)
    sos = (so0, so1)

    pltpu.sync_copy(cx_hbm, cxv)
    pltpu.sync_copy(cy_hbm, cyv)
    pltpu.sync_copy(cz_hbm, czv)

    zv = jnp.zeros((16,), jnp.float32)

    def zrow(r, _):
        cb0[r, pl.ds(0, EW)] = zv
        cb1[r, pl.ds(0, EW)] = zv
        return 0

    lax.fori_loop(0, CH, zrow, 0)

    lanes = lax.iota(jnp.int32, 16)

    def issue_idx(t, sl):
        base = (wid + t * NW) * CH
        pltpu.async_copy(row_hbm.at[pl.ds(base, CH)], irs[sl], sis[sl])
        pltpu.async_copy(col_hbm.at[pl.ds(base, CH)], ics[sl], sis[sl])

    def wait_outs(sl):
        pltpu.make_async_copy(bss[sl], pre_hbm.at[pl.ds(0, CH)], sos[sl]).wait()
        pltpu.make_async_copy(cbs[sl], cd_hbm.at[pl.ds(0, CH)], sos[sl]).wait()

    def fire_gathers(t, sl):
        @pl.when(t >= 2)
        def _():
            wait_outs(sl)

        pltpu.make_async_copy(row_hbm.at[pl.ds(0, CH)], irs[sl], sis[sl]).wait()
        pltpu.make_async_copy(col_hbm.at[pl.ds(0, CH)], ics[sl], sis[sl]).wait()
        pltpu.async_copy(tabs_hbm.at[irs[sl]], bss[sl], sgs[sl])
        pltpu.async_copy(tabt_hbm.at[ics[sl]], bts[sl], sgs[sl])

    def finish(t, sl):
        base = (wid + t * NW) * CH
        pltpu.make_async_copy(tabs_hbm.at[irs[sl]], bss[sl], sgs[sl]).wait()
        pltpu.make_async_copy(tabt_hbm.at[ics[sl]], bts[sl], sgs[sl]).wait()
        bs = bss[sl]
        bt = bts[sl]
        cb = cbs[sl]
        ir = irs[sl]
        ic = ics[sl]

        def addrow(r, _):
            for j in range(H // 16):
                v = bt[r, pl.ds(j * 16, 16)]
                plsc.addupdate(bs.at[r, pl.ds(j * 16, 16)], v)
            return 0

        lax.fori_loop(0, CH, addrow, 0)

        def coordgrp(k, _):
            iv = ir[pl.ds(k * 16, 16)]
            jv = ic[pl.ds(k * 16, 16)]
            dx = plsc.load_gather(cxv, [iv]) - plsc.load_gather(cxv, [jv])
            dy = plsc.load_gather(cyv, [iv]) - plsc.load_gather(cyv, [jv])
            dz = plsc.load_gather(czv, [iv]) - plsc.load_gather(czv, [jv])
            rad = dx * dx + dy * dy + dz * dz
            rows = k * 16 + lanes
            plsc.store_scatter(cb, [rows, jnp.zeros((16,), jnp.int32)], dx)
            plsc.store_scatter(cb, [rows, jnp.ones((16,), jnp.int32)], dy)
            plsc.store_scatter(cb, [rows, jnp.full((16,), 2, jnp.int32)], dz)
            plsc.store_scatter(cb, [rows, jnp.full((16,), 3, jnp.int32)], rad)
            return 0

        lax.fori_loop(0, CH // 16, coordgrp, 0)
        pltpu.async_copy(bs, pre_hbm.at[pl.ds(base, CH)], sos[sl])
        pltpu.async_copy(cb, cd_hbm.at[pl.ds(base, CH)], sos[sl])

    issue_idx(0, 0)
    fire_gathers(0, 0)

    @pl.when(nmine >= 2)
    def _():
        issue_idx(1, 1)

    def pair(p, _):
        t0 = 2 * p
        t1 = t0 + 1

        @pl.when(t1 < nmine)
        def _():
            fire_gathers(t1, 1)

        finish(t0, 0)

        @pl.when(t0 + 2 < nmine)
        def _():
            issue_idx(t0 + 2, 0)

        @pl.when(t1 < nmine)
        def _():
            finish(t1, 1)

        @pl.when(t1 + 2 < nmine)
        def _():
            issue_idx(t1 + 2, 1)

        @pl.when(t0 + 2 < nmine)
        def _():
            fire_gathers(t0 + 2, 0)

        return 0

    lax.fori_loop(0, (nmine + 1) // 2, pair, 0)
    wait_outs(0)
    wait_outs(1)


def _gather(tabs, tabt, cx, cy, cz, row, col):
    mesh = plsc.VectorSubcoreMesh(core_axis_name="c", subcore_axis_name="s")
    f = functools.partial(
        pl.kernel,
        out_type=[
            jax.ShapeDtypeStruct((E, H), jnp.float32),
            jax.ShapeDtypeStruct((E, EW), jnp.float32),
        ],
        mesh=mesh,
        scratch_types=[
            pltpu.VMEM((CH,), jnp.int32),
            pltpu.VMEM((CH,), jnp.int32),
            pltpu.VMEM((CH,), jnp.int32),
            pltpu.VMEM((CH,), jnp.int32),
            pltpu.VMEM((CH, H), jnp.float32),
            pltpu.VMEM((CH, H), jnp.float32),
            pltpu.VMEM((CH, H), jnp.float32),
            pltpu.VMEM((CH, H), jnp.float32),
            pltpu.VMEM((CH, EW), jnp.float32),
            pltpu.VMEM((CH, EW), jnp.float32),
            pltpu.VMEM((N,), jnp.float32),
            pltpu.VMEM((N,), jnp.float32),
            pltpu.VMEM((N,), jnp.float32),
            pltpu.SemaphoreType.DMA,
            pltpu.SemaphoreType.DMA,
            pltpu.SemaphoreType.DMA,
            pltpu.SemaphoreType.DMA,
            pltpu.SemaphoreType.DMA,
            pltpu.SemaphoreType.DMA,
        ],
        compiler_params=pltpu.CompilerParams(needs_layout_passes=False),
    )(_gather_body)
    return f(tabs, tabt, cx, cy, cz, row, col)


def _edge_body(pre_ref, cd_ref, attr_ref, w1a_ref, w1r_ref, be1_ref, we2_ref,
               be2_ref, wc1_ref, bc1_ref, wc2_ref, bc2_ref,
               mij_ref, ext_ref):
    cd = cd_ref[...]
    radial = cd[:, 3:4]
    m1 = pre_ref[...] + radial * w1r_ref[...] + be1_ref[...]
    m1 = m1 + jnp.dot(attr_ref[...], w1a_ref[...],
                      preferred_element_type=jnp.float32)
    m1 = jnp.maximum(m1, 0.0)
    mij = jnp.dot(m1, we2_ref[...], preferred_element_type=jnp.float32)
    mij = jnp.maximum(mij + be2_ref[...], 0.0)
    mij_ref[...] = mij
    c1 = jnp.maximum(jnp.dot(mij, wc1_ref[...],
                             preferred_element_type=jnp.float32)
                     + bc1_ref[...], 0.0)
    cw = jnp.sum(c1 * wc2_ref[...], axis=1, keepdims=True) + bc2_ref[...]
    lane = lax.broadcasted_iota(jnp.int32, cd.shape, 1)
    ext_ref[...] = jnp.where(lane == 3, 1.0, cd * cw)


def _edge_mlp(pre, cd, edge_attr, w1a, w1r, b_e1, W_e2, b_e2, W_c1, b_c1,
              wc2r, b_c2):
    full = lambda shape: pl.BlockSpec(shape, lambda i: tuple(0 for _ in shape))
    return pl.pallas_call(
        _edge_body,
        grid=(E // BE,),
        in_specs=[
            pl.BlockSpec((BE, H), lambda i: (i, 0)),
            pl.BlockSpec((BE, EW), lambda i: (i, 0)),
            pl.BlockSpec((BE, DE), lambda i: (i, 0)),
            full((DE, H)), full((1, H)), full((1, H)), full((H, H)),
            full((1, H)), full((H, H)), full((1, H)), full((1, H)),
            full((1, 1)),
        ],
        out_specs=[
            pl.BlockSpec((BE, H), lambda i: (i, 0)),
            pl.BlockSpec((BE, EW), lambda i: (i, 0)),
        ],
        out_shape=[
            jax.ShapeDtypeStruct((E, H), jnp.float32),
            jax.ShapeDtypeStruct((E, EW), jnp.float32),
        ],
    )(pre, cd, edge_attr, w1a, w1r, b_e1, W_e2, b_e2, W_c1, b_c1, wc2r, b_c2)


def _scatter_pipeline(dat_hbm, row_hbm, acc_sh, idxs, bufs, sls, sss, nmine, s):

    def load(t, sl):
        @pl.when(t >= 2)
        def _():
            pltpu.make_async_copy(bufs[sl], acc_sh.at[idxs[sl]], sss[sl]).wait()

        base = (s + t * NS) * CH
        pltpu.async_copy(row_hbm.at[pl.ds(base, CH)], idxs[sl], sls[sl])
        pltpu.async_copy(dat_hbm.at[pl.ds(base, CH)], bufs[sl], sls[sl])

    def scat(t, sl):
        pltpu.make_async_copy(row_hbm.at[pl.ds(0, CH)], idxs[sl], sls[sl]).wait()
        pltpu.make_async_copy(dat_hbm.at[pl.ds(0, CH)], bufs[sl], sls[sl]).wait()
        pltpu.async_copy(bufs[sl], acc_sh.at[idxs[sl]], sss[sl], add=True)

    load(0, 0)

    @pl.when(nmine >= 2)
    def _():
        load(1, 1)

    def pair(p, _):
        t0 = 2 * p
        t1 = t0 + 1
        scat(t0, 0)

        @pl.when(t0 + 2 < nmine)
        def _():
            load(t0 + 2, 0)

        @pl.when(t1 < nmine)
        def _():
            scat(t1, 1)

        @pl.when(t1 + 2 < nmine)
        def _():
            load(t1 + 2, 1)

        return 0

    lax.fori_loop(0, (nmine + 1) // 2, pair, 0)
    pltpu.make_async_copy(bufs[0], acc_sh.at[idxs[0]], sss[0]).wait()
    pltpu.make_async_copy(bufs[1], acc_sh.at[idxs[1]], sss[1]).wait()


def _scatter_agg_body(mij_hbm, row_hbm, agg_hbm,
                      i0, i1, b0, b1, zbuf, agg_sh, sl0, sl1, ss0, ss1):
    s = lax.axis_index("s")
    nmine = (NCHUNK - 1 - s) // NS + 1

    zv = jnp.zeros((16,), jnp.float32)

    def zrow(r, _):
        for j in range(H // 16):
            zbuf[r, pl.ds(j * 16, 16)] = zv
        return 0

    lax.fori_loop(0, ZR, zrow, 0)

    for k in range(NZC // NS + 1):
        cidx = s + k * NS

        @pl.when(cidx < NZC)
        def _():
            pltpu.sync_copy(zbuf, agg_sh.at[pl.ds(cidx * ZR, ZR)])

    plsc.subcore_barrier()
    _scatter_pipeline(mij_hbm, row_hbm, agg_sh, (i0, i1), (b0, b1),
                      (sl0, sl1), (ss0, ss1), nmine, s)
    plsc.subcore_barrier()
    for k in range(NZC // NS + 1):
        cidx = s + k * NS

        @pl.when(cidx < NZC)
        def _():
            pltpu.sync_copy(agg_sh.at[pl.ds(cidx * ZR, ZR)],
                            agg_hbm.at[pl.ds(cidx * ZR, ZR)])


def _scatter_agg(mij, row):
    mesh = plsc.VectorSubcoreMesh(core_axis_name="c", subcore_axis_name="s",
                                  num_cores=1)
    f = functools.partial(
        pl.kernel,
        out_type=jax.ShapeDtypeStruct((N, H), jnp.float32),
        mesh=mesh,
        scratch_types=[
            pltpu.VMEM((CH,), jnp.int32),
            pltpu.VMEM((CH,), jnp.int32),
            pltpu.VMEM((CH, H), jnp.float32),
            pltpu.VMEM((CH, H), jnp.float32),
            pltpu.VMEM((ZR, H), jnp.float32),
            pltpu.VMEM_SHARED((N, H), jnp.float32),
            pltpu.SemaphoreType.DMA,
            pltpu.SemaphoreType.DMA,
            pltpu.SemaphoreType.DMA,
            pltpu.SemaphoreType.DMA,
        ],
    )(_scatter_agg_body)
    return f(mij, row)


def _scatter_ext_body(ext_hbm, row_hbm, exto_hbm,
                      i0, i1, b0, b1, zeb, ext_sh, sl0, sl1, ss0, ss1):
    s = lax.axis_index("s")
    nmine = (NCHUNK - 1 - s) // NS + 1

    zv = jnp.zeros((16,), jnp.float32)

    def zerow(r, _):
        zeb[r, pl.ds(0, EW)] = zv
        return 0

    lax.fori_loop(0, ZR, zerow, 0)
    for k in range(NZC // NS + 1):
        cidx = s + k * NS

        @pl.when(cidx < NZC)
        def _():
            pltpu.sync_copy(zeb, ext_sh.at[pl.ds(cidx * ZR, ZR)])

    plsc.subcore_barrier()
    _scatter_pipeline(ext_hbm, row_hbm, ext_sh, (i0, i1), (b0, b1),
                      (sl0, sl1), (ss0, ss1), nmine, s)
    plsc.subcore_barrier()
    for k in range(NZC // NS + 1):
        cidx = s + k * NS

        @pl.when(cidx < NZC)
        def _():
            pltpu.sync_copy(ext_sh.at[pl.ds(cidx * ZR, ZR)],
                            exto_hbm.at[pl.ds(cidx * ZR, ZR)])


def _scatter_ext(ext, row):
    mesh = plsc.VectorSubcoreMesh(core_axis_name="c", subcore_axis_name="s",
                                  num_cores=1)
    f = functools.partial(
        pl.kernel,
        out_type=jax.ShapeDtypeStruct((N, EW), jnp.float32),
        mesh=mesh,
        scratch_types=[
            pltpu.VMEM((CH,), jnp.int32),
            pltpu.VMEM((CH,), jnp.int32),
            pltpu.VMEM((CH, EW), jnp.float32),
            pltpu.VMEM((CH, EW), jnp.float32),
            pltpu.VMEM((ZR, EW), jnp.float32),
            pltpu.VMEM_SHARED((N, EW), jnp.float32),
            pltpu.SemaphoreType.DMA,
            pltpu.SemaphoreType.DMA,
            pltpu.SemaphoreType.DMA,
            pltpu.SemaphoreType.DMA,
        ],
    )(_scatter_ext_body)
    return f(ext, row)


def _node_body(h_ref, aggp_ref, extp_ref, coord_ref, wn1h_ref, wn1a_ref,
               bn1_ref, wn2_ref, bn2_ref, hout_ref, cout_ref):
    agg = aggp_ref[...]
    x1 = jnp.dot(h_ref[...], wn1h_ref[...], preferred_element_type=jnp.float32)
    x1 = x1 + jnp.dot(agg, wn1a_ref[...], preferred_element_type=jnp.float32)
    x1 = jnp.maximum(x1 + bn1_ref[...], 0.0)
    hout_ref[...] = jnp.dot(x1, wn2_ref[...],
                            preferred_element_type=jnp.float32) + bn2_ref[...]
    ext = extp_ref[...]
    cnt = jnp.maximum(ext[:, 3:4], 1.0)
    cout_ref[...] = coord_ref[...] + ext[:, :3] / cnt


def _node_mlp(h, aggp, extp, coord, wn1h, wn1a, b_n1, W_n2, b_n2):
    full = lambda shape: pl.BlockSpec(shape, lambda i: tuple(0 for _ in shape))
    return pl.pallas_call(
        _node_body,
        grid=(N // BN,),
        in_specs=[
            pl.BlockSpec((BN, D), lambda i: (i, 0)),
            pl.BlockSpec((BN, H), lambda i: (i, 0)),
            pl.BlockSpec((BN, EW), lambda i: (i, 0)),
            pl.BlockSpec((BN, 3), lambda i: (i, 0)),
            full((D, H)), full((H, H)), full((1, H)), full((H, H)),
            full((1, H)),
        ],
        out_specs=[
            pl.BlockSpec((BN, H), lambda i: (i, 0)),
            pl.BlockSpec((BN, 3), lambda i: (i, 0)),
        ],
        out_shape=[
            jax.ShapeDtypeStruct((N, H), jnp.float32),
            jax.ShapeDtypeStruct((N, 3), jnp.float32),
        ],
    )(h, aggp, extp, coord, wn1h, wn1a, b_n1, W_n2, b_n2)


def kernel(h, edge_index, coord, edge_attr, W_e1, b_e1, W_e2, b_e2,
           W_n1, b_n1, W_n2, b_n2, W_c1, b_c1, W_c2, b_c2):
    row = edge_index[0]
    col = edge_index[1]
    w1s = W_e1[:D]
    w1t = W_e1[D:2 * D]
    w1r = W_e1[2 * D:2 * D + 1]
    w1a = W_e1[2 * D + 1:]
    cx = coord[:, 0]
    cy = coord[:, 1]
    cz = coord[:, 2]

    tabs, tabt = _build_tables(h, w1s, w1t)
    pre, cd = _gather(tabs, tabt, cx, cy, cz, row, col)
    mij, ext = _edge_mlp(
        pre, cd, edge_attr, w1a, w1r, b_e1.reshape(1, H), W_e2,
        b_e2.reshape(1, H), W_c1, b_c1.reshape(1, H),
        W_c2.reshape(1, H), b_c2.reshape(1, 1))
    aggp = _scatter_agg(mij, row)
    extp = _scatter_ext(ext, row)
    h_out, coord_out = _node_mlp(
        h, aggp, extp, coord, W_n1[:D], W_n1[D:], b_n1.reshape(1, H),
        W_n2, b_n2.reshape(1, H))
    return (h_out, coord_out, mij)

# --- scband reference (transcript-rebuilt; emitter-appended) ---
"""Pipeline reference for scband-e-gcl-3204045602850 (READ-ONLY COPY).

The authoritative reference and input builder live on the scoring server;
editing this copy changes nothing except your own understanding.
"""

import jax, jax.numpy as jnp
import numpy as np

N = 10000
E = 320000
D = 128
DE = 16
H = 128


def _glorot(key, fan_in, fan_out, gain=1.0):
    bound = gain * np.sqrt(6.0 / (fan_in + fan_out))
    return jax.random.uniform(key, (fan_in, fan_out), jnp.float32, -bound, bound)


def setup_inputs(seed: int = 0):
    key = jax.random.key(seed)
    ks = jax.random.split(key, 12)
    h = jax.random.normal(ks[0], (N, D), jnp.float32)
    coord = jax.random.normal(ks[1], (N, 3), jnp.float32)
    edge_index = jax.random.randint(ks[2], (2, E), 0, N, jnp.int32)
    edge_attr = jax.random.normal(ks[3], (E, DE), jnp.float32)
    # edge_mlp: Dense(2*D + 1 + DE -> H), Dense(H -> H)
    W_e1 = _glorot(ks[4], 2 * D + 1 + DE, H)
    b_e1 = jnp.zeros((H,), jnp.float32)
    W_e2 = _glorot(ks[5], H, H)
    b_e2 = jnp.zeros((H,), jnp.float32)
    # node_mlp: Dense(D + H -> H), Dense(H -> H)
    W_n1 = _glorot(ks[6], D + H, H)
    b_n1 = jnp.zeros((H,), jnp.float32)
    W_n2 = _glorot(ks[7], H, H)
    b_n2 = jnp.zeros((H,), jnp.float32)
    # coord_mlp: Dense(H -> H), Dense(H -> 1, xavier gain=0.001)
    W_c1 = _glorot(ks[8], H, H)
    b_c1 = jnp.zeros((H,), jnp.float32)
    W_c2 = _glorot(ks[9], H, 1, gain=0.001)
    b_c2 = jnp.zeros((1,), jnp.float32)
    return {
        'h': h, 'edge_index': edge_index, 'coord': coord, 'edge_attr': edge_attr,
        'W_e1': W_e1, 'b_e1': b_e1, 'W_e2': W_e2, 'b_e2': b_e2,
        'W_n1': W_n1, 'b_n1': b_n1, 'W_n2': W_n2, 'b_n2': b_n2,
        'W_c1': W_c1, 'b_c1': b_c1, 'W_c2': W_c2, 'b_c2': b_c2,
    }


def reference(h, edge_index, coord, edge_attr,
              W_e1, b_e1, W_e2, b_e2,
              W_n1, b_n1, W_n2, b_n2,
              W_c1, b_c1, W_c2, b_c2):
    row = edge_index[0]
    col = edge_index[1]
    n = h.shape[0]

    # edge_model
    source = h[row]
    target = h[col]
    radial = jnp.sum((coord[row] - coord[col]) ** 2, axis=1, keepdims=True)
    edge_in = jnp.concatenate([source, target, radial, edge_attr], axis=1)
    m_ij = jax.nn.relu(edge_in @ W_e1 + b_e1)
    m_ij = jax.nn.relu(m_ij @ W_e2 + b_e2)

    # node_model (unsorted_segment_sum over source nodes)
    agg = jax.ops.segment_sum(m_ij, row, num_segments=n)
    node_in = jnp.concatenate([h, agg], axis=1)
    h_out = jax.nn.relu(node_in @ W_n1 + b_n1) @ W_n2 + b_n2

    # coord_model (unsorted_segment_mean)
    coord_weight = jax.nn.relu(m_ij @ W_c1 + b_c1) @ W_c2 + b_c2
    trans = (coord[row] - coord[col]) * coord_weight
    seg_sum = jax.ops.segment_sum(trans, row, num_segments=n)
    seg_count = jax.ops.segment_sum(jnp.ones_like(trans), row, num_segments=n)
    seg_count = jnp.maximum(seg_count, 1)
    coord_out = coord + seg_sum / seg_count

    return (h_out, coord_out, m_ij)

if __name__ == "__main__":
    import jax
    _d = setup_inputs()
    print(jax.jit(kernel)(*tuple(_d.values())))

</pallas_src>

<mosaic_0001>
#map = affine_map<(d0, d1) -> (0, 0)>
#map1 = affine_map<(d0, d1) -> (0)>
module attributes {stable_mosaic.version = 14 : i64} {
  func.func @_gather_body(%arg0: i32, %arg1: i32, %arg2: memref<10000x128xf32, #tpu.memory_space<hbm>>, %arg3: memref<10000x128xf32, #tpu.memory_space<hbm>>, %arg4: memref<10000xf32, #tpu.memory_space<hbm>>, %arg5: memref<10000xf32, #tpu.memory_space<hbm>>, %arg6: memref<10000xf32, #tpu.memory_space<hbm>>, %arg7: memref<320000xi32, #tpu.memory_space<hbm>>, %arg8: memref<320000xi32, #tpu.memory_space<hbm>>, %arg9: memref<320000x128xf32, #tpu.memory_space<hbm>>, %arg10: memref<320000x16xf32, #tpu.memory_space<hbm>>, %arg11: memref<128xi32, #tpu.memory_space<vmem>>, %arg12: memref<128xi32, #tpu.memory_space<vmem>>, %arg13: memref<128xi32, #tpu.memory_space<vmem>>, %arg14: memref<128xi32, #tpu.memory_space<vmem>>, %arg15: memref<128x128xf32, #tpu.memory_space<vmem>>, %arg16: memref<128x128xf32, #tpu.memory_space<vmem>>, %arg17: memref<128x128xf32, #tpu.memory_space<vmem>>, %arg18: memref<128x128xf32, #tpu.memory_space<vmem>>, %arg19: memref<128x16xf32, #tpu.memory_space<vmem>>, %arg20: memref<128x16xf32, #tpu.memory_space<vmem>>, %arg21: memref<10000xf32, #tpu.memory_space<vmem>>, %arg22: memref<10000xf32, #tpu.memory_space<vmem>>, %arg23: memref<10000xf32, #tpu.memory_space<vmem>>, %arg24: memref<!tpu.dma_semaphore, #tpu.memory_space<semaphore_mem>>, %arg25: memref<!tpu.dma_semaphore, #tpu.memory_space<semaphore_mem>>, %arg26: memref<!tpu.dma_semaphore, #tpu.memory_space<semaphore_mem>>, %arg27: memref<!tpu.dma_semaphore, #tpu.memory_space<semaphore_mem>>, %arg28: memref<!tpu.dma_semaphore, #tpu.memory_space<semaphore_mem>>, %arg29: memref<!tpu.dma_semaphore, #tpu.memory_space<semaphore_mem>>) attributes {dimension_semantics = [#tpu.dimension_semantics<core_parallel>, #tpu.dimension_semantics<subcore_parallel>], iteration_bounds = array<i64: 2, 16>, scalar_prefetch = 0 : i64, scratch_operands = 19 : i64, tpu.core_type = #tpu.core_type<sc_vector_subcore>, window_params = [{transform_indices = #map}, {transform_indices = #map}, {transform_indices = #map1}, {transform_indices = #map1}, {transform_indices = #map1}, {transform_indices = #map1}, {transform_indices = #map1}, {transform_indices = #map}, {transform_indices = #map}]} {
    %mul3A = arith.constant 2 : i32
    %mul3A_0 = arith.muli %arg1, %mul3A : i32
    %add3A = arith.addi %mul3A_0, %arg0 : i32
    %sub3A = arith.constant 2499 : i32
    %sub3A_1 = arith.subi %sub3A, %add3A : i32
    %jit3A = arith.constant 32 : i32
    %div3A = arith.divsi %sub3A_1, %jit3A : i32
    %sign3A = arith.constant 0 : i32
    %sign3A_2 = arith.cmpi sgt, %sub3A_1, %sign3A : i32
    %sign3A_3 = arith.extui %sign3A_2 : i1 to i32
    %sign3A_4 = arith.constant 0 : i32
    %sign3A_5 = arith.cmpi slt, %sub3A_1, %sign3A_4 : i32
    %sign3A_6 = arith.extui %sign3A_5 : i1 to i32
    %sign3A_7 = arith.subi %sign3A_3, %sign3A_6 : i32
    %sign3A_8 = arith.constant 0 : i32
    %sign3A_9 = arith.cmpi sgt, %jit3A, %sign3A_8 : i32
    %sign3A_10 = arith.extui %sign3A_9 : i1 to i32
    %sign3A_11 = arith.constant 0 : i32
    %sign3A_12 = arith.cmpi slt, %jit3A, %sign3A_11 : i32
    %sign3A_13 = arith.extui %sign3A_12 : i1 to i32
    %sign3A_14 = arith.subi %sign3A_10, %sign3A_13 : i32
    %ne3A = arith.cmpi ne, %sign3A_7, %sign3A_14 : i32
    %rem3A = arith.remsi %sub3A_1, %jit3A : i32
    %ne3A_15 = arith.constant 0 : i32
    %ne3A_16 = arith.cmpi ne, %rem3A, %ne3A_15 : i32
    %and3A = arith.andi %ne3A, %ne3A_16 : i1
    %sub3A_17 = arith.constant 1 : i32
    %sub3A_18 = arith.subi %div3A, %sub3A_17 : i32
    %select_n3A = arith.select %and3A, %sub3A_18, %div3A : i32
    %add3A_19 = arith.constant 1 : i32
    %add3A_20 = arith.addi %select_n3A, %add3A_19 : i32
    "tpu.region"() ({
      %run_scoped3A = tpu.sem_alloc : memref<!tpu.dma_semaphore, #tpu.memory_space<semaphore_mem>>
      tpu.enqueue_dma source(%arg4 : memref<10000xf32, #tpu.memory_space<hbm>>) target(%arg21 : memref<10000xf32, #tpu.memory_space<vmem>>) target_semaphore(%run_scoped3A : memref<!tpu.dma_semaphore, #tpu.memory_space<semaphore_mem>>)
      tpu.wait_dma2 semaphore(%run_scoped3A : memref<!tpu.dma_semaphore, #tpu.memory_space<semaphore_mem>>) src(%arg4 : memref<10000xf32, #tpu.memory_space<hbm>>) dst(%arg21 : memref<10000xf32, #tpu.memory_space<vmem>>)
      tpu.yield
    }) : () -> ()
    "tpu.region"() ({
      %run_scoped3A = tpu.sem_alloc : memref<!tpu.dma_semaphore, #tpu.memory_space<semaphore_mem>>
      tpu.enqueue_dma source(%arg5 : memref<10000xf32, #tpu.memory_space<hbm>>) target(%arg22 : memref<10000xf32, #tpu.memory_space<vmem>>) target_semaphore(%run_scoped3A : memref<!tpu.dma_semaphore, #tpu.memory_space<semaphore_mem>>)
      tpu.wait_dma2 semaphore(%run_scoped3A : memref<!tpu.dma_semaphore, #tpu.memory_space<semaphore_mem>>) src(%arg5 : memref<10000xf32, #tpu.memory_space<hbm>>) dst(%arg22 : memref<10000xf32, #tpu.memory_space<vmem>>)
      tpu.yield
    }) : () -> ()
    "tpu.region"() ({
      %run_scoped3A = tpu.sem_alloc : memref<!tpu.dma_semaphore, #tpu.memory_space<semaphore_mem>>
      tpu.enqueue_dma source(%arg6 : memref<10000xf32, #tpu.memory_space<hbm>>) target(%arg23 : memref<10000xf32, #tpu.memory_space<vmem>>) target_semaphore(%run_scoped3A : memref<!tpu.dma_semaphore, #tpu.memory_space<semaphore_mem>>)
      tpu.wait_dma2 semaphore(%run_scoped3A : memref<!tpu.dma_semaphore, #tpu.memory_space<semaphore_mem>>) src(%arg6 : memref<10000xf32, #tpu.memory_space<hbm>>) dst(%arg23 : memref<10000xf32, #tpu.memory_space<vmem>>)
      tpu.yield
    }) : () -> ()
    %broadcast_in_dim3A = arith.constant 0.000000e+00 : f32
    %broadcast_in_dim3A_21 = vector.broadcast %broadcast_in_dim3A : f32 to vector<16xf32>
    %scan3A = arith.constant 0 : i32
    %scan3A_22 = arith.constant 0 : i32
    %scan3A_23 = arith.constant 128 : i32
    %scan3A_24 = arith.addi %scan3A_22, %scan3A_23 : i32
    %scan3A_25 = arith.constant 1 : i32
    %scan3A_26 = scf.for %scan3A_111 = %scan3A_22 to %scan3A_24 step %scan3A_25 iter_args(%scan3A_112 = %scan3A) -> (i32)  : i32 {
      %swap3A = arith.index_cast %scan3A_111 : i32 to index
      %swap3A_113 = arith.constant 0 : index
      %swap3A_114 = tpu.vector_load %arg19[%swap3A, %swap3A_113] {strides = array<i32>} : memref<128x16xf32, #tpu.memory_space<vmem>>, vector<16xf32>,
      tpu.vector_store %arg19[%swap3A, %swap3A_113], %broadcast_in_dim3A_21 {strides = array<i32>} : memref<128x16xf32, #tpu.memory_space<vmem>>, vector<16xf32>,
      %swap3A_115 = arith.index_cast %scan3A_111 : i32 to index
      %swap3A_116 = arith.constant 0 : index
      %swap3A_117 = tpu.vector_load %arg20[%swap3A_115, %swap3A_116] {strides = array<i32>} : memref<128x16xf32, #tpu.memory_space<vmem>>, vector<16xf32>,
      tpu.vector_store %arg20[%swap3A_115, %swap3A_116], %broadcast_in_dim3A_21 {strides = array<i32>} : memref<128x16xf32, #tpu.memory_space<vmem>>, vector<16xf32>,
      %scan3A_118 = arith.constant 0 : i32
      scf.yield %scan3A_118 : i32
    }
    %scan3A_27 = arith.constant 128 : i32
    %iota3A = tpu.iota {dimensions = array<i32: 0>} : vector<16xi32>
    %add3A_28 = arith.constant 0 : i32
    %add3A_29 = arith.addi %add3A, %add3A_28 : i32
    %mul3A_30 = arith.constant 128 : i32
    %mul3A_31 = arith.muli %add3A_29, %mul3A_30 : i32
    %dma_start3A = tpu.memref_slice %arg7[%mul3A_31] : memref<320000xi32, #tpu.memory_space<hbm>> -> memref<128xi32, #tpu.memory_space<hbm>>
    %dma_start3A_32 = tpu.memref_slice %arg7[%mul3A_31] : memref<320000xi32, #tpu.memory_space<hbm>> -> memref<128xi32, #tpu.memory_space<hbm>>
    tpu.enqueue_dma source(%dma_start3A_32 : memref<128xi32, #tpu.memory_space<hbm>>) target(%arg11 : memref<128xi32, #tpu.memory_space<vmem>>) target_semaphore(%arg24 : memref<!tpu.dma_semaphore, #tpu.memory_space<semaphore_mem>>)
    %dma_start3A_33 = tpu.memref_slice %arg8[%mul3A_31] : memref<320000xi32, #tpu.memory_space<hbm>> -> memref<128xi32, #tpu.memory_space<hbm>>
    %dma_start3A_34 = tpu.memref_slice %arg8[%mul3A_31] : memref<320000xi32, #tpu.memory_space<hbm>> -> memref<128xi32, #tpu.memory_space<hbm>>
    tpu.enqueue_dma source(%dma_start3A_34 : memref<128xi32, #tpu.memory_space<hbm>>) target(%arg13 : memref<128xi32, #tpu.memory_space<vmem>>) target_semaphore(%arg24 : memref<!tpu.dma_semaphore, #tpu.memory_space<semaphore_mem>>)
    %dma_wait3A = arith.constant 0 : i32
    %dma_wait3A_35 = tpu.memref_slice %arg7[%dma_wait3A] : memref<320000xi32, #tpu.memory_space<hbm>> -> memref<128xi32, #tpu.memory_space<hbm>>
    %dma_wait3A_36 = arith.constant 0 : i32
    %dma_wait3A_37 = tpu.memref_slice %arg7[%dma_wait3A_36] : memref<320000xi32, #tpu.memory_space<hbm>> -> memref<128xi32, #tpu.memory_space<hbm>>
    tpu.wait_dma2 semaphore(%arg24 : memref<!tpu.dma_semaphore, #tpu.memory_space<semaphore_mem>>) src(%dma_wait3A_37 : memref<128xi32, #tpu.memory_space<hbm>>) dst(%arg11 : memref<128xi32, #tpu.memory_space<vmem>>)
    %dma_wait3A_38 = arith.constant 0 : i32
    %dma_wait3A_39 = tpu.memref_slice %arg8[%dma_wait3A_38] : memref<320000xi32, #tpu.memory_space<hbm>> -> memref<128xi32, #tpu.memory_space<hbm>>
    %dma_wait3A_40 = arith.constant 0 : i32
    %dma_wait3A_41 = tpu.memref_slice %arg8[%dma_wait3A_40] : memref<320000xi32, #tpu.memory_space<hbm>> -> memref<128xi32, #tpu.memory_space<hbm>>
    tpu.wait_dma2 semaphore(%arg24 : memref<!tpu.dma_semaphore, #tpu.memory_space<semaphore_mem>>) src(%dma_wait3A_41 : memref<128xi32, #tpu.memory_space<hbm>>) dst(%arg13 : memref<128xi32, #tpu.memory_space<vmem>>)
    %dma_start3A_42 = arith.constant 0 : i32
    %dma_start3A_43 = arith.constant 0 : i32
    %dma_start3A_44 = tpu.memref_slice %arg2[%dma_start3A_42, %dma_start3A_43] : memref<10000x128xf32, #tpu.memory_space<hbm>> -> memref<10000x128xf32, #tpu.memory_space<hbm>>
    tpu.enqueue_indirect_dma source(%dma_start3A_44 : memref<10000x128xf32, #tpu.memory_space<hbm>>) target(%arg15 : memref<128x128xf32, #tpu.memory_space<vmem>>) offsets(%arg11 : memref<128xi32, #tpu.memory_space<vmem>>) semaphore(%arg26 : memref<!tpu.dma_semaphore, #tpu.memory_space<semaphore_mem>>)
    %dma_start3A_45 = arith.constant 0 : i32
    %dma_start3A_46 = arith.constant 0 : i32
    %dma_start3A_47 = tpu.memref_slice %arg3[%dma_start3A_45, %dma_start3A_46] : memref<10000x128xf32, #tpu.memory_space<hbm>> -> memref<10000x128xf32, #tpu.memory_space<hbm>>
    tpu.enqueue_indirect_dma source(%dma_start3A_47 : memref<10000x128xf32, #tpu.memory_space<hbm>>) target(%arg17 : memref<128x128xf32, #tpu.memory_space<vmem>>) offsets(%arg13 : memref<128xi32, #tpu.memory_space<vmem>>) semaphore(%arg26 : memref<!tpu.dma_semaphore, #tpu.memory_space<semaphore_mem>>)
    %ge3A = arith.constant 2 : i32
    %ge3A_48 = arith.cmpi sge, %add3A_20, %ge3A : i32
    %convert_element_type3A = arith.extui %ge3A_48 : i1 to i32
    %cond3A = arith.constant 0 : i32
    %cond3A_49 = arith.cmpi ne, %convert_element_type3A, %cond3A : i32
    scf.if %cond3A_49 {
      %add3A_111 = arith.constant 32 : i32
      %add3A_112 = arith.addi %add3A, %add3A_111 : i32
      %mul3A_113 = arith.constant 128 : i32
      %mul3A_114 = arith.muli %add3A_112, %mul3A_113 : i32
      %dma_start3A_115 = tpu.memref_slice %arg7[%mul3A_114] : memref<320000xi32, #tpu.memory_space<hbm>> -> memref<128xi32, #tpu.memory_space<hbm>>
      %dma_start3A_116 = tpu.memref_slice %arg7[%mul3A_114] : memref<320000xi32, #tpu.memory_space<hbm>> -> memref<128xi32, #tpu.memory_space<hbm>>
      tpu.enqueue_dma source(%dma_start3A_116 : memref<128xi32, #tpu.memory_space<hbm>>) target(%arg12 : memref<128xi32, #tpu.memory_space<vmem>>) target_semaphore(%arg25 : memref<!tpu.dma_semaphore, #tpu.memory_space<semaphore_mem>>)
      %dma_start3A_117 = tpu.memref_slice %arg8[%mul3A_114] : memref<320000xi32, #tpu.memory_space<hbm>> -> memref<128xi32, #tpu.memory_space<hbm>>
      %dma_start3A_118 = tpu.memref_slice %arg8[%mul3A_114] : memref<320000xi32, #tpu.memory_space<hbm>> -> memref<128xi32, #tpu.memory_space<hbm>>
      tpu.enqueue_dma source(%dma_start3A_118 : memref<128xi32, #tpu.memory_space<hbm>>) target(%arg14 : memref<128xi32, #tpu.memory_space<vmem>>) target_semaphore(%arg25 : memref<!tpu.dma_semaphore, #tpu.memory_space<semaphore_mem>>)
    } else {
    }
    %add3A_50 = arith.constant 1 : i32
    %add3A_51 = arith.addi %add3A_20, %add3A_50 : i32
    %jit3A_52 = arith.constant 2 : i32
    %div3A_53 = arith.divsi %add3A_51, %jit3A_52 : i32
    %sign3A_54 = arith.constant 0 : i32
    %sign3A_55 = arith.cmpi sgt, %add3A_51, %sign3A_54 : i32
    %sign3A_56 = arith.extui %sign3A_55 : i1 to i32
    %sign3A_57 = arith.constant 0 : i32
    %sign3A_58 = arith.cmpi slt, %add3A_51, %sign3A_57 : i32
    %sign3A_59 = arith.extui %sign3A_58 : i1 to i32
    %sign3A_60 = arith.subi %sign3A_56, %sign3A_59 : i32
    %sign3A_61 = arith.constant 0 : i32
    %sign3A_62 = arith.cmpi sgt, %jit3A_52, %sign3A_61 : i32
    %sign3A_63 = arith.extui %sign3A_62 : i1 to i32
    %sign3A_64 = arith.constant 0 : i32
    %sign3A_65 = arith.cmpi slt, %jit3A_52, %sign3A_64 : i32
    %sign3A_66 = arith.extui %sign3A_65 : i1 to i32
    %sign3A_67 = arith.subi %sign3A_63, %sign3A_66 : i32
    %ne3A_68 = arith.cmpi ne, %sign3A_60, %sign3A_67 : i32
    %rem3A_69 = arith.remsi %add3A_51, %jit3A_52 : i32
    %ne3A_70 = arith.constant 0 : i32
    %ne3A_71 = arith.cmpi ne, %rem3A_69, %ne3A_70 : i32
    %and3A_72 = arith.andi %ne3A_68, %ne3A_71 : i1
    %sub3A_73 = arith.constant 1 : i32
    %sub3A_74 = arith.subi %div3A_53, %sub3A_73 : i32
    %select_n3A_75 = arith.select %and3A_72, %sub3A_74, %div3A_53 : i32
    %while3A = arith.constant 0 : i32
    %while3A_76 = arith.constant 0 : i32
    %while3A_77 = arith.subi %select_n3A_75, %while3A : i32
    %while3A_78 = arith.addi %while3A, %while3A_77 : i32
    %while3A_79 = arith.constant 1 : i32
    %while3A_80 = arith.divsi %while3A_77, %while3A_79 : i32
    %while3A_81 = arith.muli %while3A_80, %while3A_79 : i32
    %while3A_82 = arith.addi %while3A, %while3A_81 : i32
    %while3A_83 = arith.constant 1 : i32
    %while3A_84 = scf.for %while3A_111 = %while3A to %while3A_82 step %while3A_83 iter_args(%while3A_112 = %while3A_76) -> (i32)  : i32 {
      %mul3A_113 = arith.constant 2 : i32
      %mul3A_114 = arith.muli %mul3A_113, %while3A_111 : i32
      %add3A_115 = arith.constant 1 : i32
      %add3A_116 = arith.addi %mul3A_114, %add3A_115 : i32
      %lt3A = arith.cmpi slt, %add3A_116, %add3A_20 : i32
      %convert_element_type3A_117 = arith.extui %lt3A : i1 to i32
      %cond3A_118 = arith.constant 0 : i32
      %cond3A_119 = arith.cmpi ne, %convert_element_type3A_117, %cond3A_118 : i32
      scf.if %cond3A_119 {
        %ge3A_176 = arith.constant 2 : i32
        %ge3A_177 = arith.cmpi sge, %add3A_116, %ge3A_176 : i32
        %convert_element_type3A_178 = arith.extui %ge3A_177 : i1 to i32
        %cond3A_179 = arith.constant 0 : i32
        %cond3A_180 = arith.cmpi ne, %convert_element_type3A_178, %cond3A_179 : i32
        scf.if %cond3A_180 {
          %dma_wait3A_195 = arith.constant 0 : i32
          %dma_wait3A_196 = arith.constant 0 : i32
          %dma_wait3A_197 = tpu.memref_slice %arg9[%dma_wait3A_195, %dma_wait3A_196] : memref<320000x128xf32, #tpu.memory_space<hbm>> -> memref<128x128xf32, #tpu.memory_space<hbm>>
          %dma_wait3A_198 = arith.constant 0 : i32
          %dma_wait3A_199 = arith.constant 0 : i32
          %dma_wait3A_200 = tpu.memref_slice %arg9[%dma_wait3A_198, %dma_wait3A_199] : memref<320000x128xf32, #tpu.memory_space<hbm>> -> memref<128x128xf32, #tpu.memory_space<hbm>>
          tpu.wait_dma2 semaphore(%arg29 : memref<!tpu.dma_semaphore, #tpu.memory_space<semaphore_mem>>) src(%arg16 : memref<128x128xf32, #tpu.memory_space<vmem>>) dst(%dma_wait3A_200 : memref<128x128xf32, #tpu.memory_space<hbm>>)
          %dma_wait3A_201 = arith.constant 0 : i32
          %dma_wait3A_202 = arith.constant 0 : i32
          %dma_wait3A_203 = tpu.memref_slice %arg10[%dma_wait3A_201, %dma_wait3A_202] : memref<320000x16xf32, #tpu.memory_space<hbm>> -> memref<128x16xf32, #tpu.memory_space<hbm>>
          %dma_wait3A_204 = arith.constant 0 : i32
          %dma_wait3A_205 = arith.constant 0 : i32
          %dma_wait3A_206 = tpu.memref_slice %arg10[%dma_wait3A_204, %dma_wait3A_205] : memref<320000x16xf32, #tpu.memory_space<hbm>> -> memref<128x16xf32, #tpu.memory_space<hbm>>
          tpu.wait_dma2 semaphore(%arg29 : memref<!tpu.dma_semaphore, #tpu.memory_space<semaphore_mem>>) src(%arg20 : memref<128x16xf32, #tpu.memory_space<vmem>>) dst(%dma_wait3A_206 : memref<128x16xf32, #tpu.memory_space<hbm>>)
        } else {
        }
        %dma_wait3A_181 = arith.constant 0 : i32
        %dma_wait3A_182 = tpu.memref_slice %arg7[%dma_wait3A_181] : memref<320000xi32, #tpu.memory_space<hbm>> -> memref<128xi32, #tpu.memory_space<hbm>>
        %dma_wait3A_183 = arith.constant 0 : i32
        %dma_wait3A_184 = tpu.memref_slice %arg7[%dma_wait3A_183] : memref<320000xi32, #tpu.memory_space<hbm>> -> memref<128xi32, #tpu.memory_space<hbm>>
        tpu.wait_dma2 semaphore(%arg25 : memref<!tpu.dma_semaphore, #tpu.memory_space<semaphore_mem>>) src(%dma_wait3A_184 : memref<128xi32, #tpu.memory_space<hbm>>) dst(%arg12 : memref<128xi32, #tpu.memory_space<vmem>>)
        %dma_wait3A_185 = arith.constant 0 : i32
        %dma_wait3A_186 = tpu.memref_slice %arg8[%dma_wait3A_185] : memref<320000xi32, #tpu.memory_space<hbm>> -> memref<128xi32, #tpu.memory_space<hbm>>
        %dma_wait3A_187 = arith.constant 0 : i32
        %dma_wait3A_188 = tpu.memref_slice %arg8[%dma_wait3A_187] : memref<320000xi32, #tpu.memory_space<hbm>> -> memref<128xi32, #tpu.memory_space<hbm>>
        tpu.wait_dma2 semaphore(%arg25 : memref<!tpu.dma_semaphore, #tpu.memory_space<semaphore_mem>>) src(%dma_wait3A_188 : memref<128xi32, #tpu.memory_space<hbm>>) dst(%arg14 : memref<128xi32, #tpu.memory_space<vmem>>)
        %dma_start3A_189 = arith.constant 0 : i32
        %dma_start3A_190 = arith.constant 0 : i32
        %dma_start3A_191 = tpu.memref_slice %arg2[%dma_start3A_189, %dma_start3A_190] : memref<10000x128xf32, #tpu.memory_space<hbm>> -> memref<10000x128xf32, #tpu.memory_space<hbm>>
        tpu.enqueue_indirect_dma source(%dma_start3A_191 : memref<10000x128xf32, #tpu.memory_space<hbm>>) target(%arg16 : memref<128x128xf32, #tpu.memory_space<vmem>>) offsets(%arg12 : memref<128xi32, #tpu.memory_space<vmem>>) semaphore(%arg27 : memref<!tpu.dma_semaphore, #tpu.memory_space<semaphore_mem>>)
        %dma_start3A_192 = arith.constant 0 : i32
        %dma_start3A_193 = arith.constant 0 : i32
        %dma_start3A_194 = tpu.memref_slice %arg3[%dma_start3A_192, %dma_start3A_193] : memref<10000x128xf32, #tpu.memory_space<hbm>> -> memref<10000x128xf32, #tpu.memory_space<hbm>>
        tpu.enqueue_indirect_dma source(%dma_start3A_194 : memref<10000x128xf32, #tpu.memory_space<hbm>>) target(%arg18 : memref<128x128xf32, #tpu.memory_space<vmem>>) offsets(%arg14 : memref<128xi32, #tpu.memory_space<vmem>>) semaphore(%arg27 : memref<!tpu.dma_semaphore, #tpu.memory_space<semaphore_mem>>)
      } else {
      }
      %mul3A_120 = arith.constant 32 : i32
      %mul3A_121 = arith.muli %mul3A_114, %mul3A_120 : i32
      %add3A_122 = arith.addi %add3A, %mul3A_121 : i32
      %mul3A_123 = arith.constant 128 : i32
      %mul3A_124 = arith.muli %add3A_122, %mul3A_123 : i32
      %dma_wait3A_125 = arith.constant 0 : i32
      %dma_wait3A_126 = arith.constant 0 : i32
      %dma_wait3A_127 = tpu.memref_slice %arg2[%dma_wait3A_125, %dma_wait3A_126] : memref<10000x128xf32, #tpu.memory_space<hbm>> -> memref<10000x128xf32, #tpu.memory_space<hbm>>
      tpu.wait_indirect_dma semaphore(%arg26 : memref<!tpu.dma_semaphore, #tpu.memory_space<semaphore_mem>>) src(%dma_wait3A_127 : memref<10000x128xf32, #tpu.memory_space<hbm>>) dst(%arg15 : memref<128x128xf32, #tpu.memory_space<vmem>>)
      %dma_wait3A_128 = arith.constant 0 : i32
      %dma_wait3A_129 = arith.constant 0 : i32
      %dma_wait3A_130 = tpu.memref_slice %arg3[%dma_wait3A_128, %dma_wait3A_129] : memref<10000x128xf32, #tpu.memory_space<hbm>> -> memref<10000x128xf32, #tpu.memory_space<hbm>>
      tpu.wait_indirect_dma semaphore(%arg26 : memref<!tpu.dma_semaphore, #tpu.memory_space<semaphore_mem>>) src(%dma_wait3A_130 : memref<10000x128xf32, #tpu.memory_space<hbm>>) dst(%arg17 : memref<128x128xf32, #tpu.memory_space<vmem>>)
      %scan3A_131 = arith.constant 0 : i32
      %scan3A_132 = arith.constant 0 : i32
      %scan3A_133 = arith.constant 128 : i32
      %scan3A_134 = arith.addi %scan3A_132, %scan3A_133 : i32
      %scan3A_135 = arith.constant 1 : i32
      %scan3A_136 = scf.for %scan3A_176 = %scan3A_132 to %scan3A_134 step %scan3A_135 iter_args(%scan3A_177 = %scan3A_131) -> (i32)  : i32 {
        %get3A = arith.index_cast %scan3A_176 : i32 to index
        %get3A_178 = arith.constant 0 : index
        %get3A_179 = tpu.vector_load %arg17[%get3A, %get3A_178] {strides = array<i32>} : memref<128x128xf32, #tpu.memory_space<vmem>>, vector<16xf32>,
        %swap3A = arith.index_cast %scan3A_176 : i32 to index
        %swap3A_180 = arith.constant 0 : index
        %swap3A_181 = tpu.vector_load %arg15[%swap3A, %swap3A_180] {strides = array<i32>} : memref<128x128xf32, #tpu.memory_space<vmem>>, vector<16xf32>,
        tpu.vector_store %arg15[%swap3A, %swap3A_180], %get3A_179 {add = true, strides = array<i32>} : memref<128x128xf32, #tpu.memory_space<vmem>>, vector<16xf32>,
        %get3A_182 = arith.index_cast %scan3A_176 : i32 to index
        %get3A_183 = arith.constant 16 : index
        %get3A_184 = tpu.vector_load %arg17[%get3A_182, %get3A_183] {strides = array<i32>} : memref<128x128xf32, #tpu.memory_space<vmem>>, vector<16xf32>,
        %swap3A_185 = arith.index_cast %scan3A_176 : i32 to index
        %swap3A_186 = arith.constant 16 : index
        %swap3A_187 = tpu.vector_load %arg15[%swap3A_185, %swap3A_186] {strides = array<i32>} : memref<128x128xf32, #tpu.memory_space<vmem>>, vector<16xf32>,
        tpu.vector_store %arg15[%swap3A_185, %swap3A_186], %get3A_184 {add = true, strides = array<i32>} : memref<128x128xf32, #tpu.memory_space<vmem>>, vector<16xf32>,
        %get3A_188 = arith.index_cast %scan3A_176 : i32 to index
        %get3A_189 = arith.constant 32 : index
        %get3A_190 = tpu.vector_load %arg17[%get3A_188, %get3A_189] {strides = array<i32>} : memref<128x128xf32, #tpu.memory_space<vmem>>, vector<16xf32>,
        %swap3A_191 = arith.index_cast %scan3A_176 : i32 to index
        %swap3A_192 = arith.constant 32 : index
        %swap3A_193 = tpu.vector_load %arg15[%swap3A_191, %swap3A_192] {strides = array<i32>} : memref<128x128xf32, #tpu.memory_space<vmem>>, vector<16xf32>,
        tpu.vector_store %arg15[%swap3A_191, %swap3A_192], %get3A_190 {add = true, strides = array<i32>} : memref<128x128xf32, #tpu.memory_space<vmem>>, vector<16xf32>,
        %get3A_194 = arith.index_cast %scan3A_176 : i32 to index
        %get3A_195 = arith.constant 48 : index
        %get3A_196 = tpu.vector_load %arg17[%get3A_194, %get3A_195] {strides = array<i32>} : memref<128x128xf32, #tpu.memory_space<vmem>>, vector<16xf32>,
        %swap3A_197 = arith.index_cast %scan3A_176 : i32 to index
        %swap3A_198 = arith.constant 48 : index
        %swap3A_199 = tpu.vector_load %arg15[%swap3A_197, %swap3A_198] {strides = array<i32>} : memref<128x128xf32, #tpu.memory_space<vmem>>, vector<16xf32>,
        tpu.vector_store %arg15[%swap3A_197, %swap3A_198], %get3A_196 {add = true, strides = array<i32>} : memref<128x128xf32, #tpu.memory_space<vmem>>, vector<16xf32>,
        %get3A_200 = arith.index_cast %scan3A_176 : i32 to index
        %get3A_201 = arith.constant 64 : index
        %get3A_202 = tpu.vector_load %arg17[%get3A_200, %get3A_201] {strides = array<i32>} : memref<128x128xf32, #tpu.memory_space<vmem>>, vector<16xf32>,
        %swap3A_203 = arith.index_cast %scan3A_176 : i32 to index
        %swap3A_204 = arith.constant 64 : index
        %swap3A_205 = tpu.vector_load %arg15[%swap3A_203, %swap3A_204] {strides = array<i32>} : memref<128x128xf32, #tpu.memory_space<vmem>>, vector<16xf32>,
        tpu.vector_store %arg15[%swap3A_203, %swap3A_204], %get3A_202 {add = true, strides = array<i32>} : memref<128x128xf32, #tpu.memory_space<vmem>>, vector<16xf32>,
        %get3A_206 = arith.index_cast %scan3A_176 : i32 to index
        %get3A_207 = arith.constant 80 : index
        %get3A_208 = tpu.vector_load %arg17[%get3A_206, %get3A_207] {strides = array<i32>} : memref<128x128xf32, #tpu.memory_space<vmem>>, vector<16xf32>,
        %swap3A_209 = arith.index_cast %scan3A_176 : i32 to index
        %swap3A_210 = arith.constant 80 : index
        %swap3A_211 = tpu.vector_load %arg15[%swap3A_209, %swap3A_210] {strides = array<i32>} : memref<128x128xf32, #tpu.memory_space<vmem>>, vector<16xf32>,
        tpu.vector_store %arg15[%swap3A_209, %swap3A_210], %get3A_208 {add = true, strides = array<i32>} : memref<128x128xf32, #tpu.memory_space<vmem>>, vector<16xf32>,
        %get3A_212 = arith.index_cast %scan3A_176 : i32 to index
        %get3A_213 = arith.constant 96 : index
        %get3A_214 = tpu.vector_load %arg17[%get3A_212, %get3A_213] {strides = array<i32>} : memref<128x128xf32, #tpu.memory_space<vmem>>, vector<16xf32>,
        %swap3A_215 = arith.index_cast %scan3A_176 : i32 to index
        %swap3A_216 = arith.constant 96 : index
        %swap3A_217 = tpu.vector_load %arg15[%swap3A_215, %swap3A_216] {strides = array<i32>} : memref<128x128xf32, #tpu.memory_space<vmem>>, vector<16xf32>,
        tpu.vector_store %arg15[%swap3A_215, %swap3A_216], %get3A_214 {add = true, strides = array<i32>} : memref<128x128xf32, #tpu.memory_space<vmem>>, vector<16xf32>,
        %get3A_218 = arith.index_cast %scan3A_176 : i32 to index
        %get3A_219 = arith.constant 112 : index
        %get3A_220 = tpu.vector_load %arg17[%get3A_218, %get3A_219] {strides = array<i32>} : memref<128x128xf32, #tpu.memory_space<vmem>>, vector<16xf32>,
        %swap3A_221 = arith.index_cast %scan3A_176 : i32 to index
        %swap3A_222 = arith.constant 112 : index
        %swap3A_223 = tpu.vector_load %arg15[%swap3A_221, %swap3A_222] {strides = array<i32>} : memref<128x128xf32, #tpu.memory_space<vmem>>, vector<16xf32>,
        tpu.vector_store %arg15[%swap3A_221, %swap3A_222], %get3A_220 {add = true, strides = array<i32>} : memref<128x128xf32, #tpu.memory_space<vmem>>, vector<16xf32>,
        %scan3A_224 = arith.constant 0 : i32
        scf.yield %scan3A_224 : i32
      }
      %scan3A_137 = arith.constant 128 : i32
      %scan3A_138 = arith.constant 0 : i32
      %scan3A_139 = arith.constant 0 : i32
      %scan3A_140 = arith.constant 8 : i32
      %scan3A_141 = arith.addi %scan3A_139, %scan3A_140 : i32
      %scan3A_142 = arith.constant 1 : i32
      %scan3A_143 = scf.for %scan3A_176 = %scan3A_139 to %scan3A_141 step %scan3A_142 iter_args(%scan3A_177 = %scan3A_138) -> (i32)  : i32 {
        %mul3A_178 = arith.constant 16 : i32
        %mul3A_179 = arith.muli %scan3A_176, %mul3A_178 : i32
        %get3A = arith.index_cast %mul3A_179 : i32 to index
        %get3A_180 = tpu.vector_load %arg11[%get3A] {strides = array<i32>} : memref<128xi32, #tpu.memory_space<vmem>>, vector<16xi32>,
        %mul3A_181 = arith.constant 16 : i32
        %mul3A_182 = arith.muli %scan3A_176, %mul3A_181 : i32
        %get3A_183 = arith.index_cast %mul3A_182 : i32 to index
        %get3A_184 = tpu.vector_load %arg13[%get3A_183] {strides = array<i32>} : memref<128xi32, #tpu.memory_space<vmem>>, vector<16xi32>,
        %gather3A = tpu.vector_load_idx %arg21[%get3A_180] : memref<10000xf32, #tpu.memory_space<vmem>>[vector<16xi32>], vector<16xf32>,
        %gather3A_185 = tpu.vector_load_idx %arg21[%get3A_184] : memref<10000xf32, #tpu.memory_space<vmem>>[vector<16xi32>], vector<16xf32>,
        %sub3A_186 = arith.subf %gather3A, %gather3A_185 : vector<16xf32>
        %gather3A_187 = tpu.vector_load_idx %arg22[%get3A_180] : memref<10000xf32, #tpu.memory_space<vmem>>[vector<16xi32>], vector<16xf32>,
        %gather3A_188 = tpu.vector_load_idx %arg22[%get3A_184] : memref<10000xf32, #tpu.memory_space<vmem>>[vector<16xi32>], vector<16xf32>,
        %sub3A_189 = arith.subf %gather3A_187, %gather3A_188 : vector<16xf32>
        %gather3A_190 = tpu.vector_load_idx %arg23[%get3A_180] : memref<10000xf32, #tpu.memory_space<vmem>>[vector<16xi32>], vector<16xf32>,
        %gather3A_191 = tpu.vector_load_idx %arg23[%get3A_184] : memref<10000xf32, #tpu.memory_space<vmem>>[vector<16xi32>], vector<16xf32>,
        %sub3A_192 = arith.subf %gather3A_190, %gather3A_191 : vector<16xf32>
        %mul3A_193 = arith.mulf %sub3A_186, %sub3A_186 : vector<16xf32>
        %mul3A_194 = arith.mulf %sub3A_189, %sub3A_189 : vector<16xf32>
        %add3A_195 = arith.addf %mul3A_193, %mul3A_194 : vector<16xf32>
        %mul3A_196 = arith.mulf %sub3A_192, %sub3A_192 : vector<16xf32>
        %add3A_197 = arith.addf %add3A_195, %mul3A_196 : vector<16xf32>
        %mul3A_198 = arith.constant 16 : i32
        %mul3A_199 = arith.muli %scan3A_176, %mul3A_198 : i32
        %add3A_200 = vector.broadcast %mul3A_199 : i32 to vector<16xi32>
        %add3A_201 = arith.addi %add3A_200, %iota3A : vector<16xi32>
        %broadcast_in_dim3A_202 = arith.constant 0 : i32
        %broadcast_in_dim3A_203 = vector.broadcast %broadcast_in_dim3A_202 : i32 to vector<16xi32>
        tpu.vector_store_idx %arg19[%add3A_201, %broadcast_in_dim3A_203], %sub3A_186 : memref<128x16xf32, #tpu.memory_space<vmem>>[vector<16xi32>, vector<16xi32>], vector<16xf32>,
        %broadcast_in_dim3A_204 = arith.constant 1 : i32
        %broadcast_in_dim3A_205 = vector.broadcast %broadcast_in_dim3A_204 : i32 to vector<16xi32>
        tpu.vector_store_idx %arg19[%add3A_201, %broadcast_in_dim3A_205], %sub3A_189 : memref<128x16xf32, #tpu.memory_space<vmem>>[vector<16xi32>, vector<16xi32>], vector<16xf32>,
        %broadcast_in_dim3A_206 = arith.constant 2 : i32
        %broadcast_in_dim3A_207 = vector.broadcast %broadcast_in_dim3A_206 : i32 to vector<16xi32>
        tpu.vector_store_idx %arg19[%add3A_201, %broadcast_in_dim3A_207], %sub3A_192 : memref<128x16xf32, #tpu.memory_space<vmem>>[vector<16xi32>, vector<16xi32>], vector<16xf32>,
        %broadcast_in_dim3A_208 = arith.constant 3 : i32
        %broadcast_in_dim3A_209 = vector.broadcast %broadcast_in_dim3A_208 : i32 to vector<16xi32>
        tpu.vector_store_idx %arg19[%add3A_201, %broadcast_in_dim3A_209], %add3A_197 : memref<128x16xf32, #tpu.memory_space<vmem>>[vector<16xi32>, vector<16xi32>], vector<16xf32>,
        %scan3A_210 = arith.constant 0 : i32
        scf.yield %scan3A_210 : i32
      }
      %scan3A_144 = arith.constant 8 : i32
      %dma_start3A_145 = arith.constant 0 : i32
      %dma_start3A_146 = tpu.memref_slice %arg9[%mul3A_124, %dma_start3A_145] : memref<320000x128xf32, #tpu.memory_space<hbm>> -> memref<128x128xf32, #tpu.memory_space<hbm>>
      %dma_start3A_147 = arith.constant 0 : i32
      %dma_start3A_148 = tpu.memref_slice %arg9[%mul3A_124, %dma_start3A_147] : memref<320000x128xf32, #tpu.memory_space<hbm>> -> memref<128x128xf32, #tpu.memory_space<hbm>>
      tpu.enqueue_dma source(%arg15 : memref<128x128xf32, #tpu.memory_space<vmem>>) target(%dma_start3A_148 : memref<128x128xf32, #tpu.memory_space<hbm>>) target_semaphore(%arg28 : memref<!tpu.dma_semaphore, #tpu.memory_space<semaphore_mem>>)
      %dma_start3A_149 = arith.constant 0 : i32
      %dma_start3A_150 = tpu.memref_slice %arg10[%mul3A_124, %dma_start3A_149] : memref<320000x16xf32, #tpu.memory_space<hbm>> -> memref<128x16xf32, #tpu.memory_space<hbm>>
      %dma_start3A_151 = arith.constant 0 : i32
      %dma_start3A_152 = tpu.memref_slice %arg10[%mul3A_124, %dma_start3A_151] : memref<320000x16xf32, #tpu.memory_space<hbm>> -> memref<128x16xf32, #tpu.memory_space<hbm>>
      tpu.enqueue_dma source(%arg19 : memref<128x16xf32, #tpu.memory_space<vmem>>) target(%dma_start3A_152 : memref<128x16xf32, #tpu.memory_space<hbm>>) target_semaphore(%arg28 : memref<!tpu.dma_semaphore, #tpu.memory_space<semaphore_mem>>)
      %add3A_153 = arith.constant 2 : i32
      %add3A_154 = arith.addi %mul3A_114, %add3A_153 : i32
      %lt3A_155 = arith.cmpi slt, %add3A_154, %add3A_20 : i32
      %convert_element_type3A_156 = arith.extui %lt3A_155 : i1 to i32
      %cond3A_157 = arith.constant 0 : i32
      %cond3A_158 = arith.cmpi ne, %convert_element_type3A_156, %cond3A_157 : i32
      scf.if %cond3A_158 {
        %add3A_176 = arith.constant 2 : i32
        %add3A_177 = arith.addi %mul3A_114, %add3A_176 : i32
        %mul3A_178 = arith.constant 32 : i32
        %mul3A_179 = arith.muli %add3A_177, %mul3A_178 : i32
        %add3A_180 = arith.addi %add3A, %mul3A_179 : i32
        %mul3A_181 = arith.constant 128 : i32
        %mul3A_182 = arith.muli %add3A_180, %mul3A_181 : i32
        %dma_start3A_183 = tpu.memref_slice %arg7[%mul3A_182] : memref<320000xi32, #tpu.memory_space<hbm>> -> memref<128xi32, #tpu.memory_space<hbm>>
        %dma_start3A_184 = tpu.memref_slice %arg7[%mul3A_182] : memref<320000xi32, #tpu.memory_space<hbm>> -> memref<128xi32, #tpu.memory_space<hbm>>
        tpu.enqueue_dma source(%dma_start3A_184 : memref<128xi32, #tpu.memory_space<hbm>>) target(%arg11 : memref<128xi32, #tpu.memory_space<vmem>>) target_semaphore(%arg24 : memref<!tpu.dma_semaphore, #tpu.memory_space<semaphore_mem>>)
        %dma_start3A_185 = tpu.memref_slice %arg8[%mul3A_182] : memref<320000xi32, #tpu.memory_space<hbm>> -> memref<128xi32, #tpu.memory_space<hbm>>
        %dma_start3A_186 = tpu.memref_slice %arg8[%mul3A_182] : memref<320000xi32, #tpu.memory_space<hbm>> -> memref<128xi32, #tpu.memory_space<hbm>>
        tpu.enqueue_dma source(%dma_start3A_186 : memref<128xi32, #tpu.memory_space<hbm>>) target(%arg13 : memref<128xi32, #tpu.memory_space<vmem>>) target_semaphore(%arg24 : memref<!tpu.dma_semaphore, #tpu.memory_space<semaphore_mem>>)
      } else {
      }
      %lt3A_159 = arith.cmpi slt, %add3A_116, %add3A_20 : i32
      %convert_element_type3A_160 = arith.extui %lt3A_159 : i1 to i32
      %cond3A_161 = arith.constant 0 : i32
      %cond3A_162 = arith.cmpi ne, %convert_element_type3A_160, %cond3A_161 : i32
      scf.if %cond3A_162 {
        %mul3A_176 = arith.constant 32 : i32
        %mul3A_177 = arith.muli %add3A_116, %mul3A_176 : i32
        %add3A_178 = arith.addi %add3A, %mul3A_177 : i32
        %mul3A_179 = arith.constant 128 : i32
        %mul3A_180 = arith.muli %add3A_178, %mul3A_179 : i32
        %dma_wait3A_181 = arith.constant 0 : i32
        %dma_wait3A_182 = arith.constant 0 : i32
        %dma_wait3A_183 = tpu.memref_slice %arg2[%dma_wait3A_181, %dma_wait3A_182] : memref<10000x128xf32, #tpu.memory_space<hbm>> -> memref<10000x128xf32, #tpu.memory_space<hbm>>
        tpu.wait_indirect_dma semaphore(%arg27 : memref<!tpu.dma_semaphore, #tpu.memory_space<semaphore_mem>>) src(%dma_wait3A_183 : memref<10000x128xf32, #tpu.memory_space<hbm>>) dst(%arg16 : memref<128x128xf32, #tpu.memory_space<vmem>>)
        %dma_wait3A_184 = arith.constant 0 : i32
        %dma_wait3A_185 = arith.constant 0 : i32
        %dma_wait3A_186 = tpu.memref_slice %arg3[%dma_wait3A_184, %dma_wait3A_185] : memref<10000x128xf32, #tpu.memory_space<hbm>> -> memref<10000x128xf32, #tpu.memory_space<hbm>>
        tpu.wait_indirect_dma semaphore(%arg27 : memref<!tpu.dma_semaphore, #tpu.memory_space<semaphore_mem>>) src(%dma_wait3A_186 : memref<10000x128xf32, #tpu.memory_space<hbm>>) dst(%arg18 : memref<128x128xf32, #tpu.memory_space<vmem>>)
        %scan3A_187 = arith.constant 0 : i32
        %scan3A_188 = arith.constant 0 : i32
        %scan3A_189 = arith.constant 128 : i32
        %scan3A_190 = arith.addi %scan3A_188, %scan3A_189 : i32
        %scan3A_191 = arith.constant 1 : i32
        %scan3A_192 = scf.for %scan3A_209 = %scan3A_188 to %scan3A_190 step %scan3A_191 iter_args(%scan3A_210 = %scan3A_187) -> (i32)  : i32 {
          %get3A = arith.index_cast %scan3A_209 : i32 to index
          %get3A_211 = arith.constant 0 : index
          %get3A_212 = tpu.vector_load %arg18[%get3A, %get3A_211] {strides = array<i32>} : memref<128x128xf32, #tpu.memory_space<vmem>>, vector<16xf32>,
          %swap3A = arith.index_cast %scan3A_209 : i32 to index
          %swap3A_213 = arith.constant 0 : index
          %swap3A_214 = tpu.vector_load %arg16[%swap3A, %swap3A_213] {strides = array<i32>} : memref<128x128xf32, #tpu.memory_space<vmem>>, vector<16xf32>,
          tpu.vector_store %arg16[%swap3A, %swap3A_213], %get3A_212 {add = true, strides = array<i32>} : memref<128x128xf32, #tpu.memory_space<vmem>>, vector<16xf32>,
          %get3A_215 = arith.index_cast %scan3A_209 : i32 to index
          %get3A_216 = arith.constant 16 : index
          %get3A_217 = tpu.vector_load %arg18[%get3A_215, %get3A_216] {strides = array<i32>} : memref<128x128xf32, #tpu.memory_space<vmem>>, vector<16xf32>,
          %swap3A_218 = arith.index_cast %scan3A_209 : i32 to index
          %swap3A_219 = arith.constant 16 : index
          %swap3A_220 = tpu.vector_load %arg16[%swap3A_218, %swap3A_219] {strides = array<i32>} : memref<128x128xf32, #tpu.memory_space<vmem>>, vector<16xf32>,
          tpu.vector_store %arg16[%swap3A_218, %swap3A_219], %get3A_217 {add = true, strides = array<i32>} : memref<128x128xf32, #tpu.memory_space<vmem>>, vector<16xf32>,
          %get3A_221 = arith.index_cast %scan3A_209 : i32 to index
          %get3A_222 = arith.constant 32 : index
          %get3A_223 = tpu.vector_load %arg18[%get3A_221, %get3A_222] {strides = array<i32>} : memref<128x128xf32, #tpu.memory_space<vmem>>, vector<16xf32>,
          %swap3A_224 = arith.index_cast %scan3A_209 : i32 to index
          %swap3A_225 = arith.constant 32 : index
          %swap3A_226 = tpu.vector_load %arg16[%swap3A_224, %swap3A_225] {strides = array<i32>} : memref<128x128xf32, #tpu.memory_space<vmem>>, vector<16xf32>,
          tpu.vector_store %arg16[%swap3A_224, %swap3A_225], %get3A_223 {add = true, strides = array<i32>} : memref<128x128xf32, #tpu.memory_space<vmem>>, vector<16xf32>,
          %get3A_227 = arith.index_cast %scan3A_209 : i32 to index
          %get3A_228 = arith.constant 48 : index
          %get3A_229 = tpu.vector_load %arg18[%get3A_227, %get3A_228] {strides = array<i32>} : memref<128x128xf32, #tpu.memory_space<vmem>>, vector<16xf32>,
          %swap3A_230 = arith.index_cast %scan3A_209 : i32 to index
          %swap3A_231 = arith.constant 48 : index
          %swap3A_232 = tpu.vector_load %arg16[%swap3A_230, %swap3A_231] {strides = array<i32>} : memref<128x128xf32, #tpu.memory_space<vmem>>, vector<16xf32>,
          tpu.vector_store %arg16[%swap3A_230, %swap3A_231], %get3A_229 {add = true, strides = array<i32>} : memref<128x128xf32, #tpu.memory_space<vmem>>, vector<16xf32>,
          %get3A_233 = arith.index_cast %scan3A_209 : i32 to index
          %get3A_234 = arith.constant 64 : index
          %get3A_235 = tpu.vector_load %arg18[%get3A_233, %get3A_234] {strides = array<i32>} : memref<128x128xf32, #tpu.memory_space<vmem>>, vector<16xf32>,
          %swap3A_236 = arith.index_cast %scan3A_209 : i32 to index
          %swap3A_237 = arith.constant 64 : index
          %swap3A_238 = tpu.vector_load %arg16[%swap3A_236, %swap3A_237] {strides = array<i32>} : memref<128x128xf32, #tpu.memory_space<vmem>>, vector<16xf32>,
          tpu.vector_store %arg16[%swap3A_236, %swap3A_237], %get3A_235 {add = true, strides = array<i32>} : memref<128x128xf32, #tpu.memory_space<vmem>>, vector<16xf32>,
          %get3A_239 = arith.index_cast %scan3A_209 : i32 to index
          %get3A_240 = arith.constant 80 : index
          %get3A_241 = tpu.vector_load %arg18[%get3A_239, %get3A_240] {strides = array<i32>} : memref<128x128xf32, #tpu.memory_space<vmem>>, vector<16xf32>,
          %swap3A_242 = arith.index_cast %scan3A_209 : i32 to index
          %swap3A_243 = arith.constant 80 : index
          %swap3A_244 = tpu.vector_load %arg16[%swap3A_242, %swap3A_243] {strides = array<i32>} : memref<128x128xf32, #tpu.memory_space<vmem>>, vector<16xf32>,
          tpu.vector_store %arg16[%swap3A_242, %swap3A_243], %get3A_241 {add = true, strides = array<i32>} : memref<128x128xf32, #tpu.memory_space<vmem>>, vector<16xf32>,
          %get3A_245 = arith.index_cast %scan3A_209 : i32 to index
          %get3A_246 = arith.constant 96 : index
          %get3A_247 = tpu.vector_load %arg18[%get3A_245, %get3A_246] {strides = array<i32>} : memref<128x128xf32, #tpu.memory_space<vmem>>, vector<16xf32>,
          %swap3A_248 = arith.index_cast %scan3A_209 : i32 to index
          %swap3A_249 = arith.constant 96 : index
          %swap3A_250 = tpu.vector_load %arg16[%swap3A_248, %swap3A_249] {strides = array<i32>} : memref<128x128xf32, #tpu.memory_space<vmem>>, vector<16xf32>,
          tpu.vector_store %arg16[%swap3A_248, %swap3A_249], %get3A_247 {add = true, strides = array<i32>} : memref<128x128xf32, #tpu.memory_space<vmem>>, vector<16xf32>,
          %get3A_251 = arith.index_cast %scan3A_209 : i32 to index
          %get3A_252 = arith.constant 112 : index
          %get3A_253 = tpu.vector_load %arg18[%get3A_251, %get3A_252] {strides = array<i32>} : memref<128x128xf32, #tpu.memory_space<vmem>>, vector<16xf32>,
          %swap3A_254 = arith.index_cast %scan3A_209 : i32 to index
          %swap3A_255 = arith.constant 112 : index
          %swap3A_256 = tpu.vector_load %arg16[%swap3A_254, %swap3A_255] {strides = array<i32>} : memref<128x128xf32, #tpu.memory_space<vmem>>, vector<16xf32>,
          tpu.vector_store %arg16[%swap3A_254, %swap3A_255], %get3A_253 {add = true, strides = array<i32>} : memref<128x128xf32, #tpu.memory_space<vmem>>, vector<16xf32>,
          %scan3A_257 = arith.constant 0 : i32
          scf.yield %scan3A_257 : i32
        }
        %scan3A_193 = arith.constant 128 : i32
        %scan3A_194 = arith.constant 0 : i32
        %scan3A_195 = arith.constant 0 : i32
        %scan3A_196 = arith.constant 8 : i32
        %scan3A_197 = arith.addi %scan3A_195, %scan3A_196 : i32
        %scan3A_198 = arith.constant 1 : i32
        %scan3A_199 = scf.for %scan3A_209 = %scan3A_195 to %scan3A_197 step %scan3A_198 iter_args(%scan3A_210 = %scan3A_194) -> (i32)  : i32 {
          %mul3A_211 = arith.constant 16 : i32
          %mul3A_212 = arith.muli %scan3A_209, %mul3A_211 : i32
          %get3A = arith.index_cast %mul3A_212 : i32 to index
          %get3A_213 = tpu.vector_load %arg12[%get3A] {strides = array<i32>} : memref<128xi32, #tpu.memory_space<vmem>>, vector<16xi32>,
          %mul3A_214 = arith.constant 16 : i32
          %mul3A_215 = arith.muli %scan3A_209, %mul3A_214 : i32
          %get3A_216 = arith.index_cast %mul3A_215 : i32 to index
          %get3A_217 = tpu.vector_load %arg14[%get3A_216] {strides = array<i32>} : memref<128xi32, #tpu.memory_space<vmem>>, vector<16xi32>,
          %gather3A = tpu.vector_load_idx %arg21[%get3A_213] : memref<10000xf32, #tpu.memory_space<vmem>>[vector<16xi32>], vector<16xf32>,
          %gather3A_218 = tpu.vector_load_idx %arg21[%get3A_217] : memref<10000xf32, #tpu.memory_space<vmem>>[vector<16xi32>], vector<16xf32>,
          %sub3A_219 = arith.subf %gather3A, %gather3A_218 : vector<16xf32>
          %gather3A_220 = tpu.vector_load_idx %arg22[%get3A_213] : memref<10000xf32, #tpu.memory_space<vmem>>[vector<16xi32>], vector<16xf32>,
          %gather3A_221 = tpu.vector_load_idx %arg22[%get3A_217] : memref<10000xf32, #tpu.memory_space<vmem>>[vector<16xi32>], vector<16xf32>,
          %sub3A_222 = arith.subf %gather3A_220, %gather3A_221 : vector<16xf32>
          %gather3A_223 = tpu.vector_load_idx %arg23[%get3A_213] : memref<10000xf32, #tpu.memory_space<vmem>>[vector<16xi32>], vector<16xf32>,
          %gather3A_224 = tpu.vector_load_idx %arg23[%get3A_217] : memref<10000xf32, #tpu.memory_space<vmem>>[vector<16xi32>], vector<16xf32>,
          %sub3A_225 = arith.subf %gather3A_223, %gather3A_224 : vector<16xf32>
          %mul3A_226 = arith.mulf %sub3A_219, %sub3A_219 : vector<16xf32>
          %mul3A_227 = arith.mulf %sub3A_222, %sub3A_222 : vector<16xf32>
          %add3A_228 = arith.addf %mul3A_226, %mul3A_227 : vector<16xf32>
          %mul3A_229 = arith.mulf %sub3A_225, %sub3A_225 : vector<16xf32>
          %add3A_230 = arith.addf %add3A_228, %mul3A_229 : vector<16xf32>
          %mul3A_231 = arith.constant 16 : i32
          %mul3A_232 = arith.muli %scan3A_209, %mul3A_231 : i32
          %add3A_233 = vector.broadcast %mul3A_232 : i32 to vector<16xi32>
          %add3A_234 = arith.addi %add3A_233, %iota3A : vector<16xi32>
          %broadcast_in_dim3A_235 = arith.constant 0 : i32
          %broadcast_in_dim3A_236 = vector.broadcast %broadcast_in_dim3A_235 : i32 to vector<16xi32>
          tpu.vector_store_idx %arg20[%add3A_234, %broadcast_in_dim3A_236], %sub3A_219 : memref<128x16xf32, #tpu.memory_space<vmem>>[vector<16xi32>, vector<16xi32>], vector<16xf32>,
          %broadcast_in_dim3A_237 = arith.constant 1 : i32
          %broadcast_in_dim3A_238 = vector.broadcast %broadcast_in_dim3A_237 : i32 to vector<16xi32>
          tpu.vector_store_idx %arg20[%add3A_234, %broadcast_in_dim3A_238], %sub3A_222 : memref<128x16xf32, #tpu.memory_space<vmem>>[vector<16xi32>, vector<16xi32>], vector<16xf32>,
          %broadcast_in_dim3A_239 = arith.constant 2 : i32
          %broadcast_in_dim3A_240 = vector.broadcast %broadcast_in_dim3A_239 : i32 to vector<16xi32>
          tpu.vector_store_idx %arg20[%add3A_234, %broadcast_in_dim3A_240], %sub3A_225 : memref<128x16xf32, #tpu.memory_space<vmem>>[vector<16xi32>, vector<16xi32>], vector<16xf32>,
          %broadcast_in_dim3A_241 = arith.constant 3 : i32
          %broadcast_in_dim3A_242 = vector.broadcast %broadcast_in_dim3A_241 : i32 to vector<16xi32>
          tpu.vector_store_idx %arg20[%add3A_234, %broadcast_in_dim3A_242], %add3A_230 : memref<128x16xf32, #tpu.memory_space<vmem>>[vector<16xi32>, vector<16xi32>], vector<16xf32>,
          %scan3A_243 = arith.constant 0 : i32
          scf.yield %scan3A_243 : i32
        }
        %scan3A_200 = arith.constant 8 : i32
        %dma_start3A_201 = arith.constant 0 : i32
        %dma_start3A_202 = tpu.memref_slice %arg9[%mul3A_180, %dma_start3A_201] : memref<320000x128xf32, #tpu.memory_space<hbm>> -> memref<128x128xf32, #tpu.memory_space<hbm>>
        %dma_start3A_203 = arith.constant 0 : i32
        %dma_start3A_204 = tpu.memref_slice %arg9[%mul3A_180, %dma_start3A_203] : memref<320000x128xf32, #tpu.memory_space<hbm>> -> memref<128x128xf32, #tpu.memory_space<hbm>>
        tpu.enqueue_dma source(%arg16 : memref<128x128xf32, #tpu.memory_space<vmem>>) target(%dma_start3A_204 : memref<128x128xf32, #tpu.memory_space<hbm>>) target_semaphore(%arg29 : memref<!tpu.dma_semaphore, #tpu.memory_space<semaphore_mem>>)
        %dma_start3A_205 = arith.constant 0 : i32
        %dma_start3A_206 = tpu.memref_slice %arg10[%mul3A_180, %dma_start3A_205] : memref<320000x16xf32, #tpu.memory_space<hbm>> -> memref<128x16xf32, #tpu.memory_space<hbm>>
        %dma_start3A_207 = arith.constant 0 : i32
        %dma_start3A_208 = tpu.memref_slice %arg10[%mul3A_180, %dma_start3A_207] : memref<320000x16xf32, #tpu.memory_space<hbm>> -> memref<128x16xf32, #tpu.memory_space<hbm>>
        tpu.enqueue_dma source(%arg20 : memref<128x16xf32, #tpu.memory_space<vmem>>) target(%dma_start3A_208 : memref<128x16xf32, #tpu.memory_space<hbm>>) target_semaphore(%arg29 : memref<!tpu.dma_semaphore, #tpu.memory_space<semaphore_mem>>)
      } else {
      }
      %add3A_163 = arith.constant 2 : i32
      %add3A_164 = arith.addi %add3A_116, %add3A_163 : i32
      %lt3A_165 = arith.cmpi slt, %add3A_164, %add3A_20 : i32
      %convert_element_type3A_166 = arith.extui %lt3A_165 : i1 to i32
      %cond3A_167 = arith.constant 0 : i32
      %cond3A_168 = arith.cmpi ne, %convert_element_type3A_166, %cond3A_167 : i32
      scf.if %cond3A_168 {
        %add3A_176 = arith.constant 2 : i32
        %add3A_177 = arith.addi %add3A_116, %add3A_176 : i32
        %mul3A_178 = arith.constant 32 : i32
        %mul3A_179 = arith.muli %add3A_177, %mul3A_178 : i32
        %add3A_180 = arith.addi %add3A, %mul3A_179 : i32
        %mul3A_181 = arith.constant 128 : i32
        %mul3A_182 = arith.muli %add3A_180, %mul3A_181 : i32
        %dma_start3A_183 = tpu.memref_slice %arg7[%mul3A_182] : memref<320000xi32, #tpu.memory_space<hbm>> -> memref<128xi32, #tpu.memory_space<hbm>>
        %dma_start3A_184 = tpu.memref_slice %arg7[%mul3A_182] : memref<320000xi32, #tpu.memory_space<hbm>> -> memref<128xi32, #tpu.memory_space<hbm>>
        tpu.enqueue_dma source(%dma_start3A_184 : memref<128xi32, #tpu.memory_space<hbm>>) target(%arg12 : memref<128xi32, #tpu.memory_space<vmem>>) target_semaphore(%arg25 : memref<!tpu.dma_semaphore, #tpu.memory_space<semaphore_mem>>)
        %dma_start3A_185 = tpu.memref_slice %arg8[%mul3A_182] : memref<320000xi32, #tpu.memory_space<hbm>> -> memref<128xi32, #tpu.memory_space<hbm>>
        %dma_start3A_186 = tpu.memref_slice %arg8[%mul3A_182] : memref<320000xi32, #tpu.memory_space<hbm>> -> memref<128xi32, #tpu.memory_space<hbm>>
        tpu.enqueue_dma source(%dma_start3A_186 : memref<128xi32, #tpu.memory_space<hbm>>) target(%arg14 : memref<128xi32, #tpu.memory_space<vmem>>) target_semaphore(%arg25 : memref<!tpu.dma_semaphore, #tpu.memory_space<semaphore_mem>>)
      } else {
      }
      %add3A_169 = arith.constant 2 : i32
      %add3A_170 = arith.addi %mul3A_114, %add3A_169 : i32
      %lt3A_171 = arith.cmpi slt, %add3A_170, %add3A_20 : i32
      %convert_element_type3A_172 = arith.extui %lt3A_171 : i1 to i32
      %cond3A_173 = arith.constant 0 : i32
      %cond3A_174 = arith.cmpi ne, %convert_element_type3A_172, %cond3A_173 : i32
      scf.if %cond3A_174 {
        %add3A_176 = arith.constant 2 : i32
        %add3A_177 = arith.addi %mul3A_114, %add3A_176 : i32
        %ge3A_178 = arith.constant 2 : i32
        %ge3A_179 = arith.cmpi sge, %add3A_177, %ge3A_178 : i32
        %convert_element_type3A_180 = arith.extui %ge3A_179 : i1 to i32
        %cond3A_181 = arith.constant 0 : i32
        %cond3A_182 = arith.cmpi ne, %convert_element_type3A_180, %cond3A_181 : i32
        scf.if %cond3A_182 {
          %dma_wait3A_197 = arith.constant 0 : i32
          %dma_wait3A_198 = arith.constant 0 : i32
          %dma_wait3A_199 = tpu.memref_slice %arg9[%dma_wait3A_197, %dma_wait3A_198] : memref<320000x128xf32, #tpu.memory_space<hbm>> -> memref<128x128xf32, #tpu.memory_space<hbm>>
          %dma_wait3A_200 = arith.constant 0 : i32
          %dma_wait3A_201 = arith.constant 0 : i32
          %dma_wait3A_202 = tpu.memref_slice %arg9[%dma_wait3A_200, %dma_wait3A_201] : memref<320000x128xf32, #tpu.memory_space<hbm>> -> memref<128x128xf32, #tpu.memory_space<hbm>>
          tpu.wait_dma2 semaphore(%arg28 : memref<!tpu.dma_semaphore, #tpu.memory_space<semaphore_mem>>) src(%arg15 : memref<128x128xf32, #tpu.memory_space<vmem>>) dst(%dma_wait3A_202 : memref<128x128xf32, #tpu.memory_space<hbm>>)
          %dma_wait3A_203 = arith.constant 0 : i32
          %dma_wait3A_204 = arith.constant 0 : i32
          %dma_wait3A_205 = tpu.memref_slice %arg10[%dma_wait3A_203, %dma_wait3A_204] : memref<320000x16xf32, #tpu.memory_space<hbm>> -> memref<128x16xf32, #tpu.memory_space<hbm>>
          %dma_wait3A_206 = arith.constant 0 : i32
          %dma_wait3A_207 = arith.constant 0 : i32
          %dma_wait3A_208 = tpu.memref_slice %arg10[%dma_wait3A_206, %dma_wait3A_207] : memref<320000x16xf32, #tpu.memory_space<hbm>> -> memref<128x16xf32, #tpu.memory_space<hbm>>
          tpu.wait_dma2 semaphore(%arg28 : memref<!tpu.dma_semaphore, #tpu.memory_space<semaphore_mem>>) src(%arg19 : memref<128x16xf32, #tpu.memory_space<vmem>>) dst(%dma_wait3A_208 : memref<128x16xf32, #tpu.memory_space<hbm>>)
        } else {
        }
        %dma_wait3A_183 = arith.constant 0 : i32
        %dma_wait3A_184 = tpu.memref_slice %arg7[%dma_wait3A_183] : memref<320000xi32, #tpu.memory_space<hbm>> -> memref<128xi32, #tpu.memory_space<hbm>>
        %dma_wait3A_185 = arith.constant 0 : i32
        %dma_wait3A_186 = tpu.memref_slice %arg7[%dma_wait3A_185] : memref<320000xi32, #tpu.memory_space<hbm>> -> memref<128xi32, #tpu.memory_space<hbm>>
        tpu.wait_dma2 semaphore(%arg24 : memref<!tpu.dma_semaphore, #tpu.memory_space<semaphore_mem>>) src(%dma_wait3A_186 : memref<128xi32, #tpu.memory_space<hbm>>) dst(%arg11 : memref<128xi32, #tpu.memory_space<vmem>>)
        %dma_wait3A_187 = arith.constant 0 : i32
        %dma_wait3A_188 = tpu.memref_slice %arg8[%dma_wait3A_187] : memref<320000xi32, #tpu.memory_space<hbm>> -> memref<128xi32, #tpu.memory_space<hbm>>
        %dma_wait3A_189 = arith.constant 0 : i32
        %dma_wait3A_190 = tpu.memref_slice %arg8[%dma_wait3A_189] : memref<320000xi32, #tpu.memory_space<hbm>> -> memref<128xi32, #tpu.memory_space<hbm>>
        tpu.wait_dma2 semaphore(%arg24 : memref<!tpu.dma_semaphore, #tpu.memory_space<semaphore_mem>>) src(%dma_wait3A_190 : memref<128xi32, #tpu.memory_space<hbm>>) dst(%arg13 : memref<128xi32, #tpu.memory_space<vmem>>)
        %dma_start3A_191 = arith.constant 0 : i32
        %dma_start3A_192 = arith.constant 0 : i32
        %dma_start3A_193 = tpu.memref_slice %arg2[%dma_start3A_191, %dma_start3A_192] : memref<10000x128xf32, #tpu.memory_space<hbm>> -> memref<10000x128xf32, #tpu.memory_space<hbm>>
        tpu.enqueue_indirect_dma source(%dma_start3A_193 : memref<10000x128xf32, #tpu.memory_space<hbm>>) target(%arg15 : memref<128x128xf32, #tpu.memory_space<vmem>>) offsets(%arg11 : memref<128xi32, #tpu.memory_space<vmem>>) semaphore(%arg26 : memref<!tpu.dma_semaphore, #tpu.memory_space<semaphore_mem>>)
        %dma_start3A_194 = arith.constant 0 : i32
        %dma_start3A_195 = arith.constant 0 : i32
        %dma_start3A_196 = tpu.memref_slice %arg3[%dma_start3A_194, %dma_start3A_195] : memref<10000x128xf32, #tpu.memory_space<hbm>> -> memref<10000x128xf32, #tpu.memory_space<hbm>>
        tpu.enqueue_indirect_dma source(%dma_start3A_196 : memref<10000x128xf32, #tpu.memory_space<hbm>>) target(%arg17 : memref<128x128xf32, #tpu.memory_space<vmem>>) offsets(%arg13 : memref<128xi32, #tpu.memory_space<vmem>>) semaphore(%arg26 : memref<!tpu.dma_semaphore, #tpu.memory_space<semaphore_mem>>)
      } else {
      }
      %while3A_175 = arith.constant 0 : i32
      scf.yield %while3A_175 : i32
    }
    %while3A_85 = arith.constant 1 : i32
    %while3A_86 = scf.for %while3A_111 = %while3A_82 to %while3A_78 step %while3A_85 iter_args(%while3A_112 = %while3A_84) -> (i32)  : i32 {
      %mul3A_113 = arith.constant 2 : i32
      %mul3A_114 = arith.muli %mul3A_113, %while3A_111 : i32
      %add3A_115 = arith.constant 1 : i32
      %add3A_116 = arith.addi %mul3A_114, %add3A_115 : i32
      %lt3A = arith.cmpi slt, %add3A_116, %add3A_20 : i32
      %convert_element_type3A_117 = arith.extui %lt3A : i1 to i32
      %cond3A_118 = arith.constant 0 : i32
      %cond3A_119 = arith.cmpi ne, %convert_element_type3A_117, %cond3A_118 : i32
      scf.if %cond3A_119 {
        %ge3A_176 = arith.constant 2 : i32
        %ge3A_177 = arith.cmpi sge, %add3A_116, %ge3A_176 : i32
        %convert_element_type3A_178 = arith.extui %ge3A_177 : i1 to i32
        %cond3A_179 = arith.constant 0 : i32
        %cond3A_180 = arith.cmpi ne, %convert_element_type3A_178, %cond3A_179 : i32
        scf.if %cond3A_180 {
          %dma_wait3A_195 = arith.constant 0 : i32
          %dma_wait3A_196 = arith.constant 0 : i32
          %dma_wait3A_197 = tpu.memref_slice %arg9[%dma_wait3A_195, %dma_wait3A_196] : memref<320000x128xf32, #tpu.memory_space<hbm>> -> memref<128x128xf32, #tpu.memory_space<hbm>>
          %dma_wait3A_198 = arith.constant 0 : i32
          %dma_wait3A_199 = arith.constant 0 : i32
          %dma_wait3A_200 = tpu.memref_slice %arg9[%dma_wait3A_198, %dma_wait3A_199] : memref<320000x128xf32, #tpu.memory_space<hbm>> -> memref<128x128xf32, #tpu.memory_space<hbm>>
          tpu.wait_dma2 semaphore(%arg29 : memref<!tpu.dma_semaphore, #tpu.memory_space<semaphore_mem>>) src(%arg16 : memref<128x128xf32, #tpu.memory_space<vmem>>) dst(%dma_wait3A_200 : memref<128x128xf32, #tpu.memory_space<hbm>>)
          %dma_wait3A_201 = arith.constant 0 : i32
          %dma_wait3A_202 = arith.constant 0 : i32
          %dma_wait3A_203 = tpu.memref_slice %arg10[%dma_wait3A_201, %dma_wait3A_202] : memref<320000x16xf32, #tpu.memory_space<hbm>> -> memref<128x16xf32, #tpu.memory_space<hbm>>
          %dma_wait3A_204 = arith.constant 0 : i32
          %dma_wait3A_205 = arith.constant 0 : i32
          %dma_wait3A_206 = tpu.memref_slice %arg10[%dma_wait3A_204, %dma_wait3A_205] : memref<320000x16xf32, #tpu.memory_space<hbm>> -> memref<128x16xf32, #tpu.memory_space<hbm>>
          tpu.wait_dma2 semaphore(%arg29 : memref<!tpu.dma_semaphore, #tpu.memory_space<semaphore_mem>>) src(%arg20 : memref<128x16xf32, #tpu.memory_space<vmem>>) dst(%dma_wait3A_206 : memref<128x16xf32, #tpu.memory_space<hbm>>)
        } else {
        }
        %dma_wait3A_181 = arith.constant 0 : i32
        %dma_wait3A_182 = tpu.memref_slice %arg7[%dma_wait3A_181] : memref<320000xi32, #tpu.memory_space<hbm>> -> memref<128xi32, #tpu.memory_space<hbm>>
        %dma_wait3A_183 = arith.constant 0 : i32
        %dma_wait3A_184 = tpu.memref_slice %arg7[%dma_wait3A_183] : memref<320000xi32, #tpu.memory_space<hbm>> -> memref<128xi32, #tpu.memory_space<hbm>>
        tpu.wait_dma2 semaphore(%arg25 : memref<!tpu.dma_semaphore, #tpu.memory_space<semaphore_mem>>) src(%dma_wait3A_184 : memref<128xi32, #tpu.memory_space<hbm>>) dst(%arg12 : memref<128xi32, #tpu.memory_space<vmem>>)
        %dma_wait3A_185 = arith.constant 0 : i32
        %dma_wait3A_186 = tpu.memref_slice %arg8[%dma_wait3A_185] : memref<320000xi32, #tpu.memory_space<hbm>> -> memref<128xi32, #tpu.memory_space<hbm>>
        %dma_wait3A_187 = arith.constant 0 : i32
        %dma_wait3A_188 = tpu.memref_slice %arg8[%dma_wait3A_187] : memref<320000xi32, #tpu.memory_space<hbm>> -> memref<128xi32, #tpu.memory_space<hbm>>
        tpu.wait_dma2 semaphore(%arg25 : memref<!tpu.dma_semaphore, #tpu.memory_space<semaphore_mem>>) src(%dma_wait3A_188 : memref<128xi32, #tpu.memory_space<hbm>>) dst(%arg14 : memref<128xi32, #tpu.memory_space<vmem>>)
        %dma_start3A_189 = arith.constant 0 : i32
        %dma_start3A_190 = arith.constant 0 : i32
        %dma_start3A_191 = tpu.memref_slice %arg2[%dma_start3A_189, %dma_start3A_190] : memref<10000x128xf32, #tpu.memory_space<hbm>> -> memref<10000x128xf32, #tpu.memory_space<hbm>>
        tpu.enqueue_indirect_dma source(%dma_start3A_191 : memref<10000x128xf32, #tpu.memory_space<hbm>>) target(%arg16 : memref<128x128xf32, #tpu.memory_space<vmem>>) offsets(%arg12 : memref<128xi32, #tpu.memory_space<vmem>>) semaphore(%arg27 : memref<!tpu.dma_semaphore, #tpu.memory_space<semaphore_mem>>)
        %dma_start3A_192 = arith.constant 0 : i32
        %dma_start3A_193 = arith.constant 0 : i32
        %dma_start3A_194 = tpu.memref_slice %arg3[%dma_start3A_192, %dma_start3A_193] : memref<10000x128xf32, #tpu.memory_space<hbm>> -> memref<10000x128xf32, #tpu.memory_space<hbm>>
        tpu.enqueue_indirect_dma source(%dma_start3A_194 : memref<10000x128xf32, #tpu.memory_space<hbm>>) target(%arg18 : memref<128x128xf32, #tpu.memory_space<vmem>>) offsets(%arg14 : memref<128xi32, #tpu.memory_space<vmem>>) semaphore(%arg27 : memref<!tpu.dma_semaphore, #tpu.memory_space<semaphore_mem>>)
      } else {
      }
      %mul3A_120 = arith.constant 32 : i32
      %mul3A_121 = arith.muli %mul3A_114, %mul3A_120 : i32
      %add3A_122 = arith.addi %add3A, %mul3A_121 : i32
      %mul3A_123 = arith.constant 128 : i32
      %mul3A_124 = arith.muli %add3A_122, %mul3A_123 : i32
      %dma_wait3A_125 = arith.constant 0 : i32
      %dma_wait3A_126 = arith.constant 0 : i32
      %dma_wait3A_127 = tpu.memref_slice %arg2[%dma_wait3A_125, %dma_wait3A_126] : memref<10000x128xf32, #tpu.memory_space<hbm>> -> memref<10000x128xf32, #tpu.memory_space<hbm>>
      tpu.wait_indirect_dma semaphore(%arg26 : memref<!tpu.dma_semaphore, #tpu.memory_space<semaphore_mem>>) src(%dma_wait3A_127 : memref<10000x128xf32, #tpu.memory_space<hbm>>) dst(%arg15 : memref<128x128xf32, #tpu.memory_space<vmem>>)
      %dma_wait3A_128 = arith.constant 0 : i32
      %dma_wait3A_129 = arith.constant 0 : i32
      %dma_wait3A_130 = tpu.memref_slice %arg3[%dma_wait3A_128, %dma_wait3A_129] : memref<10000x128xf32, #tpu.memory_space<hbm>> -> memref<10000x128xf32, #tpu.memory_space<hbm>>
      tpu.wait_indirect_dma semaphore(%arg26 : memref<!tpu.dma_semaphore, #tpu.memory_space<semaphore_mem>>) src(%dma_wait3A_130 : memref<10000x128xf32, #tpu.memory_space<hbm>>) dst(%arg17 : memref<128x128xf32, #tpu.memory_space<vmem>>)
      %scan3A_131 = arith.constant 0 : i32
      %scan3A_132 = arith.constant 0 : i32
      %scan3A_133 = arith.constant 128 : i32
      %scan3A_134 = arith.addi %scan3A_132, %scan3A_133 : i32
      %scan3A_135 = arith.constant 1 : i32
      %scan3A_136 = scf.for %scan3A_176 = %scan3A_132 to %scan3A_134 step %scan3A_135 iter_args(%scan3A_177 = %scan3A_131) -> (i32)  : i32 {
        %get3A = arith.index_cast %scan3A_176 : i32 to index
        %get3A_178 = arith.constant 0 : index
        %get3A_179 = tpu.vector_load %arg17[%get3A, %get3A_178] {strides = array<i32>} : memref<128x128xf32, #tpu.memory_space<vmem>>, vector<16xf32>,
        %swap3A = arith.index_cast %scan3A_176 : i32 to index
        %swap3A_180 = arith.constant 0 : index
        %swap3A_181 = tpu.vector_load %arg15[%swap3A, %swap3A_180] {strides = array<i32>} : memref<128x128xf32, #tpu.memory_space<vmem>>, vector<16xf32>,
        tpu.vector_store %arg15[%swap3A, %swap3A_180], %get3A_179 {add = true, strides = array<i32>} : memref<128x128xf32, #tpu.memory_space<vmem>>, vector<16xf32>,
        %get3A_182 = arith.index_cast %scan3A_176 : i32 to index
        %get3A_183 = arith.constant 16 : index
        %get3A_184 = tpu.vector_load %arg17[%get3A_182, %get3A_183] {strides = array<i32>} : memref<128x128xf32, #tpu.memory_space<vmem>>, vector<16xf32>,
        %swap3A_185 = arith.index_cast %scan3A_176 : i32 to index
        %swap3A_186 = arith.constant 16 : index
        %swap3A_187 = tpu.vector_load %arg15[%swap3A_185, %swap3A_186] {strides = array<i32>} : memref<128x128xf32, #tpu.memory_space<vmem>>, vector<16xf32>,
        tpu.vector_store %arg15[%swap3A_185, %swap3A_186], %get3A_184 {add = true, strides = array<i32>} : memref<128x128xf32, #tpu.memory_space<vmem>>, vector<16xf32>,
        %get3A_188 = arith.index_cast %scan3A_176 : i32 to index
        %get3A_189 = arith.constant 32 : index
        %get3A_190 = tpu.vector_load %arg17[%get3A_188, %get3A_189] {strides = array<i32>} : memref<128x128xf32, #tpu.memory_space<vmem>>, vector<16xf32>,
        %swap3A_191 = arith.index_cast %scan3A_176 : i32 to index
        %swap3A_192 = arith.constant 32 : index
        %swap3A_193 = tpu.vector_load %arg15[%swap3A_191, %swap3A_192] {strides = array<i32>} : memref<128x128xf32, #tpu.memory_space<vmem>>, vector<16xf32>,
        tpu.vector_store %arg15[%swap3A_191, %swap3A_192], %get3A_190 {add = true, strides = array<i32>} : memref<128x128xf32, #tpu.memory_space<vmem>>, vector<16xf32>,
        %get3A_194 = arith.index_cast %scan3A_176 : i32 to index
        %get3A_195 = arith.constant 48 : index
        %get3A_196 = tpu.vector_load %arg17[%get3A_194, %get3A_195] {strides = array<i32>} : memref<128x128xf32, #tpu.memory_space<vmem>>, vector<16xf32>,
        %swap3A_197 = arith.index_cast %scan3A_176 : i32 to index
        %swap3A_198 = arith.constant 48 : index
        %swap3A_199 = tpu.vector_load %arg15[%swap3A_197, %swap3A_198] {strides = array<i32>} : memref<128x128xf32, #tpu.memory_space<vmem>>, vector<16xf32>,
        tpu.vector_store %arg15[%swap3A_197, %swap3A_198], %get3A_196 {add = true, strides = array<i32>} : memref<128x128xf32, #tpu.memory_space<vmem>>, vector<16xf32>,
        %get3A_200 = arith.index_cast %scan3A_176 : i32 to index
        %get3A_201 = arith.constant 64 : index
        %get3A_202 = tpu.vector_load %arg17[%get3A_200, %get3A_201] {strides = array<i32>} : memref<128x128xf32, #tpu.memory_space<vmem>>, vector<16xf32>,
        %swap3A_203 = arith.index_cast %scan3A_176 : i32 to index
        %swap3A_204 = arith.constant 64 : index
        %swap3A_205 = tpu.vector_load %arg15[%swap3A_203, %swap3A_204] {strides = array<i32>} : memref<128x128xf32, #tpu.memory_space<vmem>>, vector<16xf32>,
        tpu.vector_store %arg15[%swap3A_203, %swap3A_204], %get3A_202 {add = true, strides = array<i32>} : memref<128x128xf32, #tpu.memory_space<vmem>>, vector<16xf32>,
        %get3A_206 = arith.index_cast %scan3A_176 : i32 to index
        %get3A_207 = arith.constant 80 : index
        %get3A_208 = tpu.vector_load %arg17[%get3A_206, %get3A_207] {strides = array<i32>} : memref<128x128xf32, #tpu.memory_space<vmem>>, vector<16xf32>,
        %swap3A_209 = arith.index_cast %scan3A_176 : i32 to index
        %swap3A_210 = arith.constant 80 : index
        %swap3A_211 = tpu.vector_load %arg15[%swap3A_209, %swap3A_210] {strides = array<i32>} : memref<128x128xf32, #tpu.memory_space<vmem>>, vector<16xf32>,
        tpu.vector_store %arg15[%swap3A_209, %swap3A_210], %get3A_208 {add = true, strides = array<i32>} : memref<128x128xf32, #tpu.memory_space<vmem>>, vector<16xf32>,
        %get3A_212 = arith.index_cast %scan3A_176 : i32 to index
        %get3A_213 = arith.constant 96 : index
        %get3A_214 = tpu.vector_load %arg17[%get3A_212, %get3A_213] {strides = array<i32>} : memref<128x128xf32, #tpu.memory_space<vmem>>, vector<16xf32>,
        %swap3A_215 = arith.index_cast %scan3A_176 : i32 to index
        %swap3A_216 = arith.constant 96 : index
        %swap3A_217 = tpu.vector_load %arg15[%swap3A_215, %swap3A_216] {strides = array<i32>} : memref<128x128xf32, #tpu.memory_space<vmem>>, vector<16xf32>,
        tpu.vector_store %arg15[%swap3A_215, %swap3A_216], %get3A_214 {add = true, strides = array<i32>} : memref<128x128xf32, #tpu.memory_space<vmem>>, vector<16xf32>,
        %get3A_218 = arith.index_cast %scan3A_176 : i32 to index
        %get3A_219 = arith.constant 112 : index
        %get3A_220 = tpu.vector_load %arg17[%get3A_218, %get3A_219] {strides = array<i32>} : memref<128x128xf32, #tpu.memory_space<vmem>>, vector<16xf32>,
        %swap3A_221 = arith.index_cast %scan3A_176 : i32 to index
        %swap3A_222 = arith.constant 112 : index
        %swap3A_223 = tpu.vector_load %arg15[%swap3A_221, %swap3A_222] {strides = array<i32>} : memref<128x128xf32, #tpu.memory_space<vmem>>, vector<16xf32>,
        tpu.vector_store %arg15[%swap3A_221, %swap3A_222], %get3A_220 {add = true, strides = array<i32>} : memref<128x128xf32, #tpu.memory_space<vmem>>, vector<16xf32>,
        %scan3A_224 = arith.constant 0 : i32
        scf.yield %scan3A_224 : i32
      }
      %scan3A_137 = arith.constant 128 : i32
      %scan3A_138 = arith.constant 0 : i32
      %scan3A_139 = arith.constant 0 : i32
      %scan3A_140 = arith.constant 8 : i32
      %scan3A_141 = arith.addi %scan3A_139, %scan3A_140 : i32
      %scan3A_142 = arith.constant 1 : i32
      %scan3A_143 = scf.for %scan3A_176 = %scan3A_139 to %scan3A_141 step %scan3A_142 iter_args(%scan3A_177 = %scan3A_138) -> (i32)  : i32 {
        %mul3A_178 = arith.constant 16 : i32
        %mul3A_179 = arith.muli %scan3A_176, %mul3A_178 : i32
        %get3A = arith.index_cast %mul3A_179 : i32 to index
        %get3A_180 = tpu.vector_load %arg11[%get3A] {strides = array<i32>} : memref<128xi32, #tpu.memory_space<vmem>>, vector<16xi32>,
        %mul3A_181 = arith.constant 16 : i32
        %mul3A_182 = arith.muli %scan3A_176, %mul3A_181 : i32
        %get3A_183 = arith.index_cast %mul3A_182 : i32 to index
        %get3A_184 = tpu.vector_load %arg13[%get3A_183] {strides = array<i32>} : memref<128xi32, #tpu.memory_space<vmem>>, vector<16xi32>,
        %gather3A = tpu.vector_load_idx %arg21[%get3A_180] : memref<10000xf32, #tpu.memory_space<vmem>>[vector<16xi32>], vector<16xf32>,
        %gather3A_185 = tpu.vector_load_idx %arg21[%get3A_184] : memref<10000xf32, #tpu.memory_space<vmem>>[vector<16xi32>], vector<16xf32>,
        %sub3A_186 = arith.subf %gather3A, %gather3A_185 : vector<16xf32>
        %gather3A_187 = tpu.vector_load_idx %arg22[%get3A_180] : memref<10000xf32, #tpu.memory_space<vmem>>[vector<16xi32>], vector<16xf32>,
        %gather3A_188 = tpu.vector_load_idx %arg22[%get3A_184] : memref<10000xf32, #tpu.memory_space<vmem>>[vector<16xi32>], vector<16xf32>,
        %sub3A_189 = arith.subf %gather3A_187, %gather3A_188 : vector<16xf32>
        %gather3A_190 = tpu.vector_load_idx %arg23[%get3A_180] : memref<10000xf32, #tpu.memory_space<vmem>>[vector<16xi32>], vector<16xf32>,
        %gather3A_191 = tpu.vector_load_idx %arg23[%get3A_184] : memref<10000xf32, #tpu.memory_space<vmem>>[vector<16xi32>], vector<16xf32>,
        %sub3A_192 = arith.subf %gather3A_190, %gather3A_191 : vector<16xf32>
        %mul3A_193 = arith.mulf %sub3A_186, %sub3A_186 : vector<16xf32>
        %mul3A_194 = arith.mulf %sub3A_189, %sub3A_189 : vector<16xf32>
        %add3A_195 = arith.addf %mul3A_193, %mul3A_194 : vector<16xf32>
        %mul3A_196 = arith.mulf %sub3A_192, %sub3A_192 : vector<16xf32>
        %add3A_197 = arith.addf %add3A_195, %mul3A_196 : vector<16xf32>
        %mul3A_198 = arith.constant 16 : i32
        %mul3A_199 = arith.muli %scan3A_176, %mul3A_198 : i32
        %add3A_200 = vector.broadcast %mul3A_199 : i32 to vector<16xi32>
        %add3A_201 = arith.addi %add3A_200, %iota3A : vector<16xi32>
        %broadcast_in_dim3A_202 = arith.constant 0 : i32
        %broadcast_in_dim3A_203 = vector.broadcast %broadcast_in_dim3A_202 : i32 to vector<16xi32>
        tpu.vector_store_idx %arg19[%add3A_201, %broadcast_in_dim3A_203], %sub3A_186 : memref<128x16xf32, #tpu.memory_space<vmem>>[vector<16xi32>, vector<16xi32>], vector<16xf32>,
        %broadcast_in_dim3A_204 = arith.constant 1 : i32
        %broadcast_in_dim3A_205 = vector.broadcast %broadcast_in_dim3A_204 : i32 to vector<16xi32>
        tpu.vector_store_idx %arg19[%add3A_201, %broadcast_in_dim3A_205], %sub3A_189 : memref<128x16xf32, #tpu.memory_space<vmem>>[vector<16xi32>, vector<16xi32>], vector<16xf32>,
        %broadcast_in_dim3A_206 = arith.constant 2 : i32
        %broadcast_in_dim3A_207 = vector.broadcast %broadcast_in_dim3A_206 : i32 to vector<16xi32>
        tpu.vector_store_idx %arg19[%add3A_201, %broadcast_in_dim3A_207], %sub3A_192 : memref<128x16xf32, #tpu.memory_space<vmem>>[vector<16xi32>, vector<16xi32>], vector<16xf32>,
        %broadcast_in_dim3A_208 = arith.constant 3 : i32
        %broadcast_in_dim3A_209 = vector.broadcast %broadcast_in_dim3A_208 : i32 to vector<16xi32>
        tpu.vector_store_idx %arg19[%add3A_201, %broadcast_in_dim3A_209], %add3A_197 : memref<128x16xf32, #tpu.memory_space<vmem>>[vector<16xi32>, vector<16xi32>], vector<16xf32>,
        %scan3A_210 = arith.constant 0 : i32
        scf.yield %scan3A_210 : i32
      }
      %scan3A_144 = arith.constant 8 : i32
      %dma_start3A_145 = arith.constant 0 : i32
      %dma_start3A_146 = tpu.memref_slice %arg9[%mul3A_124, %dma_start3A_145] : memref<320000x128xf32, #tpu.memory_space<hbm>> -> memref<128x128xf32, #tpu.memory_space<hbm>>
      %dma_start3A_147 = arith.constant 0 : i32
      %dma_start3A_148 = tpu.memref_slice %arg9[%mul3A_124, %dma_start3A_147] : memref<320000x128xf32, #tpu.memory_space<hbm>> -> memref<128x128xf32, #tpu.memory_space<hbm>>
      tpu.enqueue_dma source(%arg15 : memref<128x128xf32, #tpu.memory_space<vmem>>) target(%dma_start3A_148 : memref<128x128xf32, #tpu.memory_space<hbm>>) target_semaphore(%arg28 : memref<!tpu.dma_semaphore, #tpu.memory_space<semaphore_mem>>)
      %dma_start3A_149 = arith.constant 0 : i32
      %dma_start3A_150 = tpu.memref_slice %arg10[%mul3A_124, %dma_start3A_149] : memref<320000x16xf32, #tpu.memory_space<hbm>> -> memref<128x16xf32, #tpu.memory_space<hbm>>
      %dma_start3A_151 = arith.constant 0 : i32
      %dma_start3A_152 = tpu.memref_slice %arg10[%mul3A_124, %dma_start3A_151] : memref<320000x16xf32, #tpu.memory_space<hbm>> -> memref<128x16xf32, #tpu.memory_space<hbm>>
      tpu.enqueue_dma source(%arg19 : memref<128x16xf32, #tpu.memory_space<vmem>>) target(%dma_start3A_152 : memref<128x16xf32, #tpu.memory_space<hbm>>) target_semaphore(%arg28 : memref<!tpu.dma_semaphore, #tpu.memory_space<semaphore_mem>>)
      %add3A_153 = arith.constant 2 : i32
      %add3A_154 = arith.addi %mul3A_114, %add3A_153 : i32
      %lt3A_155 = arith.cmpi slt, %add3A_154, %add3A_20 : i32
      %convert_element_type3A_156 = arith.extui %lt3A_155 : i1 to i32
      %cond3A_157 = arith.constant 0 : i32
      %cond3A_158 = arith.cmpi ne, %convert_element_type3A_156, %cond3A_157 : i32
      scf.if %cond3A_158 {
        %add3A_176 = arith.constant 2 : i32
        %add3A_177 = arith.addi %mul3A_114, %add3A_176 : i32
        %mul3A_178 = arith.constant 32 : i32
        %mul3A_179 = arith.muli %add3A_177, %mul3A_178 : i32
        %add3A_180 = arith.addi %add3A, %mul3A_179 : i32
        %mul3A_181 = arith.constant 128 : i32
        %mul3A_182 = arith.muli %add3A_180, %mul3A_181 : i32
        %dma_start3A_183 = tpu.memref_slice %arg7[%mul3A_182] : memref<320000xi32, #tpu.memory_space<hbm>> -> memref<128xi32, #tpu.memory_space<hbm>>
        %dma_start3A_184 = tpu.memref_slice %arg7[%mul3A_182] : memref<320000xi32, #tpu.memory_space<hbm>> -> memref<128xi32, #tpu.memory_space<hbm>>
        tpu.enqueue_dma source(%dma_start3A_184 : memref<128xi32, #tpu.memory_space<hbm>>) target(%arg11 : memref<128xi32, #tpu.memory_space<vmem>>) target_semaphore(%arg24 : memref<!tpu.dma_semaphore, #tpu.memory_space<semaphore_mem>>)
        %dma_start3A_185 = tpu.memref_slice %arg8[%mul3A_182] : memref<320000xi32, #tpu.memory_space<hbm>> -> memref<128xi32, #tpu.memory_space<hbm>>
        %dma_start3A_186 = tpu.memref_slice %arg8[%mul3A_182] : memref<320000xi32, #tpu.memory_space<hbm>> -> memref<128xi32, #tpu.memory_space<hbm>>
        tpu.enqueue_dma source(%dma_start3A_186 : memref<128xi32, #tpu.memory_space<hbm>>) target(%arg13 : memref<128xi32, #tpu.memory_space<vmem>>) target_semaphore(%arg24 : memref<!tpu.dma_semaphore, #tpu.memory_space<semaphore_mem>>)
      } else {
      }
      %lt3A_159 = arith.cmpi slt, %add3A_116, %add3A_20 : i32
      %convert_element_type3A_160 = arith.extui %lt3A_159 : i1 to i32
      %cond3A_161 = arith.constant 0 : i32
      %cond3A_162 = arith.cmpi ne, %convert_element_type3A_160, %cond3A_161 : i32
      scf.if %cond3A_162 {
        %mul3A_176 = arith.constant 32 : i32
        %mul3A_177 = arith.muli %add3A_116, %mul3A_176 : i32
        %add3A_178 = arith.addi %add3A, %mul3A_177 : i32
        %mul3A_179 = arith.constant 128 : i32
        %mul3A_180 = arith.muli %add3A_178, %mul3A_179 : i32
        %dma_wait3A_181 = arith.constant 0 : i32
        %dma_wait3A_182 = arith.constant 0 : i32
        %dma_wait3A_183 = tpu.memref_slice %arg2[%dma_wait3A_181, %dma_wait3A_182] : memref<10000x128xf32, #tpu.memory_space<hbm>> -> memref<10000x128xf32, #tpu.memory_space<hbm>>
        tpu.wait_indirect_dma semaphore(%arg27 : memref<!tpu.dma_semaphore, #tpu.memory_space<semaphore_mem>>) src(%dma_wait3A_183 : memref<10000x128xf32, #tpu.memory_space<hbm>>) dst(%arg16 : memref<128x128xf32, #tpu.memory_space<vmem>>)
        %dma_wait3A_184 = arith.constant 0 : i32
        %dma_wait3A_185 = arith.constant 0 : i32
        %dma_wait3A_186 = tpu.memref_slice %arg3[%dma_wait3A_184, %dma_wait3A_185] : memref<10000x128xf32, #tpu.memory_space<hbm>> -> memref<10000x128xf32, #tpu.memory_space<hbm>>
        tpu.wait_indirect_dma semaphore(%arg27 : memref<!tpu.dma_semaphore, #tpu.memory_space<semaphore_mem>>) src(%dma_wait3A_186 : memref<10000x128xf32, #tpu.memory_space<hbm>>) dst(%arg18 : memref<128x128xf32, #tpu.memory_space<vmem>>)
        %scan3A_187 = arith.constant 0 : i32
        %scan3A_188 = arith.constant 0 : i32
        %scan3A_189 = arith.constant 128 : i32
        %scan3A_190 = arith.addi %scan3A_188, %scan3A_189 : i32
        %scan3A_191 = arith.constant 1 : i32
        %scan3A_192 = scf.for %scan3A_209 = %scan3A_188 to %scan3A_190 step %scan3A_191 iter_args(%scan3A_210 = %scan3A_187) -> (i32)  : i32 {
          %get3A = arith.index_cast %scan3A_209 : i32 to index
          %get3A_211 = arith.constant 0 : index
          %get3A_212 = tpu.vector_load %arg18[%get3A, %get3A_211] {strides = array<i32>} : memref<128x128xf32, #tpu.memory_space<vmem>>, vector<16xf32>,
          %swap3A = arith.index_cast %scan3A_209 : i32 to index
          %swap3A_213 = arith.constant 0 : index
          %swap3A_214 = tpu.vector_load %arg16[%swap3A, %swap3A_213] {strides = array<i32>} : memref<128x128xf32, #tpu.memory_space<vmem>>, vector<16xf32>,
          tpu.vector_store %arg16[%swap3A, %swap3A_213], %get3A_212 {add = true, strides = array<i32>} : memref<128x128xf32, #tpu.memory_space<vmem>>, vector<16xf32>,
          %get3A_215 = arith.index_cast %scan3A_209 : i32 to index
          %get3A_216 = arith.constant 16 : index
          %get3A_217 = tpu.vector_load %arg18[%get3A_215, %get3A_216] {strides = array<i32>} : memref<128x128xf32, #tpu.memory_space<vmem>>, vector<16xf32>,
          %swap3A_218 = arith.index_cast %scan3A_209 : i32 to index
          %swap3A_219 = arith.constant 16 : index
          %swap3A_220 = tpu.vector_load %arg16[%swap3A_218, %swap3A_219] {strides = array<i32>} : memref<128x128xf32, #tpu.memory_space<vmem>>, vector<16xf32>,
          tpu.vector_store %arg16[%swap3A_218, %swap3A_219], %get3A_217 {add = true, strides = array<i32>} : memref<128x128xf32, #tpu.memory_space<vmem>>, vector<16xf32>,
          %get3A_221 = arith.index_cast %scan3A_209 : i32 to index
          %get3A_222 = arith.constant 32 : index
          %get3A_223 = tpu.vector_load %arg18[%get3A_221, %get3A_222] {strides = array<i32>} : memref<128x128xf32, #tpu.memory_space<vmem>>, vector<16xf32>,
          %swap3A_224 = arith.index_cast %scan3A_209 : i32 to index
          %swap3A_225 = arith.constant 32 : index
          %swap3A_226 = tpu.vector_load %arg16[%swap3A_224, %swap3A_225] {strides = array<i32>} : memref<128x128xf32, #tpu.memory_space<vmem>>, vector<16xf32>,
          tpu.vector_store %arg16[%swap3A_224, %swap3A_225], %get3A_223 {add = true, strides = array<i32>} : memref<128x128xf32, #tpu.memory_space<vmem>>, vector<16xf32>,
          %get3A_227 = arith.index_cast %scan3A_209 : i32 to index
          %get3A_228 = arith.constant 48 : index
          %get3A_229 = tpu.vector_load %arg18[%get3A_227, %get3A_228] {strides = array<i32>} : memref<128x128xf32, #tpu.memory_space<vmem>>, vector<16xf32>,
          %swap3A_230 = arith.index_cast %scan3A_209 : i32 to index
          %swap3A_231 = arith.constant 48 : index
          %swap3A_232 = tpu.vector_load %arg16[%swap3A_230, %swap3A_231] {strides = array<i32>} : memref<128x128xf32, #tpu.memory_space<vmem>>, vector<16xf32>,
          tpu.vector_store %arg16[%swap3A_230, %swap3A_231], %get3A_229 {add = true, strides = array<i32>} : memref<128x128xf32, #tpu.memory_space<vmem>>, vector<16xf32>,
          %get3A_233 = arith.index_cast %scan3A_209 : i32 to index
          %get3A_234 = arith.constant 64 : index
          %get3A_235 = tpu.vector_load %arg18[%get3A_233, %get3A_234] {strides = array<i32>} : memref<128x128xf32, #tpu.memory_space<vmem>>, vector<16xf32>,
          %swap3A_236 = arith.index_cast %scan3A_209 : i32 to index
          %swap3A_237 = arith.constant 64 : index
          %swap3A_238 = tpu.vector_load %arg16[%swap3A_236, %swap3A_237] {strides = array<i32>} : memref<128x128xf32, #tpu.memory_space<vmem>>, vector<16xf32>,
          tpu.vector_store %arg16[%swap3A_236, %swap3A_237], %get3A_235 {add = true, strides = array<i32>} : memref<128x128xf32, #tpu.memory_space<vmem>>, vector<16xf32>,
          %get3A_239 = arith.index_cast %scan3A_209 : i32 to index
          %get3A_240 = arith.constant 80 : index
          %get3A_241 = tpu.vector_load %arg18[%get3A_239, %get3A_240] {strides = array<i32>} : memref<128x128xf32, #tpu.memory_space<vmem>>, vector<16xf32>,
          %swap3A_242 = arith.index_cast %scan3A_209 : i32 to index
          %swap3A_243 = arith.constant 80 : index
          %swap3A_244 = tpu.vector_load %arg16[%swap3A_242, %swap3A_243] {strides = array<i32>} : memref<128x128xf32, #tpu.memory_space<vmem>>, vector<16xf32>,
          tpu.vector_store %arg16[%swap3A_242, %swap3A_243], %get3A_241 {add = true, strides = array<i32>} : memref<128x128xf32, #tpu.memory_space<vmem>>, vector<16xf32>,
          %get3A_245 = arith.index_cast %scan3A_209 : i32 to index
          %get3A_246 = arith.constant 96 : index
          %get3A_247 = tpu.vector_load %arg18[%get3A_245, %get3A_246] {strides = array<i32>} : memref<128x128xf32, #tpu.memory_space<vmem>>, vector<16xf32>,
          %swap3A_248 = arith.index_cast %scan3A_209 : i32 to index
          %swap3A_249 = arith.constant 96 : index
          %swap3A_250 = tpu.vector_load %arg16[%swap3A_248, %swap3A_249] {strides = array<i32>} : memref<128x128xf32, #tpu.memory_space<vmem>>, vector<16xf32>,
          tpu.vector_store %arg16[%swap3A_248, %swap3A_249], %get3A_247 {add = true, strides = array<i32>} : memref<128x128xf32, #tpu.memory_space<vmem>>, vector<16xf32>,
          %get3A_251 = arith.index_cast %scan3A_209 : i32 to index
          %get3A_252 = arith.constant 112 : index
          %get3A_253 = tpu.vector_load %arg18[%get3A_251, %get3A_252] {strides = array<i32>} : memref<128x128xf32, #tpu.memory_space<vmem>>, vector<16xf32>,
          %swap3A_254 = arith.index_cast %scan3A_209 : i32 to index
          %swap3A_255 = arith.constant 112 : index
          %swap3A_256 = tpu.vector_load %arg16[%swap3A_254, %swap3A_255] {strides = array<i32>} : memref<128x128xf32, #tpu.memory_space<vmem>>, vector<16xf32>,
          tpu.vector_store %arg16[%swap3A_254, %swap3A_255], %get3A_253 {add = true, strides = array<i32>} : memref<128x128xf32, #tpu.memory_space<vmem>>, vector<16xf32>,
          %scan3A_257 = arith.constant 0 : i32
          scf.yield %scan3A_257 : i32
        }
        %scan3A_193 = arith.constant 128 : i32
        %scan3A_194 = arith.constant 0 : i32
        %scan3A_195 = arith.constant 0 : i32
        %scan3A_196 = arith.constant 8 : i32
        %scan3A_197 = arith.addi %scan3A_195, %scan3A_196 : i32
        %scan3A_198 = arith.constant 1 : i32
        %scan3A_199 = scf.for %scan3A_209 = %scan3A_195 to %scan3A_197 step %scan3A_198 iter_args(%scan3A_210 = %scan3A_194) -> (i32)  : i32 {
          %mul3A_211 = arith.constant 16 : i32
          %mul3A_212 = arith.muli %scan3A_209, %mul3A_211 : i32
          %get3A = arith.index_cast %mul3A_212 : i32 to index
          %get3A_213 = tpu.vector_load %arg12[%get3A] {strides = array<i32>} : memref<128xi32, #tpu.memory_space<vmem>>, vector<16xi32>,
          %mul3A_214 = arith.constant 16 : i32
          %mul3A_215 = arith.muli %scan3A_209, %mul3A_214 : i32
          %get3A_216 = arith.index_cast %mul3A_215 : i32 to index
          %get3A_217 = tpu.vector_load %arg14[%get3A_216] {strides = array<i32>} : memref<128xi32, #tpu.memory_space<vmem>>, vector<16xi32>,
          %gather3A = tpu.vector_load_idx %arg21[%get3A_213] : memref<10000xf32, #tpu.memory_space<vmem>>[vector<16xi32>], vector<16xf32>,
          %gather3A_218 = tpu.vector_load_idx %arg21[%get3A_217] : memref<10000xf32, #tpu.memory_space<vmem>>[vector<16xi32>], vector<16xf32>,
          %sub3A_219 = arith.subf %gather3A, %gather3A_218 : vector<16xf32>
          %gather3A_220 = tpu.vector_load_idx %arg22[%get3A_213] : memref<10000xf32, #tpu.memory_space<vmem>>[vector<16xi32>], vector<16xf32>,
          %gather3A_221 = tpu.vector_load_idx %arg22[%get3A_217] : memref<10000xf32, #tpu.memory_space<vmem>>[vector<16xi32>], vector<16xf32>,
          %sub3A_222 = arith.subf %gather3A_220, %gather3A_221 : vector<16xf32>
          %gather3A_223 = tpu.vector_load_idx %arg23[%get3A_213] : memref<10000xf32, #tpu.memory_space<vmem>>[vector<16xi32>], vector<16xf32>,
          %gather3A_224 = tpu.vector_load_idx %arg23[%get3A_217] : memref<10000xf32, #tpu.memory_space<vmem>>[vector<16xi32>], vector<16xf32>,
          %sub3A_225 = arith.subf %gather3A_223, %gather3A_224 : vector<16xf32>
          %mul3A_226 = arith.mulf %sub3A_219, %sub3A_219 : vector<16xf32>
          %mul3A_227 = arith.mulf %sub3A_222, %sub3A_222 : vector<16xf32>
          %add3A_228 = arith.addf %mul3A_226, %mul3A_227 : vector<16xf32>
          %mul3A_229 = arith.mulf %sub3A_225, %sub3A_225 : vector<16xf32>
          %add3A_230 = arith.addf %add3A_228, %mul3A_229 : vector<16xf32>
          %mul3A_231 = arith.constant 16 : i32
          %mul3A_232 = arith.muli %scan3A_209, %mul3A_231 : i32
          %add3A_233 = vector.broadcast %mul3A_232 : i32 to vector<16xi32>
          %add3A_234 = arith.addi %add3A_233, %iota3A : vector<16xi32>
          %broadcast_in_dim3A_235 = arith.constant 0 : i32
          %broadcast_in_dim3A_236 = vector.broadcast %broadcast_in_dim3A_235 : i32 to vector<16xi32>
          tpu.vector_store_idx %arg20[%add3A_234, %broadcast_in_dim3A_236], %sub3A_219 : memref<128x16xf32, #tpu.memory_space<vmem>>[vector<16xi32>, vector<16xi32>], vector<16xf32>,
          %broadcast_in_dim3A_237 = arith.constant 1 : i32
          %broadcast_in_dim3A_238 = vector.broadcast %broadcast_in_dim3A_237 : i32 to vector<16xi32>
          tpu.vector_store_idx %arg20[%add3A_234, %broadcast_in_dim3A_238], %sub3A_222 : memref<128x16xf32, #tpu.memory_space<vmem>>[vector<16xi32>, vector<16xi32>], vector<16xf32>,
          %broadcast_in_dim3A_239 = arith.constant 2 : i32
          %broadcast_in_dim3A_240 = vector.broadcast %broadcast_in_dim3A_239 : i32 to vector<16xi32>
          tpu.vector_store_idx %arg20[%add3A_234, %broadcast_in_dim3A_240], %sub3A_225 : memref<128x16xf32, #tpu.memory_space<vmem>>[vector<16xi32>, vector<16xi32>], vector<16xf32>,
          %broadcast_in_dim3A_241 = arith.constant 3 : i32
          %broadcast_in_dim3A_242 = vector.broadcast %broadcast_in_dim3A_241 : i32 to vector<16xi32>
          tpu.vector_store_idx %arg20[%add3A_234, %broadcast_in_dim3A_242], %add3A_230 : memref<128x16xf32, #tpu.memory_space<vmem>>[vector<16xi32>, vector<16xi32>], vector<16xf32>,
          %scan3A_243 = arith.constant 0 : i32
          scf.yield %scan3A_243 : i32
        }
        %scan3A_200 = arith.constant 8 : i32
        %dma_start3A_201 = arith.constant 0 : i32
        %dma_start3A_202 = tpu.memref_slice %arg9[%mul3A_180, %dma_start3A_201] : memref<320000x128xf32, #tpu.memory_space<hbm>> -> memref<128x128xf32, #tpu.memory_space<hbm>>
        %dma_start3A_203 = arith.constant 0 : i32
        %dma_start3A_204 = tpu.memref_slice %arg9[%mul3A_180, %dma_start3A_203] : memref<320000x128xf32, #tpu.memory_space<hbm>> -> memref<128x128xf32, #tpu.memory_space<hbm>>
        tpu.enqueue_dma source(%arg16 : memref<128x128xf32, #tpu.memory_space<vmem>>) target(%dma_start3A_204 : memref<128x128xf32, #tpu.memory_space<hbm>>) target_semaphore(%arg29 : memref<!tpu.dma_semaphore, #tpu.memory_space<semaphore_mem>>)
        %dma_start3A_205 = arith.constant 0 : i32
        %dma_start3A_206 = tpu.memref_slice %arg10[%mul3A_180, %dma_start3A_205] : memref<320000x16xf32, #tpu.memory_space<hbm>> -> memref<128x16xf32, #tpu.memory_space<hbm>>
        %dma_start3A_207 = arith.constant 0 : i32
        %dma_start3A_208 = tpu.memref_slice %arg10[%mul3A_180, %dma_start3A_207] : memref<320000x16xf32, #tpu.memory_space<hbm>> -> memref<128x16xf32, #tpu.memory_space<hbm>>
        tpu.enqueue_dma source(%arg20 : memref<128x16xf32, #tpu.memory_space<vmem>>) target(%dma_start3A_208 : memref<128x16xf32, #tpu.memory_space<hbm>>) target_semaphore(%arg29 : memref<!tpu.dma_semaphore, #tpu.memory_space<semaphore_mem>>)
      } else {
      }
      %add3A_163 = arith.constant 2 : i32
      %add3A_164 = arith.addi %add3A_116, %add3A_163 : i32
      %lt3A_165 = arith.cmpi slt, %add3A_164, %add3A_20 : i32
      %convert_element_type3A_166 = arith.extui %lt3A_165 : i1 to i32
      %cond3A_167 = arith.constant 0 : i32
      %cond3A_168 = arith.cmpi ne, %convert_element_type3A_166, %cond3A_167 : i32
      scf.if %cond3A_168 {
        %add3A_176 = arith.constant 2 : i32
        %add3A_177 = arith.addi %add3A_116, %add3A_176 : i32
        %mul3A_178 = arith.constant 32 : i32
        %mul3A_179 = arith.muli %add3A_177, %mul3A_178 : i32
        %add3A_180 = arith.addi %add3A, %mul3A_179 : i32
        %mul3A_181 = arith.constant 128 : i32
        %mul3A_182 = arith.muli %add3A_180, %mul3A_181 : i32
        %dma_start3A_183 = tpu.memref_slice %arg7[%mul3A_182] : memref<320000xi32, #tpu.memory_space<hbm>> -> memref<128xi32, #tpu.memory_space<hbm>>
        %dma_start3A_184 = tpu.memref_slice %arg7[%mul3A_182] : memref<320000xi32, #tpu.memory_space<hbm>> -> memref<128xi32, #tpu.memory_space<hbm>>
        tpu.enqueue_dma source(%dma_start3A_184 : memref<128xi32, #tpu.memory_space<hbm>>) target(%arg12 : memref<128xi32, #tpu.memory_space<vmem>>) target_semaphore(%arg25 : memref<!tpu.dma_semaphore, #tpu.memory_space<semaphore_mem>>)
        %dma_start3A_185 = tpu.memref_slice %arg8[%mul3A_182] : memref<320000xi32, #tpu.memory_space<hbm>> -> memref<128xi32, #tpu.memory_space<hbm>>
        %dma_start3A_186 = tpu.memref_slice %arg8[%mul3A_182] : memref<320000xi32, #tpu.memory_space<hbm>> -> memref<128xi32, #tpu.memory_space<hbm>>
        tpu.enqueue_dma source(%dma_start3A_186 : memref<128xi32, #tpu.memory_space<hbm>>) target(%arg14 : memref<128xi32, #tpu.memory_space<vmem>>) target_semaphore(%arg25 : memref<!tpu.dma_semaphore, #tpu.memory_space<semaphore_mem>>)
      } else {
      }
      %add3A_169 = arith.constant 2 : i32
      %add3A_170 = arith.addi %mul3A_114, %add3A_169 : i32
      %lt3A_171 = arith.cmpi slt, %add3A_170, %add3A_20 : i32
      %convert_element_type3A_172 = arith.extui %lt3A_171 : i1 to i32
      %cond3A_173 = arith.constant 0 : i32
      %cond3A_174 = arith.cmpi ne, %convert_element_type3A_172, %cond3A_173 : i32
      scf.if %cond3A_174 {
        %add3A_176 = arith.constant 2 : i32
        %add3A_177 = arith.addi %mul3A_114, %add3A_176 : i32
        %ge3A_178 = arith.constant 2 : i32
        %ge3A_179 = arith.cmpi sge, %add3A_177, %ge3A_178 : i32
        %convert_element_type3A_180 = arith.extui %ge3A_179 : i1 to i32
        %cond3A_181 = arith.constant 0 : i32
        %cond3A_182 = arith.cmpi ne, %convert_element_type3A_180, %cond3A_181 : i32
        scf.if %cond3A_182 {
          %dma_wait3A_197 = arith.constant 0 : i32
          %dma_wait3A_198 = arith.constant 0 : i32
          %dma_wait3A_199 = tpu.memref_slice %arg9[%dma_wait3A_197, %dma_wait3A_198] : memref<320000x128xf32, #tpu.memory_space<hbm>> -> memref<128x128xf32, #tpu.memory_space<hbm>>
          %dma_wait3A_200 = arith.constant 0 : i32
          %dma_wait3A_201 = arith.constant 0 : i32
          %dma_wait3A_202 = tpu.memref_slice %arg9[%dma_wait3A_200, %dma_wait3A_201] : memref<320000x128xf32, #tpu.memory_space<hbm>> -> memref<128x128xf32, #tpu.memory_space<hbm>>
          tpu.wait_dma2 semaphore(%arg28 : memref<!tpu.dma_semaphore, #tpu.memory_space<semaphore_mem>>) src(%arg15 : memref<128x128xf32, #tpu.memory_space<vmem>>) dst(%dma_wait3A_202 : memref<128x128xf32, #tpu.memory_space<hbm>>)
          %dma_wait3A_203 = arith.constant 0 : i32
          %dma_wait3A_204 = arith.constant 0 : i32
          %dma_wait3A_205 = tpu.memref_slice %arg10[%dma_wait3A_203, %dma_wait3A_204] : memref<320000x16xf32, #tpu.memory_space<hbm>> -> memref<128x16xf32, #tpu.memory_space<hbm>>
          %dma_wait3A_206 = arith.constant 0 : i32
          %dma_wait3A_207 = arith.constant 0 : i32
          %dma_wait3A_208 = tpu.memref_slice %arg10[%dma_wait3A_206, %dma_wait3A_207] : memref<320000x16xf32, #tpu.memory_space<hbm>> -> memref<128x16xf32, #tpu.memory_space<hbm>>
          tpu.wait_dma2 semaphore(%arg28 : memref<!tpu.dma_semaphore, #tpu.memory_space<semaphore_mem>>) src(%arg19 : memref<128x16xf32, #tpu.memory_space<vmem>>) dst(%dma_wait3A_208 : memref<128x16xf32, #tpu.memory_space<hbm>>)
        } else {
        }
        %dma_wait3A_183 = arith.constant 0 : i32
        %dma_wait3A_184 = tpu.memref_slice %arg7[%dma_wait3A_183] : memref<320000xi32, #tpu.memory_space<hbm>> -> memref<128xi32, #tpu.memory_space<hbm>>
        %dma_wait3A_185 = arith.constant 0 : i32
        %dma_wait3A_186 = tpu.memref_slice %arg7[%dma_wait3A_185] : memref<320000xi32, #tpu.memory_space<hbm>> -> memref<128xi32, #tpu.memory_space<hbm>>
        tpu.wait_dma2 semaphore(%arg24 : memref<!tpu.dma_semaphore, #tpu.memory_space<semaphore_mem>>) src(%dma_wait3A_186 : memref<128xi32, #tpu.memory_space<hbm>>) dst(%arg11 : memref<128xi32, #tpu.memory_space<vmem>>)
        %dma_wait3A_187 = arith.constant 0 : i32
        %dma_wait3A_188 = tpu.memref_slice %arg8[%dma_wait3A_187] : memref<320000xi32, #tpu.memory_space<hbm>> -> memref<128xi32, #tpu.memory_space<hbm>>
        %dma_wait3A_189 = arith.constant 0 : i32
        %dma_wait3A_190 = tpu.memref_slice %arg8[%dma_wait3A_189] : memref<320000xi32, #tpu.memory_space<hbm>> -> memref<128xi32, #tpu.memory_space<hbm>>
        tpu.wait_dma2 semaphore(%arg24 : memref<!tpu.dma_semaphore, #tpu.memory_space<semaphore_mem>>) src(%dma_wait3A_190 : memref<128xi32, #tpu.memory_space<hbm>>) dst(%arg13 : memref<128xi32, #tpu.memory_space<vmem>>)
        %dma_start3A_191 = arith.constant 0 : i32
        %dma_start3A_192 = arith.constant 0 : i32
        %dma_start3A_193 = tpu.memref_slice %arg2[%dma_start3A_191, %dma_start3A_192] : memref<10000x128xf32, #tpu.memory_space<hbm>> -> memref<10000x128xf32, #tpu.memory_space<hbm>>
        tpu.enqueue_indirect_dma source(%dma_start3A_193 : memref<10000x128xf32, #tpu.memory_space<hbm>>) target(%arg15 : memref<128x128xf32, #tpu.memory_space<vmem>>) offsets(%arg11 : memref<128xi32, #tpu.memory_space<vmem>>) semaphore(%arg26 : memref<!tpu.dma_semaphore, #tpu.memory_space<semaphore_mem>>)
        %dma_start3A_194 = arith.constant 0 : i32
        %dma_start3A_195 = arith.constant 0 : i32
        %dma_start3A_196 = tpu.memref_slice %arg3[%dma_start3A_194, %dma_start3A_195] : memref<10000x128xf32, #tpu.memory_space<hbm>> -> memref<10000x128xf32, #tpu.memory_space<hbm>>
        tpu.enqueue_indirect_dma source(%dma_start3A_196 : memref<10000x128xf32, #tpu.memory_space<hbm>>) target(%arg17 : memref<128x128xf32, #tpu.memory_space<vmem>>) offsets(%arg13 : memref<128xi32, #tpu.memory_space<vmem>>) semaphore(%arg26 : memref<!tpu.dma_semaphore, #tpu.memory_space<semaphore_mem>>)
      } else {
      }
      %while3A_175 = arith.constant 0 : i32
      scf.yield %while3A_175 : i32
    }
    %dma_wait3A_87 = arith.constant 0 : i32
    %dma_wait3A_88 = arith.constant 0 : i32
    %dma_wait3A_89 = tpu.memref_slice %arg9[%dma_wait3A_87, %dma_wait3A_88] : memref<320000x128xf32, #tpu.memory_space<hbm>> -> memref<128x128xf32, #tpu.memory_space<hbm>>
    %dma_wait3A_90 = arith.constant 0 : i32
    %dma_wait3A_91 = arith.constant 0 : i32
    %dma_wait3A_92 = tpu.memref_slice %arg9[%dma_wait3A_90, %dma_wait3A_91] : memref<320000x128xf32, #tpu.memory_space<hbm>> -> memref<128x128xf32, #tpu.memory_space<hbm>>
    tpu.wait_dma2 semaphore(%arg28 : memref<!tpu.dma_semaphore, #tpu.memory_space<semaphore_mem>>) src(%arg15 : memref<128x128xf32, #tpu.memory_space<vmem>>) dst(%dma_wait3A_92 : memref<128x128xf32, #tpu.memory_space<hbm>>)
    %dma_wait3A_93 = arith.constant 0 : i32
    %dma_wait3A_94 = arith.constant 0 : i32
    %dma_wait3A_95 = tpu.memref_slice %arg10[%dma_wait3A_93, %dma_wait3A_94] : memref<320000x16xf32, #tpu.memory_space<hbm>> -> memref<128x16xf32, #tpu.memory_space<hbm>>
    %dma_wait3A_96 = arith.constant 0 : i32
    %dma_wait3A_97 = arith.constant 0 : i32
    %dma_wait3A_98 = tpu.memref_slice %arg10[%dma_wait3A_96, %dma_wait3A_97] : memref<320000x16xf32, #tpu.memory_space<hbm>> -> memref<128x16xf32, #tpu.memory_space<hbm>>
    tpu.wait_dma2 semaphore(%arg28 : memref<!tpu.dma_semaphore, #tpu.memory_space<semaphore_mem>>) src(%arg19 : memref<128x16xf32, #tpu.memory_space<vmem>>) dst(%dma_wait3A_98 : memref<128x16xf32, #tpu.memory_space<hbm>>)
    %dma_wait3A_99 = arith.constant 0 : i32
    %dma_wait3A_100 = arith.constant 0 : i32
    %dma_wait3A_101 = tpu.memref_slice %arg9[%dma_wait3A_99, %dma_wait3A_100] : memref<320000x128xf32, #tpu.memory_space<hbm>> -> memref<128x128xf32, #tpu.memory_space<hbm>>
    %dma_wait3A_102 = arith.constant 0 : i32
    %dma_wait3A_103 = arith.constant 0 : i32
    %dma_wait3A_104 = tpu.memref_slice %arg9[%dma_wait3A_102, %dma_wait3A_103] : memref<320000x128xf32, #tpu.memory_space<hbm>> -> memref<128x128xf32, #tpu.memory_space<hbm>>
    tpu.wait_dma2 semaphore(%arg29 : memref<!tpu.dma_semaphore, #tpu.memory_space<semaphore_mem>>) src(%arg16 : memref<128x128xf32, #tpu.memory_space<vmem>>) dst(%dma_wait3A_104 : memref<128x128xf32, #tpu.memory_space<hbm>>)
    %dma_wait3A_105 = arith.constant 0 : i32
    %dma_wait3A_106 = arith.constant 0 : i32
    %dma_wait3A_107 = tpu.memref_slice %arg10[%dma_wait3A_105, %dma_wait3A_106] : memref<320000x16xf32, #tpu.memory_space<hbm>> -> memref<128x16xf32, #tpu.memory_space<hbm>>
    %dma_wait3A_108 = arith.constant 0 : i32
    %dma_wait3A_109 = arith.constant 0 : i32
    %dma_wait3A_110 = tpu.memref_slice %arg10[%dma_wait3A_108, %dma_wait3A_109] : memref<320000x16xf32, #tpu.memory_space<hbm>> -> memref<128x16xf32, #tpu.memory_space<hbm>>
    tpu.wait_dma2 semaphore(%arg29 : memref<!tpu.dma_semaphore, #tpu.memory_space<semaphore_mem>>) src(%arg20 : memref<128x16xf32, #tpu.memory_space<vmem>>) dst(%dma_wait3A_110 : memref<128x16xf32, #tpu.memory_space<hbm>>)
    return
  }
}

#map = affine_map<(d0, d1) -> (0, 0)>
#map1 = affine_map<(d0, d1) -> (0)>
module attributes {stable_mosaic.version = 14 : i64} {
  func.func @_scatter_agg_body(%arg0: i32, %arg1: i32, %arg2: memref<320000x128xf32, #tpu.memory_space<hbm>>, %arg3: memref<320000xi32, #tpu.memory_space<hbm>>, %arg4: memref<10000x128xf32, #tpu.memory_space<hbm>>, %arg5: memref<128xi32, #tpu.memory_space<vmem>>, %arg6: memref<128xi32, #tpu.memory_space<vmem>>, %arg7: memref<128x128xf32, #tpu.memory_space<vmem>>, %arg8: memref<128x128xf32, #tpu.memory_space<vmem>>, %arg9: memref<80x128xf32, #tpu.memory_space<vmem>>, %arg10: memref<10000x128xf32, #tpu.memory_space<vmem_shared>>, %arg11: memref<!tpu.dma_semaphore, #tpu.memory_space<semaphore_mem>>, %arg12: memref<!tpu.dma_semaphore, #tpu.memory_space<semaphore_mem>>, %arg13: memref<!tpu.dma_semaphore, #tpu.memory_space<semaphore_mem>>, %arg14: memref<!tpu.dma_semaphore, #tpu.memory_space<semaphore_mem>>) attributes {dimension_semantics = [#tpu.dimension_semantics<core_parallel>, #tpu.dimension_semantics<subcore_parallel>], iteration_bounds = array<i64: 1, 16>, scalar_prefetch = 0 : i64, scratch_operands = 10 : i64, tpu.core_type = #tpu.core_type<sc_vector_subcore>, window_params = [{transform_indices = #map}, {transform_indices = #map1}, {transform_indices = #map}]} {
    %sub3A = arith.constant 2499 : i32
    %sub3A_0 = arith.subi %sub3A, %arg1 : i32
    %jit3A = arith.constant 16 : i32
    %div3A = arith.divsi %sub3A_0, %jit3A : i32
    %sign3A = arith.constant 0 : i32
    %sign3A_1 = arith.cmpi sgt, %sub3A_0, %sign3A : i32
    %sign3A_2 = arith.extui %sign3A_1 : i1 to i32
    %sign3A_3 = arith.constant 0 : i32
    %sign3A_4 = arith.cmpi slt, %sub3A_0, %sign3A_3 : i32
    %sign3A_5 = arith.extui %sign3A_4 : i1 to i32
    %sign3A_6 = arith.subi %sign3A_2, %sign3A_5 : i32
    %sign3A_7 = arith.constant 0 : i32
    %sign3A_8 = arith.cmpi sgt, %jit3A, %sign3A_7 : i32
    %sign3A_9 = arith.extui %sign3A_8 : i1 to i32
    %sign3A_10 = arith.constant 0 : i32
    %sign3A_11 = arith.cmpi slt, %jit3A, %sign3A_10 : i32
    %sign3A_12 = arith.extui %sign3A_11 : i1 to i32
    %sign3A_13 = arith.subi %sign3A_9, %sign3A_12 : i32
    %ne3A = arith.cmpi ne, %sign3A_6, %sign3A_13 : i32
    %rem3A = arith.remsi %sub3A_0, %jit3A : i32
    %ne3A_14 = arith.constant 0 : i32
    %ne3A_15 = arith.cmpi ne, %rem3A, %ne3A_14 : i32
    %and3A = arith.andi %ne3A, %ne3A_15 : i1
    %sub3A_16 = arith.constant 1 : i32
    %sub3A_17 = arith.subi %div3A, %sub3A_16 : i32
    %select_n3A = arith.select %and3A, %sub3A_17, %div3A : i32
    %add3A = arith.constant 1 : i32
    %add3A_18 = arith.addi %select_n3A, %add3A : i32
    %broadcast_in_dim3A = arith.constant 0.000000e+00 : f32
    %broadcast_in_dim3A_19 = vector.broadcast %broadcast_in_dim3A : f32 to vector<16xf32>
    %scan3A = arith.constant 0 : i32
    %scan3A_20 = arith.constant 0 : i32
    %scan3A_21 = arith.constant 80 : i32
    %scan3A_22 = arith.addi %scan3A_20, %scan3A_21 : i32
    %scan3A_23 = arith.constant 1 : i32
    %scan3A_24 = scf.for %scan3A_190 = %scan3A_20 to %scan3A_22 step %scan3A_23 iter_args(%scan3A_191 = %scan3A) -> (i32)  : i32 {
      %swap3A = arith.index_cast %scan3A_190 : i32 to index
      %swap3A_192 = arith.constant 0 : index
      %swap3A_193 = tpu.vector_load %arg9[%swap3A, %swap3A_192] {strides = array<i32>} : memref<80x128xf32, #tpu.memory_space<vmem>>, vector<1x16xf32>,
      %swap3A_194 = vector.shape_cast %swap3A_193 : vector<1x16xf32> to vector<16xf32>
      %swap3A_195 = vector.shape_cast %broadcast_in_dim3A_19 : vector<16xf32> to vector<1x16xf32>
      tpu.vector_store %arg9[%swap3A, %swap3A_192], %swap3A_195 {strides = array<i32>} : memref<80x128xf32, #tpu.memory_space<vmem>>, vector<1x16xf32>,
      %swap3A_196 = arith.index_cast %scan3A_190 : i32 to index
      %swap3A_197 = arith.constant 16 : index
      %swap3A_198 = tpu.vector_load %arg9[%swap3A_196, %swap3A_197] {strides = array<i32>} : memref<80x128xf32, #tpu.memory_space<vmem>>, vector<1x16xf32>,
      %swap3A_199 = vector.shape_cast %swap3A_198 : vector<1x16xf32> to vector<16xf32>
      %swap3A_200 = vector.shape_cast %broadcast_in_dim3A_19 : vector<16xf32> to vector<1x16xf32>
      tpu.vector_store %arg9[%swap3A_196, %swap3A_197], %swap3A_200 {strides = array<i32>} : memref<80x128xf32, #tpu.memory_space<vmem>>, vector<1x16xf32>,
      %swap3A_201 = arith.index_cast %scan3A_190 : i32 to index
      %swap3A_202 = arith.constant 32 : index
      %swap3A_203 = tpu.vector_load %arg9[%swap3A_201, %swap3A_202] {strides = array<i32>} : memref<80x128xf32, #tpu.memory_space<vmem>>, vector<1x16xf32>,
      %swap3A_204 = vector.shape_cast %swap3A_203 : vector<1x16xf32> to vector<16xf32>
      %swap3A_205 = vector.shape_cast %broadcast_in_dim3A_19 : vector<16xf32> to vector<1x16xf32>
      tpu.vector_store %arg9[%swap3A_201, %swap3A_202], %swap3A_205 {strides = array<i32>} : memref<80x128xf32, #tpu.memory_space<vmem>>, vector<1x16xf32>,
      %swap3A_206 = arith.index_cast %scan3A_190 : i32 to index
      %swap3A_207 = arith.constant 48 : index
      %swap3A_208 = tpu.vector_load %arg9[%swap3A_206, %swap3A_207] {strides = array<i32>} : memref<80x128xf32, #tpu.memory_space<vmem>>, vector<1x16xf32>,
      %swap3A_209 = vector.shape_cast %swap3A_208 : vector<1x16xf32> to vector<16xf32>
      %swap3A_210 = vector.shape_cast %broadcast_in_dim3A_19 : vector<16xf32> to vector<1x16xf32>
      tpu.vector_store %arg9[%swap3A_206, %swap3A_207], %swap3A_210 {strides = array<i32>} : memref<80x128xf32, #tpu.memory_space<vmem>>, vector<1x16xf32>,
      %swap3A_211 = arith.index_cast %scan3A_190 : i32 to index
      %swap3A_212 = arith.constant 64 : index
      %swap3A_213 = tpu.vector_load %arg9[%swap3A_211, %swap3A_212] {strides = array<i32>} : memref<80x128xf32, #tpu.memory_space<vmem>>, vector<1x16xf32>,
      %swap3A_214 = vector.shape_cast %swap3A_213 : vector<1x16xf32> to vector<16xf32>
      %swap3A_215 = vector.shape_cast %broadcast_in_dim3A_19 : vector<16xf32> to vector<1x16xf32>
      tpu.vector_store %arg9[%swap3A_211, %swap3A_212], %swap3A_215 {strides = array<i32>} : memref<80x128xf32, #tpu.memory_space<vmem>>, vector<1x16xf32>,
      %swap3A_216 = arith.index_cast %scan3A_190 : i32 to index
      %swap3A_217 = arith.constant 80 : index
      %swap3A_218 = tpu.vector_load %arg9[%swap3A_216, %swap3A_217] {strides = array<i32>} : memref<80x128xf32, #tpu.memory_space<vmem>>, vector<1x16xf32>,
      %swap3A_219 = vector.shape_cast %swap3A_218 : vector<1x16xf32> to vector<16xf32>
      %swap3A_220 = vector.shape_cast %broadcast_in_dim3A_19 : vector<16xf32> to vector<1x16xf32>
      tpu.vector_store %arg9[%swap3A_216, %swap3A_217], %swap3A_220 {strides = array<i32>} : memref<80x128xf32, #tpu.memory_space<vmem>>, vector<1x16xf32>,
      %swap3A_221 = arith.index_cast %scan3A_190 : i32 to index
      %swap3A_222 = arith.constant 96 : index
      %swap3A_223 = tpu.vector_load %arg9[%swap3A_221, %swap3A_222] {strides = array<i32>} : memref<80x128xf32, #tpu.memory_space<vmem>>, vector<1x16xf32>,
      %swap3A_224 = vector.shape_cast %swap3A_223 : vector<1x16xf32> to vector<16xf32>
      %swap3A_225 = vector.shape_cast %broadcast_in_dim3A_19 : vector<16xf32> to vector<1x16xf32>
      tpu.vector_store %arg9[%swap3A_221, %swap3A_222], %swap3A_225 {strides = array<i32>} : memref<80x128xf32, #tpu.memory_space<vmem>>, vector<1x16xf32>,
      %swap3A_226 = arith.index_cast %scan3A_190 : i32 to index
      %swap3A_227 = arith.constant 112 : index
      %swap3A_228 = tpu.vector_load %arg9[%swap3A_226, %swap3A_227] {strides = array<i32>} : memref<80x128xf32, #tpu.memory_space<vmem>>, vector<1x16xf32>,
      %swap3A_229 = vector.shape_cast %swap3A_228 : vector<1x16xf32> to vector<16xf32>
      %swap3A_230 = vector.shape_cast %broadcast_in_dim3A_19 : vector<16xf32> to vector<1x16xf32>
      tpu.vector_store %arg9[%swap3A_226, %swap3A_227], %swap3A_230 {strides = array<i32>} : memref<80x128xf32, #tpu.memory_space<vmem>>, vector<1x16xf32>,
      %scan3A_231 = arith.constant 0 : i32
      scf.yield %scan3A_231 : i32
    }
    %scan3A_25 = arith.constant 80 : i32
    %add3A_26 = arith.constant 0 : i32
    %add3A_27 = arith.addi %arg1, %add3A_26 : i32
    %lt3A = arith.constant 125 : i32
    %lt3A_28 = arith.cmpi slt, %add3A_27, %lt3A : i32
    %convert_element_type3A = arith.extui %lt3A_28 : i1 to i32
    %cond3A = arith.constant 0 : i32
    %cond3A_29 = arith.cmpi ne, %convert_element_type3A, %cond3A : i32
    scf.if %cond3A_29 {
      %mul3A_190 = arith.constant 80 : i32
      %mul3A_191 = arith.muli %add3A_27, %mul3A_190 : i32
      "tpu.region"() ({
        %run_scoped3A = tpu.sem_alloc : memref<!tpu.dma_semaphore, #tpu.memory_space<semaphore_mem>>
        %dma_start3A_192 = arith.constant 0 : i32
        %dma_start3A_193 = tpu.memref_slice %arg10[%mul3A_191, %dma_start3A_192] : memref<10000x128xf32, #tpu.memory_space<vmem_shared>> -> memref<80x128xf32, #tpu.memory_space<vmem_shared>>
        %dma_start3A_194 = arith.constant 0 : i32
        %dma_start3A_195 = tpu.memref_slice %arg10[%mul3A_191, %dma_start3A_194] : memref<10000x128xf32, #tpu.memory_space<vmem_shared>> -> memref<80x128xf32, #tpu.memory_space<vmem_shared>>
        tpu.enqueue_dma source(%arg9 : memref<80x128xf32, #tpu.memory_space<vmem>>) target(%dma_start3A_195 : memref<80x128xf32, #tpu.memory_space<vmem_shared>>) target_semaphore(%run_scoped3A : memref<!tpu.dma_semaphore, #tpu.memory_space<semaphore_mem>>)
        %dma_wait3A_196 = arith.constant 0 : i32
        %dma_wait3A_197 = tpu.memref_slice %arg10[%mul3A_191, %dma_wait3A_196] : memref<10000x128xf32, #tpu.memory_space<vmem_shared>> -> memref<80x128xf32, #tpu.memory_space<vmem_shared>>
        %dma_wait3A_198 = arith.constant 0 : i32
        %dma_wait3A_199 = tpu.memref_slice %arg10[%mul3A_191, %dma_wait3A_198] : memref<10000x128xf32, #tpu.memory_space<vmem_shared>> -> memref<80x128xf32, #tpu.memory_space<vmem_shared>>
        tpu.wait_dma2 semaphore(%run_scoped3A : memref<!tpu.dma_semaphore, #tpu.memory_space<semaphore_mem>>) src(%arg9 : memref<80x128xf32, #tpu.memory_space<vmem>>) dst(%dma_wait3A_199 : memref<80x128xf32, #tpu.memory_space<vmem_shared>>)
        tpu.yield
      }) : () -> ()
    } else {
    }
    %add3A_30 = arith.constant 16 : i32
    %add3A_31 = arith.addi %arg1, %add3A_30 : i32
    %lt3A_32 = arith.constant 125 : i32
    %lt3A_33 = arith.cmpi slt, %add3A_31, %lt3A_32 : i32
    %convert_element_type3A_34 = arith.extui %lt3A_33 : i1 to i32
    %cond3A_35 = arith.constant 0 : i32
    %cond3A_36 = arith.cmpi ne, %convert_element_type3A_34, %cond3A_35 : i32
    scf.if %cond3A_36 {
      %mul3A_190 = arith.constant 80 : i32
      %mul3A_191 = arith.muli %add3A_31, %mul3A_190 : i32
      "tpu.region"() ({
        %run_scoped3A = tpu.sem_alloc : memref<!tpu.dma_semaphore, #tpu.memory_space<semaphore_mem>>
        %dma_start3A_192 = arith.constant 0 : i32
        %dma_start3A_193 = tpu.memref_slice %arg10[%mul3A_191, %dma_start3A_192] : memref<10000x128xf32, #tpu.memory_space<vmem_shared>> -> memref<80x128xf32, #tpu.memory_space<vmem_shared>>
        %dma_start3A_194 = arith.constant 0 : i32
        %dma_start3A_195 = tpu.memref_slice %arg10[%mul3A_191, %dma_start3A_194] : memref<10000x128xf32, #tpu.memory_space<vmem_shared>> -> memref<80x128xf32, #tpu.memory_space<vmem_shared>>
        tpu.enqueue_dma source(%arg9 : memref<80x128xf32, #tpu.memory_space<vmem>>) target(%dma_start3A_195 : memref<80x128xf32, #tpu.memory_space<vmem_shared>>) target_semaphore(%run_scoped3A : memref<!tpu.dma_semaphore, #tpu.memory_space<semaphore_mem>>)
        %dma_wait3A_196 = arith.constant 0 : i32
        %dma_wait3A_197 = tpu.memref_slice %arg10[%mul3A_191, %dma_wait3A_196] : memref<10000x128xf32, #tpu.memory_space<vmem_shared>> -> memref<80x128xf32, #tpu.memory_space<vmem_shared>>
        %dma_wait3A_198 = arith.constant 0 : i32
        %dma_wait3A_199 = tpu.memref_slice %arg10[%mul3A_191, %dma_wait3A_198] : memref<10000x128xf32, #tpu.memory_space<vmem_shared>> -> memref<80x128xf32, #tpu.memory_space<vmem_shared>>
        tpu.wait_dma2 semaphore(%run_scoped3A : memref<!tpu.dma_semaphore, #tpu.memory_space<semaphore_mem>>) src(%arg9 : memref<80x128xf32, #tpu.memory_space<vmem>>) dst(%dma_wait3A_199 : memref<80x128xf32, #tpu.memory_space<vmem_shared>>)
        tpu.yield
      }) : () -> ()
    } else {
    }
    %add3A_37 = arith.constant 32 : i32
    %add3A_38 = arith.addi %arg1, %add3A_37 : i32
    %lt3A_39 = arith.constant 125 : i32
    %lt3A_40 = arith.cmpi slt, %add3A_38, %lt3A_39 : i32
    %convert_element_type3A_41 = arith.extui %lt3A_40 : i1 to i32
    %cond3A_42 = arith.constant 0 : i32
    %cond3A_43 = arith.cmpi ne, %convert_element_type3A_41, %cond3A_42 : i32
    scf.if %cond3A_43 {
      %mul3A_190 = arith.constant 80 : i32
      %mul3A_191 = arith.muli %add3A_38, %mul3A_190 : i32
      "tpu.region"() ({
        %run_scoped3A = tpu.sem_alloc : memref<!tpu.dma_semaphore, #tpu.memory_space<semaphore_mem>>
        %dma_start3A_192 = arith.constant 0 : i32
        %dma_start3A_193 = tpu.memref_slice %arg10[%mul3A_191, %dma_start3A_192] : memref<10000x128xf32, #tpu.memory_space<vmem_shared>> -> memref<80x128xf32, #tpu.memory_space<vmem_shared>>
        %dma_start3A_194 = arith.constant 0 : i32
        %dma_start3A_195 = tpu.memref_slice %arg10[%mul3A_191, %dma_start3A_194] : memref<10000x128xf32, #tpu.memory_space<vmem_shared>> -> memref<80x128xf32, #tpu.memory_space<vmem_shared>>
        tpu.enqueue_dma source(%arg9 : memref<80x128xf32, #tpu.memory_space<vmem>>) target(%dma_start3A_195 : memref<80x128xf32, #tpu.memory_space<vmem_shared>>) target_semaphore(%run_scoped3A : memref<!tpu.dma_semaphore, #tpu.memory_space<semaphore_mem>>)
        %dma_wait3A_196 = arith.constant 0 : i32
        %dma_wait3A_197 = tpu.memref_slice %arg10[%mul3A_191, %dma_wait3A_196] : memref<10000x128xf32, #tpu.memory_space<vmem_shared>> -> memref<80x128xf32, #tpu.memory_space<vmem_shared>>
        %dma_wait3A_198 = arith.constant 0 : i32
        %dma_wait3A_199 = tpu.memref_slice %arg10[%mul3A_191, %dma_wait3A_198] : memref<10000x128xf32, #tpu.memory_space<vmem_shared>> -> memref<80x128xf32, #tpu.memory_space<vmem_shared>>
        tpu.wait_dma2 semaphore(%run_scoped3A : memref<!tpu.dma_semaphore, #tpu.memory_space<semaphore_mem>>) src(%arg9 : memref<80x128xf32, #tpu.memory_space<vmem>>) dst(%dma_wait3A_199 : memref<80x128xf32, #tpu.memory_space<vmem_shared>>)
        tpu.yield
      }) : () -> ()
    } else {
    }
    %add3A_44 = arith.constant 48 : i32
    %add3A_45 = arith.addi %arg1, %add3A_44 : i32
    %lt3A_46 = arith.constant 125 : i32
    %lt3A_47 = arith.cmpi slt, %add3A_45, %lt3A_46 : i32
    %convert_element_type3A_48 = arith.extui %lt3A_47 : i1 to i32
    %cond3A_49 = arith.constant 0 : i32
    %cond3A_50 = arith.cmpi ne, %convert_element_type3A_48, %cond3A_49 : i32
    scf.if %cond3A_50 {
      %mul3A_190 = arith.constant 80 : i32
      %mul3A_191 = arith.muli %add3A_45, %mul3A_190 : i32
      "tpu.region"() ({
        %run_scoped3A = tpu.sem_alloc : memref<!tpu.dma_semaphore, #tpu.memory_space<semaphore_mem>>
        %dma_start3A_192 = arith.constant 0 : i32
        %dma_start3A_193 = tpu.memref_slice %arg10[%mul3A_191, %dma_start3A_192] : memref<10000x128xf32, #tpu.memory_space<vmem_shared>> -> memref<80x128xf32, #tpu.memory_space<vmem_shared>>
        %dma_start3A_194 = arith.constant 0 : i32
        %dma_start3A_195 = tpu.memref_slice %arg10[%mul3A_191, %dma_start3A_194] : memref<10000x128xf32, #tpu.memory_space<vmem_shared>> -> memref<80x128xf32, #tpu.memory_space<vmem_shared>>
        tpu.enqueue_dma source(%arg9 : memref<80x128xf32, #tpu.memory_space<vmem>>) target(%dma_start3A_195 : memref<80x128xf32, #tpu.memory_space<vmem_shared>>) target_semaphore(%run_scoped3A : memref<!tpu.dma_semaphore, #tpu.memory_space<semaphore_mem>>)
        %dma_wait3A_196 = arith.constant 0 : i32
        %dma_wait3A_197 = tpu.memref_slice %arg10[%mul3A_191, %dma_wait3A_196] : memref<10000x128xf32, #tpu.memory_space<vmem_shared>> -> memref<80x128xf32, #tpu.memory_space<vmem_shared>>
        %dma_wait3A_198 = arith.constant 0 : i32
        %dma_wait3A_199 = tpu.memref_slice %arg10[%mul3A_191, %dma_wait3A_198] : memref<10000x128xf32, #tpu.memory_space<vmem_shared>> -> memref<80x128xf32, #tpu.memory_space<vmem_shared>>
        tpu.wait_dma2 semaphore(%run_scoped3A : memref<!tpu.dma_semaphore, #tpu.memory_space<semaphore_mem>>) src(%arg9 : memref<80x128xf32, #tpu.memory_space<vmem>>) dst(%dma_wait3A_199 : memref<80x128xf32, #tpu.memory_space<vmem_shared>>)
        tpu.yield
      }) : () -> ()
    } else {
    }
    %add3A_51 = arith.constant 64 : i32
    %add3A_52 = arith.addi %arg1, %add3A_51 : i32
    %lt3A_53 = arith.constant 125 : i32
    %lt3A_54 = arith.cmpi slt, %add3A_52, %lt3A_53 : i32
    %convert_element_type3A_55 = arith.extui %lt3A_54 : i1 to i32
    %cond3A_56 = arith.constant 0 : i32
    %cond3A_57 = arith.cmpi ne, %convert_element_type3A_55, %cond3A_56 : i32
    scf.if %cond3A_57 {
      %mul3A_190 = arith.constant 80 : i32
      %mul3A_191 = arith.muli %add3A_52, %mul3A_190 : i32
      "tpu.region"() ({
        %run_scoped3A = tpu.sem_alloc : memref<!tpu.dma_semaphore, #tpu.memory_space<semaphore_mem>>
        %dma_start3A_192 = arith.constant 0 : i32
        %dma_start3A_193 = tpu.memref_slice %arg10[%mul3A_191, %dma_start3A_192] : memref<10000x128xf32, #tpu.memory_space<vmem_shared>> -> memref<80x128xf32, #tpu.memory_space<vmem_shared>>
        %dma_start3A_194 = arith.constant 0 : i32
        %dma_start3A_195 = tpu.memref_slice %arg10[%mul3A_191, %dma_start3A_194] : memref<10000x128xf32, #tpu.memory_space<vmem_shared>> -> memref<80x128xf32, #tpu.memory_space<vmem_shared>>
        tpu.enqueue_dma source(%arg9 : memref<80x128xf32, #tpu.memory_space<vmem>>) target(%dma_start3A_195 : memref<80x128xf32, #tpu.memory_space<vmem_shared>>) target_semaphore(%run_scoped3A : memref<!tpu.dma_semaphore, #tpu.memory_space<semaphore_mem>>)
        %dma_wait3A_196 = arith.constant 0 : i32
        %dma_wait3A_197 = tpu.memref_slice %arg10[%mul3A_191, %dma_wait3A_196] : memref<10000x128xf32, #tpu.memory_space<vmem_shared>> -> memref<80x128xf32, #tpu.memory_space<vmem_shared>>
        %dma_wait3A_198 = arith.constant 0 : i32
        %dma_wait3A_199 = tpu.memref_slice %arg10[%mul3A_191, %dma_wait3A_198] : memref<10000x128xf32, #tpu.memory_space<vmem_shared>> -> memref<80x128xf32, #tpu.memory_space<vmem_shared>>
        tpu.wait_dma2 semaphore(%run_scoped3A : memref<!tpu.dma_semaphore, #tpu.memory_space<semaphore_mem>>) src(%arg9 : memref<80x128xf32, #tpu.memory_space<vmem>>) dst(%dma_wait3A_199 : memref<80x128xf32, #tpu.memory_space<vmem_shared>>)
        tpu.yield
      }) : () -> ()
    } else {
    }
    %add3A_58 = arith.constant 80 : i32
    %add3A_59 = arith.addi %arg1, %add3A_58 : i32
    %lt3A_60 = arith.constant 125 : i32
    %lt3A_61 = arith.cmpi slt, %add3A_59, %lt3A_60 : i32
    %convert_element_type3A_62 = arith.extui %lt3A_61 : i1 to i32
    %cond3A_63 = arith.constant 0 : i32
    %cond3A_64 = arith.cmpi ne, %convert_element_type3A_62, %cond3A_63 : i32
    scf.if %cond3A_64 {
      %mul3A_190 = arith.constant 80 : i32
      %mul3A_191 = arith.muli %add3A_59, %mul3A_190 : i32
      "tpu.region"() ({
        %run_scoped3A = tpu.sem_alloc : memref<!tpu.dma_semaphore, #tpu.memory_space<semaphore_mem>>
        %dma_start3A_192 = arith.constant 0 : i32
        %dma_start3A_193 = tpu.memref_slice %arg10[%mul3A_191, %dma_start3A_192] : memref<10000x128xf32, #tpu.memory_space<vmem_shared>> -> memref<80x128xf32, #tpu.memory_space<vmem_shared>>
        %dma_start3A_194 = arith.constant 0 : i32
        %dma_start3A_195 = tpu.memref_slice %arg10[%mul3A_191, %dma_start3A_194] : memref<10000x128xf32, #tpu.memory_space<vmem_shared>> -> memref<80x128xf32, #tpu.memory_space<vmem_shared>>
        tpu.enqueue_dma source(%arg9 : memref<80x128xf32, #tpu.memory_space<vmem>>) target(%dma_start3A_195 : memref<80x128xf32, #tpu.memory_space<vmem_shared>>) target_semaphore(%run_scoped3A : memref<!tpu.dma_semaphore, #tpu.memory_space<semaphore_mem>>)
        %dma_wait3A_196 = arith.constant 0 : i32
        %dma_wait3A_197 = tpu.memref_slice %arg10[%mul3A_191, %dma_wait3A_196] : memref<10000x128xf32, #tpu.memory_space<vmem_shared>> -> memref<80x128xf32, #tpu.memory_space<vmem_shared>>
        %dma_wait3A_198 = arith.constant 0 : i32
        %dma_wait3A_199 = tpu.memref_slice %arg10[%mul3A_191, %dma_wait3A_198] : memref<10000x128xf32, #tpu.memory_space<vmem_shared>> -> memref<80x128xf32, #tpu.memory_space<vmem_shared>>
        tpu.wait_dma2 semaphore(%run_scoped3A : memref<!tpu.dma_semaphore, #tpu.memory_space<semaphore_mem>>) src(%arg9 : memref<80x128xf32, #tpu.memory_space<vmem>>) dst(%dma_wait3A_199 : memref<80x128xf32, #tpu.memory_space<vmem_shared>>)
        tpu.yield
      }) : () -> ()
    } else {
    }
    %add3A_65 = arith.constant 96 : i32
    %add3A_66 = arith.addi %arg1, %add3A_65 : i32
    %lt3A_67 = arith.constant 125 : i32
    %lt3A_68 = arith.cmpi slt, %add3A_66, %lt3A_67 : i32
    %convert_element_type3A_69 = arith.extui %lt3A_68 : i1 to i32
    %cond3A_70 = arith.constant 0 : i32
    %cond3A_71 = arith.cmpi ne, %convert_element_type3A_69, %cond3A_70 : i32
    scf.if %cond3A_71 {
      %mul3A_190 = arith.constant 80 : i32
      %mul3A_191 = arith.muli %add3A_66, %mul3A_190 : i32
      "tpu.region"() ({
        %run_scoped3A = tpu.sem_alloc : memref<!tpu.dma_semaphore, #tpu.memory_space<semaphore_mem>>
        %dma_start3A_192 = arith.constant 0 : i32
        %dma_start3A_193 = tpu.memref_slice %arg10[%mul3A_191, %dma_start3A_192] : memref<10000x128xf32, #tpu.memory_space<vmem_shared>> -> memref<80x128xf32, #tpu.memory_space<vmem_shared>>
        %dma_start3A_194 = arith.constant 0 : i32
        %dma_start3A_195 = tpu.memref_slice %arg10[%mul3A_191, %dma_start3A_194] : memref<10000x128xf32, #tpu.memory_space<vmem_shared>> -> memref<80x128xf32, #tpu.memory_space<vmem_shared>>
        tpu.enqueue_dma source(%arg9 : memref<80x128xf32, #tpu.memory_space<vmem>>) target(%dma_start3A_195 : memref<80x128xf32, #tpu.memory_space<vmem_shared>>) target_semaphore(%run_scoped3A : memref<!tpu.dma_semaphore, #tpu.memory_space<semaphore_mem>>)
        %dma_wait3A_196 = arith.constant 0 : i32
        %dma_wait3A_197 = tpu.memref_slice %arg10[%mul3A_191, %dma_wait3A_196] : memref<10000x128xf32, #tpu.memory_space<vmem_shared>> -> memref<80x128xf32, #tpu.memory_space<vmem_shared>>
        %dma_wait3A_198 = arith.constant 0 : i32
        %dma_wait3A_199 = tpu.memref_slice %arg10[%mul3A_191, %dma_wait3A_198] : memref<10000x128xf32, #tpu.memory_space<vmem_shared>> -> memref<80x128xf32, #tpu.memory_space<vmem_shared>>
        tpu.wait_dma2 semaphore(%run_scoped3A : memref<!tpu.dma_semaphore, #tpu.memory_space<semaphore_mem>>) src(%arg9 : memref<80x128xf32, #tpu.memory_space<vmem>>) dst(%dma_wait3A_199 : memref<80x128xf32, #tpu.memory_space<vmem_shared>>)
        tpu.yield
      }) : () -> ()
    } else {
    }
    %add3A_72 = arith.constant 112 : i32
    %add3A_73 = arith.addi %arg1, %add3A_72 : i32
    %lt3A_74 = arith.constant 125 : i32
    %lt3A_75 = arith.cmpi slt, %add3A_73, %lt3A_74 : i32
    %convert_element_type3A_76 = arith.extui %lt3A_75 : i1 to i32
    %cond3A_77 = arith.constant 0 : i32
    %cond3A_78 = arith.cmpi ne, %convert_element_type3A_76, %cond3A_77 : i32
    scf.if %cond3A_78 {
      %mul3A_190 = arith.constant 80 : i32
      %mul3A_191 = arith.muli %add3A_73, %mul3A_190 : i32
      "tpu.region"() ({
        %run_scoped3A = tpu.sem_alloc : memref<!tpu.dma_semaphore, #tpu.memory_space<semaphore_mem>>
        %dma_start3A_192 = arith.constant 0 : i32
        %dma_start3A_193 = tpu.memref_slice %arg10[%mul3A_191, %dma_start3A_192] : memref<10000x128xf32, #tpu.memory_space<vmem_shared>> -> memref<80x128xf32, #tpu.memory_space<vmem_shared>>
        %dma_start3A_194 = arith.constant 0 : i32
        %dma_start3A_195 = tpu.memref_slice %arg10[%mul3A_191, %dma_start3A_194] : memref<10000x128xf32, #tpu.memory_space<vmem_shared>> -> memref<80x128xf32, #tpu.memory_space<vmem_shared>>
        tpu.enqueue_dma source(%arg9 : memref<80x128xf32, #tpu.memory_space<vmem>>) target(%dma_start3A_195 : memref<80x128xf32, #tpu.memory_space<vmem_shared>>) target_semaphore(%run_scoped3A : memref<!tpu.dma_semaphore, #tpu.memory_space<semaphore_mem>>)
        %dma_wait3A_196 = arith.constant 0 : i32
        %dma_wait3A_197 = tpu.memref_slice %arg10[%mul3A_191, %dma_wait3A_196] : memref<10000x128xf32, #tpu.memory_space<vmem_shared>> -> memref<80x128xf32, #tpu.memory_space<vmem_shared>>
        %dma_wait3A_198 = arith.constant 0 : i32
        %dma_wait3A_199 = tpu.memref_slice %arg10[%mul3A_191, %dma_wait3A_198] : memref<10000x128xf32, #tpu.memory_space<vmem_shared>> -> memref<80x128xf32, #tpu.memory_space<vmem_shared>>
        tpu.wait_dma2 semaphore(%run_scoped3A : memref<!tpu.dma_semaphore, #tpu.memory_space<semaphore_mem>>) src(%arg9 : memref<80x128xf32, #tpu.memory_space<vmem>>) dst(%dma_wait3A_199 : memref<80x128xf32, #tpu.memory_space<vmem_shared>>)
        tpu.yield
      }) : () -> ()
    } else {
    }
    %barrier3A = arith.constant 0 : index
    tpu.barrier barrier_id(%barrier3A)
    %add3A_79 = arith.constant 0 : i32
    %add3A_80 = arith.addi %arg1, %add3A_79 : i32
    %mul3A = arith.constant 128 : i32
    %mul3A_81 = arith.muli %add3A_80, %mul3A : i32
    %dma_start3A = tpu.memref_slice %arg3[%mul3A_81] : memref<320000xi32, #tpu.memory_space<hbm>> -> memref<128xi32, #tpu.memory_space<hbm>>
    %dma_start3A_82 = tpu.memref_slice %arg3[%mul3A_81] : memref<320000xi32, #tpu.memory_space<hbm>> -> memref<128xi32, #tpu.memory_space<hbm>>
    tpu.enqueue_dma source(%dma_start3A_82 : memref<128xi32, #tpu.memory_space<hbm>>) target(%arg5 : memref<128xi32, #tpu.memory_space<vmem>>) target_semaphore(%arg11 : memref<!tpu.dma_semaphore, #tpu.memory_space<semaphore_mem>>)
    %dma_start3A_83 = arith.constant 0 : i32
    %dma_start3A_84 = tpu.memref_slice %arg2[%mul3A_81, %dma_start3A_83] : memref<320000x128xf32, #tpu.memory_space<hbm>> -> memref<128x128xf32, #tpu.memory_space<hbm>>
    %dma_start3A_85 = arith.constant 0 : i32
    %dma_start3A_86 = tpu.memref_slice %arg2[%mul3A_81, %dma_start3A_85] : memref<320000x128xf32, #tpu.memory_space<hbm>> -> memref<128x128xf32, #tpu.memory_space<hbm>>
    tpu.enqueue_dma source(%dma_start3A_86 : memref<128x128xf32, #tpu.memory_space<hbm>>) target(%arg7 : memref<128x128xf32, #tpu.memory_space<vmem>>) target_semaphore(%arg11 : memref<!tpu.dma_semaphore, #tpu.memory_space<semaphore_mem>>)
    %ge3A = arith.constant 2 : i32
    %ge3A_87 = arith.cmpi sge, %add3A_18, %ge3A : i32
    %convert_element_type3A_88 = arith.extui %ge3A_87 : i1 to i32
    %cond3A_89 = arith.constant 0 : i32
    %cond3A_90 = arith.cmpi ne, %convert_element_type3A_88, %cond3A_89 : i32
    scf.if %cond3A_90 {
      %add3A_190 = arith.constant 16 : i32
      %add3A_191 = arith.addi %arg1, %add3A_190 : i32
      %mul3A_192 = arith.constant 128 : i32
      %mul3A_193 = arith.muli %add3A_191, %mul3A_192 : i32
      %dma_start3A_194 = tpu.memref_slice %arg3[%mul3A_193] : memref<320000xi32, #tpu.memory_space<hbm>> -> memref<128xi32, #tpu.memory_space<hbm>>
      %dma_start3A_195 = tpu.memref_slice %arg3[%mul3A_193] : memref<320000xi32, #tpu.memory_space<hbm>> -> memref<128xi32, #tpu.memory_space<hbm>>
      tpu.enqueue_dma source(%dma_start3A_195 : memref<128xi32, #tpu.memory_space<hbm>>) target(%arg6 : memref<128xi32, #tpu.memory_space<vmem>>) target_semaphore(%arg12 : memref<!tpu.dma_semaphore, #tpu.memory_space<semaphore_mem>>)
      %dma_start3A_196 = arith.constant 0 : i32
      %dma_start3A_197 = tpu.memref_slice %arg2[%mul3A_193, %dma_start3A_196] : memref<320000x128xf32, #tpu.memory_space<hbm>> -> memref<128x128xf32, #tpu.memory_space<hbm>>
      %dma_start3A_198 = arith.constant 0 : i32
      %dma_start3A_199 = tpu.memref_slice %arg2[%mul3A_193, %dma_start3A_198] : memref<320000x128xf32, #tpu.memory_space<hbm>> -> memref<128x128xf32, #tpu.memory_space<hbm>>
      tpu.enqueue_dma source(%dma_start3A_199 : memref<128x128xf32, #tpu.memory_space<hbm>>) target(%arg8 : memref<128x128xf32, #tpu.memory_space<vmem>>) target_semaphore(%arg12 : memref<!tpu.dma_semaphore, #tpu.memory_space<semaphore_mem>>)
    } else {
    }
    %add3A_91 = arith.constant 1 : i32
    %add3A_92 = arith.addi %add3A_18, %add3A_91 : i32
    %jit3A_93 = arith.constant 2 : i32
    %div3A_94 = arith.divsi %add3A_92, %jit3A_93 : i32
    %sign3A_95 = arith.constant 0 : i32
    %sign3A_96 = arith.cmpi sgt, %add3A_92, %sign3A_95 : i32
    %sign3A_97 = arith.extui %sign3A_96 : i1 to i32
    %sign3A_98 = arith.constant 0 : i32
    %sign3A_99 = arith.cmpi slt, %add3A_92, %sign3A_98 : i32
    %sign3A_100 = arith.extui %sign3A_99 : i1 to i32
    %sign3A_101 = arith.subi %sign3A_97, %sign3A_100 : i32
    %sign3A_102 = arith.constant 0 : i32
    %sign3A_103 = arith.cmpi sgt, %jit3A_93, %sign3A_102 : i32
    %sign3A_104 = arith.extui %sign3A_103 : i1 to i32
    %sign3A_105 = arith.constant 0 : i32
    %sign3A_106 = arith.cmpi slt, %jit3A_93, %sign3A_105 : i32
    %sign3A_107 = arith.extui %sign3A_106 : i1 to i32
    %sign3A_108 = arith.subi %sign3A_104, %sign3A_107 : i32
    %ne3A_109 = arith.cmpi ne, %sign3A_101, %sign3A_108 : i32
    %rem3A_110 = arith.remsi %add3A_92, %jit3A_93 : i32
    %ne3A_111 = arith.constant 0 : i32
    %ne3A_112 = arith.cmpi ne, %rem3A_110, %ne3A_111 : i32
    %and3A_113 = arith.andi %ne3A_109, %ne3A_112 : i1
    %sub3A_114 = arith.constant 1 : i32
    %sub3A_115 = arith.subi %div3A_94, %sub3A_114 : i32
    %select_n3A_116 = arith.select %and3A_113, %sub3A_115, %div3A_94 : i32
    %while3A = arith.constant 0 : i32
    %while3A_117 = arith.constant 0 : i32
    %while3A_118 = arith.subi %select_n3A_116, %while3A : i32
    %while3A_119 = arith.addi %while3A, %while3A_118 : i32
    %while3A_120 = arith.constant 1 : i32
    %while3A_121 = arith.divsi %while3A_118, %while3A_120 : i32
    %while3A_122 = arith.muli %while3A_121, %while3A_120 : i32
    %while3A_123 = arith.addi %while3A, %while3A_122 : i32
    %while3A_124 = arith.constant 1 : i32
    %while3A_125 = scf.for %while3A_190 = %while3A to %while3A_123 step %while3A_124 iter_args(%while3A_191 = %while3A_117) -> (i32)  : i32 {
      %mul3A_192 = arith.constant 2 : i32
      %mul3A_193 = arith.muli %mul3A_192, %while3A_190 : i32
      %add3A_194 = arith.constant 1 : i32
      %add3A_195 = arith.addi %mul3A_193, %add3A_194 : i32
      %dma_wait3A_196 = arith.constant 0 : i32
      %dma_wait3A_197 = tpu.memref_slice %arg3[%dma_wait3A_196] : memref<320000xi32, #tpu.memory_space<hbm>> -> memref<128xi32, #tpu.memory_space<hbm>>
      %dma_wait3A_198 = arith.constant 0 : i32
      %dma_wait3A_199 = tpu.memref_slice %arg3[%dma_wait3A_198] : memref<320000xi32, #tpu.memory_space<hbm>> -> memref<128xi32, #tpu.memory_space<hbm>>
      tpu.wait_dma2 semaphore(%arg11 : memref<!tpu.dma_semaphore, #tpu.memory_space<semaphore_mem>>) src(%dma_wait3A_199 : memref<128xi32, #tpu.memory_space<hbm>>) dst(%arg5 : memref<128xi32, #tpu.memory_space<vmem>>)
      %dma_wait3A_200 = arith.constant 0 : i32
      %dma_wait3A_201 = arith.constant 0 : i32
      %dma_wait3A_202 = tpu.memref_slice %arg2[%dma_wait3A_200, %dma_wait3A_201] : memref<320000x128xf32, #tpu.memory_space<hbm>> -> memref<128x128xf32, #tpu.memory_space<hbm>>
      %dma_wait3A_203 = arith.constant 0 : i32
      %dma_wait3A_204 = arith.constant 0 : i32
      %dma_wait3A_205 = tpu.memref_slice %arg2[%dma_wait3A_203, %dma_wait3A_204] : memref<320000x128xf32, #tpu.memory_space<hbm>> -> memref<128x128xf32, #tpu.memory_space<hbm>>
      tpu.wait_dma2 semaphore(%arg11 : memref<!tpu.dma_semaphore, #tpu.memory_space<semaphore_mem>>) src(%dma_wait3A_205 : memref<128x128xf32, #tpu.memory_space<hbm>>) dst(%arg7 : memref<128x128xf32, #tpu.memory_space<vmem>>)
      %dma_start3A_206 = arith.constant 0 : i32
      %dma_start3A_207 = arith.constant 0 : i32
      %dma_start3A_208 = tpu.memref_slice %arg10[%dma_start3A_206, %dma_start3A_207] : memref<10000x128xf32, #tpu.memory_space<vmem_shared>> -> memref<10000x128xf32, #tpu.memory_space<vmem_shared>>
      tpu.enqueue_indirect_dma source(%arg7 : memref<128x128xf32, #tpu.memory_space<vmem>>) target(%dma_start3A_208 : memref<10000x128xf32, #tpu.memory_space<vmem_shared>>) offsets(%arg5 : memref<128xi32, #tpu.memory_space<vmem>>) semaphore(%arg13 : memref<!tpu.dma_semaphore, #tpu.memory_space<semaphore_mem>>) {add = true}
      %add3A_209 = arith.constant 2 : i32
      %add3A_210 = arith.addi %mul3A_193, %add3A_209 : i32
      %lt3A_211 = arith.cmpi slt, %add3A_210, %add3A_18 : i32
      %convert_element_type3A_212 = arith.extui %lt3A_211 : i1 to i32
      %cond3A_213 = arith.constant 0 : i32
      %cond3A_214 = arith.cmpi ne, %convert_element_type3A_212, %cond3A_213 : i32
      scf.if %cond3A_214 {
        %add3A_226 = arith.constant 2 : i32
        %add3A_227 = arith.addi %mul3A_193, %add3A_226 : i32
        %ge3A_228 = arith.constant 2 : i32
        %ge3A_229 = arith.cmpi sge, %add3A_227, %ge3A_228 : i32
        %convert_element_type3A_230 = arith.extui %ge3A_229 : i1 to i32
        %cond3A_231 = arith.constant 0 : i32
        %cond3A_232 = arith.cmpi ne, %convert_element_type3A_230, %cond3A_231 : i32
        scf.if %cond3A_232 {
          %dma_wait3A_244 = arith.constant 0 : i32
          %dma_wait3A_245 = arith.constant 0 : i32
          %dma_wait3A_246 = tpu.memref_slice %arg10[%dma_wait3A_244, %dma_wait3A_245] : memref<10000x128xf32, #tpu.memory_space<vmem_shared>> -> memref<10000x128xf32, #tpu.memory_space<vmem_shared>>
          tpu.wait_indirect_dma semaphore(%arg13 : memref<!tpu.dma_semaphore, #tpu.memory_space<semaphore_mem>>) src(%arg7 : memref<128x128xf32, #tpu.memory_space<vmem>>) dst(%dma_wait3A_246 : memref<10000x128xf32, #tpu.memory_space<vmem_shared>>)
        } else {
        }
        %mul3A_233 = arith.constant 16 : i32
        %mul3A_234 = arith.muli %add3A_227, %mul3A_233 : i32
        %add3A_235 = arith.addi %arg1, %mul3A_234 : i32
        %mul3A_236 = arith.constant 128 : i32
        %mul3A_237 = arith.muli %add3A_235, %mul3A_236 : i32
        %dma_start3A_238 = tpu.memref_slice %arg3[%mul3A_237] : memref<320000xi32, #tpu.memory_space<hbm>> -> memref<128xi32, #tpu.memory_space<hbm>>
        %dma_start3A_239 = tpu.memref_slice %arg3[%mul3A_237] : memref<320000xi32, #tpu.memory_space<hbm>> -> memref<128xi32, #tpu.memory_space<hbm>>
        tpu.enqueue_dma source(%dma_start3A_239 : memref<128xi32, #tpu.memory_space<hbm>>) target(%arg5 : memref<128xi32, #tpu.memory_space<vmem>>) target_semaphore(%arg11 : memref<!tpu.dma_semaphore, #tpu.memory_space<semaphore_mem>>)
        %dma_start3A_240 = arith.constant 0 : i32
        %dma_start3A_241 = tpu.memref_slice %arg2[%mul3A_237, %dma_start3A_240] : memref<320000x128xf32, #tpu.memory_space<hbm>> -> memref<128x128xf32, #tpu.memory_space<hbm>>
        %dma_start3A_242 = arith.constant 0 : i32
        %dma_start3A_243 = tpu.memref_slice %arg2[%mul3A_237, %dma_start3A_242] : memref<320000x128xf32, #tpu.memory_space<hbm>> -> memref<128x128xf32, #tpu.memory_space<hbm>>
        tpu.enqueue_dma source(%dma_start3A_243 : memref<128x128xf32, #tpu.memory_space<hbm>>) target(%arg7 : memref<128x128xf32, #tpu.memory_space<vmem>>) target_semaphore(%arg11 : memref<!tpu.dma_semaphore, #tpu.memory_space<semaphore_mem>>)
      } else {
      }
      %lt3A_215 = arith.cmpi slt, %add3A_195, %add3A_18 : i32
      %convert_element_type3A_216 = arith.extui %lt3A_215 : i1 to i32
      %cond3A_217 = arith.constant 0 : i32
      %cond3A_218 = arith.cmpi ne, %convert_element_type3A_216, %cond3A_217 : i32
      scf.if %cond3A_218 {
        %dma_wait3A_226 = arith.constant 0 : i32
        %dma_wait3A_227 = tpu.memref_slice %arg3[%dma_wait3A_226] : memref<320000xi32, #tpu.memory_space<hbm>> -> memref<128xi32, #tpu.memory_space<hbm>>
        %dma_wait3A_228 = arith.constant 0 : i32
        %dma_wait3A_229 = tpu.memref_slice %arg3[%dma_wait3A_228] : memref<320000xi32, #tpu.memory_space<hbm>> -> memref<128xi32, #tpu.memory_space<hbm>>
        tpu.wait_dma2 semaphore(%arg12 : memref<!tpu.dma_semaphore, #tpu.memory_space<semaphore_mem>>) src(%dma_wait3A_229 : memref<128xi32, #tpu.memory_space<hbm>>) dst(%arg6 : memref<128xi32, #tpu.memory_space<vmem>>)
        %dma_wait3A_230 = arith.constant 0 : i32
        %dma_wait3A_231 = arith.constant 0 : i32
        %dma_wait3A_232 = tpu.memref_slice %arg2[%dma_wait3A_230, %dma_wait3A_231] : memref<320000x128xf32, #tpu.memory_space<hbm>> -> memref<128x128xf32, #tpu.memory_space<hbm>>
        %dma_wait3A_233 = arith.constant 0 : i32
        %dma_wait3A_234 = arith.constant 0 : i32
        %dma_wait3A_235 = tpu.memref_slice %arg2[%dma_wait3A_233, %dma_wait3A_234] : memref<320000x128xf32, #tpu.memory_space<hbm>> -> memref<128x128xf32, #tpu.memory_space<hbm>>
        tpu.wait_dma2 semaphore(%arg12 : memref<!tpu.dma_semaphore, #tpu.memory_space<semaphore_mem>>) src(%dma_wait3A_235 : memref<128x128xf32, #tpu.memory_space<hbm>>) dst(%arg8 : memref<128x128xf32, #tpu.memory_space<vmem>>)
        %dma_start3A_236 = arith.constant 0 : i32
        %dma_start3A_237 = arith.constant 0 : i32
        %dma_start3A_238 = tpu.memref_slice %arg10[%dma_start3A_236, %dma_start3A_237] : memref<10000x128xf32, #tpu.memory_space<vmem_shared>> -> memref<10000x128xf32, #tpu.memory_space<vmem_shared>>
        tpu.enqueue_indirect_dma source(%arg8 : memref<128x128xf32, #tpu.memory_space<vmem>>) target(%dma_start3A_238 : memref<10000x128xf32, #tpu.memory_space<vmem_shared>>) offsets(%arg6 : memref<128xi32, #tpu.memory_space<vmem>>) semaphore(%arg14 : memref<!tpu.dma_semaphore, #tpu.memory_space<semaphore_mem>>) {add = true}
      } else {
      }
      %add3A_219 = arith.constant 2 : i32
      %add3A_220 = arith.addi %add3A_195, %add3A_219 : i32
      %lt3A_221 = arith.cmpi slt, %add3A_220, %add3A_18 : i32
      %convert_element_type3A_222 = arith.extui %lt3A_221 : i1 to i32
      %cond3A_223 = arith.constant 0 : i32
      %cond3A_224 = arith.cmpi ne, %convert_element_type3A_222, %cond3A_223 : i32
      scf.if %cond3A_224 {
        %add3A_226 = arith.constant 2 : i32
        %add3A_227 = arith.addi %add3A_195, %add3A_226 : i32
        %ge3A_228 = arith.constant 2 : i32
        %ge3A_229 = arith.cmpi sge, %add3A_227, %ge3A_228 : i32
        %convert_element_type3A_230 = arith.extui %ge3A_229 : i1 to i32
        %cond3A_231 = arith.constant 0 : i32
        %cond3A_232 = arith.cmpi ne, %convert_element_type3A_230, %cond3A_231 : i32
        scf.if %cond3A_232 {
          %dma_wait3A_244 = arith.constant 0 : i32
          %dma_wait3A_245 = arith.constant 0 : i32
          %dma_wait3A_246 = tpu.memref_slice %arg10[%dma_wait3A_244, %dma_wait3A_245] : memref<10000x128xf32, #tpu.memory_space<vmem_shared>> -> memref<10000x128xf32, #tpu.memory_space<vmem_shared>>
          tpu.wait_indirect_dma semaphore(%arg14 : memref<!tpu.dma_semaphore, #tpu.memory_space<semaphore_mem>>) src(%arg8 : memref<128x128xf32, #tpu.memory_space<vmem>>) dst(%dma_wait3A_246 : memref<10000x128xf32, #tpu.memory_space<vmem_shared>>)
        } else {
        }
        %mul3A_233 = arith.constant 16 : i32
        %mul3A_234 = arith.muli %add3A_227, %mul3A_233 : i32
        %add3A_235 = arith.addi %arg1, %mul3A_234 : i32
        %mul3A_236 = arith.constant 128 : i32
        %mul3A_237 = arith.muli %add3A_235, %mul3A_236 : i32
        %dma_start3A_238 = tpu.memref_slice %arg3[%mul3A_237] : memref<320000xi32, #tpu.memory_space<hbm>> -> memref<128xi32, #tpu.memory_space<hbm>>
        %dma_start3A_239 = tpu.memref_slice %arg3[%mul3A_237] : memref<320000xi32, #tpu.memory_space<hbm>> -> memref<128xi32, #tpu.memory_space<hbm>>
        tpu.enqueue_dma source(%dma_start3A_239 : memref<128xi32, #tpu.memory_space<hbm>>) target(%arg6 : memref<128xi32, #tpu.memory_space<vmem>>) target_semaphore(%arg12 : memref<!tpu.dma_semaphore, #tpu.memory_space<semaphore_mem>>)
        %dma_start3A_240 = arith.constant 0 : i32
        %dma_start3A_241 = tpu.memref_slice %arg2[%mul3A_237, %dma_start3A_240] : memref<320000x128xf32, #tpu.memory_space<hbm>> -> memref<128x128xf32, #tpu.memory_space<hbm>>
        %dma_start3A_242 = arith.constant 0 : i32
        %dma_start3A_243 = tpu.memref_slice %arg2[%mul3A_237, %dma_start3A_242] : memref<320000x128xf32, #tpu.memory_space<hbm>> -> memref<128x128xf32, #tpu.memory_space<hbm>>
        tpu.enqueue_dma source(%dma_start3A_243 : memref<128x128xf32, #tpu.memory_space<hbm>>) target(%arg8 : memref<128x128xf32, #tpu.memory_space<vmem>>) target_semaphore(%arg12 : memref<!tpu.dma_semaphore, #tpu.memory_space<semaphore_mem>>)
      } else {
      }
      %while3A_225 = arith.constant 0 : i32
      scf.yield %while3A_225 : i32
    }
    %while3A_126 = arith.constant 1 : i32
    %while3A_127 = scf.for %while3A_190 = %while3A_123 to %while3A_119 step %while3A_126 iter_args(%while3A_191 = %while3A_125) -> (i32)  : i32 {
      %mul3A_192 = arith.constant 2 : i32
      %mul3A_193 = arith.muli %mul3A_192, %while3A_190 : i32
      %add3A_194 = arith.constant 1 : i32
      %add3A_195 = arith.addi %mul3A_193, %add3A_194 : i32
      %dma_wait3A_196 = arith.constant 0 : i32
      %dma_wait3A_197 = tpu.memref_slice %arg3[%dma_wait3A_196] : memref<320000xi32, #tpu.memory_space<hbm>> -> memref<128xi32, #tpu.memory_space<hbm>>
      %dma_wait3A_198 = arith.constant 0 : i32
      %dma_wait3A_199 = tpu.memref_slice %arg3[%dma_wait3A_198] : memref<320000xi32, #tpu.memory_space<hbm>> -> memref<128xi32, #tpu.memory_space<hbm>>
      tpu.wait_dma2 semaphore(%arg11 : memref<!tpu.dma_semaphore, #tpu.memory_space<semaphore_mem>>) src(%dma_wait3A_199 : memref<128xi32, #tpu.memory_space<hbm>>) dst(%arg5 : memref<128xi32, #tpu.memory_space<vmem>>)
      %dma_wait3A_200 = arith.constant 0 : i32
      %dma_wait3A_201 = arith.constant 0 : i32
      %dma_wait3A_202 = tpu.memref_slice %arg2[%dma_wait3A_200, %dma_wait3A_201] : memref<320000x128xf32, #tpu.memory_space<hbm>> -> memref<128x128xf32, #tpu.memory_space<hbm>>
      %dma_wait3A_203 = arith.constant 0 : i32
      %dma_wait3A_204 = arith.constant 0 : i32
      %dma_wait3A_205 = tpu.memref_slice %arg2[%dma_wait3A_203, %dma_wait3A_204] : memref<320000x128xf32, #tpu.memory_space<hbm>> -> memref<128x128xf32, #tpu.memory_space<hbm>>
      tpu.wait_dma2 semaphore(%arg11 : memref<!tpu.dma_semaphore, #tpu.memory_space<semaphore_mem>>) src(%dma_wait3A_205 : memref<128x128xf32, #tpu.memory_space<hbm>>) dst(%arg7 : memref<128x128xf32, #tpu.memory_space<vmem>>)
      %dma_start3A_206 = arith.constant 0 : i32
      %dma_start3A_207 = arith.constant 0 : i32
      %dma_start3A_208 = tpu.memref_slice %arg10[%dma_start3A_206, %dma_start3A_207] : memref<10000x128xf32, #tpu.memory_space<vmem_shared>> -> memref<10000x128xf32, #tpu.memory_space<vmem_shared>>
      tpu.enqueue_indirect_dma source(%arg7 : memref<128x128xf32, #tpu.memory_space<vmem>>) target(%dma_start3A_208 : memref<10000x128xf32, #tpu.memory_space<vmem_shared>>) offsets(%arg5 : memref<128xi32, #tpu.memory_space<vmem>>) semaphore(%arg13 : memref<!tpu.dma_semaphore, #tpu.memory_space<semaphore_mem>>) {add = true}
      %add3A_209 = arith.constant 2 : i32
      %add3A_210 = arith.addi %mul3A_193, %add3A_209 : i32
      %lt3A_211 = arith.cmpi slt, %add3A_210, %add3A_18 : i32
      %convert_element_type3A_212 = arith.extui %lt3A_211 : i1 to i32
      %cond3A_213 = arith.constant 0 : i32
      %cond3A_214 = arith.cmpi ne, %convert_element_type3A_212, %cond3A_213 : i32
      scf.if %cond3A_214 {
        %add3A_226 = arith.constant 2 : i32
        %add3A_227 = arith.addi %mul3A_193, %add3A_226 : i32
        %ge3A_228 = arith.constant 2 : i32
        %ge3A_229 = arith.cmpi sge, %add3A_227, %ge3A_228 : i32
        %convert_element_type3A_230 = arith.extui %ge3A_229 : i1 to i32
        %cond3A_231 = arith.constant 0 : i32
        %cond3A_232 = arith.cmpi ne, %convert_element_type3A_230, %cond3A_231 : i32
        scf.if %cond3A_232 {
          %dma_wait3A_244 = arith.constant 0 : i32
          %dma_wait3A_245 = arith.constant 0 : i32
          %dma_wait3A_246 = tpu.memref_slice %arg10[%dma_wait3A_244, %dma_wait3A_245] : memref<10000x128xf32, #tpu.memory_space<vmem_shared>> -> memref<10000x128xf32, #tpu.memory_space<vmem_shared>>
          tpu.wait_indirect_dma semaphore(%arg13 : memref<!tpu.dma_semaphore, #tpu.memory_space<semaphore_mem>>) src(%arg7 : memref<128x128xf32, #tpu.memory_space<vmem>>) dst(%dma_wait3A_246 : memref<10000x128xf32, #tpu.memory_space<vmem_shared>>)
        } else {
        }
        %mul3A_233 = arith.constant 16 : i32
        %mul3A_234 = arith.muli %add3A_227, %mul3A_233 : i32
        %add3A_235 = arith.addi %arg1, %mul3A_234 : i32
        %mul3A_236 = arith.constant 128 : i32
        %mul3A_237 = arith.muli %add3A_235, %mul3A_236 : i32
        %dma_start3A_238 = tpu.memref_slice %arg3[%mul3A_237] : memref<320000xi32, #tpu.memory_space<hbm>> -> memref<128xi32, #tpu.memory_space<hbm>>
        %dma_start3A_239 = tpu.memref_slice %arg3[%mul3A_237] : memref<320000xi32, #tpu.memory_space<hbm>> -> memref<128xi32, #tpu.memory_space<hbm>>
        tpu.enqueue_dma source(%dma_start3A_239 : memref<128xi32, #tpu.memory_space<hbm>>) target(%arg5 : memref<128xi32, #tpu.memory_space<vmem>>) target_semaphore(%arg11 : memref<!tpu.dma_semaphore, #tpu.memory_space<semaphore_mem>>)
        %dma_start3A_240 = arith.constant 0 : i32
        %dma_start3A_241 = tpu.memref_slice %arg2[%mul3A_237, %dma_start3A_240] : memref<320000x128xf32, #tpu.memory_space<hbm>> -> memref<128x128xf32, #tpu.memory_space<hbm>>
        %dma_start3A_242 = arith.constant 0 : i32
        %dma_start3A_243 = tpu.memref_slice %arg2[%mul3A_237, %dma_start3A_242] : memref<320000x128xf32, #tpu.memory_space<hbm>> -> memref<128x128xf32, #tpu.memory_space<hbm>>
        tpu.enqueue_dma source(%dma_start3A_243 : memref<128x128xf32, #tpu.memory_space<hbm>>) target(%arg7 : memref<128x128xf32, #tpu.memory_space<vmem>>) target_semaphore(%arg11 : memref<!tpu.dma_semaphore, #tpu.memory_space<semaphore_mem>>)
      } else {
      }
      %lt3A_215 = arith.cmpi slt, %add3A_195, %add3A_18 : i32
      %convert_element_type3A_216 = arith.extui %lt3A_215 : i1 to i32
      %cond3A_217 = arith.constant 0 : i32
      %cond3A_218 = arith.cmpi ne, %convert_element_type3A_216, %cond3A_217 : i32
      scf.if %cond3A_218 {
        %dma_wait3A_226 = arith.constant 0 : i32
        %dma_wait3A_227 = tpu.memref_slice %arg3[%dma_wait3A_226] : memref<320000xi32, #tpu.memory_space<hbm>> -> memref<128xi32, #tpu.memory_space<hbm>>
        %dma_wait3A_228 = arith.constant 0 : i32
        %dma_wait3A_229 = tpu.memref_slice %arg3[%dma_wait3A_228] : memref<320000xi32, #tpu.memory_space<hbm>> -> memref<128xi32, #tpu.memory_space<hbm>>
        tpu.wait_dma2 semaphore(%arg12 : memref<!tpu.dma_semaphore, #tpu.memory_space<semaphore_mem>>) src(%dma_wait3A_229 : memref<128xi32, #tpu.memory_space<hbm>>) dst(%arg6 : memref<128xi32, #tpu.memory_space<vmem>>)
        %dma_wait3A_230 = arith.constant 0 : i32
        %dma_wait3A_231 = arith.constant 0 : i32
        %dma_wait3A_232 = tpu.memref_slice %arg2[%dma_wait3A_230, %dma_wait3A_231] : memref<320000x128xf32, #tpu.memory_space<hbm>> -> memref<128x128xf32, #tpu.memory_space<hbm>>
        %dma_wait3A_233 = arith.constant 0 : i32
        %dma_wait3A_234 = arith.constant 0 : i32
        %dma_wait3A_235 = tpu.memref_slice %arg2[%dma_wait3A_233, %dma_wait3A_234] : memref<320000x128xf32, #tpu.memory_space<hbm>> -> memref<128x128xf32, #tpu.memory_space<hbm>>
        tpu.wait_dma2 semaphore(%arg12 : memref<!tpu.dma_semaphore, #tpu.memory_space<semaphore_mem>>) src(%dma_wait3A_235 : memref<128x128xf32, #tpu.memory_space<hbm>>) dst(%arg8 : memref<128x128xf32, #tpu.memory_space<vmem>>)
        %dma_start3A_236 = arith.constant 0 : i32
        %dma_start3A_237 = arith.constant 0 : i32
        %dma_start3A_238 = tpu.memref_slice %arg10[%dma_start3A_236, %dma_start3A_237] : memref<10000x128xf32, #tpu.memory_space<vmem_shared>> -> memref<10000x128xf32, #tpu.memory_space<vmem_shared>>
        tpu.enqueue_indirect_dma source(%arg8 : memref<128x128xf32, #tpu.memory_space<vmem>>) target(%dma_start3A_238 : memref<10000x128xf32, #tpu.memory_space<vmem_shared>>) offsets(%arg6 : memref<128xi32, #tpu.memory_space<vmem>>) semaphore(%arg14 : memref<!tpu.dma_semaphore, #tpu.memory_space<semaphore_mem>>) {add = true}
      } else {
      }
      %add3A_219 = arith.constant 2 : i32
      %add3A_220 = arith.addi %add3A_195, %add3A_219 : i32
      %lt3A_221 = arith.cmpi slt, %add3A_220, %add3A_18 : i32
      %convert_element_type3A_222 = arith.extui %lt3A_221 : i1 to i32
      %cond3A_223 = arith.constant 0 : i32
      %cond3A_224 = arith.cmpi ne, %convert_element_type3A_222, %cond3A_223 : i32
      scf.if %cond3A_224 {
        %add3A_226 = arith.constant 2 : i32
        %add3A_227 = arith.addi %add3A_195, %add3A_226 : i32
        %ge3A_228 = arith.constant 2 : i32
        %ge3A_229 = arith.cmpi sge, %add3A_227, %ge3A_228 : i32
        %convert_element_type3A_230 = arith.extui %ge3A_229 : i1 to i32
        %cond3A_231 = arith.constant 0 : i32
        %cond3A_232 = arith.cmpi ne, %convert_element_type3A_230, %cond3A_231 : i32
        scf.if %cond3A_232 {
          %dma_wait3A_244 = arith.constant 0 : i32
          %dma_wait3A_245 = arith.constant 0 : i32
          %dma_wait3A_246 = tpu.memref_slice %arg10[%dma_wait3A_244, %dma_wait3A_245] : memref<10000x128xf32, #tpu.memory_space<vmem_shared>> -> memref<10000x128xf32, #tpu.memory_space<vmem_shared>>
          tpu.wait_indirect_dma semaphore(%arg14 : memref<!tpu.dma_semaphore, #tpu.memory_space<semaphore_mem>>) src(%arg8 : memref<128x128xf32, #tpu.memory_space<vmem>>) dst(%dma_wait3A_246 : memref<10000x128xf32, #tpu.memory_space<vmem_shared>>)
        } else {
        }
        %mul3A_233 = arith.constant 16 : i32
        %mul3A_234 = arith.muli %add3A_227, %mul3A_233 : i32
        %add3A_235 = arith.addi %arg1, %mul3A_234 : i32
        %mul3A_236 = arith.constant 128 : i32
        %mul3A_237 = arith.muli %add3A_235, %mul3A_236 : i32
        %dma_start3A_238 = tpu.memref_slice %arg3[%mul3A_237] : memref<320000xi32, #tpu.memory_space<hbm>> -> memref<128xi32, #tpu.memory_space<hbm>>
        %dma_start3A_239 = tpu.memref_slice %arg3[%mul3A_237] : memref<320000xi32, #tpu.memory_space<hbm>> -> memref<128xi32, #tpu.memory_space<hbm>>
        tpu.enqueue_dma source(%dma_start3A_239 : memref<128xi32, #tpu.memory_space<hbm>>) target(%arg6 : memref<128xi32, #tpu.memory_space<vmem>>) target_semaphore(%arg12 : memref<!tpu.dma_semaphore, #tpu.memory_space<semaphore_mem>>)
        %dma_start3A_240 = arith.constant 0 : i32
        %dma_start3A_241 = tpu.memref_slice %arg2[%mul3A_237, %dma_start3A_240] : memref<320000x128xf32, #tpu.memory_space<hbm>> -> memref<128x128xf32, #tpu.memory_space<hbm>>
        %dma_start3A_242 = arith.constant 0 : i32
        %dma_start3A_243 = tpu.memref_slice %arg2[%mul3A_237, %dma_start3A_242] : memref<320000x128xf32, #tpu.memory_space<hbm>> -> memref<128x128xf32, #tpu.memory_space<hbm>>
        tpu.enqueue_dma source(%dma_start3A_243 : memref<128x128xf32, #tpu.memory_space<hbm>>) target(%arg8 : memref<128x128xf32, #tpu.memory_space<vmem>>) target_semaphore(%arg12 : memref<!tpu.dma_semaphore, #tpu.memory_space<semaphore_mem>>)
      } else {
      }
      %while3A_225 = arith.constant 0 : i32
      scf.yield %while3A_225 : i32
    }
    %dma_wait3A = arith.constant 0 : i32
    %dma_wait3A_128 = arith.constant 0 : i32
    %dma_wait3A_129 = tpu.memref_slice %arg10[%dma_wait3A, %dma_wait3A_128] : memref<10000x128xf32, #tpu.memory_space<vmem_shared>> -> memref<10000x128xf32, #tpu.memory_space<vmem_shared>>
    tpu.wait_indirect_dma semaphore(%arg13 : memref<!tpu.dma_semaphore, #tpu.memory_space<semaphore_mem>>) src(%arg7 : memref<128x128xf32, #tpu.memory_space<vmem>>) dst(%dma_wait3A_129 : memref<10000x128xf32, #tpu.memory_space<vmem_shared>>)
    %dma_wait3A_130 = arith.constant 0 : i32
    %dma_wait3A_131 = arith.constant 0 : i32
    %dma_wait3A_132 = tpu.memref_slice %arg10[%dma_wait3A_130, %dma_wait3A_131] : memref<10000x128xf32, #tpu.memory_space<vmem_shared>> -> memref<10000x128xf32, #tpu.memory_space<vmem_shared>>
    tpu.wait_indirect_dma semaphore(%arg14 : memref<!tpu.dma_semaphore, #tpu.memory_space<semaphore_mem>>) src(%arg8 : memref<128x128xf32, #tpu.memory_space<vmem>>) dst(%dma_wait3A_132 : memref<10000x128xf32, #tpu.memory_space<vmem_shared>>)
    %barrier3A_133 = arith.constant 0 : index
    tpu.barrier barrier_id(%barrier3A_133)
    %add3A_134 = arith.constant 0 : i32
    %add3A_135 = arith.addi %arg1, %add3A_134 : i32
    %lt3A_136 = arith.constant 125 : i32
    %lt3A_137 = arith.cmpi slt, %add3A_135, %lt3A_136 : i32
    %convert_element_type3A_138 = arith.extui %lt3A_137 : i1 to i32
    %cond3A_139 = arith.constant 0 : i32
    %cond3A_140 = arith.cmpi ne, %convert_element_type3A_138, %cond3A_139 : i32
    scf.if %cond3A_140 {
      %mul3A_190 = arith.constant 80 : i32
      %mul3A_191 = arith.muli %add3A_135, %mul3A_190 : i32
      %mul3A_192 = arith.constant 80 : i32
      %mul3A_193 = arith.muli %add3A_135, %mul3A_192 : i32
      "tpu.region"() ({
        %run_scoped3A = tpu.sem_alloc : memref<!tpu.dma_semaphore, #tpu.memory_space<semaphore_mem>>
        %dma_start3A_194 = arith.constant 0 : i32
        %dma_start3A_195 = tpu.memref_slice %arg4[%mul3A_193, %dma_start3A_194] : memref<10000x128xf32, #tpu.memory_space<hbm>> -> memref<80x128xf32, #tpu.memory_space<hbm>>
        %dma_start3A_196 = arith.constant 0 : i32
        %dma_start3A_197 = tpu.memref_slice %arg10[%mul3A_191, %dma_start3A_196] : memref<10000x128xf32, #tpu.memory_space<vmem_shared>> -> memref<80x128xf32, #tpu.memory_space<vmem_shared>>
        tpu.enqueue_dma source(%dma_start3A_197 : memref<80x128xf32, #tpu.memory_space<vmem_shared>>) target(%dma_start3A_195 : memref<80x128xf32, #tpu.memory_space<hbm>>) target_semaphore(%run_scoped3A : memref<!tpu.dma_semaphore, #tpu.memory_space<semaphore_mem>>)
        %dma_wait3A_198 = arith.constant 0 : i32
        %dma_wait3A_199 = tpu.memref_slice %arg4[%mul3A_193, %dma_wait3A_198] : memref<10000x128xf32, #tpu.memory_space<hbm>> -> memref<80x128xf32, #tpu.memory_space<hbm>>
        %dma_wait3A_200 = arith.constant 0 : i32
        %dma_wait3A_201 = tpu.memref_slice %arg10[%mul3A_191, %dma_wait3A_200] : memref<10000x128xf32, #tpu.memory_space<vmem_shared>> -> memref<80x128xf32, #tpu.memory_space<vmem_shared>>
        tpu.wait_dma2 semaphore(%run_scoped3A : memref<!tpu.dma_semaphore, #tpu.memory_space<semaphore_mem>>) src(%dma_wait3A_201 : memref<80x128xf32, #tpu.memory_space<vmem_shared>>) dst(%dma_wait3A_199 : memref<80x128xf32, #tpu.memory_space<hbm>>)
        tpu.yield
      }) : () -> ()
    } else {
    }
    %add3A_141 = arith.constant 16 : i32
    %add3A_142 = arith.addi %arg1, %add3A_141 : i32
    %lt3A_143 = arith.constant 125 : i32
    %lt3A_144 = arith.cmpi slt, %add3A_142, %lt3A_143 : i32
    %convert_element_type3A_145 = arith.extui %lt3A_144 : i1 to i32
    %cond3A_146 = arith.constant 0 : i32
    %cond3A_147 = arith.cmpi ne, %convert_element_type3A_145, %cond3A_146 : i32
    scf.if %cond3A_147 {
      %mul3A_190 = arith.constant 80 : i32
      %mul3A_191 = arith.muli %add3A_142, %mul3A_190 : i32
      %mul3A_192 = arith.constant 80 : i32
      %mul3A_193 = arith.muli %add3A_142, %mul3A_192 : i32
      "tpu.region"() ({
        %run_scoped3A = tpu.sem_alloc : memref<!tpu.dma_semaphore, #tpu.memory_space<semaphore_mem>>
        %dma_start3A_194 = arith.constant 0 : i32
        %dma_start3A_195 = tpu.memref_slice %arg4[%mul3A_193, %dma_start3A_194] : memref<10000x128xf32, #tpu.memory_space<hbm>> -> memref<80x128xf32, #tpu.memory_space<hbm>>
        %dma_start3A_196 = arith.constant 0 : i32
        %dma_start3A_197 = tpu.memref_slice %arg10[%mul3A_191, %dma_start3A_196] : memref<10000x128xf32, #tpu.memory_space<vmem_shared>> -> memref<80x128xf32, #tpu.memory_space<vmem_shared>>
        tpu.enqueue_dma source(%dma_start3A_197 : memref<80x128xf32, #tpu.memory_space<vmem_shared>>) target(%dma_start3A_195 : memref<80x128xf32, #tpu.memory_space<hbm>>) target_semaphore(%run_scoped3A : memref<!tpu.dma_semaphore, #tpu.memory_space<semaphore_mem>>)
        %dma_wait3A_198 = arith.constant 0 : i32
        %dma_wait3A_199 = tpu.memref_slice %arg4[%mul3A_193, %dma_wait3A_198] : memref<10000x128xf32, #tpu.memory_space<hbm>> -> memref<80x128xf32, #tpu.memory_space<hbm>>
        %dma_wait3A_200 = arith.constant 0 : i32
        %dma_wait3A_201 = tpu.memref_slice %arg10[%mul3A_191, %dma_wait3A_200] : memref<10000x128xf32, #tpu.memory_space<vmem_shared>> -> memref<80x128xf32, #tpu.memory_space<vmem_shared>>
        tpu.wait_dma2 semaphore(%run_scoped3A : memref<!tpu.dma_semaphore, #tpu.memory_space<semaphore_mem>>) src(%dma_wait3A_201 : memref<80x128xf32, #tpu.memory_space<vmem_shared>>) dst(%dma_wait3A_199 : memref<80x128xf32, #tpu.memory_space<hbm>>)
        tpu.yield
      }) : () -> ()
    } else {
    }
    %add3A_148 = arith.constant 32 : i32
    %add3A_149 = arith.addi %arg1, %add3A_148 : i32
    %lt3A_150 = arith.constant 125 : i32
    %lt3A_151 = arith.cmpi slt, %add3A_149, %lt3A_150 : i32
    %convert_element_type3A_152 = arith.extui %lt3A_151 : i1 to i32
    %cond3A_153 = arith.constant 0 : i32
    %cond3A_154 = arith.cmpi ne, %convert_element_type3A_152, %cond3A_153 : i32
    scf.if %cond3A_154 {
      %mul3A_190 = arith.constant 80 : i32
      %mul3A_191 = arith.muli %add3A_149, %mul3A_190 : i32
      %mul3A_192 = arith.constant 80 : i32
      %mul3A_193 = arith.muli %add3A_149, %mul3A_192 : i32
      "tpu.region"() ({
        %run_scoped3A = tpu.sem_alloc : memref<!tpu.dma_semaphore, #tpu.memory_space<semaphore_mem>>
        %dma_start3A_194 = arith.constant 0 : i32
        %dma_start3A_195 = tpu.memref_slice %arg4[%mul3A_193, %dma_start3A_194] : memref<10000x128xf32, #tpu.memory_space<hbm>> -> memref<80x128xf32, #tpu.memory_space<hbm>>
        %dma_start3A_196 = arith.constant 0 : i32
        %dma_start3A_197 = tpu.memref_slice %arg10[%mul3A_191, %dma_start3A_196] : memref<10000x128xf32, #tpu.memory_space<vmem_shared>> -> memref<80x128xf32, #tpu.memory_space<vmem_shared>>
        tpu.enqueue_dma source(%dma_start3A_197 : memref<80x128xf32, #tpu.memory_space<vmem_shared>>) target(%dma_start3A_195 : memref<80x128xf32, #tpu.memory_space<hbm>>) target_semaphore(%run_scoped3A : memref<!tpu.dma_semaphore, #tpu.memory_space<semaphore_mem>>)
        %dma_wait3A_198 = arith.constant 0 : i32
        %dma_wait3A_199 = tpu.memref_slice %arg4[%mul3A_193, %dma_wait3A_198] : memref<10000x128xf32, #tpu.memory_space<hbm>> -> memref<80x128xf32, #tpu.memory_space<hbm>>
        %dma_wait3A_200 = arith.constant 0 : i32
        %dma_wait3A_201 = tpu.memref_slice %arg10[%mul3A_191, %dma_wait3A_200] : memref<10000x128xf32, #tpu.memory_space<vmem_shared>> -> memref<80x128xf32, #tpu.memory_space<vmem_shared>>
        tpu.wait_dma2 semaphore(%run_scoped3A : memref<!tpu.dma_semaphore, #tpu.memory_space<semaphore_mem>>) src(%dma_wait3A_201 : memref<80x128xf32, #tpu.memory_space<vmem_shared>>) dst(%dma_wait3A_199 : memref<80x128xf32, #tpu.memory_space<hbm>>)
        tpu.yield
      }) : () -> ()
    } else {
    }
    %add3A_155 = arith.constant 48 : i32
    %add3A_156 = arith.addi %arg1, %add3A_155 : i32
    %lt3A_157 = arith.constant 125 : i32
    %lt3A_158 = arith.cmpi slt, %add3A_156, %lt3A_157 : i32
    %convert_element_type3A_159 = arith.extui %lt3A_158 : i1 to i32
    %cond3A_160 = arith.constant 0 : i32
    %cond3A_161 = arith.cmpi ne, %convert_element_type3A_159, %cond3A_160 : i32
    scf.if %cond3A_161 {
      %mul3A_190 = arith.constant 80 : i32
      %mul3A_191 = arith.muli %add3A_156, %mul3A_190 : i32
      %mul3A_192 = arith.constant 80 : i32
      %mul3A_193 = arith.muli %add3A_156, %mul3A_192 : i32
      "tpu.region"() ({
        %run_scoped3A = tpu.sem_alloc : memref<!tpu.dma_semaphore, #tpu.memory_space<semaphore_mem>>
        %dma_start3A_194 = arith.constant 0 : i32
        %dma_start3A_195 = tpu.memref_slice %arg4[%mul3A_193, %dma_start3A_194] : memref<10000x128xf32, #tpu.memory_space<hbm>> -> memref<80x128xf32, #tpu.memory_space<hbm>>
        %dma_start3A_196 = arith.constant 0 : i32
        %dma_start3A_197 = tpu.memref_slice %arg10[%mul3A_191, %dma_start3A_196] : memref<10000x128xf32, #tpu.memory_space<vmem_shared>> -> memref<80x128xf32, #tpu.memory_space<vmem_shared>>
        tpu.enqueue_dma source(%dma_start3A_197 : memref<80x128xf32, #tpu.memory_space<vmem_shared>>) target(%dma_start3A_195 : memref<80x128xf32, #tpu.memory_space<hbm>>) target_semaphore(%run_scoped3A : memref<!tpu.dma_semaphore, #tpu.memory_space<semaphore_mem>>)
        %dma_wait3A_198 = arith.constant 0 : i32
        %dma_wait3A_199 = tpu.memref_slice %arg4[%mul3A_193, %dma_wait3A_198] : memref<10000x128xf32, #tpu.memory_space<hbm>> -> memref<80x128xf32, #tpu.memory_space<hbm>>
        %dma_wait3A_200 = arith.constant 0 : i32
        %dma_wait3A_201 = tpu.memref_slice %arg10[%mul3A_191, %dma_wait3A_200] : memref<10000x128xf32, #tpu.memory_space<vmem_shared>> -> memref<80x128xf32, #tpu.memory_space<vmem_shared>>
        tpu.wait_dma2 semaphore(%run_scoped3A : memref<!tpu.dma_semaphore, #tpu.memory_space<semaphore_mem>>) src(%dma_wait3A_201 : memref<80x128xf32, #tpu.memory_space<vmem_shared>>) dst(%dma_wait3A_199 : memref<80x128xf32, #tpu.memory_space<hbm>>)
        tpu.yield
      }) : () -> ()
    } else {
    }
    %add3A_162 = arith.constant 64 : i32
    %add3A_163 = arith.addi %arg1, %add3A_162 : i32
    %lt3A_164 = arith.constant 125 : i32
    %lt3A_165 = arith.cmpi slt, %add3A_163, %lt3A_164 : i32
    %convert_element_type3A_166 = arith.extui %lt3A_165 : i1 to i32
    %cond3A_167 = arith.constant 0 : i32
    %cond3A_168 = arith.cmpi ne, %convert_element_type3A_166, %cond3A_167 : i32
    scf.if %cond3A_168 {
      %mul3A_190 = arith.constant 80 : i32
      %mul3A_191 = arith.muli %add3A_163, %mul3A_190 : i32
      %mul3A_192 = arith.constant 80 : i32
      %mul3A_193 = arith.muli %add3A_163, %mul3A_192 : i32
      "tpu.region"() ({
        %run_scoped3A = tpu.sem_alloc : memref<!tpu.dma_semaphore, #tpu.memory_space<semaphore_mem>>
        %dma_start3A_194 = arith.constant 0 : i32
        %dma_start3A_195 = tpu.memref_slice %arg4[%mul3A_193, %dma_start3A_194] : memref<10000x128xf32, #tpu.memory_space<hbm>> -> memref<80x128xf32, #tpu.memory_space<hbm>>
        %dma_start3A_196 = arith.constant 0 : i32
        %dma_start3A_197 = tpu.memref_slice %arg10[%mul3A_191, %dma_start3A_196] : memref<10000x128xf32, #tpu.memory_space<vmem_shared>> -> memref<80x128xf32, #tpu.memory_space<vmem_shared>>
        tpu.enqueue_dma source(%dma_start3A_197 : memref<80x128xf32, #tpu.memory_space<vmem_shared>>) target(%dma_start3A_195 : memref<80x128xf32, #tpu.memory_space<hbm>>) target_semaphore(%run_scoped3A : memref<!tpu.dma_semaphore, #tpu.memory_space<semaphore_mem>>)
        %dma_wait3A_198 = arith.constant 0 : i32
        %dma_wait3A_199 = tpu.memref_slice %arg4[%mul3A_193, %dma_wait3A_198] : memref<10000x128xf32, #tpu.memory_space<hbm>> -> memref<80x128xf32, #tpu.memory_space<hbm>>
        %dma_wait3A_200 = arith.constant 0 : i32
        %dma_wait3A_201 = tpu.memref_slice %arg10[%mul3A_191, %dma_wait3A_200] : memref<10000x128xf32, #tpu.memory_space<vmem_shared>> -> memref<80x128xf32, #tpu.memory_space<vmem_shared>>
        tpu.wait_dma2 semaphore(%run_scoped3A : memref<!tpu.dma_semaphore, #tpu.memory_space<semaphore_mem>>) src(%dma_wait3A_201 : memref<80x128xf32, #tpu.memory_space<vmem_shared>>) dst(%dma_wait3A_199 : memref<80x128xf32, #tpu.memory_space<hbm>>)
        tpu.yield
      }) : () -> ()
    } else {
    }
    %add3A_169 = arith.constant 80 : i32
    %add3A_170 = arith.addi %arg1, %add3A_169 : i32
    %lt3A_171 = arith.constant 125 : i32
    %lt3A_172 = arith.cmpi slt, %add3A_170, %lt3A_171 : i32
    %convert_element_type3A_173 = arith.extui %lt3A_172 : i1 to i32
    %cond3A_174 = arith.constant 0 : i32
    %cond3A_175 = arith.cmpi ne, %convert_element_type3A_173, %cond3A_174 : i32
    scf.if %cond3A_175 {
      %mul3A_190 = arith.constant 80 : i32
      %mul3A_191 = arith.muli %add3A_170, %mul3A_190 : i32
      %mul3A_192 = arith.constant 80 : i32
      %mul3A_193 = arith.muli %add3A_170, %mul3A_192 : i32
      "tpu.region"() ({
        %run_scoped3A = tpu.sem_alloc : memref<!tpu.dma_semaphore, #tpu.memory_space<semaphore_mem>>
        %dma_start3A_194 = arith.constant 0 : i32
        %dma_start3A_195 = tpu.memref_slice %arg4[%mul3A_193, %dma_start3A_194] : memref<10000x128xf32, #tpu.memory_space<hbm>> -> memref<80x128xf32, #tpu.memory_space<hbm>>
        %dma_start3A_196 = arith.constant 0 : i32
        %dma_start3A_197 = tpu.memref_slice %arg10[%mul3A_191, %dma_start3A_196] : memref<10000x128xf32, #tpu.memory_space<vmem_shared>> -> memref<80x128xf32, #tpu.memory_space<vmem_shared>>
        tpu.enqueue_dma source(%dma_start3A_197 : memref<80x128xf32, #tpu.memory_space<vmem_shared>>) target(%dma_start3A_195 : memref<80x128xf32, #tpu.memory_space<hbm>>) target_semaphore(%run_scoped3A : memref<!tpu.dma_semaphore, #tpu.memory_space<semaphore_mem>>)
        %dma_wait3A_198 = arith.constant 0 : i32
        %dma_wait3A_199 = tpu.memref_slice %arg4[%mul3A_193, %dma_wait3A_198] : memref<10000x128xf32, #tpu.memory_space<hbm>> -> memref<80x128xf32, #tpu.memory_space<hbm>>
        %dma_wait3A_200 = arith.constant 0 : i32
        %dma_wait3A_201 = tpu.memref_slice %arg10[%mul3A_191, %dma_wait3A_200] : memref<10000x128xf32, #tpu.memory_space<vmem_shared>> -> memref<80x128xf32, #tpu.memory_space<vmem_shared>>
        tpu.wait_dma2 semaphore(%run_scoped3A : memref<!tpu.dma_semaphore, #tpu.memory_space<semaphore_mem>>) src(%dma_wait3A_201 : memref<80x128xf32, #tpu.memory_space<vmem_shared>>) dst(%dma_wait3A_199 : memref<80x128xf32, #tpu.memory_space<hbm>>)
        tpu.yield
      }) : () -> ()
    } else {
    }
    %add3A_176 = arith.constant 96 : i32
    %add3A_177 = arith.addi %arg1, %add3A_176 : i32
    %lt3A_178 = arith.constant 125 : i32
    %lt3A_179 = arith.cmpi slt, %add3A_177, %lt3A_178 : i32
    %convert_element_type3A_180 = arith.extui %lt3A_179 : i1 to i32
    %cond3A_181 = arith.constant 0 : i32
    %cond3A_182 = arith.cmpi ne, %convert_element_type3A_180, %cond3A_181 : i32
    scf.if %cond3A_182 {
      %mul3A_190 = arith.constant 80 : i32
      %mul3A_191 = arith.muli %add3A_177, %mul3A_190 : i32
      %mul3A_192 = arith.constant 80 : i32
      %mul3A_193 = arith.muli %add3A_177, %mul3A_192 : i32
      "tpu.region"() ({
        %run_scoped3A = tpu.sem_alloc : memref<!tpu.dma_semaphore, #tpu.memory_space<semaphore_mem>>
        %dma_start3A_194 = arith.constant 0 : i32
        %dma_start3A_195 = tpu.memref_slice %arg4[%mul3A_193, %dma_start3A_194] : memref<10000x128xf32, #tpu.memory_space<hbm>> -> memref<80x128xf32, #tpu.memory_space<hbm>>
        %dma_start3A_196 = arith.constant 0 : i32
        %dma_start3A_197 = tpu.memref_slice %arg10[%mul3A_191, %dma_start3A_196] : memref<10000x128xf32, #tpu.memory_space<vmem_shared>> -> memref<80x128xf32, #tpu.memory_space<vmem_shared>>
        tpu.enqueue_dma source(%dma_start3A_197 : memref<80x128xf32, #tpu.memory_space<vmem_shared>>) target(%dma_start3A_195 : memref<80x128xf32, #tpu.memory_space<hbm>>) target_semaphore(%run_scoped3A : memref<!tpu.dma_semaphore, #tpu.memory_space<semaphore_mem>>)
        %dma_wait3A_198 = arith.constant 0 : i32
        %dma_wait3A_199 = tpu.memref_slice %arg4[%mul3A_193, %dma_wait3A_198] : memref<10000x128xf32, #tpu.memory_space<hbm>> -> memref<80x128xf32, #tpu.memory_space<hbm>>
        %dma_wait3A_200 = arith.constant 0 : i32
        %dma_wait3A_201 = tpu.memref_slice %arg10[%mul3A_191, %dma_wait3A_200] : memref<10000x128xf32, #tpu.memory_space<vmem_shared>> -> memref<80x128xf32, #tpu.memory_space<vmem_shared>>
        tpu.wait_dma2 semaphore(%run_scoped3A : memref<!tpu.dma_semaphore, #tpu.memory_space<semaphore_mem>>) src(%dma_wait3A_201 : memref<80x128xf32, #tpu.memory_space<vmem_shared>>) dst(%dma_wait3A_199 : memref<80x128xf32, #tpu.memory_space<hbm>>)
        tpu.yield
      }) : () -> ()
    } else {
    }
    %add3A_183 = arith.constant 112 : i32
    %add3A_184 = arith.addi %arg1, %add3A_183 : i32
    %lt3A_185 = arith.constant 125 : i32
    %lt3A_186 = arith.cmpi slt, %add3A_184, %lt3A_185 : i32
    %convert_element_type3A_187 = arith.extui %lt3A_186 : i1 to i32
    %cond3A_188 = arith.constant 0 : i32
    %cond3A_189 = arith.cmpi ne, %convert_element_type3A_187, %cond3A_188 : i32
    scf.if %cond3A_189 {
      %mul3A_190 = arith.constant 80 : i32
      %mul3A_191 = arith.muli %add3A_184, %mul3A_190 : i32
      %mul3A_192 = arith.constant 80 : i32
      %mul3A_193 = arith.muli %add3A_184, %mul3A_192 : i32
      "tpu.region"() ({
        %run_scoped3A = tpu.sem_alloc : memref<!tpu.dma_semaphore, #tpu.memory_space<semaphore_mem>>
        %dma_start3A_194 = arith.constant 0 : i32
        %dma_start3A_195 = tpu.memref_slice %arg4[%mul3A_193, %dma_start3A_194] : memref<10000x128xf32, #tpu.memory_space<hbm>> -> memref<80x128xf32, #tpu.memory_space<hbm>>
        %dma_start3A_196 = arith.constant 0 : i32
        %dma_start3A_197 = tpu.memref_slice %arg10[%mul3A_191, %dma_start3A_196] : memref<10000x128xf32, #tpu.memory_space<vmem_shared>> -> memref<80x128xf32, #tpu.memory_space<vmem_shared>>
        tpu.enqueue_dma source(%dma_start3A_197 : memref<80x128xf32, #tpu.memory_space<vmem_shared>>) target(%dma_start3A_195 : memref<80x128xf32, #tpu.memory_space<hbm>>) target_semaphore(%run_scoped3A : memref<!tpu.dma_semaphore, #tpu.memory_space<semaphore_mem>>)
        %dma_wait3A_198 = arith.constant 0 : i32
        %dma_wait3A_199 = tpu.memref_slice %arg4[%mul3A_193, %dma_wait3A_198] : memref<10000x128xf32, #tpu.memory_space<hbm>> -> memref<80x128xf32, #tpu.memory_space<hbm>>
        %dma_wait3A_200 = arith.constant 0 : i32
        %dma_wait3A_201 = tpu.memref_slice %arg10[%mul3A_191, %dma_wait3A_200] : memref<10000x128xf32, #tpu.memory_space<vmem_shared>> -> memref<80x128xf32, #tpu.memory_space<vmem_shared>>
        tpu.wait_dma2 semaphore(%run_scoped3A : memref<!tpu.dma_semaphore, #tpu.memory_space<semaphore_mem>>) src(%dma_wait3A_201 : memref<80x128xf32, #tpu.memory_space<vmem_shared>>) dst(%dma_wait3A_199 : memref<80x128xf32, #tpu.memory_space<hbm>>)
        tpu.yield
      }) : () -> ()
    } else {
    }
    return
  }
}

#map = affine_map<(d0, d1) -> (0, 0)>
#map1 = affine_map<(d0, d1) -> (0)>
module attributes {stable_mosaic.version = 14 : i64} {
  func.func @_scatter_ext_body(%arg0: i32, %arg1: i32, %arg2: memref<320000x16xf32, #tpu.memory_space<hbm>>, %arg3: memref<320000xi32, #tpu.memory_space<hbm>>, %arg4: memref<10000x16xf32, #tpu.memory_space<hbm>>, %arg5: memref<128xi32, #tpu.memory_space<vmem>>, %arg6: memref<128xi32, #tpu.memory_space<vmem>>, %arg7: memref<128x16xf32, #tpu.memory_space<vmem>>, %arg8: memref<128x16xf32, #tpu.memory_space<vmem>>, %arg9: memref<80x16xf32, #tpu.memory_space<vmem>>, %arg10: memref<10000x16xf32, #tpu.memory_space<vmem_shared>>, %arg11: memref<!tpu.dma_semaphore, #tpu.memory_space<semaphore_mem>>, %arg12: memref<!tpu.dma_semaphore, #tpu.memory_space<semaphore_mem>>, %arg13: memref<!tpu.dma_semaphore, #tpu.memory_space<semaphore_mem>>, %arg14: memref<!tpu.dma_semaphore, #tpu.memory_space<semaphore_mem>>) attributes {dimension_semantics = [#tpu.dimension_semantics<core_parallel>, #tpu.dimension_semantics<subcore_parallel>], iteration_bounds = array<i64: 1, 16>, scalar_prefetch = 0 : i64, scratch_operands = 10 : i64, tpu.core_type = #tpu.core_type<sc_vector_subcore>, window_params = [{transform_indices = #map}, {transform_indices = #map1}, {transform_indices = #map}]} {
    %sub3A = arith.constant 2499 : i32
    %sub3A_0 = arith.subi %sub3A, %arg1 : i32
    %jit3A = arith.constant 16 : i32
    %div3A = arith.divsi %sub3A_0, %jit3A : i32
    %sign3A = arith.constant 0 : i32
    %sign3A_1 = arith.cmpi sgt, %sub3A_0, %sign3A : i32
    %sign3A_2 = arith.extui %sign3A_1 : i1 to i32
    %sign3A_3 = arith.constant 0 : i32
    %sign3A_4 = arith.cmpi slt, %sub3A_0, %sign3A_3 : i32
    %sign3A_5 = arith.extui %sign3A_4 : i1 to i32
    %sign3A_6 = arith.subi %sign3A_2, %sign3A_5 : i32
    %sign3A_7 = arith.constant 0 : i32
    %sign3A_8 = arith.cmpi sgt, %jit3A, %sign3A_7 : i32
    %sign3A_9 = arith.extui %sign3A_8 : i1 to i32
    %sign3A_10 = arith.constant 0 : i32
    %sign3A_11 = arith.cmpi slt, %jit3A, %sign3A_10 : i32
    %sign3A_12 = arith.extui %sign3A_11 : i1 to i32
    %sign3A_13 = arith.subi %sign3A_9, %sign3A_12 : i32
    %ne3A = arith.cmpi ne, %sign3A_6, %sign3A_13 : i32
    %rem3A = arith.remsi %sub3A_0, %jit3A : i32
    %ne3A_14 = arith.constant 0 : i32
    %ne3A_15 = arith.cmpi ne, %rem3A, %ne3A_14 : i32
    %and3A = arith.andi %ne3A, %ne3A_15 : i1
    %sub3A_16 = arith.constant 1 : i32
    %sub3A_17 = arith.subi %div3A, %sub3A_16 : i32
    %select_n3A = arith.select %and3A, %sub3A_17, %div3A : i32
    %add3A = arith.constant 1 : i32
    %add3A_18 = arith.addi %select_n3A, %add3A : i32
    %broadcast_in_dim3A = arith.constant 0.000000e+00 : f32
    %broadcast_in_dim3A_19 = vector.broadcast %broadcast_in_dim3A : f32 to vector<16xf32>
    %scan3A = arith.constant 0 : i32
    %scan3A_20 = arith.constant 0 : i32
    %scan3A_21 = arith.constant 80 : i32
    %scan3A_22 = arith.addi %scan3A_20, %scan3A_21 : i32
    %scan3A_23 = arith.constant 1 : i32
    %scan3A_24 = scf.for %scan3A_190 = %scan3A_20 to %scan3A_22 step %scan3A_23 iter_args(%scan3A_191 = %scan3A) -> (i32)  : i32 {
      %swap3A = arith.index_cast %scan3A_190 : i32 to index
      %swap3A_192 = arith.constant 0 : index
      %swap3A_193 = tpu.vector_load %arg9[%swap3A, %swap3A_192] {strides = array<i32>} : memref<80x16xf32, #tpu.memory_space<vmem>>, vector<1x16xf32>,
      %swap3A_194 = vector.shape_cast %swap3A_193 : vector<1x16xf32> to vector<16xf32>
      %swap3A_195 = vector.shape_cast %broadcast_in_dim3A_19 : vector<16xf32> to vector<1x16xf32>
      tpu.vector_store %arg9[%swap3A, %swap3A_192], %swap3A_195 {strides = array<i32>} : memref<80x16xf32, #tpu.memory_space<vmem>>, vector<1x16xf32>,
      %scan3A_196 = arith.constant 0 : i32
      scf.yield %scan3A_196 : i32
    }
    %scan3A_25 = arith.constant 80 : i32
    %add3A_26 = arith.constant 0 : i32
    %add3A_27 = arith.addi %arg1, %add3A_26 : i32
    %lt3A = arith.constant 125 : i32
    %lt3A_28 = arith.cmpi slt, %add3A_27, %lt3A : i32
    %convert_element_type3A = arith.extui %lt3A_28 : i1 to i32
    %cond3A = arith.constant 0 : i32
    %cond3A_29 = arith.cmpi ne, %convert_element_type3A, %cond3A : i32
    scf.if %cond3A_29 {
      %mul3A_190 = arith.constant 80 : i32
      %mul3A_191 = arith.muli %add3A_27, %mul3A_190 : i32
      "tpu.region"() ({
        %run_scoped3A = tpu.sem_alloc : memref<!tpu.dma_semaphore, #tpu.memory_space<semaphore_mem>>
        %dma_start3A_192 = arith.constant 0 : i32
        %dma_start3A_193 = tpu.memref_slice %arg10[%mul3A_191, %dma_start3A_192] : memref<10000x16xf32, #tpu.memory_space<vmem_shared>> -> memref<80x16xf32, #tpu.memory_space<vmem_shared>>
        %dma_start3A_194 = arith.constant 0 : i32
        %dma_start3A_195 = tpu.memref_slice %arg10[%mul3A_191, %dma_start3A_194] : memref<10000x16xf32, #tpu.memory_space<vmem_shared>> -> memref<80x16xf32, #tpu.memory_space<vmem_shared>>
        tpu.enqueue_dma source(%arg9 : memref<80x16xf32, #tpu.memory_space<vmem>>) target(%dma_start3A_195 : memref<80x16xf32, #tpu.memory_space<vmem_shared>>) target_semaphore(%run_scoped3A : memref<!tpu.dma_semaphore, #tpu.memory_space<semaphore_mem>>)
        %dma_wait3A_196 = arith.constant 0 : i32
        %dma_wait3A_197 = tpu.memref_slice %arg10[%mul3A_191, %dma_wait3A_196] : memref<10000x16xf32, #tpu.memory_space<vmem_shared>> -> memref<80x16xf32, #tpu.memory_space<vmem_shared>>
        %dma_wait3A_198 = arith.constant 0 : i32
        %dma_wait3A_199 = tpu.memref_slice %arg10[%mul3A_191, %dma_wait3A_198] : memref<10000x16xf32, #tpu.memory_space<vmem_shared>> -> memref<80x16xf32, #tpu.memory_space<vmem_shared>>
        tpu.wait_dma2 semaphore(%run_scoped3A : memref<!tpu.dma_semaphore, #tpu.memory_space<semaphore_mem>>) src(%arg9 : memref<80x16xf32, #tpu.memory_space<vmem>>) dst(%dma_wait3A_199 : memref<80x16xf32, #tpu.memory_space<vmem_shared>>)
        tpu.yield
      }) : () -> ()
    } else {
    }
    %add3A_30 = arith.constant 16 : i32
    %add3A_31 = arith.addi %arg1, %add3A_30 : i32
    %lt3A_32 = arith.constant 125 : i32
    %lt3A_33 = arith.cmpi slt, %add3A_31, %lt3A_32 : i32
    %convert_element_type3A_34 = arith.extui %lt3A_33 : i1 to i32
    %cond3A_35 = arith.constant 0 : i32
    %cond3A_36 = arith.cmpi ne, %convert_element_type3A_34, %cond3A_35 : i32
    scf.if %cond3A_36 {
      %mul3A_190 = arith.constant 80 : i32
      %mul3A_191 = arith.muli %add3A_31, %mul3A_190 : i32
      "tpu.region"() ({
        %run_scoped3A = tpu.sem_alloc : memref<!tpu.dma_semaphore, #tpu.memory_space<semaphore_mem>>
        %dma_start3A_192 = arith.constant 0 : i32
        %dma_start3A_193 = tpu.memref_slice %arg10[%mul3A_191, %dma_start3A_192] : memref<10000x16xf32, #tpu.memory_space<vmem_shared>> -> memref<80x16xf32, #tpu.memory_space<vmem_shared>>
        %dma_start3A_194 = arith.constant 0 : i32
        %dma_start3A_195 = tpu.memref_slice %arg10[%mul3A_191, %dma_start3A_194] : memref<10000x16xf32, #tpu.memory_space<vmem_shared>> -> memref<80x16xf32, #tpu.memory_space<vmem_shared>>
        tpu.enqueue_dma source(%arg9 : memref<80x16xf32, #tpu.memory_space<vmem>>) target(%dma_start3A_195 : memref<80x16xf32, #tpu.memory_space<vmem_shared>>) target_semaphore(%run_scoped3A : memref<!tpu.dma_semaphore, #tpu.memory_space<semaphore_mem>>)
        %dma_wait3A_196 = arith.constant 0 : i32
        %dma_wait3A_197 = tpu.memref_slice %arg10[%mul3A_191, %dma_wait3A_196] : memref<10000x16xf32, #tpu.memory_space<vmem_shared>> -> memref<80x16xf32, #tpu.memory_space<vmem_shared>>
        %dma_wait3A_198 = arith.constant 0 : i32
        %dma_wait3A_199 = tpu.memref_slice %arg10[%mul3A_191, %dma_wait3A_198] : memref<10000x16xf32, #tpu.memory_space<vmem_shared>> -> memref<80x16xf32, #tpu.memory_space<vmem_shared>>
        tpu.wait_dma2 semaphore(%run_scoped3A : memref<!tpu.dma_semaphore, #tpu.memory_space<semaphore_mem>>) src(%arg9 : memref<80x16xf32, #tpu.memory_space<vmem>>) dst(%dma_wait3A_199 : memref<80x16xf32, #tpu.memory_space<vmem_shared>>)
        tpu.yield
      }) : () -> ()
    } else {
    }
    %add3A_37 = arith.constant 32 : i32
    %add3A_38 = arith.addi %arg1, %add3A_37 : i32
    %lt3A_39 = arith.constant 125 : i32
    %lt3A_40 = arith.cmpi slt, %add3A_38, %lt3A_39 : i32
    %convert_element_type3A_41 = arith.extui %lt3A_40 : i1 to i32
    %cond3A_42 = arith.constant 0 : i32
    %cond3A_43 = arith.cmpi ne, %convert_element_type3A_41, %cond3A_42 : i32
    scf.if %cond3A_43 {
      %mul3A_190 = arith.constant 80 : i32
      %mul3A_191 = arith.muli %add3A_38, %mul3A_190 : i32
      "tpu.region"() ({
        %run_scoped3A = tpu.sem_alloc : memref<!tpu.dma_semaphore, #tpu.memory_space<semaphore_mem>>
        %dma_start3A_192 = arith.constant 0 : i32
        %dma_start3A_193 = tpu.memref_slice %arg10[%mul3A_191, %dma_start3A_192] : memref<10000x16xf32, #tpu.memory_space<vmem_shared>> -> memref<80x16xf32, #tpu.memory_space<vmem_shared>>
        %dma_start3A_194 = arith.constant 0 : i32
        %dma_start3A_195 = tpu.memref_slice %arg10[%mul3A_191, %dma_start3A_194] : memref<10000x16xf32, #tpu.memory_space<vmem_shared>> -> memref<80x16xf32, #tpu.memory_space<vmem_shared>>
        tpu.enqueue_dma source(%arg9 : memref<80x16xf32, #tpu.memory_space<vmem>>) target(%dma_start3A_195 : memref<80x16xf32, #tpu.memory_space<vmem_shared>>) target_semaphore(%run_scoped3A : memref<!tpu.dma_semaphore, #tpu.memory_space<semaphore_mem>>)
        %dma_wait3A_196 = arith.constant 0 : i32
        %dma_wait3A_197 = tpu.memref_slice %arg10[%mul3A_191, %dma_wait3A_196] : memref<10000x16xf32, #tpu.memory_space<vmem_shared>> -> memref<80x16xf32, #tpu.memory_space<vmem_shared>>
        %dma_wait3A_198 = arith.constant 0 : i32
        %dma_wait3A_199 = tpu.memref_slice %arg10[%mul3A_191, %dma_wait3A_198] : memref<10000x16xf32, #tpu.memory_space<vmem_shared>> -> memref<80x16xf32, #tpu.memory_space<vmem_shared>>
        tpu.wait_dma2 semaphore(%run_scoped3A : memref<!tpu.dma_semaphore, #tpu.memory_space<semaphore_mem>>) src(%arg9 : memref<80x16xf32, #tpu.memory_space<vmem>>) dst(%dma_wait3A_199 : memref<80x16xf32, #tpu.memory_space<vmem_shared>>)
        tpu.yield
      }) : () -> ()
    } else {
    }
    %add3A_44 = arith.constant 48 : i32
    %add3A_45 = arith.addi %arg1, %add3A_44 : i32
    %lt3A_46 = arith.constant 125 : i32
    %lt3A_47 = arith.cmpi slt, %add3A_45, %lt3A_46 : i32
    %convert_element_type3A_48 = arith.extui %lt3A_47 : i1 to i32
    %cond3A_49 = arith.constant 0 : i32
    %cond3A_50 = arith.cmpi ne, %convert_element_type3A_48, %cond3A_49 : i32
    scf.if %cond3A_50 {
      %mul3A_190 = arith.constant 80 : i32
      %mul3A_191 = arith.muli %add3A_45, %mul3A_190 : i32
      "tpu.region"() ({
        %run_scoped3A = tpu.sem_alloc : memref<!tpu.dma_semaphore, #tpu.memory_space<semaphore_mem>>
        %dma_start3A_192 = arith.constant 0 : i32
        %dma_start3A_193 = tpu.memref_slice %arg10[%mul3A_191, %dma_start3A_192] : memref<10000x16xf32, #tpu.memory_space<vmem_shared>> -> memref<80x16xf32, #tpu.memory_space<vmem_shared>>
        %dma_start3A_194 = arith.constant 0 : i32
        %dma_start3A_195 = tpu.memref_slice %arg10[%mul3A_191, %dma_start3A_194] : memref<10000x16xf32, #tpu.memory_space<vmem_shared>> -> memref<80x16xf32, #tpu.memory_space<vmem_shared>>
        tpu.enqueue_dma source(%arg9 : memref<80x16xf32, #tpu.memory_space<vmem>>) target(%dma_start3A_195 : memref<80x16xf32, #tpu.memory_space<vmem_shared>>) target_semaphore(%run_scoped3A : memref<!tpu.dma_semaphore, #tpu.memory_space<semaphore_mem>>)
        %dma_wait3A_196 = arith.constant 0 : i32
        %dma_wait3A_197 = tpu.memref_slice %arg10[%mul3A_191, %dma_wait3A_196] : memref<10000x16xf32, #tpu.memory_space<vmem_shared>> -> memref<80x16xf32, #tpu.memory_space<vmem_shared>>
        %dma_wait3A_198 = arith.constant 0 : i32
        %dma_wait3A_199 = tpu.memref_slice %arg10[%mul3A_191, %dma_wait3A_198] : memref<10000x16xf32, #tpu.memory_space<vmem_shared>> -> memref<80x16xf32, #tpu.memory_space<vmem_shared>>
        tpu.wait_dma2 semaphore(%run_scoped3A : memref<!tpu.dma_semaphore, #tpu.memory_space<semaphore_mem>>) src(%arg9 : memref<80x16xf32, #tpu.memory_space<vmem>>) dst(%dma_wait3A_199 : memref<80x16xf32, #tpu.memory_space<vmem_shared>>)
        tpu.yield
      }) : () -> ()
    } else {
    }
    %add3A_51 = arith.constant 64 : i32
    %add3A_52 = arith.addi %arg1, %add3A_51 : i32
    %lt3A_53 = arith.constant 125 : i32
    %lt3A_54 = arith.cmpi slt, %add3A_52, %lt3A_53 : i32
    %convert_element_type3A_55 = arith.extui %lt3A_54 : i1 to i32
    %cond3A_56 = arith.constant 0 : i32
    %cond3A_57 = arith.cmpi ne, %convert_element_type3A_55, %cond3A_56 : i32
    scf.if %cond3A_57 {
      %mul3A_190 = arith.constant 80 : i32
      %mul3A_191 = arith.muli %add3A_52, %mul3A_190 : i32
      "tpu.region"() ({
        %run_scoped3A = tpu.sem_alloc : memref<!tpu.dma_semaphore, #tpu.memory_space<semaphore_mem>>
        %dma_start3A_192 = arith.constant 0 : i32
        %dma_start3A_193 = tpu.memref_slice %arg10[%mul3A_191, %dma_start3A_192] : memref<10000x16xf32, #tpu.memory_space<vmem_shared>> -> memref<80x16xf32, #tpu.memory_space<vmem_shared>>
        %dma_start3A_194 = arith.constant 0 : i32
        %dma_start3A_195 = tpu.memref_slice %arg10[%mul3A_191, %dma_start3A_194] : memref<10000x16xf32, #tpu.memory_space<vmem_shared>> -> memref<80x16xf32, #tpu.memory_space<vmem_shared>>
        tpu.enqueue_dma source(%arg9 : memref<80x16xf32, #tpu.memory_space<vmem>>) target(%dma_start3A_195 : memref<80x16xf32, #tpu.memory_space<vmem_shared>>) target_semaphore(%run_scoped3A : memref<!tpu.dma_semaphore, #tpu.memory_space<semaphore_mem>>)
        %dma_wait3A_196 = arith.constant 0 : i32
        %dma_wait3A_197 = tpu.memref_slice %arg10[%mul3A_191, %dma_wait3A_196] : memref<10000x16xf32, #tpu.memory_space<vmem_shared>> -> memref<80x16xf32, #tpu.memory_space<vmem_shared>>
        %dma_wait3A_198 = arith.constant 0 : i32
        %dma_wait3A_199 = tpu.memref_slice %arg10[%mul3A_191, %dma_wait3A_198] : memref<10000x16xf32, #tpu.memory_space<vmem_shared>> -> memref<80x16xf32, #tpu.memory_space<vmem_shared>>
        tpu.wait_dma2 semaphore(%run_scoped3A : memref<!tpu.dma_semaphore, #tpu.memory_space<semaphore_mem>>) src(%arg9 : memref<80x16xf32, #tpu.memory_space<vmem>>) dst(%dma_wait3A_199 : memref<80x16xf32, #tpu.memory_space<vmem_shared>>)
        tpu.yield
      }) : () -> ()
    } else {
    }
    %add3A_58 = arith.constant 80 : i32
    %add3A_59 = arith.addi %arg1, %add3A_58 : i32
    %lt3A_60 = arith.constant 125 : i32
    %lt3A_61 = arith.cmpi slt, %add3A_59, %lt3A_60 : i32
    %convert_element_type3A_62 = arith.extui %lt3A_61 : i1 to i32
    %cond3A_63 = arith.constant 0 : i32
    %cond3A_64 = arith.cmpi ne, %convert_element_type3A_62, %cond3A_63 : i32
    scf.if %cond3A_64 {
      %mul3A_190 = arith.constant 80 : i32
      %mul3A_191 = arith.muli %add3A_59, %mul3A_190 : i32
      "tpu.region"() ({
        %run_scoped3A = tpu.sem_alloc : memref<!tpu.dma_semaphore, #tpu.memory_space<semaphore_mem>>
        %dma_start3A_192 = arith.constant 0 : i32
        %dma_start3A_193 = tpu.memref_slice %arg10[%mul3A_191, %dma_start3A_192] : memref<10000x16xf32, #tpu.memory_space<vmem_shared>> -> memref<80x16xf32, #tpu.memory_space<vmem_shared>>
        %dma_start3A_194 = arith.constant 0 : i32
        %dma_start3A_195 = tpu.memref_slice %arg10[%mul3A_191, %dma_start3A_194] : memref<10000x16xf32, #tpu.memory_space<vmem_shared>> -> memref<80x16xf32, #tpu.memory_space<vmem_shared>>
        tpu.enqueue_dma source(%arg9 : memref<80x16xf32, #tpu.memory_space<vmem>>) target(%dma_start3A_195 : memref<80x16xf32, #tpu.memory_space<vmem_shared>>) target_semaphore(%run_scoped3A : memref<!tpu.dma_semaphore, #tpu.memory_space<semaphore_mem>>)
        %dma_wait3A_196 = arith.constant 0 : i32
        %dma_wait3A_197 = tpu.memref_slice %arg10[%mul3A_191, %dma_wait3A_196] : memref<10000x16xf32, #tpu.memory_space<vmem_shared>> -> memref<80x16xf32, #tpu.memory_space<vmem_shared>>
        %dma_wait3A_198 = arith.constant 0 : i32
        %dma_wait3A_199 = tpu.memref_slice %arg10[%mul3A_191, %dma_wait3A_198] : memref<10000x16xf32, #tpu.memory_space<vmem_shared>> -> memref<80x16xf32, #tpu.memory_space<vmem_shared>>
        tpu.wait_dma2 semaphore(%run_scoped3A : memref<!tpu.dma_semaphore, #tpu.memory_space<semaphore_mem>>) src(%arg9 : memref<80x16xf32, #tpu.memory_space<vmem>>) dst(%dma_wait3A_199 : memref<80x16xf32, #tpu.memory_space<vmem_shared>>)
        tpu.yield
      }) : () -> ()
    } else {
    }
    %add3A_65 = arith.constant 96 : i32
    %add3A_66 = arith.addi %arg1, %add3A_65 : i32
    %lt3A_67 = arith.constant 125 : i32
    %lt3A_68 = arith.cmpi slt, %add3A_66, %lt3A_67 : i32
    %convert_element_type3A_69 = arith.extui %lt3A_68 : i1 to i32
    %cond3A_70 = arith.constant 0 : i32
    %cond3A_71 = arith.cmpi ne, %convert_element_type3A_69, %cond3A_70 : i32
    scf.if %cond3A_71 {
      %mul3A_190 = arith.constant 80 : i32
      %mul3A_191 = arith.muli %add3A_66, %mul3A_190 : i32
      "tpu.region"() ({
        %run_scoped3A = tpu.sem_alloc : memref<!tpu.dma_semaphore, #tpu.memory_space<semaphore_mem>>
        %dma_start3A_192 = arith.constant 0 : i32
        %dma_start3A_193 = tpu.memref_slice %arg10[%mul3A_191, %dma_start3A_192] : memref<10000x16xf32, #tpu.memory_space<vmem_shared>> -> memref<80x16xf32, #tpu.memory_space<vmem_shared>>
        %dma_start3A_194 = arith.constant 0 : i32
        %dma_start3A_195 = tpu.memref_slice %arg10[%mul3A_191, %dma_start3A_194] : memref<10000x16xf32, #tpu.memory_space<vmem_shared>> -> memref<80x16xf32, #tpu.memory_space<vmem_shared>>
        tpu.enqueue_dma source(%arg9 : memref<80x16xf32, #tpu.memory_space<vmem>>) target(%dma_start3A_195 : memref<80x16xf32, #tpu.memory_space<vmem_shared>>) target_semaphore(%run_scoped3A : memref<!tpu.dma_semaphore, #tpu.memory_space<semaphore_mem>>)
        %dma_wait3A_196 = arith.constant 0 : i32
        %dma_wait3A_197 = tpu.memref_slice %arg10[%mul3A_191, %dma_wait3A_196] : memref<10000x16xf32, #tpu.memory_space<vmem_shared>> -> memref<80x16xf32, #tpu.memory_space<vmem_shared>>
        %dma_wait3A_198 = arith.constant 0 : i32
        %dma_wait3A_199 = tpu.memref_slice %arg10[%mul3A_191, %dma_wait3A_198] : memref<10000x16xf32, #tpu.memory_space<vmem_shared>> -> memref<80x16xf32, #tpu.memory_space<vmem_shared>>
        tpu.wait_dma2 semaphore(%run_scoped3A : memref<!tpu.dma_semaphore, #tpu.memory_space<semaphore_mem>>) src(%arg9 : memref<80x16xf32, #tpu.memory_space<vmem>>) dst(%dma_wait3A_199 : memref<80x16xf32, #tpu.memory_space<vmem_shared>>)
        tpu.yield
      }) : () -> ()
    } else {
    }
    %add3A_72 = arith.constant 112 : i32
    %add3A_73 = arith.addi %arg1, %add3A_72 : i32
    %lt3A_74 = arith.constant 125 : i32
    %lt3A_75 = arith.cmpi slt, %add3A_73, %lt3A_74 : i32
    %convert_element_type3A_76 = arith.extui %lt3A_75 : i1 to i32
    %cond3A_77 = arith.constant 0 : i32
    %cond3A_78 = arith.cmpi ne, %convert_element_type3A_76, %cond3A_77 : i32
    scf.if %cond3A_78 {
      %mul3A_190 = arith.constant 80 : i32
      %mul3A_191 = arith.muli %add3A_73, %mul3A_190 : i32
      "tpu.region"() ({
        %run_scoped3A = tpu.sem_alloc : memref<!tpu.dma_semaphore, #tpu.memory_space<semaphore_mem>>
        %dma_start3A_192 = arith.constant 0 : i32
        %dma_start3A_193 = tpu.memref_slice %arg10[%mul3A_191, %dma_start3A_192] : memref<10000x16xf32, #tpu.memory_space<vmem_shared>> -> memref<80x16xf32, #tpu.memory_space<vmem_shared>>
        %dma_start3A_194 = arith.constant 0 : i32
        %dma_start3A_195 = tpu.memref_slice %arg10[%mul3A_191, %dma_start3A_194] : memref<10000x16xf32, #tpu.memory_space<vmem_shared>> -> memref<80x16xf32, #tpu.memory_space<vmem_shared>>
        tpu.enqueue_dma source(%arg9 : memref<80x16xf32, #tpu.memory_space<vmem>>) target(%dma_start3A_195 : memref<80x16xf32, #tpu.memory_space<vmem_shared>>) target_semaphore(%run_scoped3A : memref<!tpu.dma_semaphore, #tpu.memory_space<semaphore_mem>>)
        %dma_wait3A_196 = arith.constant 0 : i32
        %dma_wait3A_197 = tpu.memref_slice %arg10[%mul3A_191, %dma_wait3A_196] : memref<10000x16xf32, #tpu.memory_space<vmem_shared>> -> memref<80x16xf32, #tpu.memory_space<vmem_shared>>
        %dma_wait3A_198 = arith.constant 0 : i32
        %dma_wait3A_199 = tpu.memref_slice %arg10[%mul3A_191, %dma_wait3A_198] : memref<10000x16xf32, #tpu.memory_space<vmem_shared>> -> memref<80x16xf32, #tpu.memory_space<vmem_shared>>
        tpu.wait_dma2 semaphore(%run_scoped3A : memref<!tpu.dma_semaphore, #tpu.memory_space<semaphore_mem>>) src(%arg9 : memref<80x16xf32, #tpu.memory_space<vmem>>) dst(%dma_wait3A_199 : memref<80x16xf32, #tpu.memory_space<vmem_shared>>)
        tpu.yield
      }) : () -> ()
    } else {
    }
    %barrier3A = arith.constant 0 : index
    tpu.barrier barrier_id(%barrier3A)
    %add3A_79 = arith.constant 0 : i32
    %add3A_80 = arith.addi %arg1, %add3A_79 : i32
    %mul3A = arith.constant 128 : i32
    %mul3A_81 = arith.muli %add3A_80, %mul3A : i32
    %dma_start3A = tpu.memref_slice %arg3[%mul3A_81] : memref<320000xi32, #tpu.memory_space<hbm>> -> memref<128xi32, #tpu.memory_space<hbm>>
    %dma_start3A_82 = tpu.memref_slice %arg3[%mul3A_81] : memref<320000xi32, #tpu.memory_space<hbm>> -> memref<128xi32, #tpu.memory_space<hbm>>
    tpu.enqueue_dma source(%dma_start3A_82 : memref<128xi32, #tpu.memory_space<hbm>>) target(%arg5 : memref<128xi32, #tpu.memory_space<vmem>>) target_semaphore(%arg11 : memref<!tpu.dma_semaphore, #tpu.memory_space<semaphore_mem>>)
    %dma_start3A_83 = arith.constant 0 : i32
    %dma_start3A_84 = tpu.memref_slice %arg2[%mul3A_81, %dma_start3A_83] : memref<320000x16xf32, #tpu.memory_space<hbm>> -> memref<128x16xf32, #tpu.memory_space<hbm>>
    %dma_start3A_85 = arith.constant 0 : i32
    %dma_start3A_86 = tpu.memref_slice %arg2[%mul3A_81, %dma_start3A_85] : memref<320000x16xf32, #tpu.memory_space<hbm>> -> memref<128x16xf32, #tpu.memory_space<hbm>>
    tpu.enqueue_dma source(%dma_start3A_86 : memref<128x16xf32, #tpu.memory_space<hbm>>) target(%arg7 : memref<128x16xf32, #tpu.memory_space<vmem>>) target_semaphore(%arg11 : memref<!tpu.dma_semaphore, #tpu.memory_space<semaphore_mem>>)
    %ge3A = arith.constant 2 : i32
    %ge3A_87 = arith.cmpi sge, %add3A_18, %ge3A : i32
    %convert_element_type3A_88 = arith.extui %ge3A_87 : i1 to i32
    %cond3A_89 = arith.constant 0 : i32
    %cond3A_90 = arith.cmpi ne, %convert_element_type3A_88, %cond3A_89 : i32
    scf.if %cond3A_90 {
      %add3A_190 = arith.constant 16 : i32
      %add3A_191 = arith.addi %arg1, %add3A_190 : i32
      %mul3A_192 = arith.constant 128 : i32
      %mul3A_193 = arith.muli %add3A_191, %mul3A_192 : i32
      %dma_start3A_194 = tpu.memref_slice %arg3[%mul3A_193] : memref<320000xi32, #tpu.memory_space<hbm>> -> memref<128xi32, #tpu.memory_space<hbm>>
      %dma_start3A_195 = tpu.memref_slice %arg3[%mul3A_193] : memref<320000xi32, #tpu.memory_space<hbm>> -> memref<128xi32, #tpu.memory_space<hbm>>
      tpu.enqueue_dma source(%dma_start3A_195 : memref<128xi32, #tpu.memory_space<hbm>>) target(%arg6 : memref<128xi32, #tpu.memory_space<vmem>>) target_semaphore(%arg12 : memref<!tpu.dma_semaphore, #tpu.memory_space<semaphore_mem>>)
      %dma_start3A_196 = arith.constant 0 : i32
      %dma_start3A_197 = tpu.memref_slice %arg2[%mul3A_193, %dma_start3A_196] : memref<320000x16xf32, #tpu.memory_space<hbm>> -> memref<128x16xf32, #tpu.memory_space<hbm>>
      %dma_start3A_198 = arith.constant 0 : i32
      %dma_start3A_199 = tpu.memref_slice %arg2[%mul3A_193, %dma_start3A_198] : memref<320000x16xf32, #tpu.memory_space<hbm>> -> memref<128x16xf32, #tpu.memory_space<hbm>>
      tpu.enqueue_dma source(%dma_start3A_199 : memref<128x16xf32, #tpu.memory_space<hbm>>) target(%arg8 : memref<128x16xf32, #tpu.memory_space<vmem>>) target_semaphore(%arg12 : memref<!tpu.dma_semaphore, #tpu.memory_space<semaphore_mem>>)
    } else {
    }
    %add3A_91 = arith.constant 1 : i32
    %add3A_92 = arith.addi %add3A_18, %add3A_91 : i32
    %jit3A_93 = arith.constant 2 : i32
    %div3A_94 = arith.divsi %add3A_92, %jit3A_93 : i32
    %sign3A_95 = arith.constant 0 : i32
    %sign3A_96 = arith.cmpi sgt, %add3A_92, %sign3A_95 : i32
    %sign3A_97 = arith.extui %sign3A_96 : i1 to i32
    %sign3A_98 = arith.constant 0 : i32
    %sign3A_99 = arith.cmpi slt, %add3A_92, %sign3A_98 : i32
    %sign3A_100 = arith.extui %sign3A_99 : i1 to i32
    %sign3A_101 = arith.subi %sign3A_97, %sign3A_100 : i32
    %sign3A_102 = arith.constant 0 : i32
    %sign3A_103 = arith.cmpi sgt, %jit3A_93, %sign3A_102 : i32
    %sign3A_104 = arith.extui %sign3A_103 : i1 to i32
    %sign3A_105 = arith.constant 0 : i32
    %sign3A_106 = arith.cmpi slt, %jit3A_93, %sign3A_105 : i32
    %sign3A_107 = arith.extui %sign3A_106 : i1 to i32
    %sign3A_108 = arith.subi %sign3A_104, %sign3A_107 : i32
    %ne3A_109 = arith.cmpi ne, %sign3A_101, %sign3A_108 : i32
    %rem3A_110 = arith.remsi %add3A_92, %jit3A_93 : i32
    %ne3A_111 = arith.constant 0 : i32
    %ne3A_112 = arith.cmpi ne, %rem3A_110, %ne3A_111 : i32
    %and3A_113 = arith.andi %ne3A_109, %ne3A_112 : i1
    %sub3A_114 = arith.constant 1 : i32
    %sub3A_115 = arith.subi %div3A_94, %sub3A_114 : i32
    %select_n3A_116 = arith.select %and3A_113, %sub3A_115, %div3A_94 : i32
    %while3A = arith.constant 0 : i32
    %while3A_117 = arith.constant 0 : i32
    %while3A_118 = arith.subi %select_n3A_116, %while3A : i32
    %while3A_119 = arith.addi %while3A, %while3A_118 : i32
    %while3A_120 = arith.constant 1 : i32
    %while3A_121 = arith.divsi %while3A_118, %while3A_120 : i32
    %while3A_122 = arith.muli %while3A_121, %while3A_120 : i32
    %while3A_123 = arith.addi %while3A, %while3A_122 : i32
    %while3A_124 = arith.constant 1 : i32
    %while3A_125 = scf.for %while3A_190 = %while3A to %while3A_123 step %while3A_124 iter_args(%while3A_191 = %while3A_117) -> (i32)  : i32 {
      %mul3A_192 = arith.constant 2 : i32
      %mul3A_193 = arith.muli %mul3A_192, %while3A_190 : i32
      %add3A_194 = arith.constant 1 : i32
      %add3A_195 = arith.addi %mul3A_193, %add3A_194 : i32
      %dma_wait3A_196 = arith.constant 0 : i32
      %dma_wait3A_197 = tpu.memref_slice %arg3[%dma_wait3A_196] : memref<320000xi32, #tpu.memory_space<hbm>> -> memref<128xi32, #tpu.memory_space<hbm>>
      %dma_wait3A_198 = arith.constant 0 : i32
      %dma_wait3A_199 = tpu.memref_slice %arg3[%dma_wait3A_198] : memref<320000xi32, #tpu.memory_space<hbm>> -> memref<128xi32, #tpu.memory_space<hbm>>
      tpu.wait_dma2 semaphore(%arg11 : memref<!tpu.dma_semaphore, #tpu.memory_space<semaphore_mem>>) src(%dma_wait3A_199 : memref<128xi32, #tpu.memory_space<hbm>>) dst(%arg5 : memref<128xi32, #tpu.memory_space<vmem>>)
      %dma_wait3A_200 = arith.constant 0 : i32
      %dma_wait3A_201 = arith.constant 0 : i32
      %dma_wait3A_202 = tpu.memref_slice %arg2[%dma_wait3A_200, %dma_wait3A_201] : memref<320000x16xf32, #tpu.memory_space<hbm>> -> memref<128x16xf32, #tpu.memory_space<hbm>>
      %dma_wait3A_203 = arith.constant 0 : i32
      %dma_wait3A_204 = arith.constant 0 : i32
      %dma_wait3A_205 = tpu.memref_slice %arg2[%dma_wait3A_203, %dma_wait3A_204] : memref<320000x16xf32, #tpu.memory_space<hbm>> -> memref<128x16xf32, #tpu.memory_space<hbm>>
      tpu.wait_dma2 semaphore(%arg11 : memref<!tpu.dma_semaphore, #tpu.memory_space<semaphore_mem>>) src(%dma_wait3A_205 : memref<128x16xf32, #tpu.memory_space<hbm>>) dst(%arg7 : memref<128x16xf32, #tpu.memory_space<vmem>>)
      %dma_start3A_206 = arith.constant 0 : i32
      %dma_start3A_207 = arith.constant 0 : i32
      %dma_start3A_208 = tpu.memref_slice %arg10[%dma_start3A_206, %dma_start3A_207] : memref<10000x16xf32, #tpu.memory_space<vmem_shared>> -> memref<10000x16xf32, #tpu.memory_space<vmem_shared>>
      tpu.enqueue_indirect_dma source(%arg7 : memref<128x16xf32, #tpu.memory_space<vmem>>) target(%dma_start3A_208 : memref<10000x16xf32, #tpu.memory_space<vmem_shared>>) offsets(%arg5 : memref<128xi32, #tpu.memory_space<vmem>>) semaphore(%arg13 : memref<!tpu.dma_semaphore, #tpu.memory_space<semaphore_mem>>) {add = true}
      %add3A_209 = arith.constant 2 : i32
      %add3A_210 = arith.addi %mul3A_193, %add3A_209 : i32
      %lt3A_211 = arith.cmpi slt, %add3A_210, %add3A_18 : i32
      %convert_element_type3A_212 = arith.extui %lt3A_211 : i1 to i32
      %cond3A_213 = arith.constant 0 : i32
      %cond3A_214 = arith.cmpi ne, %convert_element_type3A_212, %cond3A_213 : i32
      scf.if %cond3A_214 {
        %add3A_226 = arith.constant 2 : i32
        %add3A_227 = arith.addi %mul3A_193, %add3A_226 : i32
        %ge3A_228 = arith.constant 2 : i32
        %ge3A_229 = arith.cmpi sge, %add3A_227, %ge3A_228 : i32
        %convert_element_type3A_230 = arith.extui %ge3A_229 : i1 to i32
        %cond3A_231 = arith.constant 0 : i32
        %cond3A_232 = arith.cmpi ne, %convert_element_type3A_230, %cond3A_231 : i32
        scf.if %cond3A_232 {
          %dma_wait3A_244 = arith.constant 0 : i32
          %dma_wait3A_245 = arith.constant 0 : i32
          %dma_wait3A_246 = tpu.memref_slice %arg10[%dma_wait3A_244, %dma_wait3A_245] : memref<10000x16xf32, #tpu.memory_space<vmem_shared>> -> memref<10000x16xf32, #tpu.memory_space<vmem_shared>>
          tpu.wait_indirect_dma semaphore(%arg13 : memref<!tpu.dma_semaphore, #tpu.memory_space<semaphore_mem>>) src(%arg7 : memref<128x16xf32, #tpu.memory_space<vmem>>) dst(%dma_wait3A_246 : memref<10000x16xf32, #tpu.memory_space<vmem_shared>>)
        } else {
        }
        %mul3A_233 = arith.constant 16 : i32
        %mul3A_234 = arith.muli %add3A_227, %mul3A_233 : i32
        %add3A_235 = arith.addi %arg1, %mul3A_234 : i32
        %mul3A_236 = arith.constant 128 : i32
        %mul3A_237 = arith.muli %add3A_235, %mul3A_236 : i32
        %dma_start3A_238 = tpu.memref_slice %arg3[%mul3A_237] : memref<320000xi32, #tpu.memory_space<hbm>> -> memref<128xi32, #tpu.memory_space<hbm>>
        %dma_start3A_239 = tpu.memref_slice %arg3[%mul3A_237] : memref<320000xi32, #tpu.memory_space<hbm>> -> memref<128xi32, #tpu.memory_space<hbm>>
        tpu.enqueue_dma source(%dma_start3A_239 : memref<128xi32, #tpu.memory_space<hbm>>) target(%arg5 : memref<128xi32, #tpu.memory_space<vmem>>) target_semaphore(%arg11 : memref<!tpu.dma_semaphore, #tpu.memory_space<semaphore_mem>>)
        %dma_start3A_240 = arith.constant 0 : i32
        %dma_start3A_241 = tpu.memref_slice %arg2[%mul3A_237, %dma_start3A_240] : memref<320000x16xf32, #tpu.memory_space<hbm>> -> memref<128x16xf32, #tpu.memory_space<hbm>>
        %dma_start3A_242 = arith.constant 0 : i32
        %dma_start3A_243 = tpu.memref_slice %arg2[%mul3A_237, %dma_start3A_242] : memref<320000x16xf32, #tpu.memory_space<hbm>> -> memref<128x16xf32, #tpu.memory_space<hbm>>
        tpu.enqueue_dma source(%dma_start3A_243 : memref<128x16xf32, #tpu.memory_space<hbm>>) target(%arg7 : memref<128x16xf32, #tpu.memory_space<vmem>>) target_semaphore(%arg11 : memref<!tpu.dma_semaphore, #tpu.memory_space<semaphore_mem>>)
      } else {
      }
      %lt3A_215 = arith.cmpi slt, %add3A_195, %add3A_18 : i32
      %convert_element_type3A_216 = arith.extui %lt3A_215 : i1 to i32
      %cond3A_217 = arith.constant 0 : i32
      %cond3A_218 = arith.cmpi ne, %convert_element_type3A_216, %cond3A_217 : i32
      scf.if %cond3A_218 {
        %dma_wait3A_226 = arith.constant 0 : i32
        %dma_wait3A_227 = tpu.memref_slice %arg3[%dma_wait3A_226] : memref<320000xi32, #tpu.memory_space<hbm>> -> memref<128xi32, #tpu.memory_space<hbm>>
        %dma_wait3A_228 = arith.constant 0 : i32
        %dma_wait3A_229 = tpu.memref_slice %arg3[%dma_wait3A_228] : memref<320000xi32, #tpu.memory_space<hbm>> -> memref<128xi32, #tpu.memory_space<hbm>>
        tpu.wait_dma2 semaphore(%arg12 : memref<!tpu.dma_semaphore, #tpu.memory_space<semaphore_mem>>) src(%dma_wait3A_229 : memref<128xi32, #tpu.memory_space<hbm>>) dst(%arg6 : memref<128xi32, #tpu.memory_space<vmem>>)
        %dma_wait3A_230 = arith.constant 0 : i32
        %dma_wait3A_231 = arith.constant 0 : i32
        %dma_wait3A_232 = tpu.memref_slice %arg2[%dma_wait3A_230, %dma_wait3A_231] : memref<320000x16xf32, #tpu.memory_space<hbm>> -> memref<128x16xf32, #tpu.memory_space<hbm>>
        %dma_wait3A_233 = arith.constant 0 : i32
        %dma_wait3A_234 = arith.constant 0 : i32
        %dma_wait3A_235 = tpu.memref_slice %arg2[%dma_wait3A_233, %dma_wait3A_234] : memref<320000x16xf32, #tpu.memory_space<hbm>> -> memref<128x16xf32, #tpu.memory_space<hbm>>
        tpu.wait_dma2 semaphore(%arg12 : memref<!tpu.dma_semaphore, #tpu.memory_space<semaphore_mem>>) src(%dma_wait3A_235 : memref<128x16xf32, #tpu.memory_space<hbm>>) dst(%arg8 : memref<128x16xf32, #tpu.memory_space<vmem>>)
        %dma_start3A_236 = arith.constant 0 : i32
        %dma_start3A_237 = arith.constant 0 : i32
        %dma_start3A_238 = tpu.memref_slice %arg10[%dma_start3A_236, %dma_start3A_237] : memref<10000x16xf32, #tpu.memory_space<vmem_shared>> -> memref<10000x16xf32, #tpu.memory_space<vmem_shared>>
        tpu.enqueue_indirect_dma source(%arg8 : memref<128x16xf32, #tpu.memory_space<vmem>>) target(%dma_start3A_238 : memref<10000x16xf32, #tpu.memory_space<vmem_shared>>) offsets(%arg6 : memref<128xi32, #tpu.memory_space<vmem>>) semaphore(%arg14 : memref<!tpu.dma_semaphore, #tpu.memory_space<semaphore_mem>>) {add = true}
      } else {
      }
      %add3A_219 = arith.constant 2 : i32
      %add3A_220 = arith.addi %add3A_195, %add3A_219 : i32
      %lt3A_221 = arith.cmpi slt, %add3A_220, %add3A_18 : i32
      %convert_element_type3A_222 = arith.extui %lt3A_221 : i1 to i32
      %cond3A_223 = arith.constant 0 : i32
      %cond3A_224 = arith.cmpi ne, %convert_element_type3A_222, %cond3A_223 : i32
      scf.if %cond3A_224 {
        %add3A_226 = arith.constant 2 : i32
        %add3A_227 = arith.addi %add3A_195, %add3A_226 : i32
        %ge3A_228 = arith.constant 2 : i32
        %ge3A_229 = arith.cmpi sge, %add3A_227, %ge3A_228 : i32
        %convert_element_type3A_230 = arith.extui %ge3A_229 : i1 to i32
        %cond3A_231 = arith.constant 0 : i32
        %cond3A_232 = arith.cmpi ne, %convert_element_type3A_230, %cond3A_231 : i32
        scf.if %cond3A_232 {
          %dma_wait3A_244 = arith.constant 0 : i32
          %dma_wait3A_245 = arith.constant 0 : i32
          %dma_wait3A_246 = tpu.memref_slice %arg10[%dma_wait3A_244, %dma_wait3A_245] : memref<10000x16xf32, #tpu.memory_space<vmem_shared>> -> memref<10000x16xf32, #tpu.memory_space<vmem_shared>>
          tpu.wait_indirect_dma semaphore(%arg14 : memref<!tpu.dma_semaphore, #tpu.memory_space<semaphore_mem>>) src(%arg8 : memref<128x16xf32, #tpu.memory_space<vmem>>) dst(%dma_wait3A_246 : memref<10000x16xf32, #tpu.memory_space<vmem_shared>>)
        } else {
        }
        %mul3A_233 = arith.constant 16 : i32
        %mul3A_234 = arith.muli %add3A_227, %mul3A_233 : i32
        %add3A_235 = arith.addi %arg1, %mul3A_234 : i32
        %mul3A_236 = arith.constant 128 : i32
        %mul3A_237 = arith.muli %add3A_235, %mul3A_236 : i32
        %dma_start3A_238 = tpu.memref_slice %arg3[%mul3A_237] : memref<320000xi32, #tpu.memory_space<hbm>> -> memref<128xi32, #tpu.memory_space<hbm>>
        %dma_start3A_239 = tpu.memref_slice %arg3[%mul3A_237] : memref<320000xi32, #tpu.memory_space<hbm>> -> memref<128xi32, #tpu.memory_space<hbm>>
        tpu.enqueue_dma source(%dma_start3A_239 : memref<128xi32, #tpu.memory_space<hbm>>) target(%arg6 : memref<128xi32, #tpu.memory_space<vmem>>) target_semaphore(%arg12 : memref<!tpu.dma_semaphore, #tpu.memory_space<semaphore_mem>>)
        %dma_start3A_240 = arith.constant 0 : i32
        %dma_start3A_241 = tpu.memref_slice %arg2[%mul3A_237, %dma_start3A_240] : memref<320000x16xf32, #tpu.memory_space<hbm>> -> memref<128x16xf32, #tpu.memory_space<hbm>>
        %dma_start3A_242 = arith.constant 0 : i32
        %dma_start3A_243 = tpu.memref_slice %arg2[%mul3A_237, %dma_start3A_242] : memref<320000x16xf32, #tpu.memory_space<hbm>> -> memref<128x16xf32, #tpu.memory_space<hbm>>
        tpu.enqueue_dma source(%dma_start3A_243 : memref<128x16xf32, #tpu.memory_space<hbm>>) target(%arg8 : memref<128x16xf32, #tpu.memory_space<vmem>>) target_semaphore(%arg12 : memref<!tpu.dma_semaphore, #tpu.memory_space<semaphore_mem>>)
      } else {
      }
      %while3A_225 = arith.constant 0 : i32
      scf.yield %while3A_225 : i32
    }
    %while3A_126 = arith.constant 1 : i32
    %while3A_127 = scf.for %while3A_190 = %while3A_123 to %while3A_119 step %while3A_126 iter_args(%while3A_191 = %while3A_125) -> (i32)  : i32 {
      %mul3A_192 = arith.constant 2 : i32
      %mul3A_193 = arith.muli %mul3A_192, %while3A_190 : i32
      %add3A_194 = arith.constant 1 : i32
      %add3A_195 = arith.addi %mul3A_193, %add3A_194 : i32
      %dma_wait3A_196 = arith.constant 0 : i32
      %dma_wait3A_197 = tpu.memref_slice %arg3[%dma_wait3A_196] : memref<320000xi32, #tpu.memory_space<hbm>> -> memref<128xi32, #tpu.memory_space<hbm>>
      %dma_wait3A_198 = arith.constant 0 : i32
      %dma_wait3A_199 = tpu.memref_slice %arg3[%dma_wait3A_198] : memref<320000xi32, #tpu.memory_space<hbm>> -> memref<128xi32, #tpu.memory_space<hbm>>
      tpu.wait_dma2 semaphore(%arg11 : memref<!tpu.dma_semaphore, #tpu.memory_space<semaphore_mem>>) src(%dma_wait3A_199 : memref<128xi32, #tpu.memory_space<hbm>>) dst(%arg5 : memref<128xi32, #tpu.memory_space<vmem>>)
      %dma_wait3A_200 = arith.constant 0 : i32
      %dma_wait3A_201 = arith.constant 0 : i32
      %dma_wait3A_202 = tpu.memref_slice %arg2[%dma_wait3A_200, %dma_wait3A_201] : memref<320000x16xf32, #tpu.memory_space<hbm>> -> memref<128x16xf32, #tpu.memory_space<hbm>>
      %dma_wait3A_203 = arith.constant 0 : i32
      %dma_wait3A_204 = arith.constant 0 : i32
      %dma_wait3A_205 = tpu.memref_slice %arg2[%dma_wait3A_203, %dma_wait3A_204] : memref<320000x16xf32, #tpu.memory_space<hbm>> -> memref<128x16xf32, #tpu.memory_space<hbm>>
      tpu.wait_dma2 semaphore(%arg11 : memref<!tpu.dma_semaphore, #tpu.memory_space<semaphore_mem>>) src(%dma_wait3A_205 : memref<128x16xf32, #tpu.memory_space<hbm>>) dst(%arg7 : memref<128x16xf32, #tpu.memory_space<vmem>>)
      %dma_start3A_206 = arith.constant 0 : i32
      %dma_start3A_207 = arith.constant 0 : i32
      %dma_start3A_208 = tpu.memref_slice %arg10[%dma_start3A_206, %dma_start3A_207] : memref<10000x16xf32, #tpu.memory_space<vmem_shared>> -> memref<10000x16xf32, #tpu.memory_space<vmem_shared>>
      tpu.enqueue_indirect_dma source(%arg7 : memref<128x16xf32, #tpu.memory_space<vmem>>) target(%dma_start3A_208 : memref<10000x16xf32, #tpu.memory_space<vmem_shared>>) offsets(%arg5 : memref<128xi32, #tpu.memory_space<vmem>>) semaphore(%arg13 : memref<!tpu.dma_semaphore, #tpu.memory_space<semaphore_mem>>) {add = true}
      %add3A_209 = arith.constant 2 : i32
      %add3A_210 = arith.addi %mul3A_193, %add3A_209 : i32
      %lt3A_211 = arith.cmpi slt, %add3A_210, %add3A_18 : i32
      %convert_element_type3A_212 = arith.extui %lt3A_211 : i1 to i32
      %cond3A_213 = arith.constant 0 : i32
      %cond3A_214 = arith.cmpi ne, %convert_element_type3A_212, %cond3A_213 : i32
      scf.if %cond3A_214 {
        %add3A_226 = arith.constant 2 : i32
        %add3A_227 = arith.addi %mul3A_193, %add3A_226 : i32
        %ge3A_228 = arith.constant 2 : i32
        %ge3A_229 = arith.cmpi sge, %add3A_227, %ge3A_228 : i32
        %convert_element_type3A_230 = arith.extui %ge3A_229 : i1 to i32
        %cond3A_231 = arith.constant 0 : i32
        %cond3A_232 = arith.cmpi ne, %convert_element_type3A_230, %cond3A_231 : i32
        scf.if %cond3A_232 {
          %dma_wait3A_244 = arith.constant 0 : i32
          %dma_wait3A_245 = arith.constant 0 : i32
          %dma_wait3A_246 = tpu.memref_slice %arg10[%dma_wait3A_244, %dma_wait3A_245] : memref<10000x16xf32, #tpu.memory_space<vmem_shared>> -> memref<10000x16xf32, #tpu.memory_space<vmem_shared>>
          tpu.wait_indirect_dma semaphore(%arg13 : memref<!tpu.dma_semaphore, #tpu.memory_space<semaphore_mem>>) src(%arg7 : memref<128x16xf32, #tpu.memory_space<vmem>>) dst(%dma_wait3A_246 : memref<10000x16xf32, #tpu.memory_space<vmem_shared>>)
        } else {
        }
        %mul3A_233 = arith.constant 16 : i32
        %mul3A_234 = arith.muli %add3A_227, %mul3A_233 : i32
        %add3A_235 = arith.addi %arg1, %mul3A_234 : i32
        %mul3A_236 = arith.constant 128 : i32
        %mul3A_237 = arith.muli %add3A_235, %mul3A_236 : i32
        %dma_start3A_238 = tpu.memref_slice %arg3[%mul3A_237] : memref<320000xi32, #tpu.memory_space<hbm>> -> memref<128xi32, #tpu.memory_space<hbm>>
        %dma_start3A_239 = tpu.memref_slice %arg3[%mul3A_237] : memref<320000xi32, #tpu.memory_space<hbm>> -> memref<128xi32, #tpu.memory_space<hbm>>
        tpu.enqueue_dma source(%dma_start3A_239 : memref<128xi32, #tpu.memory_space<hbm>>) target(%arg5 : memref<128xi32, #tpu.memory_space<vmem>>) target_semaphore(%arg11 : memref<!tpu.dma_semaphore, #tpu.memory_space<semaphore_mem>>)
        %dma_start3A_240 = arith.constant 0 : i32
        %dma_start3A_241 = tpu.memref_slice %arg2[%mul3A_237, %dma_start3A_240] : memref<320000x16xf32, #tpu.memory_space<hbm>> -> memref<128x16xf32, #tpu.memory_space<hbm>>
        %dma_start3A_242 = arith.constant 0 : i32
        %dma_start3A_243 = tpu.memref_slice %arg2[%mul3A_237, %dma_start3A_242] : memref<320000x16xf32, #tpu.memory_space<hbm>> -> memref<128x16xf32, #tpu.memory_space<hbm>>
        tpu.enqueue_dma source(%dma_start3A_243 : memref<128x16xf32, #tpu.memory_space<hbm>>) target(%arg7 : memref<128x16xf32, #tpu.memory_space<vmem>>) target_semaphore(%arg11 : memref<!tpu.dma_semaphore, #tpu.memory_space<semaphore_mem>>)
      } else {
      }
      %lt3A_215 = arith.cmpi slt, %add3A_195, %add3A_18 : i32
      %convert_element_type3A_216 = arith.extui %lt3A_215 : i1 to i32
      %cond3A_217 = arith.constant 0 : i32
      %cond3A_218 = arith.cmpi ne, %convert_element_type3A_216, %cond3A_217 : i32
      scf.if %cond3A_218 {
        %dma_wait3A_226 = arith.constant 0 : i32
        %dma_wait3A_227 = tpu.memref_slice %arg3[%dma_wait3A_226] : memref<320000xi32, #tpu.memory_space<hbm>> -> memref<128xi32, #tpu.memory_space<hbm>>
        %dma_wait3A_228 = arith.constant 0 : i32
        %dma_wait3A_229 = tpu.memref_slice %arg3[%dma_wait3A_228] : memref<320000xi32, #tpu.memory_space<hbm>> -> memref<128xi32, #tpu.memory_space<hbm>>
        tpu.wait_dma2 semaphore(%arg12 : memref<!tpu.dma_semaphore, #tpu.memory_space<semaphore_mem>>) src(%dma_wait3A_229 : memref<128xi32, #tpu.memory_space<hbm>>) dst(%arg6 : memref<128xi32, #tpu.memory_space<vmem>>)
        %dma_wait3A_230 = arith.constant 0 : i32
        %dma_wait3A_231 = arith.constant 0 : i32
        %dma_wait3A_232 = tpu.memref_slice %arg2[%dma_wait3A_230, %dma_wait3A_231] : memref<320000x16xf32, #tpu.memory_space<hbm>> -> memref<128x16xf32, #tpu.memory_space<hbm>>
        %dma_wait3A_233 = arith.constant 0 : i32
        %dma_wait3A_234 = arith.constant 0 : i32
        %dma_wait3A_235 = tpu.memref_slice %arg2[%dma_wait3A_233, %dma_wait3A_234] : memref<320000x16xf32, #tpu.memory_space<hbm>> -> memref<128x16xf32, #tpu.memory_space<hbm>>
        tpu.wait_dma2 semaphore(%arg12 : memref<!tpu.dma_semaphore, #tpu.memory_space<semaphore_mem>>) src(%dma_wait3A_235 : memref<128x16xf32, #tpu.memory_space<hbm>>) dst(%arg8 : memref<128x16xf32, #tpu.memory_space<vmem>>)
        %dma_start3A_236 = arith.constant 0 : i32
        %dma_start3A_237 = arith.constant 0 : i32
        %dma_start3A_238 = tpu.memref_slice %arg10[%dma_start3A_236, %dma_start3A_237] : memref<10000x16xf32, #tpu.memory_space<vmem_shared>> -> memref<10000x16xf32, #tpu.memory_space<vmem_shared>>
        tpu.enqueue_indirect_dma source(%arg8 : memref<128x16xf32, #tpu.memory_space<vmem>>) target(%dma_start3A_238 : memref<10000x16xf32, #tpu.memory_space<vmem_shared>>) offsets(%arg6 : memref<128xi32, #tpu.memory_space<vmem>>) semaphore(%arg14 : memref<!tpu.dma_semaphore, #tpu.memory_space<semaphore_mem>>) {add = true}
      } else {
      }
      %add3A_219 = arith.constant 2 : i32
      %add3A_220 = arith.addi %add3A_195, %add3A_219 : i32
      %lt3A_221 = arith.cmpi slt, %add3A_220, %add3A_18 : i32
      %convert_element_type3A_222 = arith.extui %lt3A_221 : i1 to i32
      %cond3A_223 = arith.constant 0 : i32
      %cond3A_224 = arith.cmpi ne, %convert_element_type3A_222, %cond3A_223 : i32
      scf.if %cond3A_224 {
        %add3A_226 = arith.constant 2 : i32
        %add3A_227 = arith.addi %add3A_195, %add3A_226 : i32
        %ge3A_228 = arith.constant 2 : i32
        %ge3A_229 = arith.cmpi sge, %add3A_227, %ge3A_228 : i32
        %convert_element_type3A_230 = arith.extui %ge3A_229 : i1 to i32
        %cond3A_231 = arith.constant 0 : i32
        %cond3A_232 = arith.cmpi ne, %convert_element_type3A_230, %cond3A_231 : i32
        scf.if %cond3A_232 {
          %dma_wait3A_244 = arith.constant 0 : i32
          %dma_wait3A_245 = arith.constant 0 : i32
          %dma_wait3A_246 = tpu.memref_slice %arg10[%dma_wait3A_244, %dma_wait3A_245] : memref<10000x16xf32, #tpu.memory_space<vmem_shared>> -> memref<10000x16xf32, #tpu.memory_space<vmem_shared>>
          tpu.wait_indirect_dma semaphore(%arg14 : memref<!tpu.dma_semaphore, #tpu.memory_space<semaphore_mem>>) src(%arg8 : memref<128x16xf32, #tpu.memory_space<vmem>>) dst(%dma_wait3A_246 : memref<10000x16xf32, #tpu.memory_space<vmem_shared>>)
        } else {
        }
        %mul3A_233 = arith.constant 16 : i32
        %mul3A_234 = arith.muli %add3A_227, %mul3A_233 : i32
        %add3A_235 = arith.addi %arg1, %mul3A_234 : i32
        %mul3A_236 = arith.constant 128 : i32
        %mul3A_237 = arith.muli %add3A_235, %mul3A_236 : i32
        %dma_start3A_238 = tpu.memref_slice %arg3[%mul3A_237] : memref<320000xi32, #tpu.memory_space<hbm>> -> memref<128xi32, #tpu.memory_space<hbm>>
        %dma_start3A_239 = tpu.memref_slice %arg3[%mul3A_237] : memref<320000xi32, #tpu.memory_space<hbm>> -> memref<128xi32, #tpu.memory_space<hbm>>
        tpu.enqueue_dma source(%dma_start3A_239 : memref<128xi32, #tpu.memory_space<hbm>>) target(%arg6 : memref<128xi32, #tpu.memory_space<vmem>>) target_semaphore(%arg12 : memref<!tpu.dma_semaphore, #tpu.memory_space<semaphore_mem>>)
        %dma_start3A_240 = arith.constant 0 : i32
        %dma_start3A_241 = tpu.memref_slice %arg2[%mul3A_237, %dma_start3A_240] : memref<320000x16xf32, #tpu.memory_space<hbm>> -> memref<128x16xf32, #tpu.memory_space<hbm>>
        %dma_start3A_242 = arith.constant 0 : i32
        %dma_start3A_243 = tpu.memref_slice %arg2[%mul3A_237, %dma_start3A_242] : memref<320000x16xf32, #tpu.memory_space<hbm>> -> memref<128x16xf32, #tpu.memory_space<hbm>>
        tpu.enqueue_dma source(%dma_start3A_243 : memref<128x16xf32, #tpu.memory_space<hbm>>) target(%arg8 : memref<128x16xf32, #tpu.memory_space<vmem>>) target_semaphore(%arg12 : memref<!tpu.dma_semaphore, #tpu.memory_space<semaphore_mem>>)
      } else {
      }
      %while3A_225 = arith.constant 0 : i32
      scf.yield %while3A_225 : i32
    }
    %dma_wait3A = arith.constant 0 : i32
    %dma_wait3A_128 = arith.constant 0 : i32
    %dma_wait3A_129 = tpu.memref_slice %arg10[%dma_wait3A, %dma_wait3A_128] : memref<10000x16xf32, #tpu.memory_space<vmem_shared>> -> memref<10000x16xf32, #tpu.memory_space<vmem_shared>>
    tpu.wait_indirect_dma semaphore(%arg13 : memref<!tpu.dma_semaphore, #tpu.memory_space<semaphore_mem>>) src(%arg7 : memref<128x16xf32, #tpu.memory_space<vmem>>) dst(%dma_wait3A_129 : memref<10000x16xf32, #tpu.memory_space<vmem_shared>>)
    %dma_wait3A_130 = arith.constant 0 : i32
    %dma_wait3A_131 = arith.constant 0 : i32
    %dma_wait3A_132 = tpu.memref_slice %arg10[%dma_wait3A_130, %dma_wait3A_131] : memref<10000x16xf32, #tpu.memory_space<vmem_shared>> -> memref<10000x16xf32, #tpu.memory_space<vmem_shared>>
    tpu.wait_indirect_dma semaphore(%arg14 : memref<!tpu.dma_semaphore, #tpu.memory_space<semaphore_mem>>) src(%arg8 : memref<128x16xf32, #tpu.memory_space<vmem>>) dst(%dma_wait3A_132 : memref<10000x16xf32, #tpu.memory_space<vmem_shared>>)
    %barrier3A_133 = arith.constant 0 : index
    tpu.barrier barrier_id(%barrier3A_133)
    %add3A_134 = arith.constant 0 : i32
    %add3A_135 = arith.addi %arg1, %add3A_134 : i32
    %lt3A_136 = arith.constant 125 : i32
    %lt3A_137 = arith.cmpi slt, %add3A_135, %lt3A_136 : i32
    %convert_element_type3A_138 = arith.extui %lt3A_137 : i1 to i32
    %cond3A_139 = arith.constant 0 : i32
    %cond3A_140 = arith.cmpi ne, %convert_element_type3A_138, %cond3A_139 : i32
    scf.if %cond3A_140 {
      %mul3A_190 = arith.constant 80 : i32
      %mul3A_191 = arith.muli %add3A_135, %mul3A_190 : i32
      %mul3A_192 = arith.constant 80 : i32
      %mul3A_193 = arith.muli %add3A_135, %mul3A_192 : i32
      "tpu.region"() ({
        %run_scoped3A = tpu.sem_alloc : memref<!tpu.dma_semaphore, #tpu.memory_space<semaphore_mem>>
        %dma_start3A_194 = arith.constant 0 : i32
        %dma_start3A_195 = tpu.memref_slice %arg4[%mul3A_193, %dma_start3A_194] : memref<10000x16xf32, #tpu.memory_space<hbm>> -> memref<80x16xf32, #tpu.memory_space<hbm>>
        %dma_start3A_196 = arith.constant 0 : i32
        %dma_start3A_197 = tpu.memref_slice %arg10[%mul3A_191, %dma_start3A_196] : memref<10000x16xf32, #tpu.memory_space<vmem_shared>> -> memref<80x16xf32, #tpu.memory_space<vmem_shared>>
        tpu.enqueue_dma source(%dma_start3A_197 : memref<80x16xf32, #tpu.memory_space<vmem_shared>>) target(%dma_start3A_195 : memref<80x16xf32, #tpu.memory_space<hbm>>) target_semaphore(%run_scoped3A : memref<!tpu.dma_semaphore, #tpu.memory_space<semaphore_mem>>)
        %dma_wait3A_198 = arith.constant 0 : i32
        %dma_wait3A_199 = tpu.memref_slice %arg4[%mul3A_193, %dma_wait3A_198] : memref<10000x16xf32, #tpu.memory_space<hbm>> -> memref<80x16xf32, #tpu.memory_space<hbm>>
        %dma_wait3A_200 = arith.constant 0 : i32
        %dma_wait3A_201 = tpu.memref_slice %arg10[%mul3A_191, %dma_wait3A_200] : memref<10000x16xf32, #tpu.memory_space<vmem_shared>> -> memref<80x16xf32, #tpu.memory_space<vmem_shared>>
        tpu.wait_dma2 semaphore(%run_scoped3A : memref<!tpu.dma_semaphore, #tpu.memory_space<semaphore_mem>>) src(%dma_wait3A_201 : memref<80x16xf32, #tpu.memory_space<vmem_shared>>) dst(%dma_wait3A_199 : memref<80x16xf32, #tpu.memory_space<hbm>>)
        tpu.yield
      }) : () -> ()
    } else {
    }
    %add3A_141 = arith.constant 16 : i32
    %add3A_142 = arith.addi %arg1, %add3A_141 : i32
    %lt3A_143 = arith.constant 125 : i32
    %lt3A_144 = arith.cmpi slt, %add3A_142, %lt3A_143 : i32
    %convert_element_type3A_145 = arith.extui %lt3A_144 : i1 to i32
    %cond3A_146 = arith.constant 0 : i32
    %cond3A_147 = arith.cmpi ne, %convert_element_type3A_145, %cond3A_146 : i32
    scf.if %cond3A_147 {
      %mul3A_190 = arith.constant 80 : i32
      %mul3A_191 = arith.muli %add3A_142, %mul3A_190 : i32
      %mul3A_192 = arith.constant 80 : i32
      %mul3A_193 = arith.muli %add3A_142, %mul3A_192 : i32
      "tpu.region"() ({
        %run_scoped3A = tpu.sem_alloc : memref<!tpu.dma_semaphore, #tpu.memory_space<semaphore_mem>>
        %dma_start3A_194 = arith.constant 0 : i32
        %dma_start3A_195 = tpu.memref_slice %arg4[%mul3A_193, %dma_start3A_194] : memref<10000x16xf32, #tpu.memory_space<hbm>> -> memref<80x16xf32, #tpu.memory_space<hbm>>
        %dma_start3A_196 = arith.constant 0 : i32
        %dma_start3A_197 = tpu.memref_slice %arg10[%mul3A_191, %dma_start3A_196] : memref<10000x16xf32, #tpu.memory_space<vmem_shared>> -> memref<80x16xf32, #tpu.memory_space<vmem_shared>>
        tpu.enqueue_dma source(%dma_start3A_197 : memref<80x16xf32, #tpu.memory_space<vmem_shared>>) target(%dma_start3A_195 : memref<80x16xf32, #tpu.memory_space<hbm>>) target_semaphore(%run_scoped3A : memref<!tpu.dma_semaphore, #tpu.memory_space<semaphore_mem>>)
        %dma_wait3A_198 = arith.constant 0 : i32
        %dma_wait3A_199 = tpu.memref_slice %arg4[%mul3A_193, %dma_wait3A_198] : memref<10000x16xf32, #tpu.memory_space<hbm>> -> memref<80x16xf32, #tpu.memory_space<hbm>>
        %dma_wait3A_200 = arith.constant 0 : i32
        %dma_wait3A_201 = tpu.memref_slice %arg10[%mul3A_191, %dma_wait3A_200] : memref<10000x16xf32, #tpu.memory_space<vmem_shared>> -> memref<80x16xf32, #tpu.memory_space<vmem_shared>>
        tpu.wait_dma2 semaphore(%run_scoped3A : memref<!tpu.dma_semaphore, #tpu.memory_space<semaphore_mem>>) src(%dma_wait3A_201 : memref<80x16xf32, #tpu.memory_space<vmem_shared>>) dst(%dma_wait3A_199 : memref<80x16xf32, #tpu.memory_space<hbm>>)
        tpu.yield
      }) : () -> ()
    } else {
    }
    %add3A_148 = arith.constant 32 : i32
    %add3A_149 = arith.addi %arg1, %add3A_148 : i32
    %lt3A_150 = arith.constant 125 : i32
    %lt3A_151 = arith.cmpi slt, %add3A_149, %lt3A_150 : i32
    %convert_element_type3A_152 = arith.extui %lt3A_151 : i1 to i32
    %cond3A_153 = arith.constant 0 : i32
    %cond3A_154 = arith.cmpi ne, %convert_element_type3A_152, %cond3A_153 : i32
    scf.if %cond3A_154 {
      %mul3A_190 = arith.constant 80 : i32
      %mul3A_191 = arith.muli %add3A_149, %mul3A_190 : i32
      %mul3A_192 = arith.constant 80 : i32
      %mul3A_193 = arith.muli %add3A_149, %mul3A_192 : i32
      "tpu.region"() ({
        %run_scoped3A = tpu.sem_alloc : memref<!tpu.dma_semaphore, #tpu.memory_space<semaphore_mem>>
        %dma_start3A_194 = arith.constant 0 : i32
        %dma_start3A_195 = tpu.memref_slice %arg4[%mul3A_193, %dma_start3A_194] : memref<10000x16xf32, #tpu.memory_space<hbm>> -> memref<80x16xf32, #tpu.memory_space<hbm>>
        %dma_start3A_196 = arith.constant 0 : i32
        %dma_start3A_197 = tpu.memref_slice %arg10[%mul3A_191, %dma_start3A_196] : memref<10000x16xf32, #tpu.memory_space<vmem_shared>> -> memref<80x16xf32, #tpu.memory_space<vmem_shared>>
        tpu.enqueue_dma source(%dma_start3A_197 : memref<80x16xf32, #tpu.memory_space<vmem_shared>>) target(%dma_start3A_195 : memref<80x16xf32, #tpu.memory_space<hbm>>) target_semaphore(%run_scoped3A : memref<!tpu.dma_semaphore, #tpu.memory_space<semaphore_mem>>)
        %dma_wait3A_198 = arith.constant 0 : i32
        %dma_wait3A_199 = tpu.memref_slice %arg4[%mul3A_193, %dma_wait3A_198] : memref<10000x16xf32, #tpu.memory_space<hbm>> -> memref<80x16xf32, #tpu.memory_space<hbm>>
        %dma_wait3A_200 = arith.constant 0 : i32
        %dma_wait3A_201 = tpu.memref_slice %arg10[%mul3A_191, %dma_wait3A_200] : memref<10000x16xf32, #tpu.memory_space<vmem_shared>> -> memref<80x16xf32, #tpu.memory_space<vmem_shared>>
        tpu.wait_dma2 semaphore(%run_scoped3A : memref<!tpu.dma_semaphore, #tpu.memory_space<semaphore_mem>>) src(%dma_wait3A_201 : memref<80x16xf32, #tpu.memory_space<vmem_shared>>) dst(%dma_wait3A_199 : memref<80x16xf32, #tpu.memory_space<hbm>>)
        tpu.yield
      }) : () -> ()
    } else {
    }
    %add3A_155 = arith.constant 48 : i32
    %add3A_156 = arith.addi %arg1, %add3A_155 : i32
    %lt3A_157 = arith.constant 125 : i32
    %lt3A_158 = arith.cmpi slt, %add3A_156, %lt3A_157 : i32
    %convert_element_type3A_159 = arith.extui %lt3A_158 : i1 to i32
    %cond3A_160 = arith.constant 0 : i32
    %cond3A_161 = arith.cmpi ne, %convert_element_type3A_159, %cond3A_160 : i32
    scf.if %cond3A_161 {
      %mul3A_190 = arith.constant 80 : i32
      %mul3A_191 = arith.muli %add3A_156, %mul3A_190 : i32
      %mul3A_192 = arith.constant 80 : i32
      %mul3A_193 = arith.muli %add3A_156, %mul3A_192 : i32
      "tpu.region"() ({
        %run_scoped3A = tpu.sem_alloc : memref<!tpu.dma_semaphore, #tpu.memory_space<semaphore_mem>>
        %dma_start3A_194 = arith.constant 0 : i32
        %dma_start3A_195 = tpu.memref_slice %arg4[%mul3A_193, %dma_start3A_194] : memref<10000x16xf32, #tpu.memory_space<hbm>> -> memref<80x16xf32, #tpu.memory_space<hbm>>
        %dma_start3A_196 = arith.constant 0 : i32
        %dma_start3A_197 = tpu.memref_slice %arg10[%mul3A_191, %dma_start3A_196] : memref<10000x16xf32, #tpu.memory_space<vmem_shared>> -> memref<80x16xf32, #tpu.memory_space<vmem_shared>>
        tpu.enqueue_dma source(%dma_start3A_197 : memref<80x16xf32, #tpu.memory_space<vmem_shared>>) target(%dma_start3A_195 : memref<80x16xf32, #tpu.memory_space<hbm>>) target_semaphore(%run_scoped3A : memref<!tpu.dma_semaphore, #tpu.memory_space<semaphore_mem>>)
        %dma_wait3A_198 = arith.constant 0 : i32
        %dma_wait3A_199 = tpu.memref_slice %arg4[%mul3A_193, %dma_wait3A_198] : memref<10000x16xf32, #tpu.memory_space<hbm>> -> memref<80x16xf32, #tpu.memory_space<hbm>>
        %dma_wait3A_200 = arith.constant 0 : i32
        %dma_wait3A_201 = tpu.memref_slice %arg10[%mul3A_191, %dma_wait3A_200] : memref<10000x16xf32, #tpu.memory_space<vmem_shared>> -> memref<80x16xf32, #tpu.memory_space<vmem_shared>>
        tpu.wait_dma2 semaphore(%run_scoped3A : memref<!tpu.dma_semaphore, #tpu.memory_space<semaphore_mem>>) src(%dma_wait3A_201 : memref<80x16xf32, #tpu.memory_space<vmem_shared>>) dst(%dma_wait3A_199 : memref<80x16xf32, #tpu.memory_space<hbm>>)
        tpu.yield
      }) : () -> ()
    } else {
    }
    %add3A_162 = arith.constant 64 : i32
    %add3A_163 = arith.addi %arg1, %add3A_162 : i32
    %lt3A_164 = arith.constant 125 : i32
    %lt3A_165 = arith.cmpi slt, %add3A_163, %lt3A_164 : i32
    %convert_element_type3A_166 = arith.extui %lt3A_165 : i1 to i32
    %cond3A_167 = arith.constant 0 : i32
    %cond3A_168 = arith.cmpi ne, %convert_element_type3A_166, %cond3A_167 : i32
    scf.if %cond3A_168 {
      %mul3A_190 = arith.constant 80 : i32
      %mul3A_191 = arith.muli %add3A_163, %mul3A_190 : i32
      %mul3A_192 = arith.constant 80 : i32
      %mul3A_193 = arith.muli %add3A_163, %mul3A_192 : i32
      "tpu.region"() ({
        %run_scoped3A = tpu.sem_alloc : memref<!tpu.dma_semaphore, #tpu.memory_space<semaphore_mem>>
        %dma_start3A_194 = arith.constant 0 : i32
        %dma_start3A_195 = tpu.memref_slice %arg4[%mul3A_193, %dma_start3A_194] : memref<10000x16xf32, #tpu.memory_space<hbm>> -> memref<80x16xf32, #tpu.memory_space<hbm>>
        %dma_start3A_196 = arith.constant 0 : i32
        %dma_start3A_197 = tpu.memref_slice %arg10[%mul3A_191, %dma_start3A_196] : memref<10000x16xf32, #tpu.memory_space<vmem_shared>> -> memref<80x16xf32, #tpu.memory_space<vmem_shared>>
        tpu.enqueue_dma source(%dma_start3A_197 : memref<80x16xf32, #tpu.memory_space<vmem_shared>>) target(%dma_start3A_195 : memref<80x16xf32, #tpu.memory_space<hbm>>) target_semaphore(%run_scoped3A : memref<!tpu.dma_semaphore, #tpu.memory_space<semaphore_mem>>)
        %dma_wait3A_198 = arith.constant 0 : i32
        %dma_wait3A_199 = tpu.memref_slice %arg4[%mul3A_193, %dma_wait3A_198] : memref<10000x16xf32, #tpu.memory_space<hbm>> -> memref<80x16xf32, #tpu.memory_space<hbm>>
        %dma_wait3A_200 = arith.constant 0 : i32
        %dma_wait3A_201 = tpu.memref_slice %arg10[%mul3A_191, %dma_wait3A_200] : memref<10000x16xf32, #tpu.memory_space<vmem_shared>> -> memref<80x16xf32, #tpu.memory_space<vmem_shared>>
        tpu.wait_dma2 semaphore(%run_scoped3A : memref<!tpu.dma_semaphore, #tpu.memory_space<semaphore_mem>>) src(%dma_wait3A_201 : memref<80x16xf32, #tpu.memory_space<vmem_shared>>) dst(%dma_wait3A_199 : memref<80x16xf32, #tpu.memory_space<hbm>>)
        tpu.yield
      }) : () -> ()
    } else {
    }
    %add3A_169 = arith.constant 80 : i32
    %add3A_170 = arith.addi %arg1, %add3A_169 : i32
    %lt3A_171 = arith.constant 125 : i32
    %lt3A_172 = arith.cmpi slt, %add3A_170, %lt3A_171 : i32
    %convert_element_type3A_173 = arith.extui %lt3A_172 : i1 to i32
    %cond3A_174 = arith.constant 0 : i32
    %cond3A_175 = arith.cmpi ne, %convert_element_type3A_173, %cond3A_174 : i32
    scf.if %cond3A_175 {
      %mul3A_190 = arith.constant 80 : i32
      %mul3A_191 = arith.muli %add3A_170, %mul3A_190 : i32
      %mul3A_192 = arith.constant 80 : i32
      %mul3A_193 = arith.muli %add3A_170, %mul3A_192 : i32
      "tpu.region"() ({
        %run_scoped3A = tpu.sem_alloc : memref<!tpu.dma_semaphore, #tpu.memory_space<semaphore_mem>>
        %dma_start3A_194 = arith.constant 0 : i32
        %dma_start3A_195 = tpu.memref_slice %arg4[%mul3A_193, %dma_start3A_194] : memref<10000x16xf32, #tpu.memory_space<hbm>> -> memref<80x16xf32, #tpu.memory_space<hbm>>
        %dma_start3A_196 = arith.constant 0 : i32
        %dma_start3A_197 = tpu.memref_slice %arg10[%mul3A_191, %dma_start3A_196] : memref<10000x16xf32, #tpu.memory_space<vmem_shared>> -> memref<80x16xf32, #tpu.memory_space<vmem_shared>>
        tpu.enqueue_dma source(%dma_start3A_197 : memref<80x16xf32, #tpu.memory_space<vmem_shared>>) target(%dma_start3A_195 : memref<80x16xf32, #tpu.memory_space<hbm>>) target_semaphore(%run_scoped3A : memref<!tpu.dma_semaphore, #tpu.memory_space<semaphore_mem>>)
        %dma_wait3A_198 = arith.constant 0 : i32
        %dma_wait3A_199 = tpu.memref_slice %arg4[%mul3A_193, %dma_wait3A_198] : memref<10000x16xf32, #tpu.memory_space<hbm>> -> memref<80x16xf32, #tpu.memory_space<hbm>>
        %dma_wait3A_200 = arith.constant 0 : i32
        %dma_wait3A_201 = tpu.memref_slice %arg10[%mul3A_191, %dma_wait3A_200] : memref<10000x16xf32, #tpu.memory_space<vmem_shared>> -> memref<80x16xf32, #tpu.memory_space<vmem_shared>>
        tpu.wait_dma2 semaphore(%run_scoped3A : memref<!tpu.dma_semaphore, #tpu.memory_space<semaphore_mem>>) src(%dma_wait3A_201 : memref<80x16xf32, #tpu.memory_space<vmem_shared>>) dst(%dma_wait3A_199 : memref<80x16xf32, #tpu.memory_space<hbm>>)
        tpu.yield
      }) : () -> ()
    } else {
    }
    %add3A_176 = arith.constant 96 : i32
    %add3A_177 = arith.addi %arg1, %add3A_176 : i32
    %lt3A_178 = arith.constant 125 : i32
    %lt3A_179 = arith.cmpi slt, %add3A_177, %lt3A_178 : i32
    %convert_element_type3A_180 = arith.extui %lt3A_179 : i1 to i32
    %cond3A_181 = arith.constant 0 : i32
    %cond3A_182 = arith.cmpi ne, %convert_element_type3A_180, %cond3A_181 : i32
    scf.if %cond3A_182 {
      %mul3A_190 = arith.constant 80 : i32
      %mul3A_191 = arith.muli %add3A_177, %mul3A_190 : i32
      %mul3A_192 = arith.constant 80 : i32
      %mul3A_193 = arith.muli %add3A_177, %mul3A_192 : i32
      "tpu.region"() ({
        %run_scoped3A = tpu.sem_alloc : memref<!tpu.dma_semaphore, #tpu.memory_space<semaphore_mem>>
        %dma_start3A_194 = arith.constant 0 : i32
        %dma_start3A_195 = tpu.memref_slice %arg4[%mul3A_193, %dma_start3A_194] : memref<10000x16xf32, #tpu.memory_space<hbm>> -> memref<80x16xf32, #tpu.memory_space<hbm>>
        %dma_start3A_196 = arith.constant 0 : i32
        %dma_start3A_197 = tpu.memref_slice %arg10[%mul3A_191, %dma_start3A_196] : memref<10000x16xf32, #tpu.memory_space<vmem_shared>> -> memref<80x16xf32, #tpu.memory_space<vmem_shared>>
        tpu.enqueue_dma source(%dma_start3A_197 : memref<80x16xf32, #tpu.memory_space<vmem_shared>>) target(%dma_start3A_195 : memref<80x16xf32, #tpu.memory_space<hbm>>) target_semaphore(%run_scoped3A : memref<!tpu.dma_semaphore, #tpu.memory_space<semaphore_mem>>)
        %dma_wait3A_198 = arith.constant 0 : i32
        %dma_wait3A_199 = tpu.memref_slice %arg4[%mul3A_193, %dma_wait3A_198] : memref<10000x16xf32, #tpu.memory_space<hbm>> -> memref<80x16xf32, #tpu.memory_space<hbm>>
        %dma_wait3A_200 = arith.constant 0 : i32
        %dma_wait3A_201 = tpu.memref_slice %arg10[%mul3A_191, %dma_wait3A_200] : memref<10000x16xf32, #tpu.memory_space<vmem_shared>> -> memref<80x16xf32, #tpu.memory_space<vmem_shared>>
        tpu.wait_dma2 semaphore(%run_scoped3A : memref<!tpu.dma_semaphore, #tpu.memory_space<semaphore_mem>>) src(%dma_wait3A_201 : memref<80x16xf32, #tpu.memory_space<vmem_shared>>) dst(%dma_wait3A_199 : memref<80x16xf32, #tpu.memory_space<hbm>>)
        tpu.yield
      }) : () -> ()
    } else {
    }
    %add3A_183 = arith.constant 112 : i32
    %add3A_184 = arith.addi %arg1, %add3A_183 : i32
    %lt3A_185 = arith.constant 125 : i32
    %lt3A_186 = arith.cmpi slt, %add3A_184, %lt3A_185 : i32
    %convert_element_type3A_187 = arith.extui %lt3A_186 : i1 to i32
    %cond3A_188 = arith.constant 0 : i32
    %cond3A_189 = arith.cmpi ne, %convert_element_type3A_187, %cond3A_188 : i32
    scf.if %cond3A_189 {
      %mul3A_190 = arith.constant 80 : i32
      %mul3A_191 = arith.muli %add3A_184, %mul3A_190 : i32
      %mul3A_192 = arith.constant 80 : i32
      %mul3A_193 = arith.muli %add3A_184, %mul3A_192 : i32
      "tpu.region"() ({
        %run_scoped3A = tpu.sem_alloc : memref<!tpu.dma_semaphore, #tpu.memory_space<semaphore_mem>>
        %dma_start3A_194 = arith.constant 0 : i32
        %dma_start3A_195 = tpu.memref_slice %arg4[%mul3A_193, %dma_start3A_194] : memref<10000x16xf32, #tpu.memory_space<hbm>> -> memref<80x16xf32, #tpu.memory_space<hbm>>
        %dma_start3A_196 = arith.constant 0 : i32
        %dma_start3A_197 = tpu.memref_slice %arg10[%mul3A_191, %dma_start3A_196] : memref<10000x16xf32, #tpu.memory_space<vmem_shared>> -> memref<80x16xf32, #tpu.memory_space<vmem_shared>>
        tpu.enqueue_dma source(%dma_start3A_197 : memref<80x16xf32, #tpu.memory_space<vmem_shared>>) target(%dma_start3A_195 : memref<80x16xf32, #tpu.memory_space<hbm>>) target_semaphore(%run_scoped3A : memref<!tpu.dma_semaphore, #tpu.memory_space<semaphore_mem>>)
        %dma_wait3A_198 = arith.constant 0 : i32
        %dma_wait3A_199 = tpu.memref_slice %arg4[%mul3A_193, %dma_wait3A_198] : memref<10000x16xf32, #tpu.memory_space<hbm>> -> memref<80x16xf32, #tpu.memory_space<hbm>>
        %dma_wait3A_200 = arith.constant 0 : i32
        %dma_wait3A_201 = tpu.memref_slice %arg10[%mul3A_191, %dma_wait3A_200] : memref<10000x16xf32, #tpu.memory_space<vmem_shared>> -> memref<80x16xf32, #tpu.memory_space<vmem_shared>>
        tpu.wait_dma2 semaphore(%run_scoped3A : memref<!tpu.dma_semaphore, #tpu.memory_space<semaphore_mem>>) src(%dma_wait3A_201 : memref<80x16xf32, #tpu.memory_space<vmem_shared>>) dst(%dma_wait3A_199 : memref<80x16xf32, #tpu.memory_space<hbm>>)
        tpu.yield
      }) : () -> ()
    } else {
    }
    return
  }
}

module attributes {stable_mosaic.version = 14 : i64} {
  func.func @_tables_body(%arg0: i32, %arg1: memref<1000x128xf32, #tpu.memory_space<vmem>>, %arg2: memref<128x128xf32, #tpu.memory_space<vmem>>, %arg3: memref<128x128xf32, #tpu.memory_space<vmem>>, %arg4: memref<1000x128xf32, #tpu.memory_space<vmem>>, %arg5: memref<1000x128xf32, #tpu.memory_space<vmem>>) attributes {dimension_semantics = [#tpu.dimension_semantics<arbitrary>], iteration_bounds = array<i64: 10>, scalar_prefetch = 0 : i64, scratch_operands = 0 : i64, tpu.core_type = #tpu.core_type<tc>, window_params = [{transform_indices = @transform_0, window_bounds = array<i64: 1000, 128>}, {pipeline_mode = #tpu.pipeline_mode<synchronous>, transform_indices = @transform_1, window_bounds = array<i64: 128, 128>}, {pipeline_mode = #tpu.pipeline_mode<synchronous>, transform_indices = @transform_2, window_bounds = array<i64: 128, 128>}, {transform_indices = @transform_3, window_bounds = array<i64: 1000, 128>}, {transform_indices = @transform_4, window_bounds = array<i64: 1000, 128>}]} {
    %get3A = arith.constant 0 : index
    %get3A_0 = arith.constant 0 : index
    %get3A_1 = vector.load %arg1[%get3A, %get3A_0] : memref<1000x128xf32, #tpu.memory_space<vmem>>, vector<1000x128xf32>
    %get3A_2 = arith.constant 0 : index
    %get3A_3 = arith.constant 0 : index
    %get3A_4 = vector.load %arg2[%get3A_2, %get3A_3] : memref<128x128xf32, #tpu.memory_space<vmem>>, vector<128x128xf32>
    %dot_general3A = arith.constant dense<0.000000e+00> : vector<1000x128xf32>
    %dot_general3A_5 = tpu.matmul %get3A_1, %get3A_4, %dot_general3A {dimension_numbers = #tpu.dot_dimension_numbers<[1], [0], [0], [1], [0, 0, 1, 1], [], []>, transpose_lhs_hint = false} : vector<1000x128xf32>, vector<128x128xf32>, vector<1000x128xf32> -> vector<1000x128xf32>
    %swap3A = arith.constant 0 : index
    %swap3A_6 = arith.constant 0 : index
    %swap3A_7 = vector.load %arg4[%swap3A, %swap3A_6] : memref<1000x128xf32, #tpu.memory_space<vmem>>, vector<1000x128xf32>
    tpu.vector_store %arg4[%swap3A, %swap3A_6], %dot_general3A_5 {strides = array<i32>} : memref<1000x128xf32, #tpu.memory_space<vmem>>, vector<1000x128xf32>,
    %get3A_8 = arith.constant 0 : index
    %get3A_9 = arith.constant 0 : index
    %get3A_10 = vector.load %arg3[%get3A_8, %get3A_9] : memref<128x128xf32, #tpu.memory_space<vmem>>, vector<128x128xf32>
    %dot_general3A_11 = arith.constant dense<0.000000e+00> : vector<1000x128xf32>
    %dot_general3A_12 = tpu.matmul %get3A_1, %get3A_10, %dot_general3A_11 {dimension_numbers = #tpu.dot_dimension_numbers<[1], [0], [0], [1], [0, 0, 1, 1], [], []>, transpose_lhs_hint = false} : vector<1000x128xf32>, vector<128x128xf32>, vector<1000x128xf32> -> vector<1000x128xf32>
    %swap3A_13 = arith.constant 0 : index
    %swap3A_14 = arith.constant 0 : index
    %swap3A_15 = vector.load %arg5[%swap3A_13, %swap3A_14] : memref<1000x128xf32, #tpu.memory_space<vmem>>, vector<1000x128xf32>
    tpu.vector_store %arg5[%swap3A_13, %swap3A_14], %dot_general3A_12 {strides = array<i32>} : memref<1000x128xf32, #tpu.memory_space<vmem>>, vector<1000x128xf32>,
    return
  }
  func.func @transform_0(%arg0: i32) -> (i32, i32) {
    %c0_i32 = arith.constant 0 : i32
    %c0_i32_0 = arith.constant 0 : i32
    return %arg0, %c0_i32 : i32, i32
  }
  func.func @transform_1(%arg0: i32) -> (i32, i32) {
    %c0_i32 = arith.constant 0 : i32
    %c0_i32_0 = arith.constant 0 : i32
    %c0_i32_1 = arith.constant 0 : i32
    return %c0_i32, %c0_i32_0 : i32, i32
  }
  func.func @transform_2(%arg0: i32) -> (i32, i32) {
    %c0_i32 = arith.constant 0 : i32
    %c0_i32_0 = arith.constant 0 : i32
    %c0_i32_1 = arith.constant 0 : i32
    return %c0_i32, %c0_i32_0 : i32, i32
  }
  func.func @transform_3(%arg0: i32) -> (i32, i32) {
    %c0_i32 = arith.constant 0 : i32
    %c0_i32_0 = arith.constant 0 : i32
    return %arg0, %c0_i32 : i32, i32
  }
  func.func @transform_4(%arg0: i32) -> (i32, i32) {
    %c0_i32 = arith.constant 0 : i32
    %c0_i32_0 = arith.constant 0 : i32
    return %arg0, %c0_i32 : i32, i32
  }
}

module attributes {stable_mosaic.version = 14 : i64} {
  func.func @_edge_body(%arg0: i32, %arg1: memref<1280x128xf32, #tpu.memory_space<vmem>>, %arg2: memref<1280x16xf32, #tpu.memory_space<vmem>>, %arg3: memref<1280x16xf32, #tpu.memory_space<vmem>>, %arg4: memref<16x128xf32, #tpu.memory_space<vmem>>, %arg5: memref<1x128xf32, #tpu.memory_space<vmem>>, %arg6: memref<1x128xf32, #tpu.memory_space<vmem>>, %arg7: memref<128x128xf32, #tpu.memory_space<vmem>>, %arg8: memref<1x128xf32, #tpu.memory_space<vmem>>, %arg9: memref<128x128xf32, #tpu.memory_space<vmem>>, %arg10: memref<1x128xf32, #tpu.memory_space<vmem>>, %arg11: memref<1x128xf32, #tpu.memory_space<vmem>>, %arg12: memref<1x1xf32, #tpu.memory_space<vmem>>, %arg13: memref<1280x128xf32, #tpu.memory_space<vmem>>, %arg14: memref<1280x16xf32, #tpu.memory_space<vmem>>) attributes {dimension_semantics = [#tpu.dimension_semantics<arbitrary>], iteration_bounds = array<i64: 250>, scalar_prefetch = 0 : i64, scratch_operands = 0 : i64, tpu.core_type = #tpu.core_type<tc>, window_params = [{transform_indices = @transform_0, window_bounds = array<i64: 1280, 128>}, {transform_indices = @transform_1, window_bounds = array<i64: 1280, 16>}, {transform_indices = @transform_2, window_bounds = array<i64: 1280, 16>}, {pipeline_mode = #tpu.pipeline_mode<synchronous>, transform_indices = @transform_3, window_bounds = array<i64: 16, 128>}, {pipeline_mode = #tpu.pipeline_mode<synchronous>, transform_indices = @transform_4, window_bounds = array<i64: 1, 128>}, {pipeline_mode = #tpu.pipeline_mode<synchronous>, transform_indices = @transform_5, window_bounds = array<i64: 1, 128>}, {pipeline_mode = #tpu.pipeline_mode<synchronous>, transform_indices = @transform_6, window_bounds = array<i64: 128, 128>}, {pipeline_mode = #tpu.pipeline_mode<synchronous>, transform_indices = @transform_7, window_bounds = array<i64: 1, 128>}, {pipeline_mode = #tpu.pipeline_mode<synchronous>, transform_indices = @transform_8, window_bounds = array<i64: 128, 128>}, {pipeline_mode = #tpu.pipeline_mode<synchronous>, transform_indices = @transform_9, window_bounds = array<i64: 1, 128>}, {pipeline_mode = #tpu.pipeline_mode<synchronous>, transform_indices = @transform_10, window_bounds = array<i64: 1, 128>}, {pipeline_mode = #tpu.pipeline_mode<synchronous>, transform_indices = @transform_11, window_bounds = array<i64: 1, 1>}, {transform_indices = @transform_12, window_bounds = array<i64: 1280, 128>}, {transform_indices = @transform_13, window_bounds = array<i64: 1280, 16>}]} {
    %get3A = arith.constant 0 : index
    %get3A_0 = arith.constant 0 : index
    %get3A_1 = vector.load %arg2[%get3A, %get3A_0] : memref<1280x16xf32, #tpu.memory_space<vmem>>, vector<1280x16xf32>
    %slice3A = vector.extract_strided_slice %get3A_1 {offsets = [0, 3], sizes = [1280, 1], strides = [1, 1]} : vector<1280x16xf32> to vector<1280x1xf32>
    %get3A_2 = arith.constant 0 : index
    %get3A_3 = arith.constant 0 : index
    %get3A_4 = vector.load %arg1[%get3A_2, %get3A_3] : memref<1280x128xf32, #tpu.memory_space<vmem>>, vector<1280x128xf32>
    %get3A_5 = arith.constant 0 : index
    %get3A_6 = arith.constant 0 : index
    %get3A_7 = vector.load %arg5[%get3A_5, %get3A_6] : memref<1x128xf32, #tpu.memory_space<vmem>>, vector<1x128xf32>
    %mul3A = vector.broadcast %slice3A : vector<1280x1xf32> to vector<1280x128xf32>
    %mul3A_8 = vector.broadcast %get3A_7 : vector<1x128xf32> to vector<1280x128xf32>
    %mul3A_9 = arith.mulf %mul3A, %mul3A_8 : vector<1280x128xf32>
    %add3A = arith.addf %get3A_4, %mul3A_9 : vector<1280x128xf32>
    %get3A_10 = arith.constant 0 : index
    %get3A_11 = arith.constant 0 : index
    %get3A_12 = vector.load %arg6[%get3A_10, %get3A_11] : memref<1x128xf32, #tpu.memory_space<vmem>>, vector<1x128xf32>
    %add3A_13 = vector.broadcast %get3A_12 : vector<1x128xf32> to vector<1280x128xf32>
    %add3A_14 = arith.addf %add3A, %add3A_13 : vector<1280x128xf32>
    %get3A_15 = arith.constant 0 : index
    %get3A_16 = arith.constant 0 : index
    %get3A_17 = vector.load %arg3[%get3A_15, %get3A_16] : memref<1280x16xf32, #tpu.memory_space<vmem>>, vector<1280x16xf32>
    %get3A_18 = arith.constant 0 : index
    %get3A_19 = arith.constant 0 : index
    %get3A_20 = vector.load %arg4[%get3A_18, %get3A_19] : memref<16x128xf32, #tpu.memory_space<vmem>>, vector<16x128xf32>
    %dot_general3A = arith.constant dense<0.000000e+00> : vector<1280x128xf32>
    %dot_general3A_21 = tpu.matmul %get3A_17, %get3A_20, %dot_general3A {dimension_numbers = #tpu.dot_dimension_numbers<[1], [0], [0], [1], [0, 0, 1, 1], [], []>, transpose_lhs_hint = false} : vector<1280x16xf32>, vector<16x128xf32>, vector<1280x128xf32> -> vector<1280x128xf32>
    %add3A_22 = arith.addf %add3A_14, %dot_general3A_21 : vector<1280x128xf32>
    %max3A = arith.constant 0.000000e+00 : f32
    %max3A_23 = vector.broadcast %max3A : f32 to vector<1280x128xf32>
    %max3A_24 = arith.maximumf %add3A_22, %max3A_23 : vector<1280x128xf32>
    %get3A_25 = arith.constant 0 : index
    %get3A_26 = arith.constant 0 : index
    %get3A_27 = vector.load %arg7[%get3A_25, %get3A_26] : memref<128x128xf32, #tpu.memory_space<vmem>>, vector<128x128xf32>
    %dot_general3A_28 = arith.constant dense<0.000000e+00> : vector<1280x128xf32>
    %dot_general3A_29 = tpu.matmul %max3A_24, %get3A_27, %dot_general3A_28 {dimension_numbers = #tpu.dot_dimension_numbers<[1], [0], [0], [1], [0, 0, 1, 1], [], []>, transpose_lhs_hint = false} : vector<1280x128xf32>, vector<128x128xf32>, vector<1280x128xf32> -> vector<1280x128xf32>
    %get3A_30 = arith.constant 0 : index
    %get3A_31 = arith.constant 0 : index
    %get3A_32 = vector.load %arg8[%get3A_30, %get3A_31] : memref<1x128xf32, #tpu.memory_space<vmem>>, vector<1x128xf32>
    %add3A_33 = vector.broadcast %get3A_32 : vector<1x128xf32> to vector<1280x128xf32>
    %add3A_34 = arith.addf %dot_general3A_29, %add3A_33 : vector<1280x128xf32>
    %max3A_35 = arith.constant 0.000000e+00 : f32
    %max3A_36 = vector.broadcast %max3A_35 : f32 to vector<1280x128xf32>
    %max3A_37 = arith.maximumf %add3A_34, %max3A_36 : vector<1280x128xf32>
    %swap3A = arith.constant 0 : index
    %swap3A_38 = arith.constant 0 : index
    %swap3A_39 = vector.load %arg13[%swap3A, %swap3A_38] : memref<1280x128xf32, #tpu.memory_space<vmem>>, vector<1280x128xf32>
    tpu.vector_store %arg13[%swap3A, %swap3A_38], %max3A_37 {strides = array<i32>} : memref<1280x128xf32, #tpu.memory_space<vmem>>, vector<1280x128xf32>,
    %get3A_40 = arith.constant 0 : index
    %get3A_41 = arith.constant 0 : index
    %get3A_42 = vector.load %arg9[%get3A_40, %get3A_41] : memref<128x128xf32, #tpu.memory_space<vmem>>, vector<128x128xf32>
    %dot_general3A_43 = arith.constant dense<0.000000e+00> : vector<1280x128xf32>
    %dot_general3A_44 = tpu.matmul %max3A_37, %get3A_42, %dot_general3A_43 {dimension_numbers = #tpu.dot_dimension_numbers<[1], [0], [0], [1], [0, 0, 1, 1], [], []>, transpose_lhs_hint = false} : vector<1280x128xf32>, vector<128x128xf32>, vector<1280x128xf32> -> vector<1280x128xf32>
    %get3A_45 = arith.constant 0 : index
    %get3A_46 = arith.constant 0 : index
    %get3A_47 = vector.load %arg10[%get3A_45, %get3A_46] : memref<1x128xf32, #tpu.memory_space<vmem>>, vector<1x128xf32>
    %add3A_48 = vector.broadcast %get3A_47 : vector<1x128xf32> to vector<1280x128xf32>
    %add3A_49 = arith.addf %dot_general3A_44, %add3A_48 : vector<1280x128xf32>
    %max3A_50 = arith.constant 0.000000e+00 : f32
    %max3A_51 = vector.broadcast %max3A_50 : f32 to vector<1280x128xf32>
    %max3A_52 = arith.maximumf %add3A_49, %max3A_51 : vector<1280x128xf32>
    %get3A_53 = arith.constant 0 : index
    %get3A_54 = arith.constant 0 : index
    %get3A_55 = vector.load %arg11[%get3A_53, %get3A_54] : memref<1x128xf32, #tpu.memory_space<vmem>>, vector<1x128xf32>
    %mul3A_56 = vector.broadcast %get3A_55 : vector<1x128xf32> to vector<1280x128xf32>
    %mul3A_57 = arith.mulf %max3A_52, %mul3A_56 : vector<1280x128xf32>
    %reduce_sum3A = arith.constant dense<0.000000e+00> : vector<1280xf32>
    %reduce_sum3A_58 = vector.multi_reduction <add>, %mul3A_57, %reduce_sum3A [1] : vector<1280x128xf32> to vector<1280xf32>
    %broadcast_in_dim3A = vector.shape_cast %reduce_sum3A_58 : vector<1280xf32> to vector<1280x1xf32>
    %get3A_59 = arith.constant 0 : index
    %get3A_60 = arith.constant 0 : index
    %get3A_61 = vector.load %arg12[%get3A_59, %get3A_60] : memref<1x1xf32, #tpu.memory_space<vmem>>, vector<1x1xf32>
    %add3A_62 = vector.broadcast %get3A_61 : vector<1x1xf32> to vector<1280x1xf32>
    %add3A_63 = arith.addf %broadcast_in_dim3A, %add3A_62 : vector<1280x1xf32>
    %iota3A = tpu.iota {dimensions = array<i32: 1>} : vector<1280x16xi32>
    %eq3A = arith.constant 3 : i32
    %eq3A_64 = vector.broadcast %eq3A : i32 to vector<1280x16xi32>
    %eq3A_65 = arith.cmpi eq, %iota3A, %eq3A_64 : vector<1280x16xi32>
    %mul3A_66 = vector.broadcast %add3A_63 : vector<1280x1xf32> to vector<1280x16xf32>
    %mul3A_67 = arith.mulf %get3A_1, %mul3A_66 : vector<1280x16xf32>
    %jit3A = arith.constant 1.000000e+00 : f32
    %broadcast_in_dim3A_68 = vector.broadcast %jit3A : f32 to vector<1280x16xf32>
    %select_n3A = arith.select %eq3A_65, %broadcast_in_dim3A_68, %mul3A_67 : vector<1280x16xi1>, vector<1280x16xf32>
    %swap3A_69 = arith.constant 0 : index
    %swap3A_70 = arith.constant 0 : index
    %swap3A_71 = vector.load %arg14[%swap3A_69, %swap3A_70] : memref<1280x16xf32, #tpu.memory_space<vmem>>, vector<1280x16xf32>
    tpu.vector_store %arg14[%swap3A_69, %swap3A_70], %select_n3A {strides = array<i32>} : memref<1280x16xf32, #tpu.memory_space<vmem>>, vector<1280x16xf32>,
    return
  }
  func.func @transform_0(%arg0: i32) -> (i32, i32) {
    %c0_i32 = arith.constant 0 : i32
    %c0_i32_0 = arith.constant 0 : i32
    return %arg0, %c0_i32 : i32, i32
  }
  func.func @transform_1(%arg0: i32) -> (i32, i32) {
    %c0_i32 = arith.constant 0 : i32
    %c0_i32_0 = arith.constant 0 : i32
    return %arg0, %c0_i32 : i32, i32
  }
  func.func @transform_2(%arg0: i32) -> (i32, i32) {
    %c0_i32 = arith.constant 0 : i32
    %c0_i32_0 = arith.constant 0 : i32
    return %arg0, %c0_i32 : i32, i32
  }
  func.func @transform_3(%arg0: i32) -> (i32, i32) {
    %c0_i32 = arith.constant 0 : i32
    %c0_i32_0 = arith.constant 0 : i32
    %c0_i32_1 = arith.constant 0 : i32
    return %c0_i32, %c0_i32_0 : i32, i32
  }
  func.func @transform_4(%arg0: i32) -> (i32, i32) {
    %c0_i32 = arith.constant 0 : i32
    %c0_i32_0 = arith.constant 0 : i32
    %c0_i32_1 = arith.constant 0 : i32
    return %c0_i32, %c0_i32_0 : i32, i32
  }
  func.func @transform_5(%arg0: i32) -> (i32, i32) {
    %c0_i32 = arith.constant 0 : i32
    %c0_i32_0 = arith.constant 0 : i32
    %c0_i32_1 = arith.constant 0 : i32
    return %c0_i32, %c0_i32_0 : i32, i32
  }
  func.func @transform_6(%arg0: i32) -> (i32, i32) {
    %c0_i32 = arith.constant 0 : i32
    %c0_i32_0 = arith.constant 0 : i32
    %c0_i32_1 = arith.constant 0 : i32
    return %c0_i32, %c0_i32_0 : i32, i32
  }
  func.func @transform_7(%arg0: i32) -> (i32, i32) {
    %c0_i32 = arith.constant 0 : i32
    %c0_i32_0 = arith.constant 0 : i32
    %c0_i32_1 = arith.constant 0 : i32
    return %c0_i32, %c0_i32_0 : i32, i32
  }
  func.func @transform_8(%arg0: i32) -> (i32, i32) {
    %c0_i32 = arith.constant 0 : i32
    %c0_i32_0 = arith.constant 0 : i32
    %c0_i32_1 = arith.constant 0 : i32
    return %c0_i32, %c0_i32_0 : i32, i32
  }
  func.func @transform_9(%arg0: i32) -> (i32, i32) {
    %c0_i32 = arith.constant 0 : i32
    %c0_i32_0 = arith.constant 0 : i32
    %c0_i32_1 = arith.constant 0 : i32
    return %c0_i32, %c0_i32_0 : i32, i32
  }
  func.func @transform_10(%arg0: i32) -> (i32, i32) {
    %c0_i32 = arith.constant 0 : i32
    %c0_i32_0 = arith.constant 0 : i32
    %c0_i32_1 = arith.constant 0 : i32
    return %c0_i32, %c0_i32_0 : i32, i32
  }
  func.func @transform_11(%arg0: i32) -> (i32, i32) {
    %c0_i32 = arith.constant 0 : i32
    %c0_i32_0 = arith.constant 0 : i32
    %c0_i32_1 = arith.constant 0 : i32
    return %c0_i32, %c0_i32_0 : i32, i32
  }
  func.func @transform_12(%arg0: i32) -> (i32, i32) {
    %c0_i32 = arith.constant 0 : i32
    %c0_i32_0 = arith.constant 0 : i32
    return %arg0, %c0_i32 : i32, i32
  }
  func.func @transform_13(%arg0: i32) -> (i32, i32) {
    %c0_i32 = arith.constant 0 : i32
    %c0_i32_0 = arith.constant 0 : i32
    return %arg0, %c0_i32 : i32, i32
  }
}

module attributes {stable_mosaic.version = 14 : i64} {
  func.func @_node_body(%arg0: i32, %arg1: memref<1000x128xf32, #tpu.memory_space<vmem>>, %arg2: memref<1000x128xf32, #tpu.memory_space<vmem>>, %arg3: memref<1000x16xf32, #tpu.memory_space<vmem>>, %arg4: memref<1000x3xf32, #tpu.memory_space<vmem>>, %arg5: memref<128x128xf32, #tpu.memory_space<vmem>>, %arg6: memref<128x128xf32, #tpu.memory_space<vmem>>, %arg7: memref<1x128xf32, #tpu.memory_space<vmem>>, %arg8: memref<128x128xf32, #tpu.memory_space<vmem>>, %arg9: memref<1x128xf32, #tpu.memory_space<vmem>>, %arg10: memref<1000x128xf32, #tpu.memory_space<vmem>>, %arg11: memref<1000x3xf32, #tpu.memory_space<vmem>>) attributes {dimension_semantics = [#tpu.dimension_semantics<arbitrary>], iteration_bounds = array<i64: 10>, scalar_prefetch = 0 : i64, scratch_operands = 0 : i64, tpu.core_type = #tpu.core_type<tc>, window_params = [{transform_indices = @transform_0, window_bounds = array<i64: 1000, 128>}, {transform_indices = @transform_1, window_bounds = array<i64: 1000, 128>}, {transform_indices = @transform_2, window_bounds = array<i64: 1000, 16>}, {transform_indices = @transform_3, window_bounds = array<i64: 1000, 3>}, {pipeline_mode = #tpu.pipeline_mode<synchronous>, transform_indices = @transform_4, window_bounds = array<i64: 128, 128>}, {pipeline_mode = #tpu.pipeline_mode<synchronous>, transform_indices = @transform_5, window_bounds = array<i64: 128, 128>}, {pipeline_mode = #tpu.pipeline_mode<synchronous>, transform_indices = @transform_6, window_bounds = array<i64: 1, 128>}, {pipeline_mode = #tpu.pipeline_mode<synchronous>, transform_indices = @transform_7, window_bounds = array<i64: 128, 128>}, {pipeline_mode = #tpu.pipeline_mode<synchronous>, transform_indices = @transform_8, window_bounds = array<i64: 1, 128>}, {transform_indices = @transform_9, window_bounds = array<i64: 1000, 128>}, {transform_indices = @transform_10, window_bounds = array<i64: 1000, 3>}]} {
    %get3A = arith.constant 0 : index
    %get3A_0 = arith.constant 0 : index
    %get3A_1 = vector.load %arg2[%get3A, %get3A_0] : memref<1000x128xf32, #tpu.memory_space<vmem>>, vector<1000x128xf32>
    %get3A_2 = arith.constant 0 : index
    %get3A_3 = arith.constant 0 : index
    %get3A_4 = vector.load %arg1[%get3A_2, %get3A_3] : memref<1000x128xf32, #tpu.memory_space<vmem>>, vector<1000x128xf32>
    %get3A_5 = arith.constant 0 : index
    %get3A_6 = arith.constant 0 : index
    %get3A_7 = vector.load %arg5[%get3A_5, %get3A_6] : memref<128x128xf32, #tpu.memory_space<vmem>>, vector<128x128xf32>
    %dot_general3A = arith.constant dense<0.000000e+00> : vector<1000x128xf32>
    %dot_general3A_8 = tpu.matmul %get3A_4, %get3A_7, %dot_general3A {dimension_numbers = #tpu.dot_dimension_numbers<[1], [0], [0], [1], [0, 0, 1, 1], [], []>, transpose_lhs_hint = false} : vector<1000x128xf32>, vector<128x128xf32>, vector<1000x128xf32> -> vector<1000x128xf32>
    %get3A_9 = arith.constant 0 : index
    %get3A_10 = arith.constant 0 : index
    %get3A_11 = vector.load %arg6[%get3A_9, %get3A_10] : memref<128x128xf32, #tpu.memory_space<vmem>>, vector<128x128xf32>
    %dot_general3A_12 = arith.constant dense<0.000000e+00> : vector<1000x128xf32>
    %dot_general3A_13 = tpu.matmul %get3A_1, %get3A_11, %dot_general3A_12 {dimension_numbers = #tpu.dot_dimension_numbers<[1], [0], [0], [1], [0, 0, 1, 1], [], []>, transpose_lhs_hint = false} : vector<1000x128xf32>, vector<128x128xf32>, vector<1000x128xf32> -> vector<1000x128xf32>
    %add3A = arith.addf %dot_general3A_8, %dot_general3A_13 : vector<1000x128xf32>
    %get3A_14 = arith.constant 0 : index
    %get3A_15 = arith.constant 0 : index
    %get3A_16 = vector.load %arg7[%get3A_14, %get3A_15] : memref<1x128xf32, #tpu.memory_space<vmem>>, vector<1x128xf32>
    %add3A_17 = vector.broadcast %get3A_16 : vector<1x128xf32> to vector<1000x128xf32>
    %add3A_18 = arith.addf %add3A, %add3A_17 : vector<1000x128xf32>
    %max3A = arith.constant 0.000000e+00 : f32
    %max3A_19 = vector.broadcast %max3A : f32 to vector<1000x128xf32>
    %max3A_20 = arith.maximumf %add3A_18, %max3A_19 : vector<1000x128xf32>
    %get3A_21 = arith.constant 0 : index
    %get3A_22 = arith.constant 0 : index
    %get3A_23 = vector.load %arg8[%get3A_21, %get3A_22] : memref<128x128xf32, #tpu.memory_space<vmem>>, vector<128x128xf32>
    %dot_general3A_24 = arith.constant dense<0.000000e+00> : vector<1000x128xf32>
    %dot_general3A_25 = tpu.matmul %max3A_20, %get3A_23, %dot_general3A_24 {dimension_numbers = #tpu.dot_dimension_numbers<[1], [0], [0], [1], [0, 0, 1, 1], [], []>, transpose_lhs_hint = false} : vector<1000x128xf32>, vector<128x128xf32>, vector<1000x128xf32> -> vector<1000x128xf32>
    %get3A_26 = arith.constant 0 : index
    %get3A_27 = arith.constant 0 : index
    %get3A_28 = vector.load %arg9[%get3A_26, %get3A_27] : memref<1x128xf32, #tpu.memory_space<vmem>>, vector<1x128xf32>
    %add3A_29 = vector.broadcast %get3A_28 : vector<1x128xf32> to vector<1000x128xf32>
    %add3A_30 = arith.addf %dot_general3A_25, %add3A_29 : vector<1000x128xf32>
    %swap3A = arith.constant 0 : index
    %swap3A_31 = arith.constant 0 : index
    %swap3A_32 = vector.load %arg10[%swap3A, %swap3A_31] : memref<1000x128xf32, #tpu.memory_space<vmem>>, vector<1000x128xf32>
    tpu.vector_store %arg10[%swap3A, %swap3A_31], %add3A_30 {strides = array<i32>} : memref<1000x128xf32, #tpu.memory_space<vmem>>, vector<1000x128xf32>,
    %get3A_33 = arith.constant 0 : index
    %get3A_34 = arith.constant 0 : index
    %get3A_35 = vector.load %arg3[%get3A_33, %get3A_34] : memref<1000x16xf32, #tpu.memory_space<vmem>>, vector<1000x16xf32>
    %slice3A = vector.extract_strided_slice %get3A_35 {offsets = [0, 3], sizes = [1000, 1], strides = [1, 1]} : vector<1000x16xf32> to vector<1000x1xf32>
    %max3A_36 = arith.constant 1.000000e+00 : f32
    %max3A_37 = vector.broadcast %max3A_36 : f32 to vector<1000x1xf32>
    %max3A_38 = arith.maximumf %slice3A, %max3A_37 : vector<1000x1xf32>
    %get3A_39 = arith.constant 0 : index
    %get3A_40 = arith.constant 0 : index
    %get3A_41 = vector.load %arg4[%get3A_39, %get3A_40] : memref<1000x3xf32, #tpu.memory_space<vmem>>, vector<1000x3xf32>
    %slice3A_42 = vector.extract_strided_slice %get3A_35 {offsets = [0, 0], sizes = [1000, 3], strides = [1, 1]} : vector<1000x16xf32> to vector<1000x3xf32>
    %div3A = vector.broadcast %max3A_38 : vector<1000x1xf32> to vector<1000x3xf32>
    %div3A_43 = arith.divf %slice3A_42, %div3A : vector<1000x3xf32>
    %add3A_44 = arith.addf %get3A_41, %div3A_43 : vector<1000x3xf32>
    %swap3A_45 = arith.constant 0 : index
    %swap3A_46 = arith.constant 0 : index
    %swap3A_47 = vector.load %arg11[%swap3A_45, %swap3A_46] : memref<1000x3xf32, #tpu.memory_space<vmem>>, vector<1000x3xf32>
    tpu.vector_store %arg11[%swap3A_45, %swap3A_46], %add3A_44 {strides = array<i32>} : memref<1000x3xf32, #tpu.memory_space<vmem>>, vector<1000x3xf32>,
    return
  }
  func.func @transform_0(%arg0: i32) -> (i32, i32) {
    %c0_i32 = arith.constant 0 : i32
    %c0_i32_0 = arith.constant 0 : i32
    return %arg0, %c0_i32 : i32, i32
  }
  func.func @transform_1(%arg0: i32) -> (i32, i32) {
    %c0_i32 = arith.constant 0 : i32
    %c0_i32_0 = arith.constant 0 : i32
    return %arg0, %c0_i32 : i32, i32
  }
  func.func @transform_2(%arg0: i32) -> (i32, i32) {
    %c0_i32 = arith.constant 0 : i32
    %c0_i32_0 = arith.constant 0 : i32
    return %arg0, %c0_i32 : i32, i32
  }
  func.func @transform_3(%arg0: i32) -> (i32, i32) {
    %c0_i32 = arith.constant 0 : i32
    %c0_i32_0 = arith.constant 0 : i32
    return %arg0, %c0_i32 : i32, i32
  }
  func.func @transform_4(%arg0: i32) -> (i32, i32) {
    %c0_i32 = arith.constant 0 : i32
    %c0_i32_0 = arith.constant 0 : i32
    %c0_i32_1 = arith.constant 0 : i32
    return %c0_i32, %c0_i32_0 : i32, i32
  }
  func.func @transform_5(%arg0: i32) -> (i32, i32) {
    %c0_i32 = arith.constant 0 : i32
    %c0_i32_0 = arith.constant 0 : i32
    %c0_i32_1 = arith.constant 0 : i32
    return %c0_i32, %c0_i32_0 : i32, i32
  }
  func.func @transform_6(%arg0: i32) -> (i32, i32) {
    %c0_i32 = arith.constant 0 : i32
    %c0_i32_0 = arith.constant 0 : i32
    %c0_i32_1 = arith.constant 0 : i32
    return %c0_i32, %c0_i32_0 : i32, i32
  }
  func.func @transform_7(%arg0: i32) -> (i32, i32) {
    %c0_i32 = arith.constant 0 : i32
    %c0_i32_0 = arith.constant 0 : i32
    %c0_i32_1 = arith.constant 0 : i32
    return %c0_i32, %c0_i32_0 : i32, i32
  }
  func.func @transform_8(%arg0: i32) -> (i32, i32) {
    %c0_i32 = arith.constant 0 : i32
    %c0_i32_0 = arith.constant 0 : i32
    %c0_i32_1 = arith.constant 0 : i32
    return %c0_i32, %c0_i32_0 : i32, i32
  }
  func.func @transform_9(%arg0: i32) -> (i32, i32) {
    %c0_i32 = arith.constant 0 : i32
    %c0_i32_0 = arith.constant 0 : i32
    return %arg0, %c0_i32 : i32, i32
  }
  func.func @transform_10(%arg0: i32) -> (i32, i32) {
    %c0_i32 = arith.constant 0 : i32
    %c0_i32_0 = arith.constant 0 : i32
    return %arg0, %c0_i32 : i32, i32
  }
}

</mosaic_0001>

<sc_bundles>
// kernel: kernel.11.cloned.1.call-start
scs
__scs_entry_jumppad:
0x0: {  	(pc) =	sbr.rel $0x88, $3  }
0x1: {  	(tag) =	ssettag $0x0;
	lr =	simm.s32 $0x1  }
0x2: {  	[smem:$0x3F91] =	sst lr;
	_ =	strace $0xD0000000  }
0x3: {  	_ = 	snop  }
0x4: {  	_ = 	snop  }
0x5: {  	_ = 	snop  }
0x6: {  	_ = 	snop  }
0x7: {  	_ = 	snop  }
__scs_overlays_trampoline_lowered:
0x8: {  	[smem:$0x3FA0] =	sst s0  }
0x9: {  	[smem:$0x3FA1] =	sst s1  }
0xa: {  	[smem:$0x3FA2] =	sst s2  }
0xb: {  	[smem:$0x3FA3] =	sst s3  }
0xc: {  	[smem:$0x3FA4] =	sst s4  }
0xd: {  	[smem:$0x3FA5] =	sst s5  }
0xe: {  	[smem:$0x3FA6] =	sst s6  }
0xf: {  	[smem:$0x3FA7] =	sst s7  }
0x10: {  	[smem:$0x3FA8] =	sst s8  }
0x11: {  	[smem:$0x3FA9] =	sst s9;
	s0 =	simm.s32 @!p0 $0x0  }
0x12: {  	s1 =	sld [smem:$0x3F8F];
	s0 =	simm.s32 @p0 $0x1  }
0x13: {  	[smem:$0x3FAA] =	sst s0;
	s0 =	simm.s32 @!p1 $0x0  }
0x14: {  	s2 =	sld [smem:$0x3F8E];
	s0 =	simm.s32 @p1 $0x1  }
0x15: {  	[smem:$0x3FAB] =	sst s0;
	s0 =	simm.s32 @!p2 $0x0  }
0x16: {  	s3 =	sld [smem:$0x3FDB];
	s0 =	simm.s32 @p2 $0x1  }
0x17: {  	s4 =	simm.s32 $0x1BF5;
	[smem:$0x3FAD] =	sst s0  }
0x18: {  	s0 =	sld [smem:$0x3F90];
	_ =	swait.ge [sflag:s4], $0x0  }
0x19: {  	s7 =	sld [smem:$0x3F91]  }
0x1a: {  	s8 =	sadd.s32 $0xFFFFE003, lr  }
0x1b: {  	s9 =	sadd.s32 $0xFFFFFEF7, lr;
	s5 =	simm.s32 $0xFFFFFFFF;
	p2 =	slt.u32 s8, $0xFFFFF086  }
0x1c: {  	p1 =	slt.u32 s9, $0xF7A;
	s5 =	simm.s32 @!p2 $0x0  }
0x1d: {  	s5 =	simm.s32 @p1 $0x1;
	p0 =	seq.s32 s7, s2  }
0x1e: {  	s7 =	smul.u32 @!p0 $0xF7A, s2;
	p2 =	seq.s32 @!p0 s5, $0x0  }
0x1f: {  	s9 =	smul.u32 $0xF7A, s1;
	s8 =	simm.s32 @!p0 $0x1BF5;
	p2 =	por !p2, p0  }
0x20: {  	[sflag:s8] =	ssyncset.s32 @!p0 $0xFFFFF086;
	s6 =	sadd.s32 @!p0 s3, s7;
	s7 =	simm.s32 @!p0 $0x108  }
0x21: {  	s3 =	sadd.s32 s3, s9;
	s6 =	sadd.s32 @!p0 $0x88, s6;
	s7 =	simm.s32 @p2 $0x1082  }
0x22: {  	[simem:s7], [sflag:s8] =	dma.local @!p0 [hbm:s6], $0xF7A  }
0x23: {  	s9 =	sor.u32 $0xD0000000, s2;
	s6 =	simm.s32 $0x108;
	_ =	swait.ge @!p0 [sflag:s8], $0x0  }
0x24: {  	s3 =	sadd.s32 $0x88, s3;
	s6 =	simm.s32 @!p1 $0x1082;
	[sflag:s4] =	ssyncset.s32 $0xFFFFF086  }
0x25: {  	[simem:s6], [sflag:s4] =	dma.local [hbm:s3], $0xF7A  }
0x26: {  	[smem:$0x3F91] =	sst s1;
	(tag) =	ssettag s2;
	_ =	strace s9  }
0x27: {  	s1 =	sld [smem:$0x3FA1]  }
0x28: {  	s2 =	sld [smem:$0x3FA2]  }
0x29: {  	s4 =	sld [smem:$0x3FA4]  }
0x2a: {  	p0 =	seq.s32 s5, $0x0;
	s5 =	sld [smem:$0x3FA5]  }
0x2b: {  	s6 =	sld [smem:$0x3FA6]  }
0x2c: {  	s7 =	sld [smem:$0x3FA7]  }
0x2d: {  	s3 =	simm.s32 $0x108;
	s8 =	sld [smem:$0x3FA8]  }
0x2e: {  	s3 =	simm.s32 @!p0 $0x1082;
	s9 =	sld [smem:$0x3FA9]  }
0x2f: {  	lr =	sadd.s32 s0, s3;
	s0 =	sld [smem:$0x3FA0]  }
0x30: {  	s3 =	sld [smem:$0x3FA3]  }
0x31: {  	[smem:$0x3FAC] =	sst s10  }
0x32: {  	s10 =	sld [smem:$0x3FAA];
	_ =	sdelay $0x3  }
0x33: {  	p0 =	seq.s32 s10, $0x1;
	s10 =	sld [smem:$0x3FAC];
	_ =	sdelay $0x3  }
0x34: {  	[smem:$0x3FAC] =	sst s10  }
0x35: {  	s10 =	sld [smem:$0x3FAB];
	_ =	sdelay $0x3  }
0x36: {  	p1 =	seq.s32 s10, $0x1;
	s10 =	sld [smem:$0x3FAC];
	_ =	sdelay $0x3  }
0x37: {  	[smem:$0x3FAC] =	sst s10  }
0x38: {  	s10 =	sld [smem:$0x3FAD]  }
0x39: {  	_ = 	snop;
	(pc) =	sbr.ind lr, $3  }
0x3a: {  	_ = 	snop  }
0x3b: {  	_ = 	snop  }
0x3c: {  	p2 =	seq.s32 s10, $0x1;
	s10 =	sld [smem:$0x3FAC]  }
0x3d: {  	_ =	shalt  }
0x3e: {  	_ =	shalt  }
0x3f: {  	_ =	shalt  }
0x40: {  	_ =	shalt  }
0x41: {  	_ =	shalt  }
0x42: {  	_ =	shalt  }
0x43: {  	_ =	shalt  }
0x44: {  	_ =	shalt  }
0x45: {  	_ =	shalt  }
0x46: {  	_ =	shalt  }
0x47: {  	_ =	shalt  }
0x48: {  	_ =	shalt  }
0x49: {  	_ =	shalt  }
0x4a: {  	_ =	shalt  }
0x4b: {  	_ =	shalt  }
0x4c: {  	_ =	shalt  }
0x4d: {  	_ =	shalt  }
0x4e: {  	_ =	shalt  }
0x4f: {  	_ =	shalt  }
0x50: {  	_ =	shalt  }
0x51: {  	_ =	shalt  }
0x52: {  	_ =	shalt  }
0x53: {  	_ =	shalt  }
0x54: {  	_ =	shalt  }
0x55: {  	_ =	shalt  }
0x56: {  	_ =	shalt  }
0x57: {  	_ =	shalt  }
0x58: {  	_ =	shalt  }
0x59: {  	_ =	shalt  }
0x5a: {  	_ =	shalt  }
0x5b: {  	_ =	shalt  }
0x5c: {  	_ =	shalt  }
0x5d: {  	_ =	shalt  }
0x5e: {  	_ =	shalt  }
0x5f: {  	_ =	shalt  }
0x60: {  	_ =	shalt  }
0x61: {  	_ =	shalt  }
0x62: {  	_ =	shalt  }
0x63: {  	_ =	shalt  }
0x64: {  	_ =	shalt  }
0x65: {  	_ =	shalt  }
0x66: {  	_ =	shalt  }
0x67: {  	_ =	shalt  }
0x68: {  	_ =	shalt  }
0x69: {  	_ =	shalt  }
0x6a: {  	_ =	shalt  }
0x6b: {  	_ =	shalt  }
0x6c: {  	_ =	shalt  }
0x6d: {  	_ =	shalt  }
0x6e: {  	_ =	shalt  }
0x6f: {  	_ =	shalt  }
0x70: {  	_ =	shalt  }
0x71: {  	_ =	shalt  }
0x72: {  	_ =	shalt  }
0x73: {  	_ =	shalt  }
0x74: {  	_ =	shalt  }
0x75: {  	_ =	shalt  }
0x76: {  	_ =	shalt  }
0x77: {  	_ =	shalt  }
0x78: {  	_ =	shalt  }
0x79: {  	_ =	shalt  }
0x7a: {  	_ =	shalt  }
0x7b: {  	_ =	shalt  }
0x7c: {  	_ =	shalt  }
0x7d: {  	_ =	shalt  }
0x7e: {  	_ =	shalt  }
0x7f: {  	_ =	shalt  }
0x80: {  	_ =	shalt  }
0x81: {  	_ =	shalt  }
0x82: {  	_ =	shalt  }
0x83: {  	_ =	shalt  }
0x84: {  	_ =	shalt  }
0x85: {  	_ =	shalt  }
0x86: {  	_ =	shalt  }
0x87: {  	_ =	shalt  }
.Lfunc_end0:
.L_simem_size_0:
called_computation.1_lowered:
.L_overlay_start_0:
0x88: {  	s0 =	sld [smem:$0x3FD9]  }
0x89: {  	s1 =	sld [smem:$0x3FFE];
	_ =	sdelay $0x3  }
0x8a: {  	s0 =	sadd.s32 s1, s0  }
0x8b: {  	[smem:$0x3FB8] =	sst s0  }
0x8c: {  	_ = 	snop  }
0x8d: {  	s0 =	sld [smem:$0x3FD0];
	_ =	sdelay $0x2  }
0x8e: {  	s13 =	simm.s32 $0xB;
	s2 =	simm.s32 $0x10  }
0x8f: {  	[smem:s2], [sflag:s13] =	dma.local [hbm:s0], $0x1  }
0x90: {  	_ =	swait.eq [sflag:s13], $0x1  }
0x91: {  	[sflag:s13] =	ssyncset.done $0x0  }
0x92: {  	[sflag:s13] =	ssyncadd.s32 $0xFFFFFFFF  }
0x93: {  	s14 =	sld [smem:$0x12];
	(tm) =	ssettm $0x1  }
0x94: {  	s15 =	sld [smem:$0x3FFB];
	_ =	sdelay $0x3  }
0x95: {  	_ =	strace s15  }
0x96: {  	s1 =	sld [smem:$0x3FFC];
	_ =	sdelay $0x3  }
0x97: {  	_ =	strace s1  }
0x98: {  	s1 =	sld [smem:$0x3FFD];
	_ =	sdelay $0x3  }
0x99: {  	_ =	strace s1  }
0x9a: {  	_ =	strace $0x8FFFFFFF  }
0x9b: {  	s16 =	sld [smem:$0x3FDB];
	_ =	sdelay $0x1  }
0x9c: {  	s17 =	simm.s32 $_scs_section_size  }
0x9d: {  	s3 =	simm.s32 $_size__tile_overlayer_lowered;
	s4 =	simm.s32 $_tile_overlayer_lowered  }
0x9e: {  	s20 =	simm.s32 $0x1BFF;
	s19 =	sshll.u32 s4, $0x1;
	s1 =	sadd.s32 s17, s16  }
0x9f: {  	s5 =	simm.s32 $0x0;
	s18 =	sshll.u32 s3, $0x1;
	s3 =	sadd.s32 s19, s1  }
0xa0: {  	[timem:s5], [sflag:s20] =	dma.local [hbm:s3], s18  }
0xa1: {  	_ =	swait.ge [sflag:s20], s18  }
0xa2: {  	s2 =	ssub.s32 $0x0, s18;
	[sflag:s20] =	ssyncset.done $0x0  }
0xa3: {  	[sflag:s20] =	ssyncadd.s32 s2;
	_ =	sdelay $0x1  }
0xa4: {  	s21 =	simm.s32 $0x1B8B  }
0xa5: {  	_ =	swait.ge [sflag:s21], $0x1  }
0xa6: {  	[sflag:s21] =	ssyncset.done $0x0  }
0xa7: {  	s23 =	simm.s32 $0x1B8E;
	s22 =	sld [smem:$0x3FFE];
	[sflag:s21] =	ssyncadd.s32 $0xFFFFFFFF  }
0xa8: {  	s24 =	simm.s32 $execute0_lowered;
	[smem:$0x3FD2] =	sst s23  }
0xa9: {  	s3 =	sshll.u32 s24, $0x1;
	_ =	strace $0x80000049;
	[dreg:$0x1] =	wrdreg $0xFFFFFFFF  }
0xaa: {  	s25 =	simm.s32 $_size_execute0_lowered;
	s1 =	sadd.s32 s1, s3;
	[dreg:$0x0] =	wrdreg $0x0  }
0xab: {  	s3 =	sshll.u32 s25, $0x1;
	[dreg:$0x2] =	wrdreg s1  }
0xac: {  	[dreg:$0x3] =	wrdreg s3  }
0xad: {  	[dreg:$0x4] =	wrdreg $0xC0  }
0xae: {  	_ =	task [dreg:s5], $0x5FFFF  }
0xaf: {  	[dreg:$0x1] =	wrdreg $0xFFFFFFFF  }
0xb0: {  	[dreg:$0x0] =	wrdreg $0x60  }
0xb1: {  	[dreg:$0x2] =	wrdreg s14  }
0xb2: {  	[dreg:$0x3] =	wrdreg s22  }
0xb3: {  	[dreg:$0x4] =	wrdreg $0xA9000  }
0xb4: {  	[dreg:$0x5] =	wrdreg $0x9  }
0xb5: {  	_ =	task.clear_ibuf [dreg:s5], $0x6FFFF;
	_ =	strace $0x90000049  }
0xb6: {  	s26 =	simm.s32 $0x9;
	_ =	strace $0x8000004B  }
0xb7: {  	_ =	swait.ge [sflag:s26], $0x1  }
0xb8: {  	[sflag:s26] =	ssyncadd.s32 $0xFFFFFFFF  }
0xb9: {  	_ =	strace $0x9000004B  }
0xba: {  	_ =	sfence  }
0xbb: {  	s28 =	sld [smem:$0x0];
	_ =	sdelay $0x1  }
0xbc: {  	s29 =	srdreg.scid  }
0xbd: {  	s30 =	sshll.u32 s29, $0xD;
	s31 =	sshrl.u32 s29, $0x2  }
0xbe: {  	s2 =	sand.u32 $0x4000, s30;
	s1 =	sand.u32 $0x1, s29;
	s0 =	sadd.s32 s31, s28  }
0xbf: {  	s1 =	sor.u32 s2, s1;
	s0 =	sshll.u32 s0, $0x11  }
0xc0: {  	s0 =	sor.u32 s0, s1  }
0xc1: {  	s0 =	sadd.s32 $0x8F2B, s0  }
0xc2: {  	[sflag:s0] =	ssyncadd.remote.s32 $0x1  }
0xc3: {  	_ =	sfence.sel $0xFFFF  }
0xc4: {  	[dreg:$0x0] =	wrdreg $0xFFFFFFFF;
	(pc) =	sbr.abs _section_cstart, $3  }
0xc5: {  	[dreg:$0x1] =	wrdreg $0xFFFFFFFF  }
0xc6: {  	_ =	task.clear_ibuf [dreg:s5], $0x2FFFF;
	_ =	strace $0x9FFFFFFF  }
0xc7: {  	(tm) =	ssettm $0x7FFFFFFF  }
tec
execute0_lowered:
.L_overlay_start_1:
0x0: {  	(tag) =	ssettag $0x1  }
0x1: {  	s18 =	rddreg [dreg:$0x0]  }
0x2: {  	s0 =	rddreg [dreg:$0x1]  }
0x3: {  	s2 =	rddreg [dreg:$0x2];
	s1 =	simm.s32 $0x0;
	s3 =	simm.s32 $0x0  }
0x4: {  	s4 =	simm.s32 $0x200;
	[smem:$0x7FF] =	sst s1;
	s20 =	sadd.s32 $0xD800, s0  }
0x5: {  	v0 =	vimm.f32 $0.0e+00;
	s13 =	sadd.s32 $0x17600, s0;
	s1 =	stileid.u32;
	_ =	strace $0x8000004A  }
.LBB2_1:
0x6: {  	p0 =	sne.s32 s4, $0x9E00;
	[tilespmem:s3+$0x8170] =	vst v0  }
0x7: {  	[tilespmem:s3+$0x8100] =	vst v0  }
0x8: {  	[tilespmem:s3+$0x8110] =	vst v0  }
.Ltmp0:
0x9: {  	[tilespmem:s3+$0x8120] =	vst v0;
	(pc) =	sbr.rel @p0 .LBB2_1-.Ltmp0, $4  }
0xa: {  	[tilespmem:s3+$0x8130] =	vst v0  }
0xb: {  	[tilespmem:s3+$0x8140] =	vst v0  }
0xc: {  	[tilespmem:s3+$0x8150] =	vst v0  }
0xd: {  	[tilespmem:s3+$0x8160] =	vst v0;
	s3 =	sshra.s32 s4, $0x2;
	s4 =	sadd.s32 $0x200, s4  }
0xe: {  	[tilespmem:s3+$0x8170] =	vst v0  }
0xf: {  	[tilespmem:s3+$0x8100] =	vst v0  }
0x10: {  	[tilespmem:s3+$0x8110] =	vst v0  }
0x11: {  	[tilespmem:s3+$0x8120] =	vst v0;
	s0 =	smul.u32 $0xA000, s1  }
0x12: {  	[tilespmem:s3+$0x8130] =	vst v0  }
0x13: {  	[tilespmem:s3+$0x8140] =	vst v0;
	s0 =	sshrl.u32 s0, $0x2  }
0x14: {  	[tilespmem:s3+$0x8150] =	vst v0;
	s21 =	sor.u32 $0x10, s1;
	s7 =	simm.s32 $0x8100;
	s6 =	sadd.s32 s0, s2  }
0x15: {  	[tilespmem:s3+$0x8160] =	vst v0;
	s3 =	simm.s32 $0x5;
	s4 =	smul.u32 $0xA000, s21;
	[dreg:$0x4] =	wrdreg s6  }
0x16: {  	[spmem:s6] =	stream.linear.scatter [tilespmem:s7], [sflag:$0x5], $0x2800, $0x38;
	[tilespmem:$0x1E180] =	vst v63  }
0x17: {  	s4 =	sshrl.u32 s4, $0x2;
	_ =	swait.ge [sflag:s3], $0x2800  }
0x18: {  	s23 =	sor.u32 $0x20, s1;
	s5 =	sadd.s32 s4, s2;
	[sflag:s3] =	ssyncset.done $0x0  }
0x19: {  	s11 =	smul.u32 $0xA000, s23;
	[dreg:$0x5] =	wrdreg s5;
	[sflag:s3] =	ssyncadd.s32 $0xFFFFD800  }
0x1a: {  	[spmem:s5] =	stream.linear.scatter [tilespmem:s7], [sflag:$0x5], $0x2800, $0x38;
	[tilespmem:$0x1E180] =	vst v63  }
0x1b: {  	s4 =	sshrl.u32 s11, $0x2;
	_ =	swait.ge [sflag:s3], $0x2800  }
0x1c: {  	s24 =	sor.u32 $0x30, s1;
	s12 =	sadd.s32 s4, s2;
	[sflag:s3] =	ssyncset.done $0x0  }
0x1d: {  	s14 =	smul.u32 $0xA000, s24;
	[dreg:$0x6] =	wrdreg s12;
	[sflag:s3] =	ssyncadd.s32 $0xFFFFD800  }
0x1e: {  	[spmem:s12] =	stream.linear.scatter [tilespmem:s7], [sflag:$0x5], $0x2800, $0x38;
	[tilespmem:$0x1E180] =	vst v63  }
0x1f: {  	s4 =	sshrl.u32 s14, $0x2;
	_ =	swait.ge [sflag:s3], $0x2800  }
0x20: {  	s25 =	sor.u32 $0x40, s1;
	s15 =	sadd.s32 s4, s2;
	[sflag:s3] =	ssyncset.done $0x0  }
0x21: {  	s16 =	smul.u32 $0xA000, s25;
	[dreg:$0x7] =	wrdreg s15;
	[sflag:s3] =	ssyncadd.s32 $0xFFFFD800  }
0x22: {  	[spmem:s15] =	stream.linear.scatter [tilespmem:s7], [sflag:$0x5], $0x2800, $0x38;
	[tilespmem:$0x1E180] =	vst v63  }
0x23: {  	_ =	swait.ge [sflag:s3], $0x2800  }
0x24: {  	s26 =	sor.u32 $0x50, s1;
	s4 =	sshrl.u32 s16, $0x2;
	[sflag:s3] =	ssyncset.done $0x0  }
0x25: {  	s17 =	smul.u32 $0xA000, s26;
	s8 =	sadd.s32 s4, s2;
	[sflag:s3] =	ssyncadd.s32 $0xFFFFD800  }
0x26: {  	[spmem:s8] =	stream.linear.scatter [tilespmem:s7], [sflag:$0x5], $0x2800, $0x38;
	[tilespmem:$0x1E180] =	vst v63  }
0x27: {  	_ =	swait.ge [sflag:s3], $0x2800  }
0x28: {  	s29 =	sor.u32 $0x60, s1;
	s4 =	sshrl.u32 s17, $0x2;
	[sflag:s3] =	ssyncset.done $0x0  }
0x29: {  	s19 =	smul.u32 $0xA000, s29;
	s9 =	sadd.s32 s4, s2;
	[sflag:s3] =	ssyncadd.s32 $0xFFFFD800  }
0x2a: {  	[spmem:s9] =	stream.linear.scatter [tilespmem:s7], [sflag:$0x5], $0x2800, $0x38;
	[tilespmem:$0x1E180] =	vst v63  }
0x2b: {  	_ =	swait.ge [sflag:s3], $0x2800  }
0x2c: {  	s30 =	sor.u32 $0x70, s1;
	s4 =	sshrl.u32 s19, $0x2;
	[sflag:s3] =	ssyncset.done $0x0  }
0x2d: {  	s22 =	smul.u32 $0xA000, s30;
	s10 =	sadd.s32 s4, s2;
	[sflag:s3] =	ssyncadd.s32 $0xFFFFD800  }
0x2e: {  	[spmem:s10] =	stream.linear.scatter [tilespmem:s7], [sflag:$0x5], $0x2800, $0x38;
	[tilespmem:$0x1E180] =	vst v63  }
0x2f: {  	p0 =	sgt.u32 s1, $0xC;
	_ =	swait.ge [sflag:s3], $0x2800  }
0x30: {  	s0 =	simm.s32 @!p0 $0x8100;
	s4 =	sshrl.u32 s22, $0x2;
	[sflag:s3] =	ssyncset.done $0x0  }
0x31: {  	s11 =	sadd.s32 s4, s2;
	s12 =	simm.s32 @!p0 $0x5;
	[sflag:s3] =	ssyncadd.s32 $0xFFFFD800  }
0x32: {  	[spmem:s11] =	stream.linear.scatter @!p0 [tilespmem:s0], [sflag:$0x5], $0x2800, $0x38;
	[tilespmem:$0x1E180] =	vst v63  }
0x33: {  	_ =	swait.ge @!p0 [sflag:s12], $0x2800  }
0x34: {  	[sflag:s12] =	ssyncset.done @!p0 $0x0  }
0x35: {  	s14 =	simm.s32 $0x0;
	s0 =	sshll.u32 s1, $0x4;
	[sflag:s12] =	ssyncadd.s32 @!p0 $0xFFFFD800  }
0x36: {  	s22 =	sshll.u32 s1, $0xB;
	s5 =	sadd.s32 s20, s0;
	[bflag:$0x0] =	sbarrier.arrive $0xFFFF  }
0x37: {  	[tilespmem:s14], [sflag:$0x1] =	stream.linear.gather [hbm4b:s5+s14], $0x80, $0x38;
	[tilespmem:$0x1E180] =	vst v63  }
0x38: {  	s16 =	sshll.u32 s21, $0x4;
	s6 =	sadd.s32 s18, s22;
	s15 =	simm.s32 $0x100  }
0x39: {  	[tilespmem:s15], [sflag:$0x1] =	stream.linear.gather [hbm4b:s6+s14], $0x4000, $0x38;
	[tilespmem:$0x1E180] =	vst v63  }
0x3a: {  	s17 =	sshll.u32 s21, $0xB;
	s7 =	sadd.s32 s20, s16;
	s16 =	simm.s32 $0x80  }
0x3b: {  	[tilespmem:s16], [sflag:$0x2] =	stream.linear.gather [hbm4b:s7+s14], $0x80, $0x38;
	[tilespmem:$0x1E180] =	vst v63  }
0x3c: {  	s4 =	sadd.s32 s18, s17;
	s17 =	simm.s32 $0x4100  }
0x3d: {  	[tilespmem:s17], [sflag:$0x2] =	stream.linear.gather [hbm4b:s4+s14], $0x4000, $0x38;
	[tilespmem:$0x1E180] =	vst v63  }
0x3e: {  	s17 =	simm.s32 $0x1  }
0x3f: {  	_ =	swait.ge [sflag:s17], $0x80  }
0x40: {  	[sflag:s17] =	ssyncset.done $0x0  }
0x41: {  	s19 =	ssub.s32 $0x9C3, s1;
	[sflag:s17] =	ssyncadd.s32 $0xFFFFFF80  }
0x42: {  	s19 =	sshrl.u32 s19, $0x4;
	_ =	swait.ge [sflag:s17], $0x4000  }
0x43: {  	p1 =	slt.u32 s19, $0x2;
	[sflag:s17] =	ssyncset.done $0x0  }
0x44: {  	s4 =	simm.s32 @!p1 $0x3;
	[sflag:s17] =	ssyncadd.s32 $0xFFFFC000  }
0x45: {  	[spmem:s2] =	stream.indirect.scatter.add.f32 [tilespmem:s15], [sflag:$0x3], $0x80, s14, s16, $0xb8;
	[tilespmem:$0x1E180] =	vst v63  }
0x46: {  	_ =	swait.ge @!p1 [sflag:s4], $0x4000  }
0x47: {  	s22 =	sadd.s32 s22, s18;
	s0 =	sadd.s32 s0, s20;
	[sflag:s4] =	ssyncset.done @!p1 $0x0  }
0x48: {  	s20 =	sadd.s32 $0x200, s0;
	s0 =	simm.s32 @!p1 $0x0;
	[sflag:s4] =	ssyncadd.s32 @!p1 $0xFFFFC000  }
0x49: {  	[tilespmem:s0], [sflag:$0x1] =	stream.linear.gather @!p1 [hbm4b:s20+s0], $0x80, $0x38;
	[tilespmem:$0x1E180] =	vst v63  }
0x4a: {  	s22 =	sadd.s32 $0x10000, s22;
	s4 =	simm.s32 @!p1 $0x100  }
0x4b: {  	[tilespmem:s4], [sflag:$0x1] =	stream.linear.gather @!p1 [hbm4b:s22+s0], $0x4000, $0x38;
	[tilespmem:$0x1E180] =	vst v63  }
0x4c: {  	p1 =	sle.u32 s19, $0x0  }
0x4d: {  	s0 =	simm.s32 @!p1 $0x2  }
0x4e: {  	_ =	swait.ge @!p1 [sflag:s0], $0x80  }
0x4f: {  	[sflag:s0] =	ssyncset.done @!p1 $0x0  }
0x50: {  	[sflag:s0] =	ssyncadd.s32 @!p1 $0xFFFFFF80  }
0x51: {  	_ =	swait.ge @!p1 [sflag:s0], $0x4000  }
0x52: {  	[sflag:s0] =	ssyncset.done @!p1 $0x0  }
0x53: {  	s4 =	simm.s32 @!p1 $0x4100;
	[sflag:s0] =	ssyncadd.s32 @!p1 $0xFFFFC000;
	s0 =	simm.s32 @!p1 $0x80  }
0x54: {  	[spmem:s2] =	stream.indirect.scatter.add.f32 @!p1 [tilespmem:s4], [sflag:$0x4], $0x80, s0, s0, $0xb8;
	[tilespmem:$0x1E180] =	vst v63  }
0x55: {  	p1 =	slt.u32 s19, $0x3  }
0x56: {  	s18 =	smul.u32 $0x500, s23;
	s0 =	simm.s32 @!p1 $0x4  }
0x57: {  	s6 =	smul.u32 $0x500, s26;
	_ =	swait.ge @!p1 [sflag:s0], $0x4000  }
0x58: {  	s7 =	smul.u32 $0x500, s24;
	s4 =	sadd.s32 @!p1 $0x100, s20;
	[sflag:s0] =	ssyncset.done @!p1 $0x0  }
0x59: {  	s31 =	simm.s32 @!p1 $0x0;
	[sflag:s0] =	ssyncadd.s32 @!p1 $0xFFFFC000;
	s0 =	simm.s32 @!p1 $0x80  }
0x5a: {  	[tilespmem:s0], [sflag:$0x2] =	stream.linear.gather @!p1 [hbm4b:s4+s31], $0x80, $0x38;
	[tilespmem:$0x1E180] =	vst v63  }
0x5b: {  	s24 =	sadd.s32 $0x2, s19;
	s4 =	smul.u32 $0x500, s21  }
0x5c: {  	s5 =	sshrl.u32 s24, $0x1;
	s21 =	smul.u32 $0x500, s25  }
0x5d: {  	s0 =	smul.u32 $0x500, s29;
	s29 =	sshll.u32 s5, $0x1  }
0x5e: {  	s25 =	smul.u32 $0x500, s1;
	p2 =	sne.s32 s29, $0x2  }
.Ltmp1:
0x5f: {  	_ = 	snop;
	(pc) =	sbr.rel @!p2 .LBB2_4-.Ltmp1, $4  }
0x60: {  	s24 =	sadd.s32 s13, s7;
	s7 =	smul.u32 $0x500, s30;
	s30 =	simm.s32 $0x2  }
0x61: {  	s28 =	sadd.s32 s13, s25;
	s26 =	sadd.s32 s13, s4;
	s25 =	sadd.s32 s13, s18  }
0x62: {  	s23 =	sadd.s32 s13, s21;
	s21 =	sadd.s32 s13, s6;
	s18 =	sadd.s32 s13, s0  }
0x63: {  	s13 =	sadd.s32 s13, s7;
	s0 =	sadd.s32 @!p1 $0x8000, s22;
	s4 =	simm.s32 @!p1 $0x4100  }
.LBB2_3:
0x64: {  	s22 =	sadd.s32 $0x10000, s22  }
0x65: {  	s20 =	sadd.s32 $0x200, s20;
	s5 =	smov.u32 s30;
	s30 =	sadd.s32 $0x2, s30  }
0x66: {  	[tilespmem:s4], [sflag:$0x2] =	stream.linear.gather @!p1 [hbm4b:s0+s31], $0x4000, $0x38;
	[tilespmem:$0x1E180] =	vst v63  }
0x67: {  	p2 =	sne.s32 s29, s30;
	_ =	swait.ge [sflag:s17], $0x80  }
0x68: {  	[sflag:s17] =	ssyncset.done $0x0  }
0x69: {  	[sflag:s17] =	ssyncadd.s32 $0xFFFFFF80  }
0x6a: {  	_ =	swait.ge [sflag:s17], $0x4000  }
0x6b: {  	[sflag:s17] =	ssyncset.done $0x0  }
0x6c: {  	p1 =	sgt.u32 s30, s19;
	[sflag:s17] =	ssyncadd.s32 $0xFFFFC000  }
0x6d: {  	[spmem:s2] =	stream.indirect.scatter.add.f32 [tilespmem:s15], [sflag:$0x3], $0x80, s14, s16, $0xb8;
	[tilespmem:$0x1E180] =	vst v63  }
0x6e: {  	s0 =	simm.s32 @!p1 $0x3  }
0x6f: {  	_ =	swait.ge @!p1 [sflag:s0], $0x4000  }
0x70: {  	s4 =	simm.s32 @!p1 $0x0;
	[sflag:s0] =	ssyncset.done @!p1 $0x0  }
0x71: {  	p3 =	sge.u32 s5, s19;
	[sflag:s0] =	ssyncadd.s32 @!p1 $0xFFFFC000;
	s0 =	simm.s32 @!p1 $0x100  }
0x72: {  	[tilespmem:s4], [sflag:$0x1] =	stream.linear.gather @!p1 [hbm4b:s20+s4], $0x80, $0x38;
	[tilespmem:$0x1E180] =	vst v63  }
0x73: {  	s6 =	simm.s32 @!p3 $0x2  }
0x74: {  	[tilespmem:s0], [sflag:$0x1] =	stream.linear.gather @!p1 [hbm4b:s22+s4], $0x4000, $0x38;
	[tilespmem:$0x1E180] =	vst v63  }
0x75: {  	_ =	swait.ge @!p3 [sflag:s6], $0x80  }
0x76: {  	[sflag:s6] =	ssyncset.done @!p3 $0x0  }
0x77: {  	[sflag:s6] =	ssyncadd.s32 @!p3 $0xFFFFFF80  }
0x78: {  	s0 =	sadd.s32 $0x3, s5;
	_ =	swait.ge @!p3 [sflag:s6], $0x4000  }
0x79: {  	s4 =	simm.s32 @!p3 $0x80;
	p1 =	sgt.u32 s0, s19;
	[sflag:s6] =	ssyncset.done @!p3 $0x0  }
0x7a: {  	s0 =	simm.s32 @!p3 $0x4100;
	s5 =	simm.s32 @!p1 $0x4;
	[sflag:s6] =	ssyncadd.s32 @!p3 $0xFFFFC000  }
0x7b: {  	[spmem:s2] =	stream.indirect.scatter.add.f32 @!p3 [tilespmem:s0], [sflag:$0x4], $0x80, s4, s4, $0xb8;
	[tilespmem:$0x1E180] =	vst v63  }
.Ltmp2:
0x7c: {  	_ = 	snop;
	(pc) =	sbr.rel @p2 .LBB2_3-.Ltmp2, $4  }
0x7d: {  	s6 =	simm.s32 @!p1 $0x80;
	_ =	swait.ge @!p1 [sflag:s5], $0x4000  }
0x7e: {  	s7 =	sadd.s32 @!p1 $0x100, s20;
	s31 =	simm.s32 @!p1 $0x0;
	[sflag:s5] =	ssyncset.done @!p1 $0x0  }
0x7f: {  	s0 =	sadd.s32 @!p1 $0x8000, s22;
	s4 =	simm.s32 @!p1 $0x4100;
	[sflag:s5] =	ssyncadd.s32 @!p1 $0xFFFFC000  }
0x80: {  	[tilespmem:s6], [sflag:$0x2] =	stream.linear.gather @!p1 [hbm4b:s7+s31], $0x80, $0x38;
	[tilespmem:$0x1E180] =	vst v63  }
.LBB2_4:
0x81: {  	[tilespmem:s4], [sflag:$0x2] =	stream.linear.gather @!p1 [hbm4b:s0+s31], $0x4000, $0x38;
	[tilespmem:$0x1E180] =	vst v63  }
0x82: {  	s17 =	simm.s32 $0x3  }
0x83: {  	_ =	swait.ge [sflag:s17], $0x4000  }
0x84: {  	[sflag:s17] =	ssyncset.done $0x0  }
0x85: {  	s19 =	simm.s32 $0x4;
	[sflag:s17] =	ssyncadd.s32 $0xFFFFC000  }
0x86: {  	_ =	swait.ge [sflag:s19], $0x4000  }
0x87: {  	[sflag:s19] =	ssyncset.done $0x0  }
0x88: {  	[sflag:s19] =	ssyncadd.s32 $0xFFFFC000  }
0x89: {  	[bflag:$0x0] =	sbarrier.arrive $0xFFFF  }
0x8a: {  	s20 =	sshll.u32 s1, $0x6;
	s2 =	rddreg [dreg:$0x4]  }
0x8b: {  	s0 =	sor.u32 $0x1C05, s20;
	s2 =	sshrl.u32 s2, $0x3  }
0x8c: {  	[hbm:s28], [sflag:s0] =	dma.local [spmem:s2], $0x500  }
0x8d: {  	_ =	swait.ge [sflag:s3], $0x500  }
0x8e: {  	[sflag:s3] =	ssyncset.done $0x0;
	s22 =	rddreg [dreg:$0x5]  }
0x8f: {  	[sflag:s3] =	ssyncadd.s32 $0xFFFFFB00;
	s2 =	sshrl.u32 s22, $0x3  }
0x90: {  	[hbm:s26], [sflag:s0] =	dma.local [spmem:s2], $0x500  }
0x91: {  	_ =	swait.ge [sflag:s3], $0x500  }
0x92: {  	[sflag:s3] =	ssyncset.done $0x0;
	s26 =	rddreg [dreg:$0x6]  }
0x93: {  	[sflag:s3] =	ssyncadd.s32 $0xFFFFFB00;
	s2 =	sshrl.u32 s26, $0x3  }
0x94: {  	[hbm:s25], [sflag:s0] =	dma.local [spmem:s2], $0x500  }
0x95: {  	_ =	swait.ge [sflag:s3], $0x500  }
0x96: {  	[sflag:s3] =	ssyncset.done $0x0;
	s28 =	rddreg [dreg:$0x7]  }
0x97: {  	[sflag:s3] =	ssyncadd.s32 $0xFFFFFB00;
	s2 =	sshrl.u32 s28, $0x3  }
0x98: {  	[hbm:s24], [sflag:s0] =	dma.local [spmem:s2], $0x500  }
0x99: {  	_ =	swait.ge [sflag:s3], $0x500  }
0x9a: {  	[sflag:s3] =	ssyncset.done $0x0  }
0x9b: {  	s29 =	sshrl.u32 s8, $0x3;
	[sflag:s3] =	ssyncadd.s32 $0xFFFFFB00  }
0x9c: {  	[hbm:s23], [sflag:s0] =	dma.local [spmem:s29], $0x500  }
0x9d: {  	_ =	swait.ge [sflag:s3], $0x500  }
0x9e: {  	[sflag:s3] =	ssyncset.done $0x0  }
0x9f: {  	s30 =	sshrl.u32 s9, $0x3;
	[sflag:s3] =	ssyncadd.s32 $0xFFFFFB00  }
0xa0: {  	[hbm:s21], [sflag:s0] =	dma.local [spmem:s30], $0x500  }
0xa1: {  	_ =	swait.ge [sflag:s3], $0x500  }
0xa2: {  	[sflag:s3] =	ssyncset.done $0x0  }
0xa3: {  	s31 =	sshrl.u32 s10, $0x3;
	[sflag:s3] =	ssyncadd.s32 $0xFFFFFB00  }
0xa4: {  	[hbm:s18], [sflag:s0] =	dma.local [spmem:s31], $0x500  }
0xa5: {  	_ =	swait.ge [sflag:s3], $0x500  }
0xa6: {  	[sflag:s3] =	ssyncset.done $0x0  }
0xa7: {  	s2 =	sshrl.u32 @!p0 s11, $0x3;
	[sflag:s3] =	ssyncadd.s32 $0xFFFFFB00  }
0xa8: {  	[hbm:s13], [sflag:s0] =	dma.local @!p0 [spmem:s2], $0x500  }
0xa9: {  	_ =	swait.ge @!p0 [sflag:s12], $0x500  }
0xaa: {  	[sflag:s12] =	ssyncset.done @!p0 $0x0  }
0xab: {  	[sflag:s12] =	ssyncadd.s32 @!p0 $0xFFFFFB00  }
0xac: {  	_ =	sfence.sel $0x180000  }
0xad: {  	[bflag:$0x0] =	sbarrier.arrive $0xFFFF  }
0xae: {  	_ =	strace $0x9000004A  }
0xaf: {  	[bflag:$0x2] =	sbarrier.arrive $0xFFFF  }
0xb0: {  	p0 =	sne.s32 s1, $0x0;
	s0 =	rddreg [dreg:$0x3]  }
0xb1: {  	s0 =	sadd.s32 @!p0 $0x100000, s0  }
0xb2: {  	[sflag:s0] =	ssyncadd.tile.s32 @!p0 $0x1;
	_ =	shalt  }
.Lfunc_end2:
_tile_overlayer_lowered:
.L_overlay_start_2:
0xb3: {  	(tag) =	ssettag $0x2  }
0xb4: {  	s0 =	rddreg [dreg:$0x0];
	s2 =	stileid.u32  }
0xb5: {  	s1 =	rddreg [dreg:$0x1];
	p0 =	sne.s32 s2, $0x0  }
0xb6: {  	s3 =	rddreg [dreg:$0x2];
	[bflag:$0x3] =	sbarrier.arrive $0xFFFF;
	s2 =	simm.s32 @!p0 $0x1C05  }
0xb7: {  	[timem:s3], [sflag:s2] =	dma.local @!p0 [hbm:s0], s1  }
0xb8: {  	s0 =	simm.s32 @!p0 $0x5  }
0xb9: {  	_ =	swait.ge @!p0 [sflag:s0], s1  }
0xba: {  	s1 =	ssub.s32 @!p0 $0x0, s1;
	[sflag:s0] =	ssyncset.done @!p0 $0x0  }
0xbb: {  	[sflag:s0] =	ssyncadd.s32 @!p0 s1  }
0xbc: {  	[bflag:$0x3] =	sbarrier.arrive $0xFFFF  }
0xbd: {  	_ =	shalt  }

// kernel: kernel.14.cloned.1.call-start
scs
__scs_entry_jumppad:
0x0: {  	(pc) =	sbr.rel $0x88, $3  }
0x1: {  	(tag) =	ssettag $0x0;
	lr =	simm.s32 $0x1  }
0x2: {  	[smem:$0x3F91] =	sst lr;
	_ =	strace $0xD0000000  }
0x3: {  	_ = 	snop  }
0x4: {  	_ = 	snop  }
0x5: {  	_ = 	snop  }
0x6: {  	_ = 	snop  }
0x7: {  	_ = 	snop  }
__scs_overlays_trampoline_lowered:
0x8: {  	[smem:$0x3FA0] =	sst s0  }
0x9: {  	[smem:$0x3FA1] =	sst s1  }
0xa: {  	[smem:$0x3FA2] =	sst s2  }
0xb: {  	[smem:$0x3FA3] =	sst s3  }
0xc: {  	[smem:$0x3FA4] =	sst s4  }
0xd: {  	[smem:$0x3FA5] =	sst s5  }
0xe: {  	[smem:$0x3FA6] =	sst s6  }
0xf: {  	[smem:$0x3FA7] =	sst s7  }
0x10: {  	[smem:$0x3FA8] =	sst s8  }
0x11: {  	[smem:$0x3FA9] =	sst s9;
	s0 =	simm.s32 @!p0 $0x0  }
0x12: {  	s1 =	sld [smem:$0x3F8F];
	s0 =	simm.s32 @p0 $0x1  }
0x13: {  	[smem:$0x3FAA] =	sst s0;
	s0 =	simm.s32 @!p1 $0x0  }
0x14: {  	s2 =	sld [smem:$0x3F8E];
	s0 =	simm.s32 @p1 $0x1  }
0x15: {  	[smem:$0x3FAB] =	sst s0;
	s0 =	simm.s32 @!p2 $0x0  }
0x16: {  	s3 =	sld [smem:$0x3FDB];
	s0 =	simm.s32 @p2 $0x1  }
0x17: {  	s4 =	simm.s32 $0x1BF5;
	[smem:$0x3FAD] =	sst s0  }
0x18: {  	s0 =	sld [smem:$0x3F90];
	_ =	swait.ge [sflag:s4], $0x0  }
0x19: {  	s7 =	sld [smem:$0x3F91]  }
0x1a: {  	s8 =	sadd.s32 $0xFFFFE003, lr  }
0x1b: {  	s9 =	sadd.s32 $0xFFFFFEF7, lr;
	s5 =	simm.s32 $0xFFFFFFFF;
	p2 =	slt.u32 s8, $0xFFFFF086  }
0x1c: {  	p1 =	slt.u32 s9, $0xF7A;
	s5 =	simm.s32 @!p2 $0x0  }
0x1d: {  	s5 =	simm.s32 @p1 $0x1;
	p0 =	seq.s32 s7, s2  }
0x1e: {  	s7 =	smul.u32 @!p0 $0xF7A, s2;
	p2 =	seq.s32 @!p0 s5, $0x0  }
0x1f: {  	s9 =	smul.u32 $0xF7A, s1;
	s8 =	simm.s32 @!p0 $0x1BF5;
	p2 =	por !p2, p0  }
0x20: {  	[sflag:s8] =	ssyncset.s32 @!p0 $0xFFFFF086;
	s6 =	sadd.s32 @!p0 s3, s7;
	s7 =	simm.s32 @!p0 $0x108  }
0x21: {  	s3 =	sadd.s32 s3, s9;
	s6 =	sadd.s32 @!p0 $0x88, s6;
	s7 =	simm.s32 @p2 $0x1082  }
0x22: {  	[simem:s7], [sflag:s8] =	dma.local @!p0 [hbm:s6], $0xF7A  }
0x23: {  	s9 =	sor.u32 $0xD0000000, s2;
	s6 =	simm.s32 $0x108;
	_ =	swait.ge @!p0 [sflag:s8], $0x0  }
0x24: {  	s3 =	sadd.s32 $0x88, s3;
	s6 =	simm.s32 @!p1 $0x1082;
	[sflag:s4] =	ssyncset.s32 $0xFFFFF086  }
0x25: {  	[simem:s6], [sflag:s4] =	dma.local [hbm:s3], $0xF7A  }
0x26: {  	[smem:$0x3F91] =	sst s1;
	(tag) =	ssettag s2;
	_ =	strace s9  }
0x27: {  	s1 =	sld [smem:$0x3FA1]  }
0x28: {  	s2 =	sld [smem:$0x3FA2]  }
0x29: {  	s4 =	sld [smem:$0x3FA4]  }
0x2a: {  	p0 =	seq.s32 s5, $0x0;
	s5 =	sld [smem:$0x3FA5]  }
0x2b: {  	s6 =	sld [smem:$0x3FA6]  }
0x2c: {  	s7 =	sld [smem:$0x3FA7]  }
0x2d: {  	s3 =	simm.s32 $0x108;
	s8 =	sld [smem:$0x3FA8]  }
0x2e: {  	s3 =	simm.s32 @!p0 $0x1082;
	s9 =	sld [smem:$0x3FA9]  }
0x2f: {  	lr =	sadd.s32 s0, s3;
	s0 =	sld [smem:$0x3FA0]  }
0x30: {  	s3 =	sld [smem:$0x3FA3]  }
0x31: {  	[smem:$0x3FAC] =	sst s10  }
0x32: {  	s10 =	sld [smem:$0x3FAA];
	_ =	sdelay $0x3  }
0x33: {  	p0 =	seq.s32 s10, $0x1;
	s10 =	sld [smem:$0x3FAC];
	_ =	sdelay $0x3  }
0x34: {  	[smem:$0x3FAC] =	sst s10  }
0x35: {  	s10 =	sld [smem:$0x3FAB];
	_ =	sdelay $0x3  }
0x36: {  	p1 =	seq.s32 s10, $0x1;
	s10 =	sld [smem:$0x3FAC];
	_ =	sdelay $0x3  }
0x37: {  	[smem:$0x3FAC] =	sst s10  }
0x38: {  	s10 =	sld [smem:$0x3FAD]  }
0x39: {  	_ = 	snop;
	(pc) =	sbr.ind lr, $3  }
0x3a: {  	_ = 	snop  }
0x3b: {  	_ = 	snop  }
0x3c: {  	p2 =	seq.s32 s10, $0x1;
	s10 =	sld [smem:$0x3FAC]  }
0x3d: {  	_ =	shalt  }
0x3e: {  	_ =	shalt  }
0x3f: {  	_ =	shalt  }
0x40: {  	_ =	shalt  }
0x41: {  	_ =	shalt  }
0x42: {  	_ =	shalt  }
0x43: {  	_ =	shalt  }
0x44: {  	_ =	shalt  }
0x45: {  	_ =	shalt  }
0x46: {  	_ =	shalt  }
0x47: {  	_ =	shalt  }
0x48: {  	_ =	shalt  }
0x49: {  	_ =	shalt  }
0x4a: {  	_ =	shalt  }
0x4b: {  	_ =	shalt  }
0x4c: {  	_ =	shalt  }
0x4d: {  	_ =	shalt  }
0x4e: {  	_ =	shalt  }
0x4f: {  	_ =	shalt  }
0x50: {  	_ =	shalt  }
0x51: {  	_ =	shalt  }
0x52: {  	_ =	shalt  }
0x53: {  	_ =	shalt  }
0x54: {  	_ =	shalt  }
0x55: {  	_ =	shalt  }
0x56: {  	_ =	shalt  }
0x57: {  	_ =	shalt  }
0x58: {  	_ =	shalt  }
0x59: {  	_ =	shalt  }
0x5a: {  	_ =	shalt  }
0x5b: {  	_ =	shalt  }
0x5c: {  	_ =	shalt  }
0x5d: {  	_ =	shalt  }
0x5e: {  	_ =	shalt  }
0x5f: {  	_ =	shalt  }
0x60: {  	_ =	shalt  }
0x61: {  	_ =	shalt  }
0x62: {  	_ =	shalt  }
0x63: {  	_ =	shalt  }
0x64: {  	_ =	shalt  }
0x65: {  	_ =	shalt  }
0x66: {  	_ =	shalt  }
0x67: {  	_ =	shalt  }
0x68: {  	_ =	shalt  }
0x69: {  	_ =	shalt  }
0x6a: {  	_ =	shalt  }
0x6b: {  	_ =	shalt  }
0x6c: {  	_ =	shalt  }
0x6d: {  	_ =	shalt  }
0x6e: {  	_ =	shalt  }
0x6f: {  	_ =	shalt  }
0x70: {  	_ =	shalt  }
0x71: {  	_ =	shalt  }
0x72: {  	_ =	shalt  }
0x73: {  	_ =	shalt  }
0x74: {  	_ =	shalt  }
0x75: {  	_ =	shalt  }
0x76: {  	_ =	shalt  }
0x77: {  	_ =	shalt  }
0x78: {  	_ =	shalt  }
0x79: {  	_ =	shalt  }
0x7a: {  	_ =	shalt  }
0x7b: {  	_ =	shalt  }
0x7c: {  	_ =	shalt  }
0x7d: {  	_ =	shalt  }
0x7e: {  	_ =	shalt  }
0x7f: {  	_ =	shalt  }
0x80: {  	_ =	shalt  }
0x81: {  	_ =	shalt  }
0x82: {  	_ =	shalt  }
0x83: {  	_ =	shalt  }
0x84: {  	_ =	shalt  }
0x85: {  	_ =	shalt  }
0x86: {  	_ =	shalt  }
0x87: {  	_ =	shalt  }
.Lfunc_end0:
.L_simem_size_0:
called_computation.2_lowered:
.L_overlay_start_0:
0x88: {  	s0 =	sld [smem:$0x3FD9]  }
0x89: {  	s1 =	sld [smem:$0x3FFE];
	_ =	sdelay $0x3  }
0x8a: {  	s0 =	sadd.s32 s1, s0  }
0x8b: {  	[smem:$0x3FB8] =	sst s0  }
0x8c: {  	_ = 	snop  }
0x8d: {  	s0 =	sld [smem:$0x3FD0];
	_ =	sdelay $0x2  }
0x8e: {  	s13 =	simm.s32 $0xB;
	s2 =	simm.s32 $0x10  }
0x8f: {  	[smem:s2], [sflag:s13] =	dma.local [hbm:s0], $0x1  }
0x90: {  	_ =	swait.eq [sflag:s13], $0x1  }
0x91: {  	[sflag:s13] =	ssyncset.done $0x0  }
0x92: {  	[sflag:s13] =	ssyncadd.s32 $0xFFFFFFFF  }
0x93: {  	s14 =	sld [smem:$0x10];
	(tm) =	ssettm $0x1  }
0x94: {  	s15 =	sld [smem:$0x3FFB];
	_ =	sdelay $0x3  }
0x95: {  	_ =	strace s15  }
0x96: {  	s1 =	sld [smem:$0x3FFC];
	_ =	sdelay $0x3  }
0x97: {  	_ =	strace s1  }
0x98: {  	s1 =	sld [smem:$0x3FFD];
	_ =	sdelay $0x3  }
0x99: {  	_ =	strace s1  }
0x9a: {  	_ =	strace $0x8FFFFFFF  }
0x9b: {  	s16 =	sld [smem:$0x3FDB];
	_ =	sdelay $0x1  }
0x9c: {  	s17 =	simm.s32 $_scs_section_size  }
0x9d: {  	s3 =	simm.s32 $_size__tile_overlayer_lowered;
	s4 =	simm.s32 $_tile_overlayer_lowered  }
0x9e: {  	s20 =	simm.s32 $0x1BFF;
	s19 =	sshll.u32 s4, $0x1;
	s1 =	sadd.s32 s17, s16  }
0x9f: {  	s5 =	simm.s32 $0x0;
	s18 =	sshll.u32 s3, $0x1;
	s3 =	sadd.s32 s19, s1  }
0xa0: {  	[timem:s5], [sflag:s20] =	dma.local [hbm:s3], s18  }
0xa1: {  	_ =	swait.ge [sflag:s20], s18  }
0xa2: {  	s2 =	ssub.s32 $0x0, s18;
	[sflag:s20] =	ssyncset.done $0x0  }
0xa3: {  	[sflag:s20] =	ssyncadd.s32 s2;
	_ =	sdelay $0x1  }
0xa4: {  	s21 =	simm.s32 $0x1B8B  }
0xa5: {  	_ =	swait.ge [sflag:s21], $0x1  }
0xa6: {  	[sflag:s21] =	ssyncset.done $0x0  }
0xa7: {  	s23 =	simm.s32 $0x1B8E;
	s22 =	sld [smem:$0x3FFE];
	[sflag:s21] =	ssyncadd.s32 $0xFFFFFFFF  }
0xa8: {  	s24 =	simm.s32 $execute0_lowered;
	[smem:$0x3FD2] =	sst s23  }
0xa9: {  	s3 =	sshll.u32 s24, $0x1;
	_ =	strace $0x8000004C;
	[dreg:$0x1] =	wrdreg $0xFFFFFFFF  }
0xaa: {  	s25 =	simm.s32 $_size_execute0_lowered;
	s1 =	sadd.s32 s1, s3;
	[dreg:$0x0] =	wrdreg $0x0  }
0xab: {  	s3 =	sshll.u32 s25, $0x1;
	[dreg:$0x2] =	wrdreg s1  }
0xac: {  	[dreg:$0x3] =	wrdreg s3  }
0xad: {  	[dreg:$0x4] =	wrdreg $0xC0  }
0xae: {  	_ =	task [dreg:s5], $0x5FFFF  }
0xaf: {  	[dreg:$0x1] =	wrdreg $0xFFFFFFFF  }
0xb0: {  	[dreg:$0x0] =	wrdreg $0x60  }
0xb1: {  	[dreg:$0x2] =	wrdreg s22  }
0xb2: {  	[dreg:$0x3] =	wrdreg s14  }
0xb3: {  	[dreg:$0x4] =	wrdreg $0xA9000  }
0xb4: {  	[dreg:$0x5] =	wrdreg $0xA  }
0xb5: {  	_ =	task.clear_ibuf [dreg:s5], $0x6FFFF;
	_ =	strace $0x9000004C  }
0xb6: {  	s26 =	simm.s32 $0xA;
	_ =	strace $0x8000004E  }
0xb7: {  	_ =	swait.ge [sflag:s26], $0x1  }
0xb8: {  	[sflag:s26] =	ssyncadd.s32 $0xFFFFFFFF  }
0xb9: {  	_ =	strace $0x9000004E  }
0xba: {  	_ =	sfence  }
0xbb: {  	s28 =	sld [smem:$0x0];
	_ =	sdelay $0x1  }
0xbc: {  	s29 =	srdreg.scid  }
0xbd: {  	s30 =	sshll.u32 s29, $0xD;
	s31 =	sshrl.u32 s29, $0x2  }
0xbe: {  	s2 =	sand.u32 $0x4000, s30;
	s1 =	sand.u32 $0x1, s29;
	s0 =	sadd.s32 s31, s28  }
0xbf: {  	s1 =	sor.u32 s2, s1;
	s0 =	sshll.u32 s0, $0x11  }
0xc0: {  	s0 =	sor.u32 s0, s1  }
0xc1: {  	s0 =	sadd.s32 $0x8F2B, s0  }
0xc2: {  	[sflag:s0] =	ssyncadd.remote.s32 $0x1  }
0xc3: {  	_ =	sfence.sel $0xFFFF  }
0xc4: {  	[dreg:$0x0] =	wrdreg $0xFFFFFFFF;
	(pc) =	sbr.abs _section_cstart, $3  }
0xc5: {  	[dreg:$0x1] =	wrdreg $0xFFFFFFFF  }
0xc6: {  	_ =	task.clear_ibuf [dreg:s5], $0x2FFFF;
	_ =	strace $0x9FFFFFFF  }
0xc7: {  	(tm) =	ssettm $0x7FFFFFFF  }
tec
execute0_lowered:
.L_overlay_start_1:
0x0: {  	(tag) =	ssettag $0x1  }
0x1: {  	s0 =	rddreg [dreg:$0x0]  }
0x2: {  	s13 =	rddreg [dreg:$0x1]  }
0x3: {  	s3 =	rddreg [dreg:$0x2];
	s1 =	simm.s32 $0x0;
	s2 =	simm.s32 $0x0  }
0x4: {  	[smem:$0x7FF] =	sst s1;
	s20 =	sadd.s32 $0xEBE400, s0;
	s21 =	sadd.s32 $0xD800, s0  }
0x5: {  	v0 =	vimm.f32 $0.0e+00;
	s1 =	stileid.u32;
	s0 =	simm.s32 $0x200;
	_ =	strace $0x8000004D  }
.LBB2_1:
0x6: {  	p0 =	sne.s32 s0, $0x9E00;
	[tilespmem:s2+$0x8100] =	vst v0;
	s2 =	smov.u32 s0;
	s0 =	sadd.s32 $0x200, s0  }
.Ltmp0:
0x7: {  	(pc) =	sbr.rel @p0 .LBB2_1-.Ltmp0, $2  }
0x8: {  	_ =	sdelay $0x2  }
0x9: {  	s2 =	sshra.s32 s2, $0x2  }
0xa: {  	s0 =	smul.u32 $0xA000, s1;
	_ =	sdelay $0x1  }
0xb: {  	s0 =	sshrl.u32 s0, $0x2  }
0xc: {  	s19 =	sor.u32 $0x10, s1;
	s7 =	simm.s32 $0x8100;
	s6 =	sadd.s32 s0, s3  }
0xd: {  	[tilespmem:s2+$0x8100] =	vst v0;
	s2 =	simm.s32 $0x5;
	s4 =	smul.u32 $0xA000, s19;
	[dreg:$0x4] =	wrdreg s6  }
0xe: {  	[spmem:s6] =	stream.linear.scatter [tilespmem:s7], [sflag:$0x5], $0x2800, $0x38;
	[tilespmem:$0xD010] =	vst v63  }
0xf: {  	s4 =	sshrl.u32 s4, $0x2;
	_ =	swait.ge [sflag:s2], $0x2800  }
0x10: {  	s23 =	sor.u32 $0x20, s1;
	s5 =	sadd.s32 s4, s3;
	[sflag:s2] =	ssyncset.done $0x0  }
0x11: {  	s11 =	smul.u32 $0xA000, s23;
	[dreg:$0x5] =	wrdreg s5;
	[sflag:s2] =	ssyncadd.s32 $0xFFFFD800  }
0x12: {  	[spmem:s5] =	stream.linear.scatter [tilespmem:s7], [sflag:$0x5], $0x2800, $0x38;
	[tilespmem:$0xD010] =	vst v63  }
0x13: {  	s4 =	sshrl.u32 s11, $0x2;
	_ =	swait.ge [sflag:s2], $0x2800  }
0x14: {  	s24 =	sor.u32 $0x30, s1;
	s12 =	sadd.s32 s4, s3;
	[sflag:s2] =	ssyncset.done $0x0  }
0x15: {  	s14 =	smul.u32 $0xA000, s24;
	[dreg:$0x6] =	wrdreg s12;
	[sflag:s2] =	ssyncadd.s32 $0xFFFFD800  }
0x16: {  	[spmem:s12] =	stream.linear.scatter [tilespmem:s7], [sflag:$0x5], $0x2800, $0x38;
	[tilespmem:$0xD010] =	vst v63  }
0x17: {  	s4 =	sshrl.u32 s14, $0x2;
	_ =	swait.ge [sflag:s2], $0x2800  }
0x18: {  	s25 =	sor.u32 $0x40, s1;
	s15 =	sadd.s32 s4, s3;
	[sflag:s2] =	ssyncset.done $0x0  }
0x19: {  	s16 =	smul.u32 $0xA000, s25;
	[dreg:$0x7] =	wrdreg s15;
	[sflag:s2] =	ssyncadd.s32 $0xFFFFD800  }
0x1a: {  	[spmem:s15] =	stream.linear.scatter [tilespmem:s7], [sflag:$0x5], $0x2800, $0x38;
	[tilespmem:$0xD010] =	vst v63  }
0x1b: {  	_ =	swait.ge [sflag:s2], $0x2800  }
0x1c: {  	s26 =	sor.u32 $0x50, s1;
	s4 =	sshrl.u32 s16, $0x2;
	[sflag:s2] =	ssyncset.done $0x0  }
0x1d: {  	s17 =	smul.u32 $0xA000, s26;
	s8 =	sadd.s32 s4, s3;
	[sflag:s2] =	ssyncadd.s32 $0xFFFFD800  }
0x1e: {  	[spmem:s8] =	stream.linear.scatter [tilespmem:s7], [sflag:$0x5], $0x2800, $0x38;
	[tilespmem:$0xD010] =	vst v63  }
0x1f: {  	_ =	swait.ge [sflag:s2], $0x2800  }
0x20: {  	s29 =	sor.u32 $0x60, s1;
	s4 =	sshrl.u32 s17, $0x2;
	[sflag:s2] =	ssyncset.done $0x0  }
0x21: {  	s18 =	smul.u32 $0xA000, s29;
	s9 =	sadd.s32 s4, s3;
	[sflag:s2] =	ssyncadd.s32 $0xFFFFD800  }
0x22: {  	[spmem:s9] =	stream.linear.scatter [tilespmem:s7], [sflag:$0x5], $0x2800, $0x38;
	[tilespmem:$0xD010] =	vst v63  }
0x23: {  	_ =	swait.ge [sflag:s2], $0x2800  }
0x24: {  	s30 =	sor.u32 $0x70, s1;
	s4 =	sshrl.u32 s18, $0x2;
	[sflag:s2] =	ssyncset.done $0x0  }
0x25: {  	s22 =	smul.u32 $0xA000, s30;
	s10 =	sadd.s32 s4, s3;
	[sflag:s2] =	ssyncadd.s32 $0xFFFFD800  }
0x26: {  	[spmem:s10] =	stream.linear.scatter [tilespmem:s7], [sflag:$0x5], $0x2800, $0x38;
	[tilespmem:$0xD010] =	vst v63  }
0x27: {  	p0 =	sgt.u32 s1, $0xC;
	_ =	swait.ge [sflag:s2], $0x2800  }
0x28: {  	s0 =	simm.s32 @!p0 $0x8100;
	s4 =	sshrl.u32 s22, $0x2;
	[sflag:s2] =	ssyncset.done $0x0  }
0x29: {  	s11 =	sadd.s32 s4, s3;
	s12 =	simm.s32 @!p0 $0x5;
	[sflag:s2] =	ssyncadd.s32 $0xFFFFD800  }
0x2a: {  	[spmem:s11] =	stream.linear.scatter @!p0 [tilespmem:s0], [sflag:$0x5], $0x2800, $0x38;
	[tilespmem:$0xD010] =	vst v63  }
0x2b: {  	_ =	swait.ge @!p0 [sflag:s12], $0x2800  }
0x2c: {  	[sflag:s12] =	ssyncset.done @!p0 $0x0  }
0x2d: {  	s14 =	simm.s32 $0x0;
	s0 =	sshll.u32 s1, $0x4;
	[sflag:s12] =	ssyncadd.s32 @!p0 $0xFFFFD800  }
0x2e: {  	s22 =	sshll.u32 s1, $0xB;
	s5 =	sadd.s32 s21, s0;
	[bflag:$0x0] =	sbarrier.arrive $0xFFFF  }
0x2f: {  	[tilespmem:s14], [sflag:$0x1] =	stream.linear.gather [hbm4b:s5+s14], $0x80, $0x38;
	[tilespmem:$0xD010] =	vst v63  }
0x30: {  	s16 =	sshll.u32 s19, $0x4;
	s6 =	sadd.s32 s20, s22;
	s15 =	simm.s32 $0x100  }
0x31: {  	[tilespmem:s15], [sflag:$0x1] =	stream.linear.gather [hbm4b:s6+s14], $0x4000, $0x38;
	[tilespmem:$0xD010] =	vst v63  }
0x32: {  	s17 =	sshll.u32 s19, $0xB;
	s7 =	sadd.s32 s21, s16;
	s16 =	simm.s32 $0x80  }
0x33: {  	[tilespmem:s16], [sflag:$0x2] =	stream.linear.gather [hbm4b:s7+s14], $0x80, $0x38;
	[tilespmem:$0xD010] =	vst v63  }
0x34: {  	s4 =	sadd.s32 s20, s17;
	s17 =	simm.s32 $0x4100  }
0x35: {  	[tilespmem:s17], [sflag:$0x2] =	stream.linear.gather [hbm4b:s4+s14], $0x4000, $0x38;
	[tilespmem:$0xD010] =	vst v63  }
0x36: {  	s17 =	simm.s32 $0x1  }
0x37: {  	_ =	swait.ge [sflag:s17], $0x80  }
0x38: {  	[sflag:s17] =	ssyncset.done $0x0  }
0x39: {  	s18 =	ssub.s32 $0x9C3, s1;
	[sflag:s17] =	ssyncadd.s32 $0xFFFFFF80  }
0x3a: {  	s18 =	sshrl.u32 s18, $0x4;
	_ =	swait.ge [sflag:s17], $0x4000  }
0x3b: {  	p1 =	slt.u32 s18, $0x2;
	[sflag:s17] =	ssyncset.done $0x0  }
0x3c: {  	s4 =	simm.s32 @!p1 $0x3;
	[sflag:s17] =	ssyncadd.s32 $0xFFFFC000  }
0x3d: {  	[spmem:s3] =	stream.indirect.scatter.add.f32 [tilespmem:s15], [sflag:$0x3], $0x10, s14, s16, $0xb8;
	[tilespmem:$0xD010] =	vst v63  }
0x3e: {  	_ =	swait.ge @!p1 [sflag:s4], $0x800  }
0x3f: {  	s22 =	sadd.s32 s22, s20;
	s0 =	sadd.s32 s0, s21;
	[sflag:s4] =	ssyncset.done @!p1 $0x0  }
0x40: {  	s20 =	sadd.s32 $0x200, s0;
	s0 =	simm.s32 @!p1 $0x0;
	[sflag:s4] =	ssyncadd.s32 @!p1 $0xFFFFF800  }
0x41: {  	[tilespmem:s0], [sflag:$0x1] =	stream.linear.gather @!p1 [hbm4b:s20+s0], $0x80, $0x38;
	[tilespmem:$0xD010] =	vst v63  }
0x42: {  	s22 =	sadd.s32 $0x10000, s22;
	s4 =	simm.s32 @!p1 $0x100  }
0x43: {  	[tilespmem:s4], [sflag:$0x1] =	stream.linear.gather @!p1 [hbm4b:s22+s0], $0x4000, $0x38;
	[tilespmem:$0xD010] =	vst v63  }
0x44: {  	p1 =	sle.u32 s18, $0x0  }
0x45: {  	s0 =	simm.s32 @!p1 $0x2  }
0x46: {  	_ =	swait.ge @!p1 [sflag:s0], $0x80  }
0x47: {  	[sflag:s0] =	ssyncset.done @!p1 $0x0  }
0x48: {  	[sflag:s0] =	ssyncadd.s32 @!p1 $0xFFFFFF80  }
0x49: {  	s21 =	smul.u32 $0x500, s25;
	_ =	swait.ge @!p1 [sflag:s0], $0x4000  }
0x4a: {  	s25 =	smul.u32 $0x500, s1;
	[sflag:s0] =	ssyncset.done @!p1 $0x0  }
0x4b: {  	s4 =	simm.s32 @!p1 $0x4100;
	[sflag:s0] =	ssyncadd.s32 @!p1 $0xFFFFC000;
	s0 =	simm.s32 @!p1 $0x80  }
0x4c: {  	[spmem:s3] =	stream.indirect.scatter.add.f32 @!p1 [tilespmem:s4], [sflag:$0x4], $0x10, s0, s0, $0xb8;
	[tilespmem:$0xD010] =	vst v63  }
0x4d: {  	s7 =	smul.u32 $0x500, s24;
	p1 =	slt.u32 s18, $0x3  }
0x4e: {  	s6 =	smul.u32 $0x500, s26;
	s24 =	sadd.s32 $0x2, s18;
	s0 =	simm.s32 @!p1 $0x4  }
0x4f: {  	s5 =	sshrl.u32 s24, $0x1;
	s24 =	sadd.s32 s13, s7;
	_ =	swait.ge @!p1 [sflag:s0], $0x800  }
0x50: {  	s7 =	smul.u32 $0x500, s30;
	s4 =	sadd.s32 @!p1 $0x100, s20;
	[sflag:s0] =	ssyncset.done @!p1 $0x0  }
0x51: {  	s31 =	simm.s32 @!p1 $0x0;
	[sflag:s0] =	ssyncadd.s32 @!p1 $0xFFFFF800;
	s0 =	simm.s32 @!p1 $0x80  }
0x52: {  	[tilespmem:s0], [sflag:$0x2] =	stream.linear.gather @!p1 [hbm4b:s4+s31], $0x80, $0x38;
	[tilespmem:$0xD010] =	vst v63  }
0x53: {  	s0 =	smul.u32 $0x500, s29;
	s29 =	sshll.u32 s5, $0x1  }
0x54: {  	s4 =	smul.u32 $0x500, s19;
	p2 =	sne.s32 s29, $0x2  }
.Ltmp1:
0x55: {  	_ = 	snop;
	(pc) =	sbr.rel @!p2 .LBB2_4-.Ltmp1, $4  }
0x56: {  	s28 =	sadd.s32 s13, s25;
	s19 =	smul.u32 $0x500, s23  }
0x57: {  	s30 =	simm.s32 $0x2;
	s23 =	sadd.s32 s13, s21;
	s21 =	sadd.s32 s13, s6  }
0x58: {  	s26 =	sadd.s32 s13, s4;
	s25 =	sadd.s32 s13, s19;
	s19 =	sadd.s32 s13, s0  }
0x59: {  	s13 =	sadd.s32 s13, s7;
	s0 =	sadd.s32 @!p1 $0x8000, s22;
	s4 =	simm.s32 @!p1 $0x4100  }
.LBB2_3:
0x5a: {  	s22 =	sadd.s32 $0x10000, s22  }
0x5b: {  	s20 =	sadd.s32 $0x200, s20;
	s5 =	smov.u32 s30;
	s30 =	sadd.s32 $0x2, s30  }
0x5c: {  	[tilespmem:s4], [sflag:$0x2] =	stream.linear.gather @!p1 [hbm4b:s0+s31], $0x4000, $0x38;
	[tilespmem:$0xD010] =	vst v63  }
0x5d: {  	p2 =	sne.s32 s29, s30;
	_ =	swait.ge [sflag:s17], $0x80  }
0x5e: {  	[sflag:s17] =	ssyncset.done $0x0  }
0x5f: {  	[sflag:s17] =	ssyncadd.s32 $0xFFFFFF80  }
0x60: {  	_ =	swait.ge [sflag:s17], $0x4000  }
0x61: {  	[sflag:s17] =	ssyncset.done $0x0  }
0x62: {  	p1 =	sgt.u32 s30, s18;
	[sflag:s17] =	ssyncadd.s32 $0xFFFFC000  }
0x63: {  	[spmem:s3] =	stream.indirect.scatter.add.f32 [tilespmem:s15], [sflag:$0x3], $0x10, s14, s16, $0xb8;
	[tilespmem:$0xD010] =	vst v63  }
0x64: {  	s0 =	simm.s32 @!p1 $0x3  }
0x65: {  	_ =	swait.ge @!p1 [sflag:s0], $0x800  }
0x66: {  	s4 =	simm.s32 @!p1 $0x0;
	[sflag:s0] =	ssyncset.done @!p1 $0x0  }
0x67: {  	p3 =	sge.u32 s5, s18;
	[sflag:s0] =	ssyncadd.s32 @!p1 $0xFFFFF800;
	s0 =	simm.s32 @!p1 $0x100  }
0x68: {  	[tilespmem:s4], [sflag:$0x1] =	stream.linear.gather @!p1 [hbm4b:s20+s4], $0x80, $0x38;
	[tilespmem:$0xD010] =	vst v63  }
0x69: {  	s6 =	simm.s32 @!p3 $0x2  }
0x6a: {  	[tilespmem:s0], [sflag:$0x1] =	stream.linear.gather @!p1 [hbm4b:s22+s4], $0x4000, $0x38;
	[tilespmem:$0xD010] =	vst v63  }
0x6b: {  	_ =	swait.ge @!p3 [sflag:s6], $0x80  }
0x6c: {  	[sflag:s6] =	ssyncset.done @!p3 $0x0  }
0x6d: {  	[sflag:s6] =	ssyncadd.s32 @!p3 $0xFFFFFF80  }
0x6e: {  	s0 =	sadd.s32 $0x3, s5;
	_ =	swait.ge @!p3 [sflag:s6], $0x4000  }
0x6f: {  	s4 =	simm.s32 @!p3 $0x80;
	p1 =	sgt.u32 s0, s18;
	[sflag:s6] =	ssyncset.done @!p3 $0x0  }
0x70: {  	s0 =	simm.s32 @!p3 $0x4100;
	s5 =	simm.s32 @!p1 $0x4;
	[sflag:s6] =	ssyncadd.s32 @!p3 $0xFFFFC000  }
0x71: {  	[spmem:s3] =	stream.indirect.scatter.add.f32 @!p3 [tilespmem:s0], [sflag:$0x4], $0x10, s4, s4, $0xb8;
	[tilespmem:$0xD010] =	vst v63  }
.Ltmp2:
0x72: {  	_ = 	snop;
	(pc) =	sbr.rel @p2 .LBB2_3-.Ltmp2, $4  }
0x73: {  	s6 =	simm.s32 @!p1 $0x80;
	_ =	swait.ge @!p1 [sflag:s5], $0x800  }
0x74: {  	s7 =	sadd.s32 @!p1 $0x100, s20;
	s31 =	simm.s32 @!p1 $0x0;
	[sflag:s5] =	ssyncset.done @!p1 $0x0  }
0x75: {  	s0 =	sadd.s32 @!p1 $0x8000, s22;
	s4 =	simm.s32 @!p1 $0x4100;
	[sflag:s5] =	ssyncadd.s32 @!p1 $0xFFFFF800  }
0x76: {  	[tilespmem:s6], [sflag:$0x2] =	stream.linear.gather @!p1 [hbm4b:s7+s31], $0x80, $0x38;
	[tilespmem:$0xD010] =	vst v63  }
.LBB2_4:
0x77: {  	[tilespmem:s4], [sflag:$0x2] =	stream.linear.gather @!p1 [hbm4b:s0+s31], $0x4000, $0x38;
	[tilespmem:$0xD010] =	vst v63  }
0x78: {  	s17 =	simm.s32 $0x3  }
0x79: {  	_ =	swait.ge [sflag:s17], $0x800  }
0x7a: {  	[sflag:s17] =	ssyncset.done $0x0  }
0x7b: {  	s18 =	simm.s32 $0x4;
	[sflag:s17] =	ssyncadd.s32 $0xFFFFF800  }
0x7c: {  	_ =	swait.ge [sflag:s18], $0x800  }
0x7d: {  	[sflag:s18] =	ssyncset.done $0x0  }
0x7e: {  	[sflag:s18] =	ssyncadd.s32 $0xFFFFF800  }
0x7f: {  	[bflag:$0x0] =	sbarrier.arrive $0xFFFF  }
0x80: {  	s20 =	sshll.u32 s1, $0x6;
	s3 =	rddreg [dreg:$0x4]  }
0x81: {  	s0 =	sor.u32 $0x1C05, s20;
	s3 =	sshrl.u32 s3, $0x3  }
0x82: {  	[hbm:s28], [sflag:s0] =	dma.local [spmem:s3], $0x500  }
0x83: {  	_ =	swait.ge [sflag:s2], $0x500  }
0x84: {  	[sflag:s2] =	ssyncset.done $0x0;
	s22 =	rddreg [dreg:$0x5]  }
0x85: {  	[sflag:s2] =	ssyncadd.s32 $0xFFFFFB00;
	s3 =	sshrl.u32 s22, $0x3  }
0x86: {  	[hbm:s26], [sflag:s0] =	dma.local [spmem:s3], $0x500  }
0x87: {  	_ =	swait.ge [sflag:s2], $0x500  }
0x88: {  	[sflag:s2] =	ssyncset.done $0x0;
	s26 =	rddreg [dreg:$0x6]  }
0x89: {  	[sflag:s2] =	ssyncadd.s32 $0xFFFFFB00;
	s3 =	sshrl.u32 s26, $0x3  }
0x8a: {  	[hbm:s25], [sflag:s0] =	dma.local [spmem:s3], $0x500  }
0x8b: {  	_ =	swait.ge [sflag:s2], $0x500  }
0x8c: {  	[sflag:s2] =	ssyncset.done $0x0;
	s28 =	rddreg [dreg:$0x7]  }
0x8d: {  	[sflag:s2] =	ssyncadd.s32 $0xFFFFFB00;
	s3 =	sshrl.u32 s28, $0x3  }
0x8e: {  	[hbm:s24], [sflag:s0] =	dma.local [spmem:s3], $0x500  }
0x8f: {  	_ =	swait.ge [sflag:s2], $0x500  }
0x90: {  	[sflag:s2] =	ssyncset.done $0x0  }
0x91: {  	s29 =	sshrl.u32 s8, $0x3;
	[sflag:s2] =	ssyncadd.s32 $0xFFFFFB00  }
0x92: {  	[hbm:s23], [sflag:s0] =	dma.local [spmem:s29], $0x500  }
0x93: {  	_ =	swait.ge [sflag:s2], $0x500  }
0x94: {  	[sflag:s2] =	ssyncset.done $0x0  }
0x95: {  	s30 =	sshrl.u32 s9, $0x3;
	[sflag:s2] =	ssyncadd.s32 $0xFFFFFB00  }
0x96: {  	[hbm:s21], [sflag:s0] =	dma.local [spmem:s30], $0x500  }
0x97: {  	_ =	swait.ge [sflag:s2], $0x500  }
0x98: {  	[sflag:s2] =	ssyncset.done $0x0  }
0x99: {  	s31 =	sshrl.u32 s10, $0x3;
	[sflag:s2] =	ssyncadd.s32 $0xFFFFFB00  }
0x9a: {  	[hbm:s19], [sflag:s0] =	dma.local [spmem:s31], $0x500  }
0x9b: {  	_ =	swait.ge [sflag:s2], $0x500  }
0x9c: {  	[sflag:s2] =	ssyncset.done $0x0  }
0x9d: {  	[sflag:s2] =	ssyncadd.s32 $0xFFFFFB00;
	s2 =	sshrl.u32 @!p0 s11, $0x3  }
0x9e: {  	[hbm:s13], [sflag:s0] =	dma.local @!p0 [spmem:s2], $0x500  }
0x9f: {  	_ =	swait.ge @!p0 [sflag:s12], $0x500  }
0xa0: {  	[sflag:s12] =	ssyncset.done @!p0 $0x0  }
0xa1: {  	[sflag:s12] =	ssyncadd.s32 @!p0 $0xFFFFFB00  }
0xa2: {  	_ =	sfence.sel $0x180000  }
0xa3: {  	[bflag:$0x0] =	sbarrier.arrive $0xFFFF  }
0xa4: {  	_ =	strace $0x9000004D  }
0xa5: {  	[bflag:$0x2] =	sbarrier.arrive $0xFFFF  }
0xa6: {  	p0 =	sne.s32 s1, $0x0;
	s0 =	rddreg [dreg:$0x3]  }
0xa7: {  	s0 =	sadd.s32 @!p0 $0x100000, s0  }
0xa8: {  	[sflag:s0] =	ssyncadd.tile.s32 @!p0 $0x1;
	_ =	shalt  }
.Lfunc_end2:
_tile_overlayer_lowered:
.L_overlay_start_2:
0xa9: {  	(tag) =	ssettag $0x2  }
0xaa: {  	s0 =	rddreg [dreg:$0x0];
	s2 =	stileid.u32  }
0xab: {  	s1 =	rddreg [dreg:$0x1];
	p0 =	sne.s32 s2, $0x0  }
0xac: {  	s3 =	rddreg [dreg:$0x2];
	[bflag:$0x3] =	sbarrier.arrive $0xFFFF;
	s2 =	simm.s32 @!p0 $0x1C05  }
0xad: {  	[timem:s3], [sflag:s2] =	dma.local @!p0 [hbm:s0], s1  }
0xae: {  	s0 =	simm.s32 @!p0 $0x5  }
0xaf: {  	_ =	swait.ge @!p0 [sflag:s0], s1  }
0xb0: {  	s1 =	ssub.s32 @!p0 $0x0, s1;
	[sflag:s0] =	ssyncset.done @!p0 $0x0  }
0xb1: {  	[sflag:s0] =	ssyncadd.s32 @!p0 s1  }
0xb2: {  	[bflag:$0x3] =	sbarrier.arrive $0xFFFF  }
0xb3: {  	_ =	shalt  }

// kernel: kernel.8.cloned.1.call-start
scs
__scs_entry_jumppad:
0x0: {  	(pc) =	sbr.rel $0x88, $3  }
0x1: {  	(tag) =	ssettag $0x0;
	lr =	simm.s32 $0x1  }
0x2: {  	[smem:$0x3F91] =	sst lr;
	_ =	strace $0xD0000000  }
0x3: {  	_ = 	snop  }
0x4: {  	_ = 	snop  }
0x5: {  	_ = 	snop  }
0x6: {  	_ = 	snop  }
0x7: {  	_ = 	snop  }
__scs_overlays_trampoline_lowered:
0x8: {  	[smem:$0x3FA0] =	sst s0  }
0x9: {  	[smem:$0x3FA1] =	sst s1  }
0xa: {  	[smem:$0x3FA2] =	sst s2  }
0xb: {  	[smem:$0x3FA3] =	sst s3  }
0xc: {  	[smem:$0x3FA4] =	sst s4  }
0xd: {  	[smem:$0x3FA5] =	sst s5  }
0xe: {  	[smem:$0x3FA6] =	sst s6  }
0xf: {  	[smem:$0x3FA7] =	sst s7  }
0x10: {  	[smem:$0x3FA8] =	sst s8  }
0x11: {  	[smem:$0x3FA9] =	sst s9;
	s0 =	simm.s32 @!p0 $0x0  }
0x12: {  	s1 =	sld [smem:$0x3F8F];
	s0 =	simm.s32 @p0 $0x1  }
0x13: {  	[smem:$0x3FAA] =	sst s0;
	s0 =	simm.s32 @!p1 $0x0  }
0x14: {  	s2 =	sld [smem:$0x3F8E];
	s0 =	simm.s32 @p1 $0x1  }
0x15: {  	[smem:$0x3FAB] =	sst s0;
	s0 =	simm.s32 @!p2 $0x0  }
0x16: {  	s3 =	sld [smem:$0x3FDB];
	s0 =	simm.s32 @p2 $0x1  }
0x17: {  	s4 =	simm.s32 $0x1BF5;
	[smem:$0x3FAD] =	sst s0  }
0x18: {  	s0 =	sld [smem:$0x3F90];
	_ =	swait.ge [sflag:s4], $0x0  }
0x19: {  	s7 =	sld [smem:$0x3F91]  }
0x1a: {  	s8 =	sadd.s32 $0xFFFFE003, lr  }
0x1b: {  	s9 =	sadd.s32 $0xFFFFFEF7, lr;
	s5 =	simm.s32 $0xFFFFFFFF;
	p2 =	slt.u32 s8, $0xFFFFF086  }
0x1c: {  	p1 =	slt.u32 s9, $0xF7A;
	s5 =	simm.s32 @!p2 $0x0  }
0x1d: {  	s5 =	simm.s32 @p1 $0x1;
	p0 =	seq.s32 s7, s2  }
0x1e: {  	s7 =	smul.u32 @!p0 $0xF7A, s2;
	p2 =	seq.s32 @!p0 s5, $0x0  }
0x1f: {  	s9 =	smul.u32 $0xF7A, s1;
	s8 =	simm.s32 @!p0 $0x1BF5;
	p2 =	por !p2, p0  }
0x20: {  	[sflag:s8] =	ssyncset.s32 @!p0 $0xFFFFF086;
	s6 =	sadd.s32 @!p0 s3, s7;
	s7 =	simm.s32 @!p0 $0x108  }
0x21: {  	s3 =	sadd.s32 s3, s9;
	s6 =	sadd.s32 @!p0 $0x88, s6;
	s7 =	simm.s32 @p2 $0x1082  }
0x22: {  	[simem:s7], [sflag:s8] =	dma.local @!p0 [hbm:s6], $0xF7A  }
0x23: {  	s9 =	sor.u32 $0xD0000000, s2;
	s6 =	simm.s32 $0x108;
	_ =	swait.ge @!p0 [sflag:s8], $0x0  }
0x24: {  	s3 =	sadd.s32 $0x88, s3;
	s6 =	simm.s32 @!p1 $0x1082;
	[sflag:s4] =	ssyncset.s32 $0xFFFFF086  }
0x25: {  	[simem:s6], [sflag:s4] =	dma.local [hbm:s3], $0xF7A  }
0x26: {  	[smem:$0x3F91] =	sst s1;
	(tag) =	ssettag s2;
	_ =	strace s9  }
0x27: {  	s1 =	sld [smem:$0x3FA1]  }
0x28: {  	s2 =	sld [smem:$0x3FA2]  }
0x29: {  	s4 =	sld [smem:$0x3FA4]  }
0x2a: {  	p0 =	seq.s32 s5, $0x0;
	s5 =	sld [smem:$0x3FA5]  }
0x2b: {  	s6 =	sld [smem:$0x3FA6]  }
0x2c: {  	s7 =	sld [smem:$0x3FA7]  }
0x2d: {  	s3 =	simm.s32 $0x108;
	s8 =	sld [smem:$0x3FA8]  }
0x2e: {  	s3 =	simm.s32 @!p0 $0x1082;
	s9 =	sld [smem:$0x3FA9]  }
0x2f: {  	lr =	sadd.s32 s0, s3;
	s0 =	sld [smem:$0x3FA0]  }
0x30: {  	s3 =	sld [smem:$0x3FA3]  }
0x31: {  	[smem:$0x3FAC] =	sst s10  }
0x32: {  	s10 =	sld [smem:$0x3FAA];
	_ =	sdelay $0x3  }
0x33: {  	p0 =	seq.s32 s10, $0x1;
	s10 =	sld [smem:$0x3FAC];
	_ =	sdelay $0x3  }
0x34: {  	[smem:$0x3FAC] =	sst s10  }
0x35: {  	s10 =	sld [smem:$0x3FAB];
	_ =	sdelay $0x3  }
0x36: {  	p1 =	seq.s32 s10, $0x1;
	s10 =	sld [smem:$0x3FAC];
	_ =	sdelay $0x3  }
0x37: {  	[smem:$0x3FAC] =	sst s10  }
0x38: {  	s10 =	sld [smem:$0x3FAD]  }
0x39: {  	_ = 	snop;
	(pc) =	sbr.ind lr, $3  }
0x3a: {  	_ = 	snop  }
0x3b: {  	_ = 	snop  }
0x3c: {  	p2 =	seq.s32 s10, $0x1;
	s10 =	sld [smem:$0x3FAC]  }
0x3d: {  	_ =	shalt  }
0x3e: {  	_ =	shalt  }
0x3f: {  	_ =	shalt  }
0x40: {  	_ =	shalt  }
0x41: {  	_ =	shalt  }
0x42: {  	_ =	shalt  }
0x43: {  	_ =	shalt  }
0x44: {  	_ =	shalt  }
0x45: {  	_ =	shalt  }
0x46: {  	_ =	shalt  }
0x47: {  	_ =	shalt  }
0x48: {  	_ =	shalt  }
0x49: {  	_ =	shalt  }
0x4a: {  	_ =	shalt  }
0x4b: {  	_ =	shalt  }
0x4c: {  	_ =	shalt  }
0x4d: {  	_ =	shalt  }
0x4e: {  	_ =	shalt  }
0x4f: {  	_ =	shalt  }
0x50: {  	_ =	shalt  }
0x51: {  	_ =	shalt  }
0x52: {  	_ =	shalt  }
0x53: {  	_ =	shalt  }
0x54: {  	_ =	shalt  }
0x55: {  	_ =	shalt  }
0x56: {  	_ =	shalt  }
0x57: {  	_ =	shalt  }
0x58: {  	_ =	shalt  }
0x59: {  	_ =	shalt  }
0x5a: {  	_ =	shalt  }
0x5b: {  	_ =	shalt  }
0x5c: {  	_ =	shalt  }
0x5d: {  	_ =	shalt  }
0x5e: {  	_ =	shalt  }
0x5f: {  	_ =	shalt  }
0x60: {  	_ =	shalt  }
0x61: {  	_ =	shalt  }
0x62: {  	_ =	shalt  }
0x63: {  	_ =	shalt  }
0x64: {  	_ =	shalt  }
0x65: {  	_ =	shalt  }
0x66: {  	_ =	shalt  }
0x67: {  	_ =	shalt  }
0x68: {  	_ =	shalt  }
0x69: {  	_ =	shalt  }
0x6a: {  	_ =	shalt  }
0x6b: {  	_ =	shalt  }
0x6c: {  	_ =	shalt  }
0x6d: {  	_ =	shalt  }
0x6e: {  	_ =	shalt  }
0x6f: {  	_ =	shalt  }
0x70: {  	_ =	shalt  }
0x71: {  	_ =	shalt  }
0x72: {  	_ =	shalt  }
0x73: {  	_ =	shalt  }
0x74: {  	_ =	shalt  }
0x75: {  	_ =	shalt  }
0x76: {  	_ =	shalt  }
0x77: {  	_ =	shalt  }
0x78: {  	_ =	shalt  }
0x79: {  	_ =	shalt  }
0x7a: {  	_ =	shalt  }
0x7b: {  	_ =	shalt  }
0x7c: {  	_ =	shalt  }
0x7d: {  	_ =	shalt  }
0x7e: {  	_ =	shalt  }
0x7f: {  	_ =	shalt  }
0x80: {  	_ =	shalt  }
0x81: {  	_ =	shalt  }
0x82: {  	_ =	shalt  }
0x83: {  	_ =	shalt  }
0x84: {  	_ =	shalt  }
0x85: {  	_ =	shalt  }
0x86: {  	_ =	shalt  }
0x87: {  	_ =	shalt  }
.Lfunc_end0:
.L_simem_size_0:
called_computation_lowered:
.L_overlay_start_0:
0x88: {  	s2 =	sld [smem:$0x3FD9]  }
0x89: {  	s3 =	sld [smem:$0x3FFE];
	_ =	sdelay $0x1  }
0x8a: {  	s1 =	srdreg.scid  }
0x8b: {  	s0 =	sand.u32 $0x1, s1  }
0x8c: {  	s14 =	sshll.u32 s0, $0xA;
	s2 =	sadd.s32 s3, s2  }
0x8d: {  	s2 =	sadd.s32 s2, s14  }
0x8e: {  	[smem:$0x3FB8] =	sst s2  }
0x8f: {  	_ = 	snop  }
0x90: {  	s2 =	sld [smem:$0x3FD0];
	_ =	sdelay $0x2  }
0x91: {  	s15 =	simm.s32 $0xB;
	s4 =	simm.s32 $0x10  }
0x92: {  	[smem:s4], [sflag:s15] =	dma.local [hbm:s2], $0x1  }
0x93: {  	_ =	swait.eq [sflag:s15], $0x1  }
0x94: {  	s16 =	sld [smem:$0x10];
	[sflag:s15] =	ssyncset.done $0x0  }
0x95: {  	s17 =	sld [smem:$0x11];
	[sflag:s15] =	ssyncadd.s32 $0xFFFFFFFF  }
0x96: {  	s18 =	sld [smem:$0x12];
	(tm) =	ssettm $0x1  }
0x97: {  	s5 =	sld [smem:$0x3FFB];
	_ =	sdelay $0x3  }
0x98: {  	_ =	strace s5  }
0x99: {  	s5 =	sld [smem:$0x3FFC];
	_ =	sdelay $0x3  }
0x9a: {  	_ =	strace s5  }
0x9b: {  	s5 =	sld [smem:$0x3FFD];
	_ =	sdelay $0x3  }
0x9c: {  	_ =	strace s5  }
0x9d: {  	_ =	strace $0x8FFFFFFF  }
0x9e: {  	s19 =	sld [smem:$0x3FDB];
	_ =	sdelay $0x1  }
0x9f: {  	s6 =	simm.s32 $_scs_section_size  }
0xa0: {  	s7 =	simm.s32 $_size__tile_overlayer_lowered;
	s8 =	simm.s32 $_tile_overlayer_lowered  }
0xa1: {  	s22 =	simm.s32 $0x1BFF;
	s21 =	sshll.u32 s8, $0x1;
	s5 =	sadd.s32 s6, s19  }
0xa2: {  	s9 =	simm.s32 $0x0;
	s20 =	sshll.u32 s7, $0x1;
	s7 =	sadd.s32 s21, s5  }
0xa3: {  	[timem:s9], [sflag:s22] =	dma.local [hbm:s7], s20  }
0xa4: {  	_ =	swait.ge [sflag:s22], s20  }
0xa5: {  	s6 =	ssub.s32 $0x0, s20;
	[sflag:s22] =	ssyncset.done $0x0  }
0xa6: {  	[sflag:s22] =	ssyncadd.s32 s6;
	_ =	sdelay $0x1  }
0xa7: {  	s23 =	simm.s32 $0x1B8B  }
0xa8: {  	_ =	swait.ge [sflag:s23], $0x1  }
0xa9: {  	[sflag:s23] =	ssyncset.done $0x0  }
0xaa: {  	s25 =	simm.s32 $0x1B8E;
	s24 =	sld [smem:$0x3FFE];
	[sflag:s23] =	ssyncadd.s32 $0xFFFFFFFF  }
0xab: {  	s26 =	simm.s32 $execute0_lowered;
	[smem:$0x3FD2] =	sst s25  }
0xac: {  	s7 =	sshll.u32 s26, $0x1;
	_ =	strace $0x80000046;
	[dreg:$0x1] =	wrdreg $0xFFFFFFFF  }
0xad: {  	s28 =	simm.s32 $_size_execute0_lowered;
	s5 =	sadd.s32 s5, s7;
	[dreg:$0x0] =	wrdreg $0x0  }
0xae: {  	s7 =	sshll.u32 s28, $0x1;
	[dreg:$0x2] =	wrdreg s5  }
0xaf: {  	[dreg:$0x3] =	wrdreg s7  }
0xb0: {  	[dreg:$0x4] =	wrdreg $0xC0  }
0xb1: {  	_ =	task [dreg:s9], $0x5FFFF  }
0xb2: {  	[dreg:$0x1] =	wrdreg $0xFFFFFFFF  }
0xb3: {  	[dreg:$0x0] =	wrdreg $0x60  }
0xb4: {  	[dreg:$0x2] =	wrdreg s16  }
0xb5: {  	[dreg:$0x3] =	wrdreg s18  }
0xb6: {  	[dreg:$0x4] =	wrdreg s24  }
0xb7: {  	[dreg:$0x5] =	wrdreg s17  }
0xb8: {  	[dreg:$0x6] =	wrdreg $0x9  }
0xb9: {  	_ =	task.clear_ibuf [dreg:s9], $0x7FFFF;
	_ =	strace $0x90000046  }
0xba: {  	s29 =	simm.s32 $0x9;
	_ =	strace $0x80000048  }
0xbb: {  	_ =	swait.ge [sflag:s29], $0x1  }
0xbc: {  	[sflag:s29] =	ssyncadd.s32 $0xFFFFFFFF  }
0xbd: {  	_ =	strace $0x90000048  }
0xbe: {  	_ =	sfence  }
0xbf: {  	s30 =	sld [smem:$0x0];
	_ =	sdelay $0x2  }
0xc0: {  	s31 =	sshll.u32 s1, $0xD;
	s1 =	sshrl.u32 s1, $0x2  }
0xc1: {  	s3 =	sand.u32 $0x4000, s31;
	s1 =	sadd.s32 s1, s30  }
0xc2: {  	s0 =	sor.u32 s3, s0;
	s1 =	sshll.u32 s1, $0x11  }
0xc3: {  	s0 =	sor.u32 s1, s0  }
0xc4: {  	s0 =	sadd.s32 $0x8F2B, s0  }
0xc5: {  	[sflag:s0] =	ssyncadd.remote.s32 $0x1  }
0xc6: {  	_ =	sfence.sel $0xFFFF  }
0xc7: {  	[dreg:$0x0] =	wrdreg $0xFFFFFFFF;
	(pc) =	sbr.abs _section_cstart, $3  }
0xc8: {  	[dreg:$0x1] =	wrdreg $0xFFFFFFFF  }
0xc9: {  	_ =	task.clear_ibuf [dreg:s9], $0x2FFFF;
	_ =	strace $0x9FFFFFFF  }
0xca: {  	(tm) =	ssettm $0x7FFFFFFF  }
0xcb: {  	_ =	shalt  }
tec
execute0_lowered:
.L_overlay_start_1:
0x0: {  	(tag) =	ssettag $0x1  }
0x1: {  	s1 =	rddreg [dreg:$0x0]  }
0x2: {  	s2 =	rddreg [dreg:$0x1]  }
0x3: {  	s0 =	rddreg [dreg:$0x2]  }
0x4: {  	s4 =	simm.s32 $0x0;
	s22 =	srdreg.scid;
	s5 =	stileid.u32  }
0x5: {  	s30 =	simm.s32 $0x200;
	s31 =	simm.s32 $0x4;
	s14 =	simm.s32 $0x0  }
0x6: {  	[smem:$0x7FF] =	sst s4;
	s3 =	sadd.s32 $0x17C00, s0;
	s21 =	sadd.s32 $0x17600, s0  }
0x7: {  	s8 =	sadd.s32 $0xD800, s0;
	s9 =	sadd.s32 $0x3A00, s0;
	s5 =	sshll.u32 s5, $0x1  }
0x8: {  	s10 =	sadd.s32 $0x18200, s0;
	_ =	strace $0x80000047;
	[dreg:$0x5] =	wrdreg s3  }
0x9: {  	s11 =	sadd.s32 $0x4FA200, s0;
	[dreg:$0x6] =	wrdreg s21;
	s3 =	sand.u32 $0x1, s22  }
0xa: {  	s22 =	simm.s32 $0x18200;
	s6 =	ssub.s32 $0x2, s3;
	s3 =	sor.u32 s3, s5  }
0xb: {  	s23 =	sshrl.u32 s6, $0x1;
	s5 =	ssub.s32 $0x9C3, s3;
	s24 =	sshll.u32 s3, $0x4  }
0xc: {  	s15 =	sshll.u32 s3, $0x7;
	s18 =	sshll.u32 s3, $0xE;
	s3 =	sshll.u32 s3, $0xB  }
0xd: {  	s0 =	ssub.s32 s6, s23;
	s12 =	sshrl.u32 s5, $0x5;
	s25 =	sadd.s32 s8, s24  }
0xe: {  	s26 =	sadd.s32 s9, s24;
	s5 =	sor.u32 $0x200, s24;
	s21 =	sor.u32 $0x10000, s3  }
0xf: {  	s23 =	simm.s32 $0x7;
	s24 =	simm.s32 $0x1A980;
	s3 =	simm.s32 $0x10200  }
.Ltmp0:
0x10: {  	s6 =	simm.s32 $0x4200;
	[dreg:$0x7] =	wrdreg s25;
	(pc) =	sbr.rel .LBB2_1-.Ltmp0, $4  }
0x11: {  	[dreg:$0x8] =	wrdreg s26;
	s28 =	sadd.s32 s8, s5;
	s5 =	sadd.s32 s9, s5  }
0x12: {  	s29 =	sadd.s32 $0x2, s12;
	s0 =	smax.u32 s0, $0x1;
	[dreg:$0x9] =	wrdreg s28  }
0x13: {  	v1 =	vlaneseq.u32;
	s25 =	simm.s32 $0x1D100;
	[dreg:$0xa] =	wrdreg s5;
	s19 =	sshrl.u32 s29, $0x1  }
0x14: {  	v0 =	vimm.f32 $0.0e+00;
	v1 =	vmul.u32 $0x80, v1;
	[dreg:$0xb] =	wrdreg s0;
	s5 =	simm.s32 $0x3;
	s0 =	simm.s32 $0x14200  }
.LBB2_15:
0x15: {  	s7 =	simm.s32 $0x5  }
0x16: {  	_ =	swait.ge [sflag:s7], $0x4000  }
0x17: {  	[sflag:s7] =	ssyncset.done $0x0  }
0x18: {  	[sflag:s7] =	ssyncadd.s32 $0xFFFFC000  }
0x19: {  	_ =	swait.ge [sflag:s7], $0x4000  }
0x1a: {  	[sflag:s7] =	ssyncset.done $0x0  }
0x1b: {  	s13 =	simm.s32 $0x6;
	[sflag:s7] =	ssyncadd.s32 $0xFFFFC000  }
0x1c: {  	_ =	swait.ge [sflag:s13], $0x4000  }
0x1d: {  	[sflag:s13] =	ssyncset.done $0x0  }
0x1e: {  	[sflag:s13] =	ssyncadd.s32 $0xFFFFC000  }
0x1f: {  	_ =	swait.ge [sflag:s13], $0x4000  }
0x20: {  	s14 =	sadd.s32 $0x1, s14;
	s29 =	rddreg [dreg:$0xb]  }
0x21: {  	p0 =	sne.s32 s14, s29  }
.Ltmp1:
0x22: {  	_ = 	snop;
	(pc) =	sbr.rel @!p0 .LBB2_16-.Ltmp1, $3  }
0x23: {  	_ =	sdelay $0x1  }
0x24: {  	[sflag:s13] =	ssyncset.done $0x0  }
0x25: {  	[sflag:s13] =	ssyncadd.s32 $0xFFFFC000  }
.LBB2_1:
0x26: {  	s7 =	rddreg [dreg:$0x5]  }
0x27: {  	[tilespmem:s22], [sflag:$0x7] =	stream.linear.gather [hbm4b:s7+s4], $0x2780, $0x38;
	[tilespmem:$0x1F880] =	vst v63  }
0x28: {  	_ =	swait.ge [sflag:s23], $0x2780  }
0x29: {  	[sflag:s23] =	ssyncset.done $0x0  }
0x2a: {  	s28 =	rddreg [dreg:$0x6];
	[sflag:s23] =	ssyncadd.s32 $0xFFFFD880  }
0x2b: {  	[tilespmem:s24], [sflag:$0x7] =	stream.linear.gather [hbm4b:s28+s4], $0x2780, $0x38;
	[tilespmem:$0x1F880] =	vst v63  }
0x2c: {  	_ =	swait.ge [sflag:s23], $0x2780  }
0x2d: {  	[sflag:s23] =	ssyncset.done $0x0  }
0x2e: {  	[sflag:s23] =	ssyncadd.s32 $0xFFFFD880  }
0x2f: {  	s29 =	rddreg [dreg:$0x3]  }
0x30: {  	[tilespmem:s25], [sflag:$0x7] =	stream.linear.gather [hbm4b:s29+s4], $0x2780, $0x38;
	[tilespmem:$0x1F880] =	vst v63  }
0x31: {  	_ =	swait.ge [sflag:s23], $0x2780  }
0x32: {  	[sflag:s23] =	ssyncset.done $0x0  }
0x33: {  	s16 =	simm.s32 $0x0;
	s7 =	simm.s32 $0x200;
	[sflag:s23] =	ssyncadd.s32 $0xFFFFD880  }
.LBB2_2:
0x34: {  	p0 =	sne.s32 s7, $0xFE00;
	[tilespmem:s16+$0x10200] =	vst v0;
	s17 =	smov.u32 s7;
	s7 =	sadd.s32 $0x200, s7  }
.Ltmp2:
0x35: {  	[tilespmem:s16+$0x14200] =	vst v0;
	(pc) =	sbr.rel @p0 .LBB2_2-.Ltmp2, $2  }
0x36: {  	_ =	sdelay $0x2  }
0x37: {  	s16 =	sshra.s32 s17, $0x2  }
0x38: {  	[tilespmem:s16+$0x10200] =	vst v0  }
0x39: {  	[tilespmem:s16+$0x14200] =	vst v0;
	s16 =	simm.s32 $0x0;
	s7 =	rddreg [dreg:$0x7]  }
0x3a: {  	[tilespmem:s16], [sflag:$0x1] =	stream.linear.gather [hbm4b:s7+s16], $0x80, $0x38;
	[tilespmem:$0x1F880] =	vst v63  }
0x3b: {  	s29 =	rddreg [dreg:$0x8];
	s13 =	simm.s32 $0x100;
	s17 =	simm.s32 $0x1  }
0x3c: {  	[tilespmem:s13], [sflag:$0x1] =	stream.linear.gather [hbm4b:s29+s16], $0x80, $0x38;
	[tilespmem:$0x1F880] =	vst v63  }
0x3d: {  	_ =	swait.ge [sflag:s17], $0x80  }
0x3e: {  	[sflag:s17] =	ssyncset.done $0x0  }
0x3f: {  	[sflag:s17] =	ssyncadd.s32 $0xFFFFFF80  }
0x40: {  	_ =	swait.ge [sflag:s17], $0x80  }
0x41: {  	[sflag:s17] =	ssyncset.done $0x0  }
0x42: {  	[sflag:s17] =	ssyncadd.s32 $0xFFFFFF80;
	s17 =	simm.s32 $0x80  }
0x43: {  	[tilespmem:s30], [sflag:$0x3] =	stream.indirect.gather [hbm4b:s1+s17], $0x80, s16, s17, $0xb8;
	[tilespmem:$0x1F880] =	vst v63  }
0x44: {  	s20 =	simm.s32 $0x8200  }
0x45: {  	[tilespmem:s20], [sflag:$0x3] =	stream.indirect.gather [hbm4b:s2+s17], $0x80, s13, s17, $0xb8;
	[tilespmem:$0x1F880] =	vst v63  }
.Ltmp3:
0x46: {  	_ = 	snop;
	(pc) =	sbr.rel .LBB2_4-.Ltmp3, $4  }
0x47: {  	s26 =	rddreg [dreg:$0x9]  }
0x48: {  	[tilespmem:s17], [sflag:$0x2] =	stream.linear.gather [hbm4b:s26+s16], $0x80, $0x38;
	[tilespmem:$0x1F880] =	vst v63  }
0x49: {  	s29 =	simm.s32 $0x180;
	s28 =	rddreg [dreg:$0xa]  }
0x4a: {  	[tilespmem:s29], [sflag:$0x2] =	stream.linear.gather [hbm4b:s28+s16], $0x80, $0x38;
	[tilespmem:$0x1F880] =	vst v63  }
.LBB2_14:
0x4b: {  	s7 =	sadd.s32 $0x3, s17  }
0x4c: {  	p1 =	sgt.u32 s7, s12  }
0x4d: {  	s7 =	sshll.u32 @!p1 s7, $0xC  }
0x4e: {  	s7 =	sor.u32 @!p1 s15, s7  }
0x4f: {  	s7 =	sshrl.u32 @!p1 s7, $0x3  }
0x50: {  	s17 =	simm.s32 @!p1 $0x0;
	s28 =	simm.s32 @!p1 $0x80;
	s13 =	sadd.s32 @!p1 s8, s7  }
0x51: {  	[tilespmem:s28], [sflag:$0x2] =	stream.linear.gather @!p1 [hbm4b:s13+s17], $0x80, $0x38;
	[tilespmem:$0x1F880] =	vst v63  }
0x52: {  	s7 =	sadd.s32 @!p1 s9, s7;
	s13 =	simm.s32 @!p1 $0x180  }
0x53: {  	[tilespmem:s13], [sflag:$0x2] =	stream.linear.gather @!p1 [hbm4b:s7+s17], $0x80, $0x38;
	[tilespmem:$0x1F880] =	vst v63  }
0x54: {  	s7 =	simm.s32 @!p0 $0x5  }
0x55: {  	_ =	swait.ge @!p0 [sflag:s7], $0x4000  }
0x56: {  	[sflag:s7] =	ssyncset.done @!p0 $0x0  }
0x57: {  	[sflag:s7] =	ssyncadd.s32 @!p0 $0xFFFFC000  }
0x58: {  	_ =	swait.ge @!p0 [sflag:s7], $0x4000  }
0x59: {  	[sflag:s7] =	ssyncset.done @!p0 $0x0  }
0x5a: {  	[sflag:s7] =	ssyncadd.s32 @!p0 $0xFFFFC000;
	s7 =	simm.s32 @!p0 $0x1  }
0x5b: {  	_ =	swait.ge @!p0 [sflag:s7], $0x80  }
0x5c: {  	[sflag:s7] =	ssyncset.done @!p0 $0x0  }
0x5d: {  	[sflag:s7] =	ssyncadd.s32 @!p0 $0xFFFFFF80  }
0x5e: {  	_ =	swait.ge @!p0 [sflag:s7], $0x80  }
0x5f: {  	[sflag:s7] =	ssyncset.done @!p0 $0x0  }
0x60: {  	s13 =	simm.s32 @!p0 $0x200;
	[sflag:s7] =	ssyncadd.s32 @!p0 $0xFFFFFF80;
	s7 =	simm.s32 @!p0 $0x80  }
0x61: {  	[tilespmem:s13], [sflag:$0x3] =	stream.indirect.gather @!p0 [hbm4b:s1+s7], $0x80, s26, s7, $0xb8;
	[tilespmem:$0x1F880] =	vst v63  }
0x62: {  	s16 =	sadd.s32 $0x1, s16;
	s13 =	simm.s32 @!p0 $0x8200  }
0x63: {  	[tilespmem:s13], [sflag:$0x3] =	stream.indirect.gather @!p0 [hbm4b:s2+s7], $0x80, s20, s7, $0xb8;
	[tilespmem:$0x1F880] =	vst v63  }
0x64: {  	p0 =	sne.s32 s16, s19  }
.Ltmp4:
0x65: {  	_ = 	snop;
	(pc) =	sbr.rel @!p0 .LBB2_15-.Ltmp4, $1  }
0x66: {  	_ =	sdelay $0x3  }
.LBB2_4:
0x67: {  	s17 =	sshll.u32 s16, $0x1  }
0x68: {  	p1 =	sge.u32 s17, s12  }
0x69: {  	p0 =	seq.s32 @!p1 s16, $0x0  }
0x6a: {  	p0 =	por p0, p1  }
0x6b: {  	s7 =	simm.s32 @!p0 $0x6  }
0x6c: {  	_ =	swait.ge @!p0 [sflag:s7], $0x4000  }
0x6d: {  	[sflag:s7] =	ssyncset.done @!p0 $0x0  }
0x6e: {  	[sflag:s7] =	ssyncadd.s32 @!p0 $0xFFFFC000  }
0x6f: {  	_ =	swait.ge @!p0 [sflag:s7], $0x4000  }
0x70: {  	[sflag:s7] =	ssyncset.done @!p0 $0x0  }
0x71: {  	[sflag:s7] =	ssyncadd.s32 @!p0 $0xFFFFC000;
	s7 =	simm.s32 @!p1 $0x2  }
0x72: {  	_ =	swait.ge @!p1 [sflag:s7], $0x80  }
0x73: {  	[sflag:s7] =	ssyncset.done @!p1 $0x0  }
0x74: {  	[sflag:s7] =	ssyncadd.s32 @!p1 $0xFFFFFF80  }
0x75: {  	_ =	swait.ge @!p1 [sflag:s7], $0x80  }
0x76: {  	[sflag:s7] =	ssyncset.done @!p1 $0x0  }
0x77: {  	s20 =	simm.s32 @!p1 $0x4200;
	[sflag:s7] =	ssyncadd.s32 @!p1 $0xFFFFFF80;
	s7 =	simm.s32 @!p1 $0x80  }
0x78: {  	[tilespmem:s20], [sflag:$0x4] =	stream.indirect.gather @!p1 [hbm4b:s1+s7], $0x80, s7, s7, $0xb8;
	[tilespmem:$0x1F880] =	vst v63  }
0x79: {  	s26 =	simm.s32 @!p1 $0xC200;
	s20 =	simm.s32 @!p1 $0x180  }
0x7a: {  	[tilespmem:s26], [sflag:$0x4] =	stream.indirect.gather @!p1 [hbm4b:s2+s7], $0x80, s20, s7, $0xb8;
	[tilespmem:$0x1F880] =	vst v63  }
0x7b: {  	_ =	swait.ge [sflag:s5], $0x4000  }
0x7c: {  	[sflag:s5] =	ssyncset.done $0x0  }
0x7d: {  	[sflag:s5] =	ssyncadd.s32 $0xFFFFC000  }
0x7e: {  	_ =	swait.ge [sflag:s5], $0x4000  }
0x7f: {  	[sflag:s5] =	ssyncset.done $0x0  }
0x80: {  	s7 =	simm.s32 $0x0;
	s20 =	simm.s32 $0x200;
	[sflag:s5] =	ssyncadd.s32 $0xFFFFC000  }
.LBB2_5:
0x81: {  	p0 =	sne.s32 s20, $0xFE00;
	v2 =	vld [tilespmem:s7+$0x8270]  }
0x82: {  	v3 =	vld [tilespmem:s7+$0x8200]  }
0x83: {  	v4 =	vld [tilespmem:s7+$0x8210]  }
0x84: {  	v5 =	vld [tilespmem:s7+$0x8220]  }
0x85: {  	v6 =	vld [tilespmem:s7+$0x8230]  }
0x86: {  	[tilespmem:s7+$0x270] =	vst.add.f32.msk $0xffff, v2  }
0x87: {  	v2 =	vld [tilespmem:s7+$0x8240]  }
0x88: {  	v7 =	vld [tilespmem:s7+$0x8250]  }
0x89: {  	v8 =	vld [tilespmem:s7+$0x8260]  }
0x8a: {  	[tilespmem:s7+$0x200] =	vst.add.f32.msk $0xffff, v3  }
0x8b: {  	[tilespmem:s7+$0x210] =	vst.add.f32.msk $0xffff, v4  }
.Ltmp5:
0x8c: {  	[tilespmem:s7+$0x220] =	vst.add.f32.msk $0xffff, v5;
	(pc) =	sbr.rel @p0 .LBB2_5-.Ltmp5, $4  }
0x8d: {  	[tilespmem:s7+$0x230] =	vst.add.f32.msk $0xffff, v6  }
0x8e: {  	[tilespmem:s7+$0x240] =	vst.add.f32.msk $0xffff, v2  }
0x8f: {  	[tilespmem:s7+$0x250] =	vst.add.f32.msk $0xffff, v7  }
0x90: {  	[tilespmem:s7+$0x260] =	vst.add.f32.msk $0xffff, v8;
	s7 =	sshra.s32 s20, $0x2;
	s20 =	sadd.s32 $0x200, s20  }
0x91: {  	v2 =	vld [tilespmem:s7+$0x8270]  }
0x92: {  	v3 =	vld [tilespmem:s7+$0x8200]  }
0x93: {  	v4 =	vld [tilespmem:s7+$0x8210]  }
0x94: {  	v5 =	vld [tilespmem:s7+$0x8220]  }
0x95: {  	v6 =	vld [tilespmem:s7+$0x8230]  }
0x96: {  	v7 =	vld [tilespmem:s7+$0x8250]  }
0x97: {  	v8 =	vld [tilespmem:s7+$0x8260]  }
0x98: {  	[tilespmem:s7+$0x270] =	vst.add.f32.msk $0xffff, v2  }
0x99: {  	v2 =	vld [tilespmem:s7+$0x8240]  }
0x9a: {  	[tilespmem:s7+$0x200] =	vst.add.f32.msk $0xffff, v3  }
0x9b: {  	[tilespmem:s7+$0x210] =	vst.add.f32.msk $0xffff, v4  }
0x9c: {  	[tilespmem:s7+$0x220] =	vst.add.f32.msk $0xffff, v5  }
0x9d: {  	[tilespmem:s7+$0x230] =	vst.add.f32.msk $0xffff, v6  }
0x9e: {  	[tilespmem:s7+$0x250] =	vst.add.f32.msk $0xffff, v7  }
0x9f: {  	[tilespmem:s7+$0x260] =	vst.add.f32.msk $0xffff, v8  }
0xa0: {  	s20 =	simm.s32 $0x0;
	[tilespmem:s7+$0x240] =	vst.add.f32.msk $0xffff, v2  }
0xa1: {  	v2 =	vld [tilespmem:s20+$0x0];
	_ =	sdelay $0x1  }
0xa2: {  	s26 =	simm.s32 $0x100  }
0xa3: {  	v3 =	vld [tilespmem:s26+$0x0];
	_ =	sdelay $0x4  }
0xa4: {  	v4 =	vld.idx.msk [tilespmem:v2+s25+$0x0], $0xffff  }
0xa5: {  	v5 =	vld.idx.msk [tilespmem:v2+s22+$0x0], $0xffff  }
0xa6: {  	v2 =	vld.idx.msk [tilespmem:v2+s24+$0x0], $0xffff  }
0xa7: {  	v6 =	vld.idx.msk [tilespmem:v3+s22+$0x0], $0xffff  }
0xa8: {  	v63 =	vmov s20;
	v7 =	vld.idx.msk [tilespmem:v3+s24+$0x0], $0xffff  }
0xa9: {  	v8 =	vshll.u32 v63, $0x7;
	v3 =	vld.idx.msk [tilespmem:v3+s25+$0x0], $0xffff  }
0xaa: {  	v8 =	vor.u32 v1, v8  }
0xab: {  	v9 =	vor.u32 $0x1, v8  }
0xac: {  	v10 =	vor.u32 $0x2, v8  }
0xad: {  	v5 =	vsub.f32 v5, v6;
	v2 =	vsub.f32 v2, v7  }
0xae: {  	v4 =	vsub.f32 v4, v3  }
0xaf: {  	v6 =	vmul.f32 v5, v5;
	[tilespmem:v8+s3+$0x0] =	vst.idx.msk $0xffff, v5;
	v5 =	vmul.f32 v2, v2  }
0xb0: {  	[tilespmem:v9+s3+$0x0] =	vst.idx.msk $0xffff, v2;
	v2 =	vor.u32 $0x3, v8  }
0xb1: {  	s7 =	simm.s32 $0x10;
	v3 =	vmul.f32 v4, v4;
	[tilespmem:v10+s3+$0x0] =	vst.idx.msk $0xffff, v4;
	v4 =	vadd.f32 v5, v6  }
.LBB2_7:
0xb2: {  	p0 =	sne.s32 s7, $0x70;
	s20 =	sadd.s32 $0x10, s20;
	s26 =	sadd.s32 $0x10, s26  }
0xb3: {  	s28 =	smov.u32 s7;
	s7 =	sadd.s32 $0x10, s7;
	v3 =	vadd.f32 v3, v4;
	_ =	sdelay $0x1  }
0xb4: {  	[tilespmem:v2+s3+$0x0] =	vst.idx.msk $0xffff, v3  }
0xb5: {  	v2 =	vld [tilespmem:s20+$0x0]  }
0xb6: {  	v3 =	vld [tilespmem:s26+$0x0];
	_ =	sdelay $0x6  }
0xb7: {  	v4 =	vld.idx.msk [tilespmem:v2+s25+$0x0], $0xffff  }
0xb8: {  	v5 =	vld.idx.msk [tilespmem:v2+s22+$0x0], $0xffff  }
0xb9: {  	v2 =	vld.idx.msk [tilespmem:v2+s24+$0x0], $0xffff  }
0xba: {  	v6 =	vld.idx.msk [tilespmem:v3+s22+$0x0], $0xffff  }
0xbb: {  	v8 =	vmov s28;
	v7 =	vld.idx.msk [tilespmem:v3+s24+$0x0], $0xffff  }
0xbc: {  	v8 =	vshll.u32 v8, $0x7;
	v3 =	vld.idx.msk [tilespmem:v3+s25+$0x0], $0xffff  }
0xbd: {  	v8 =	vor.u32 v1, v8  }
0xbe: {  	v9 =	vor.u32 $0x1, v8  }
0xbf: {  	v10 =	vor.u32 $0x2, v8  }
0xc0: {  	v5 =	vsub.f32 v5, v6  }
.Ltmp6:
0xc1: {  	v2 =	vsub.f32 v2, v7;
	(pc) =	sbr.rel @p0 .LBB2_7-.Ltmp6, $4  }
0xc2: {  	v4 =	vsub.f32 v4, v3;
	v6 =	vmul.f32 v5, v5;
	[tilespmem:v8+s3+$0x0] =	vst.idx.msk $0xffff, v5  }
0xc3: {  	v5 =	vmul.f32 v2, v2;
	[tilespmem:v9+s3+$0x0] =	vst.idx.msk $0xffff, v2;
	v2 =	vor.u32 $0x3, v8  }
0xc4: {  	v3 =	vmul.f32 v4, v4;
	[tilespmem:v10+s3+$0x0] =	vst.idx.msk $0xffff, v4  }
0xc5: {  	v4 =	vadd.f32 v5, v6  }
0xc6: {  	_ = 	snop  }
0xc7: {  	s7 =	sshll.u32 s16, $0x14  }
0xc8: {  	v3 =	vadd.f32 v3, v4;
	s7 =	sor.u32 s18, s7  }
0xc9: {  	s7 =	sshrl.u32 s7, $0x3  }
0xca: {  	[tilespmem:v2+s3+$0x0] =	vst.idx.msk $0xffff, v3;
	s20 =	sadd.s32 s10, s7  }
0xcb: {  	[hbm4b:s20+s4] =	stream.linear.scatter [tilespmem:s30], [sflag:$0x5], $0x4000, $0x38;
	[tilespmem:$0x1F880] =	vst v63  }
0xcc: {  	s7 =	sadd.s32 s11, s7  }
0xcd: {  	[hbm4b:s7+s4] =	stream.linear.scatter [tilespmem:s3], [sflag:$0x5], $0x4000, $0x38;
	[tilespmem:$0x1F880] =	vst v63  }
0xce: {  	s7 =	sadd.s32 $0x2, s17  }
0xcf: {  	p0 =	sgt.u32 s7, s12  }
0xd0: {  	s7 =	sshll.u32 @!p0 s7, $0xC  }
0xd1: {  	s7 =	sor.u32 @!p0 s15, s7  }
.Ltmp7:
0xd2: {  	s7 =	sshrl.u32 @!p0 s7, $0x3;
	(pc) =	sbr.rel @p1 .LBB2_14-.Ltmp7, $4  }
0xd3: {  	s26 =	simm.s32 @!p0 $0x0;
	s20 =	sadd.s32 @!p0 s8, s7  }
0xd4: {  	[tilespmem:s26], [sflag:$0x1] =	stream.linear.gather @!p0 [hbm4b:s20+s26], $0x80, $0x38;
	[tilespmem:$0x1F880] =	vst v63  }
0xd5: {  	s7 =	sadd.s32 @!p0 s9, s7;
	s20 =	simm.s32 @!p0 $0x100  }
0xd6: {  	[tilespmem:s20], [sflag:$0x1] =	stream.linear.gather @!p0 [hbm4b:s7+s26], $0x80, $0x38;
	[tilespmem:$0x1F880] =	vst v63  }
0xd7: {  	_ =	swait.ge [sflag:s31], $0x4000  }
0xd8: {  	[sflag:s31] =	ssyncset.done $0x0  }
0xd9: {  	[sflag:s31] =	ssyncadd.s32 $0xFFFFC000  }
0xda: {  	_ =	swait.ge [sflag:s31], $0x4000  }
0xdb: {  	s7 =	simm.s32 $0x0;
	[sflag:s31] =	ssyncset.done $0x0  }
0xdc: {  	s28 =	simm.s32 $0x0;
	s29 =	simm.s32 $0x200;
	[sflag:s31] =	ssyncadd.s32 $0xFFFFC000  }
.LBB2_10:
0xdd: {  	p1 =	sne.s32 s29, $0xFE00;
	v2 =	vld [tilespmem:s28+$0xC270]  }
0xde: {  	v3 =	vld [tilespmem:s28+$0xC200]  }
0xdf: {  	v4 =	vld [tilespmem:s28+$0xC210]  }
0xe0: {  	v5 =	vld [tilespmem:s28+$0xC220]  }
0xe1: {  	v6 =	vld [tilespmem:s28+$0xC230]  }
0xe2: {  	[tilespmem:s28+$0x4270] =	vst.add.f32.msk $0xffff, v2  }
0xe3: {  	v2 =	vld [tilespmem:s28+$0xC240]  }
0xe4: {  	v7 =	vld [tilespmem:s28+$0xC250]  }
0xe5: {  	v8 =	vld [tilespmem:s28+$0xC260]  }
0xe6: {  	[tilespmem:s28+$0x4200] =	vst.add.f32.msk $0xffff, v3  }
0xe7: {  	[tilespmem:s28+$0x4210] =	vst.add.f32.msk $0xffff, v4  }
.Ltmp8:
0xe8: {  	[tilespmem:s28+$0x4220] =	vst.add.f32.msk $0xffff, v5;
	(pc) =	sbr.rel @p1 .LBB2_10-.Ltmp8, $4  }
0xe9: {  	[tilespmem:s28+$0x4230] =	vst.add.f32.msk $0xffff, v6  }
0xea: {  	[tilespmem:s28+$0x4240] =	vst.add.f32.msk $0xffff, v2  }
0xeb: {  	[tilespmem:s28+$0x4250] =	vst.add.f32.msk $0xffff, v7  }
0xec: {  	[tilespmem:s28+$0x4260] =	vst.add.f32.msk $0xffff, v8;
	s28 =	sshra.s32 s29, $0x2;
	s29 =	sadd.s32 $0x200, s29  }
0xed: {  	v2 =	vld [tilespmem:s28+$0xC270]  }
0xee: {  	v3 =	vld [tilespmem:s28+$0xC200]  }
0xef: {  	v4 =	vld [tilespmem:s28+$0xC210]  }
0xf0: {  	v5 =	vld [tilespmem:s28+$0xC220]  }
0xf1: {  	v6 =	vld [tilespmem:s28+$0xC230]  }
0xf2: {  	v7 =	vld [tilespmem:s28+$0xC250]  }
0xf3: {  	v8 =	vld [tilespmem:s28+$0xC260]  }
0xf4: {  	[tilespmem:s28+$0x4270] =	vst.add.f32.msk $0xffff, v2  }
0xf5: {  	v2 =	vld [tilespmem:s28+$0xC240]  }
0xf6: {  	[tilespmem:s28+$0x4200] =	vst.add.f32.msk $0xffff, v3  }
0xf7: {  	[tilespmem:s28+$0x4210] =	vst.add.f32.msk $0xffff, v4  }
0xf8: {  	[tilespmem:s28+$0x4220] =	vst.add.f32.msk $0xffff, v5  }
0xf9: {  	[tilespmem:s28+$0x4230] =	vst.add.f32.msk $0xffff, v6  }
0xfa: {  	[tilespmem:s28+$0x4250] =	vst.add.f32.msk $0xffff, v7  }
0xfb: {  	[tilespmem:s28+$0x4260] =	vst.add.f32.msk $0xffff, v8  }
0xfc: {  	s29 =	simm.s32 $0x80;
	[tilespmem:s28+$0x4240] =	vst.add.f32.msk $0xffff, v2  }
0xfd: {  	v2 =	vld [tilespmem:s29+$0x0];
	_ =	sdelay $0x1  }
0xfe: {  	s28 =	simm.s32 $0x180  }
0xff: {  	v3 =	vld [tilespmem:s28+$0x0];
	_ =	sdelay $0x4  }
0x100: {  	v4 =	vld.idx.msk [tilespmem:v2+s25+$0x0], $0xffff  }
0x101: {  	v5 =	vld.idx.msk [tilespmem:v2+s22+$0x0], $0xffff  }
0x102: {  	v2 =	vld.idx.msk [tilespmem:v2+s24+$0x0], $0xffff  }
0x103: {  	v6 =	vld.idx.msk [tilespmem:v3+s22+$0x0], $0xffff  }
0x104: {  	v63 =	vmov s7;
	v7 =	vld.idx.msk [tilespmem:v3+s24+$0x0], $0xffff  }
0x105: {  	v8 =	vshll.u32 v63, $0x7;
	v3 =	vld.idx.msk [tilespmem:v3+s25+$0x0], $0xffff  }
0x106: {  	v8 =	vor.u32 v1, v8  }
0x107: {  	v9 =	vor.u32 $0x1, v8  }
0x108: {  	v10 =	vor.u32 $0x2, v8  }
0x109: {  	v5 =	vsub.f32 v5, v6;
	v2 =	vsub.f32 v2, v7  }
0x10a: {  	v4 =	vsub.f32 v4, v3  }
0x10b: {  	v6 =	vmul.f32 v5, v5;
	[tilespmem:v8+s0+$0x0] =	vst.idx.msk $0xffff, v5;
	v5 =	vmul.f32 v2, v2  }
0x10c: {  	[tilespmem:v9+s0+$0x0] =	vst.idx.msk $0xffff, v2;
	v2 =	vor.u32 $0x3, v8  }
0x10d: {  	s7 =	simm.s32 $0x10;
	v3 =	vmul.f32 v4, v4;
	[tilespmem:v10+s0+$0x0] =	vst.idx.msk $0xffff, v4;
	v4 =	vadd.f32 v5, v6  }
.LBB2_12:
0x10e: {  	p1 =	sne.s32 s7, $0x70;
	s29 =	sadd.s32 $0x10, s29;
	s28 =	sadd.s32 $0x10, s28  }
0x10f: {  	s13 =	smov.u32 s7;
	s7 =	sadd.s32 $0x10, s7;
	v3 =	vadd.f32 v3, v4;
	_ =	sdelay $0x1  }
0x110: {  	[tilespmem:v2+s0+$0x0] =	vst.idx.msk $0xffff, v3  }
0x111: {  	v2 =	vld [tilespmem:s29+$0x0]  }
0x112: {  	v3 =	vld [tilespmem:s28+$0x0];
	_ =	sdelay $0x6  }
0x113: {  	v4 =	vld.idx.msk [tilespmem:v2+s25+$0x0], $0xffff  }
0x114: {  	v5 =	vld.idx.msk [tilespmem:v2+s22+$0x0], $0xffff  }
0x115: {  	v2 =	vld.idx.msk [tilespmem:v2+s24+$0x0], $0xffff  }
0x116: {  	v6 =	vld.idx.msk [tilespmem:v3+s22+$0x0], $0xffff  }
0x117: {  	v8 =	vmov s13;
	v7 =	vld.idx.msk [tilespmem:v3+s24+$0x0], $0xffff  }
0x118: {  	v8 =	vshll.u32 v8, $0x7;
	v3 =	vld.idx.msk [tilespmem:v3+s25+$0x0], $0xffff  }
0x119: {  	v8 =	vor.u32 v1, v8  }
0x11a: {  	v9 =	vor.u32 $0x1, v8  }
0x11b: {  	v10 =	vor.u32 $0x2, v8  }
0x11c: {  	v5 =	vsub.f32 v5, v6  }
.Ltmp9:
0x11d: {  	v2 =	vsub.f32 v2, v7;
	(pc) =	sbr.rel @p1 .LBB2_12-.Ltmp9, $4  }
0x11e: {  	v4 =	vsub.f32 v4, v3;
	v6 =	vmul.f32 v5, v5;
	[tilespmem:v8+s0+$0x0] =	vst.idx.msk $0xffff, v5  }
0x11f: {  	v5 =	vmul.f32 v2, v2;
	[tilespmem:v9+s0+$0x0] =	vst.idx.msk $0xffff, v2;
	v2 =	vor.u32 $0x3, v8  }
0x120: {  	v3 =	vmul.f32 v4, v4;
	[tilespmem:v10+s0+$0x0] =	vst.idx.msk $0xffff, v4  }
0x121: {  	v4 =	vadd.f32 v5, v6  }
0x122: {  	_ = 	snop  }
0x123: {  	s7 =	sshll.u32 s16, $0x11  }
0x124: {  	v3 =	vadd.f32 v3, v4;
	s7 =	sand.u32 $0x1FFE0000, s7  }
.Ltmp10:
0x125: {  	s7 =	sor.u32 s21, s7;
	(pc) =	sbr.rel .LBB2_14-.Ltmp10, $4  }
0x126: {  	[tilespmem:v2+s0+$0x0] =	vst.idx.msk $0xffff, v3;
	s13 =	sadd.s32 s10, s7  }
0x127: {  	[hbm4b:s13+s4] =	stream.linear.scatter [tilespmem:s6], [sflag:$0x6], $0x4000, $0x38;
	[tilespmem:$0x1F880] =	vst v63  }
0x128: {  	s7 =	sadd.s32 s11, s7  }
0x129: {  	[hbm4b:s7+s4] =	stream.linear.scatter [tilespmem:s0], [sflag:$0x6], $0x4000, $0x38;
	[tilespmem:$0x1F880] =	vst v63  }
.LBB2_16:
0x12a: {  	_ =	sfence.sel $0x180000  }
0x12b: {  	[bflag:$0x0] =	sbarrier.arrive $0xFFFF  }
0x12c: {  	_ =	strace $0x90000047  }
0x12d: {  	s0 =	stileid.u32;
	[bflag:$0x2] =	sbarrier.arrive $0xFFFF  }
0x12e: {  	p0 =	sne.s32 s0, $0x0;
	s0 =	rddreg [dreg:$0x4]  }
0x12f: {  	s0 =	sadd.s32 @!p0 $0x100000, s0  }
0x130: {  	[sflag:s0] =	ssyncadd.tile.s32 @!p0 $0x1;
	_ =	shalt  }
.Lfunc_end2:
_tile_overlayer_lowered:
.L_overlay_start_2:
0x131: {  	(tag) =	ssettag $0x2  }
0x132: {  	s0 =	rddreg [dreg:$0x0];
	s2 =	stileid.u32  }
0x133: {  	s1 =	rddreg [dreg:$0x1];
	p0 =	sne.s32 s2, $0x0  }
0x134: {  	s3 =	rddreg [dreg:$0x2];
	[bflag:$0x3] =	sbarrier.arrive $0xFFFF;
	s2 =	simm.s32 @!p0 $0x1C07  }
0x135: {  	[timem:s3], [sflag:s2] =	dma.local @!p0 [hbm:s0], s1  }
0x136: {  	s0 =	simm.s32 @!p0 $0x7  }
0x137: {  	_ =	swait.ge @!p0 [sflag:s0], s1  }
0x138: {  	s1 =	ssub.s32 @!p0 $0x0, s1;
	[sflag:s0] =	ssyncset.done @!p0 $0x0  }
0x139: {  	[sflag:s0] =	ssyncadd.s32 @!p0 s1  }
0x13a: {  	[bflag:$0x3] =	sbarrier.arrive $0xFFFF  }
0x13b: {  	_ =	shalt  }

</sc_bundles>
